<compile_context>
chip_gen: v7x
topology: tpu7x:2x2x1
jax: 0.10.2.dev20260603
libtpu: 0.0.44.dev20260713+nightly
codegen_flags: <defaults>
</compile_context>

<pallas_src>
import functools

import jax
import jax.numpy as jnp
from jax import lax
from jax.experimental import pallas as pl
from jax.experimental.pallas import tpu as pltpu
from jax.experimental.pallas import tpu_sc as plsc

N = 10000
E = 320000
NF = 128
L = 4
XW = 16
W = NF + XW

NC = 2
NS = 16
NWORK = NC * NS
EPW = E // NWORK
K = 80
NCHUNK = EPW // K
NPAIR = NCHUNK // 2
RPT = N // NS

BE = 2000
BN = 2000

_sc_mesh = plsc.VectorSubcoreMesh(core_axis_name="c", subcore_axis_name="s")
_sc_params = pltpu.CompilerParams(use_tc_tiling_on_sc=False)


def _silu(v):
    return v * (0.5 * jnp.tanh(0.5 * v) + 0.5)


@functools.partial(
    pl.kernel,
    mesh=_sc_mesh,
    out_type=[
        jax.ShapeDtypeStruct((E, W), jnp.float32),
        jax.ShapeDtypeStruct((E, W), jnp.float32),
    ],
    scratch_types=[
        pltpu.VMEM((NCHUNK, K), jnp.int32),
        pltpu.VMEM((NCHUNK, K), jnp.int32),
        pltpu.VMEM((K, W), jnp.float32),
        pltpu.VMEM((K, W), jnp.float32),
        pltpu.VMEM((K, W), jnp.float32),
        pltpu.VMEM((K, W), jnp.float32),
        pltpu.SemaphoreType.DMA,
        pltpu.SemaphoreType.DMA,
        pltpu.SemaphoreType.DMA,
        pltpu.SemaphoreType.DMA,
        pltpu.SemaphoreType.DMA,
        pltpu.SemaphoreType.DMA,
    ],
    compiler_params=_sc_params,
)
def _sc_gather(row_hbm, col_hbm, thr_hbm, thc_hbm, outr_hbm, outc_hbm,
               idxr_v, idxc_v, bufr0, bufc0, bufr1, bufc1,
               semr0, semc0, semr1, semc1, semw0, semw1):
    wid = lax.axis_index("s") * NC + lax.axis_index("c")
    base = wid * EPW
    pltpu.sync_copy(row_hbm.at[wid], idxr_v)
    pltpu.sync_copy(col_hbm.at[wid], idxc_v)

    def gather(ch, bufr, bufc, semr, semc):
        cr = pltpu.async_copy(thr_hbm.at[idxr_v.at[ch]], bufr, semr)
        cc = pltpu.async_copy(thc_hbm.at[idxc_v.at[ch]], bufc, semc)
        return cr, cc

    def wait_gather(ch, bufr, bufc, semr, semc):
        pltpu.make_async_copy(thr_hbm.at[idxr_v.at[ch]], bufr, semr).wait()
        pltpu.make_async_copy(thc_hbm.at[idxc_v.at[ch]], bufc, semc).wait()

    def write(ch, bufr, bufc, semw):
        off = base + ch * K
        pltpu.async_copy(bufr, outr_hbm.at[pl.ds(off, K)], semw)
        pltpu.async_copy(bufc, outc_hbm.at[pl.ds(off, K)], semw)

    def wait_write(ch, bufr, bufc, semw):
        off = base + ch * K
        pltpu.make_async_copy(bufr, outr_hbm.at[pl.ds(off, K)], semw).wait()
        pltpu.make_async_copy(bufc, outc_hbm.at[pl.ds(off, K)], semw).wait()

    gather(0, bufr0, bufc0, semr0, semc0)

    def body(i, carry):
        c0 = 2 * i
        @pl.when(i > 0)
        def _():
            wait_write(c0 - 1, bufr1, bufc1, semw1)
        gather(c0 + 1, bufr1, bufc1, semr1, semc1)
        wait_gather(c0, bufr0, bufc0, semr0, semc0)
        write(c0, bufr0, bufc0, semw0)
        wait_write(c0, bufr0, bufc0, semw0)
        @pl.when(c0 + 2 < NCHUNK)
        def _():
            gather(c0 + 2, bufr0, bufc0, semr0, semc0)
        wait_gather(c0 + 1, bufr1, bufc1, semr1, semc1)
        write(c0 + 1, bufr1, bufc1, semw1)
        return carry

    lax.fori_loop(0, NPAIR, body, 0)
    wait_write(NCHUNK - 2, bufr1, bufc1, semw1)
    wait_gather(NCHUNK - 1, bufr0, bufc0, semr0, semc0)
    write(NCHUNK - 1, bufr0, bufc0, semw0)
    wait_write(NCHUNK - 1, bufr0, bufc0, semw0)


@functools.partial(
    pl.kernel,
    mesh=_sc_mesh,
    out_type=[
        jax.ShapeDtypeStruct((2 * N, NF), jnp.float32),
        jax.ShapeDtypeStruct((2 * N, XW), jnp.float32),
    ],
    scratch_types=[
        pltpu.VMEM((NCHUNK, K), jnp.int32),
        pltpu.VMEM((K, NF), jnp.float32),
        pltpu.VMEM((K, NF), jnp.float32),
        pltpu.VMEM((K, XW), jnp.float32),
        pltpu.VMEM((K, XW), jnp.float32),
        pltpu.VMEM_SHARED((N, NF), jnp.float32),
        pltpu.VMEM_SHARED((N, XW), jnp.float32),
        pltpu.SemaphoreType.DMA,
        pltpu.SemaphoreType.DMA,
        pltpu.SemaphoreType.DMA,
        pltpu.SemaphoreType.DMA,
    ],
    compiler_params=_sc_params,
)
def _sc_scatter(row_hbm, m_hbm, t_hbm, zm_hbm, zt_hbm, outm_hbm, outt_hbm,
                idx_v, mbuf0, mbuf1, tbuf0, tbuf1, accm, acct,
                semy0, semy1, sems0, sems1):
    cid = lax.axis_index("c")
    sid = lax.axis_index("s")
    wid = sid * NC + cid
    pltpu.sync_copy(zm_hbm.at[pl.ds(sid * RPT, RPT)],
                    accm.at[pl.ds(sid * RPT, RPT)])
    pltpu.sync_copy(zt_hbm.at[pl.ds(sid * RPT, RPT)],
                    acct.at[pl.ds(sid * RPT, RPT)])
    pltpu.sync_copy(row_hbm.at[wid], idx_v)
    plsc.subcore_barrier()
    base = wid * EPW

    def read(ch, mbuf, tbuf, semy):
        off = base + ch * K
        pltpu.async_copy(m_hbm.at[pl.ds(off, K)], mbuf, semy)
        pltpu.async_copy(t_hbm.at[pl.ds(off, K)], tbuf, semy)

    def wait_read(ch, mbuf, tbuf, semy):
        off = base + ch * K
        pltpu.make_async_copy(m_hbm.at[pl.ds(off, K)], mbuf, semy).wait()
        pltpu.make_async_copy(t_hbm.at[pl.ds(off, K)], tbuf, semy).wait()

    def scat(ch, mbuf, tbuf, sems):
        pltpu.async_copy(mbuf, accm.at[idx_v.at[ch]], sems, add=True)
        pltpu.async_copy(tbuf, acct.at[idx_v.at[ch]], sems, add=True)

    def wait_scat(ch, mbuf, tbuf, sems):
        pltpu.make_async_copy(mbuf, accm.at[idx_v.at[ch]], sems).wait()
        pltpu.make_async_copy(tbuf, acct.at[idx_v.at[ch]], sems).wait()

    read(0, mbuf0, tbuf0, semy0)

    def body(i, carry):
        c0 = 2 * i
        @pl.when(i > 0)
        def _():
            wait_scat(c0 - 1, mbuf1, tbuf1, sems1)
        read(c0 + 1, mbuf1, tbuf1, semy1)
        wait_read(c0, mbuf0, tbuf0, semy0)
        scat(c0, mbuf0, tbuf0, sems0)
        wait_scat(c0, mbuf0, tbuf0, sems0)
        @pl.when(c0 + 2 < NCHUNK)
        def _():
            read(c0 + 2, mbuf0, tbuf0, semy0)
        wait_read(c0 + 1, mbuf1, tbuf1, semy1)
        scat(c0 + 1, mbuf1, tbuf1, sems1)
        return carry

    lax.fori_loop(0, NPAIR, body, 0)
    wait_scat(NCHUNK - 2, mbuf1, tbuf1, sems1)
    wait_read(NCHUNK - 1, mbuf0, tbuf0, semy0)
    scat(NCHUNK - 1, mbuf0, tbuf0, sems0)
    wait_scat(NCHUNK - 1, mbuf0, tbuf0, sems0)
    plsc.subcore_barrier()
    pltpu.sync_copy(accm.at[pl.ds(sid * RPT, RPT)],
                    outm_hbm.at[pl.ds(cid * N + sid * RPT, RPT)])
    pltpu.sync_copy(acct.at[pl.ds(sid * RPT, RPT)],
                    outt_hbm.at[pl.ds(cid * N + sid * RPT, RPT)])


@functools.partial(
    pl.kernel,
    mesh=_sc_mesh,
    out_type=jax.ShapeDtypeStruct((2 * N, XW), jnp.float32),
    scratch_types=[
        pltpu.VMEM((NCHUNK, K), jnp.int32),
        pltpu.VMEM((K, XW), jnp.float32),
        pltpu.VMEM((K, XW), jnp.float32),
        pltpu.VMEM_SHARED((N, XW), jnp.float32),
        pltpu.SemaphoreType.DMA,
        pltpu.SemaphoreType.DMA,
        pltpu.SemaphoreType.DMA,
        pltpu.SemaphoreType.DMA,
    ],
    compiler_params=_sc_params,
)
def _sc_scatter_t(row_hbm, t_hbm, zt_hbm, outt_hbm,
                  idx_v, tbuf0, tbuf1, acct, semy0, semy1, sems0, sems1):
    cid = lax.axis_index("c")
    sid = lax.axis_index("s")
    wid = sid * NC + cid
    pltpu.sync_copy(zt_hbm.at[pl.ds(sid * RPT, RPT)],
                    acct.at[pl.ds(sid * RPT, RPT)])
    pltpu.sync_copy(row_hbm.at[wid], idx_v)
    plsc.subcore_barrier()
    base = wid * EPW

    def read(ch, tbuf, semy):
        pltpu.async_copy(t_hbm.at[pl.ds(base + ch * K, K)], tbuf, semy)

    def wait_read(ch, tbuf, semy):
        pltpu.make_async_copy(t_hbm.at[pl.ds(base + ch * K, K)], tbuf, semy).wait()

    def scat(ch, tbuf, sems):
        pltpu.async_copy(tbuf, acct.at[idx_v.at[ch]], sems, add=True)

    def wait_scat(ch, tbuf, sems):
        pltpu.make_async_copy(tbuf, acct.at[idx_v.at[ch]], sems).wait()

    read(0, tbuf0, semy0)

    def body(i, carry):
        c0 = 2 * i
        @pl.when(i > 0)
        def _():
            wait_scat(c0 - 1, tbuf1, sems1)
        read(c0 + 1, tbuf1, semy1)
        wait_read(c0, tbuf0, semy0)
        scat(c0, tbuf0, sems0)
        wait_scat(c0, tbuf0, sems0)
        @pl.when(c0 + 2 < NCHUNK)
        def _():
            read(c0 + 2, tbuf0, semy0)
        wait_read(c0 + 1, tbuf1, semy1)
        scat(c0 + 1, tbuf1, sems1)
        return carry

    lax.fori_loop(0, NPAIR, body, 0)
    wait_scat(NCHUNK - 2, tbuf1, sems1)
    wait_read(NCHUNK - 1, tbuf0, semy0)
    scat(NCHUNK - 1, tbuf0, sems0)
    wait_scat(NCHUNK - 1, tbuf0, sems0)
    plsc.subcore_barrier()
    pltpu.sync_copy(acct.at[pl.ds(sid * RPT, RPT)],
                    outt_hbm.at[pl.ds(cid * N + sid * RPT, RPT)])


def _prep_body(wea_ref, web_ref, h_ref, xp_ref, thr_ref, thc_ref):
    h = h_ref[...]
    xp = xp_ref[...]
    thr_ref[...] = jnp.concatenate(
        [jnp.dot(h, wea_ref[...], preferred_element_type=jnp.float32), xp], axis=1)
    thc_ref[...] = jnp.concatenate(
        [jnp.dot(h, web_ref[...], preferred_element_type=jnp.float32), xp], axis=1)


def _edge_common(wd_ref, cvec_ref, we2_ref, be2_ref, wc1_ref, bc1_ref, wc2_ref,
                 r_ref, c_ref):
    r = r_ref[...]
    c = c_ref[...]
    pre = r[:, :NF] + c[:, :NF]
    diff = r[:, NF:] - c[:, NF:]
    d2 = jnp.sum(diff * diff, axis=1, keepdims=True)
    u = pre + d2 * wd_ref[...] + cvec_ref[...]
    m1 = _silu(u)
    m = _silu(jnp.dot(m1, we2_ref[...], preferred_element_type=jnp.float32)
              + be2_ref[...])
    cm = _silu(jnp.dot(m, wc1_ref[...], preferred_element_type=jnp.float32)
               + bc1_ref[...])
    cc = jnp.sum(cm * wc2_ref[...], axis=1, keepdims=True)
    s = d2 + 1e-8
    norm = s * lax.rsqrt(s)
    trans = diff * (cc / (norm + 1.0))
    return m, trans


def _edge_body(wd_ref, cvec_ref, we2_ref, be2_ref, wc1_ref, bc1_ref, wc2_ref,
               r_ref, c_ref, m_ref, t_ref):
    m, trans = _edge_common(wd_ref, cvec_ref, we2_ref, be2_ref, wc1_ref,
                            bc1_ref, wc2_ref, r_ref, c_ref)
    m_ref[...] = m
    t_ref[...] = trans


def _edge_body_t(wd_ref, cvec_ref, we2_ref, be2_ref, wc1_ref, bc1_ref, wc2_ref,
                 r_ref, c_ref, t_ref):
    _, trans = _edge_common(wd_ref, cvec_ref, we2_ref, be2_ref, wc1_ref,
                            bc1_ref, wc2_ref, r_ref, c_ref)
    t_ref[...] = trans


def _node_body(wn1a_ref, wn1b_ref, bn1_ref, wn2_ref, bn2_ref, wea_ref, web_ref,
               h_ref, xp_ref, p0m_ref, p1m_ref, p0t_ref, p1t_ref,
               h_out, xp_out, thr_ref, thc_ref):
    h = h_ref[...]
    agg = p0m_ref[...] + p1m_ref[...]
    n1 = _silu(jnp.dot(h, wn1a_ref[...], preferred_element_type=jnp.float32)
               + jnp.dot(agg, wn1b_ref[...], preferred_element_type=jnp.float32)
               + bn1_ref[...])
    hn = h + jnp.dot(n1, wn2_ref[...], preferred_element_type=jnp.float32) \
        + bn2_ref[...]
    xn = xp_ref[...] + (p0t_ref[...] + p1t_ref[...])
    h_out[...] = hn
    xp_out[...] = xn
    thr_ref[...] = jnp.concatenate(
        [jnp.dot(hn, wea_ref[...], preferred_element_type=jnp.float32), xn], axis=1)
    thc_ref[...] = jnp.concatenate(
        [jnp.dot(hn, web_ref[...], preferred_element_type=jnp.float32), xn], axis=1)


def _final_body(xp_ref, p0t_ref, p1t_ref, out_ref):
    xn = xp_ref[...] + p0t_ref[...] + p1t_ref[...]
    out_ref[...] = xn - jnp.mean(xn, axis=0, keepdims=True)


def _full(shape):
    return pl.BlockSpec(shape, lambda i: (0,) * len(shape))


def _rows(shape):
    return pl.BlockSpec(shape, lambda i: (i,) + (0,) * (len(shape) - 1))


def _prep_call(wea, web, h, xp):
    return pl.pallas_call(
        _prep_body,
        grid=(N // BN,),
        in_specs=[_full((NF, NF)), _full((NF, NF)), _rows((BN, NF)), _rows((BN, XW))],
        out_specs=[_rows((BN, W)), _rows((BN, W))],
        out_shape=[jax.ShapeDtypeStruct((N, W), jnp.float32)] * 2,
    )(wea, web, h, xp)


_EDGE_WSPECS = [_full((1, NF)), _full((1, NF)), _full((NF, NF)), _full((1, NF)),
                _full((NF, NF)), _full((1, NF)), _full((1, NF))]


def _edge_call(wd, cvec, we2, be2, wc1, bc1, wc2, r, c):
    return pl.pallas_call(
        _edge_body,
        grid=(E // BE,),
        in_specs=_EDGE_WSPECS + [_rows((BE, W)), _rows((BE, W))],
        out_specs=[_rows((BE, NF)), _rows((BE, XW))],
        out_shape=[jax.ShapeDtypeStruct((E, NF), jnp.float32),
                   jax.ShapeDtypeStruct((E, XW), jnp.float32)],
    )(wd, cvec, we2, be2, wc1, bc1, wc2, r, c)


def _edge_call_t(wd, cvec, we2, be2, wc1, bc1, wc2, r, c):
    return pl.pallas_call(
        _edge_body_t,
        grid=(E // BE,),
        in_specs=_EDGE_WSPECS + [_rows((BE, W)), _rows((BE, W))],
        out_specs=_rows((BE, XW)),
        out_shape=jax.ShapeDtypeStruct((E, XW), jnp.float32),
    )(wd, cvec, we2, be2, wc1, bc1, wc2, r, c)


def _node_call(wn1a, wn1b, bn1, wn2, bn2, wea, web, h, xp, pm, pt):
    return pl.pallas_call(
        _node_body,
        grid=(N // BN,),
        in_specs=[_full((NF, NF)), _full((NF, NF)), _full((1, NF)),
                  _full((NF, NF)), _full((1, NF)), _full((NF, NF)), _full((NF, NF)),
                  _rows((BN, NF)), _rows((BN, XW)),
                  pl.BlockSpec((BN, NF), lambda i: (i, 0)),
                  pl.BlockSpec((BN, NF), lambda i: (i + N // BN, 0)),
                  pl.BlockSpec((BN, XW), lambda i: (i, 0)),
                  pl.BlockSpec((BN, XW), lambda i: (i + N // BN, 0))],
        out_specs=[_rows((BN, NF)), _rows((BN, XW)), _rows((BN, W)), _rows((BN, W))],
        out_shape=[jax.ShapeDtypeStruct((N, NF), jnp.float32),
                   jax.ShapeDtypeStruct((N, XW), jnp.float32),
                   jax.ShapeDtypeStruct((N, W), jnp.float32),
                   jax.ShapeDtypeStruct((N, W), jnp.float32)],
    )(wn1a, wn1b, bn1, wn2, bn2, wea, web, h, xp, pm, pm, pt, pt)


def _final_call(xp, pt):
    return pl.pallas_call(
        _final_body,
        grid=(1,),
        in_specs=[pl.BlockSpec((N, XW), lambda i: (0, 0)),
                  pl.BlockSpec((N, XW), lambda i: (0, 0)),
                  pl.BlockSpec((N, XW), lambda i: (1, 0))],
        out_specs=pl.BlockSpec((N, XW), lambda i: (0, 0)),
        out_shape=jax.ShapeDtypeStruct((N, XW), jnp.float32),
    )(xp, pt, pt)


def kernel(h, x, t, edge_index, W_e1, b_e1, W_e2, b_e2, W_n1, b_n1, W_n2, b_n2,
           W_c1, b_c1, W_c2):
    row = edge_index[0]
    col = edge_index[1]
    row3 = row.reshape(NWORK, NCHUNK, K)
    col3 = col.reshape(NWORK, NCHUNK, K)
    xp = jnp.pad(x, ((0, 0), (0, XW - 3)))
    zm = jnp.zeros((N, NF), jnp.float32)
    zt = jnp.zeros((N, XW), jnp.float32)

    thr, thc = _prep_call(W_e1[0][:NF], W_e1[0][NF:2 * NF], h, xp)
    for l in range(L):
        wd = W_e1[l][2 * NF][None, :]
        cvec = (t[0] * W_e1[l][2 * NF + 1] + b_e1[l])[None, :]
        r, c = _sc_gather(row3, col3, thr, thc)
        eargs = (wd, cvec, W_e2[l], b_e2[l][None, :], W_c1[l],
                 b_c1[l][None, :], W_c2[l][:, 0][None, :], r, c)
        if l < L - 1:
            m, tr = _edge_call(*eargs)
            pm, pt = _sc_scatter(row3, m, tr, zm, zt)
            h, xp, thr, thc = _node_call(
                W_n1[l][:NF], W_n1[l][NF:], b_n1[l][None, :], W_n2[l],
                b_n2[l][None, :], W_e1[l + 1][:NF], W_e1[l + 1][NF:2 * NF],
                h, xp, pm, pt)
        else:
            tr = _edge_call_t(*eargs)
            pt = _sc_scatter_t(row3, tr, zt)
            xo = _final_call(xp, pt)
    return xo[:, :3]

# --- scband reference (transcript-rebuilt; emitter-appended) ---
"""Pipeline reference for scband-hierarchical-message-passing-45973329936459 (READ-ONLY COPY).

The authoritative reference and input builder live on the scoring server;
editing this copy changes nothing except your own understanding.
"""

import jax, jax.numpy as jnp
import numpy as np

N = 10000
E = 320000
NF = 128
L = 4
NORM_CONSTANT = 1.0
NORMALIZATION_FACTOR = 1.0


def setup_inputs(seed: int = 0) -> dict:
    key = jax.random.key(seed)
    ks = jax.random.split(key, 12)
    s = 0.1
    h = jax.random.normal(ks[0], (N, NF), dtype=jnp.float32)
    x = jax.random.normal(ks[1], (N, 3), dtype=jnp.float32)
    t = jax.random.uniform(ks[2], (1,), dtype=jnp.float32)
    edge_index = jax.random.randint(ks[3], (2, E), 0, N, dtype=jnp.int32)
    W_e1 = jax.random.normal(ks[4], (L, 2 * NF + 2, NF), dtype=jnp.float32) * s
    b_e1 = jnp.zeros((L, NF), dtype=jnp.float32)
    W_e2 = jax.random.normal(ks[5], (L, NF, NF), dtype=jnp.float32) * s
    b_e2 = jnp.zeros((L, NF), dtype=jnp.float32)
    W_n1 = jax.random.normal(ks[6], (L, 2 * NF, NF), dtype=jnp.float32) * s
    b_n1 = jnp.zeros((L, NF), dtype=jnp.float32)
    W_n2 = jax.random.normal(ks[7], (L, NF, NF), dtype=jnp.float32) * s
    b_n2 = jnp.zeros((L, NF), dtype=jnp.float32)
    W_c1 = jax.random.normal(ks[8], (L, NF, NF), dtype=jnp.float32) * s
    b_c1 = jnp.zeros((L, NF), dtype=jnp.float32)
    W_c2 = jax.random.normal(ks[9], (L, NF, 1), dtype=jnp.float32) * s
    return {"h": h, "x": x, "t": t, "edge_index": edge_index, "W_e1": W_e1, "b_e1": b_e1, "W_e2": W_e2, "b_e2": b_e2, "W_n1": W_n1, "b_n1": b_n1, "W_n2": W_n2, "b_n2": b_n2, "W_c1": W_c1, "b_c1": b_c1, "W_c2": W_c2}


def reference(h, x, t, edge_index, W_e1, b_e1, W_e2, b_e2, W_n1, b_n1, W_n2, b_n2, W_c1, b_c1, W_c2):
    silu = jax.nn.silu
    row = edge_index[0]
    col = edge_index[1]
    t_e = jnp.broadcast_to(t.reshape(1, 1), (E, 1))
    for l in range(L):
        diff = x[row] - x[col]
        d2 = jnp.sum(diff * diff, axis=-1, keepdims=True)
        e_in = jnp.concatenate([h[row], h[col], d2, t_e], axis=-1)
        m = silu(e_in @ W_e1[l] + b_e1[l])
        m = silu(m @ W_e2[l] + b_e2[l])
        agg = jax.ops.segment_sum(m, row, num_segments=N) / NORMALIZATION_FACTOR
        n_in = jnp.concatenate([h, agg], axis=-1)
        h = h + (silu(n_in @ W_n1[l] + b_n1[l]) @ W_n2[l] + b_n2[l])
        c = silu(m @ W_c1[l] + b_c1[l]) @ W_c2[l]
        norm = jnp.sqrt(d2 + 1e-8)
        trans = diff / (norm + NORM_CONSTANT) * c
        x = x + jax.ops.segment_sum(trans, row, num_segments=N)
    x_out = x - jnp.mean(x, axis=0, keepdims=True)
    return x_out

if __name__ == "__main__":
    import jax
    _d = setup_inputs()
    print(jax.jit(kernel)(*tuple(_d.values())))

</pallas_src>

<mosaic_0001>
#map = affine_map<(d0, d1) -> (0, 0, 0)>
#map1 = affine_map<(d0, d1) -> (0, 0)>
module attributes {stable_mosaic.version = 14 : i64} {
  func.func @_sc_scatter(%arg0: i32, %arg1: i32, %arg2: memref<32x125x80xi32, #tpu.memory_space<hbm>>, %arg3: memref<320000x128xf32, #tpu.memory_space<hbm>>, %arg4: memref<320000x16xf32, #tpu.memory_space<hbm>>, %arg5: memref<10000x128xf32, #tpu.memory_space<hbm>>, %arg6: memref<10000x16xf32, #tpu.memory_space<hbm>>, %arg7: memref<20000x128xf32, #tpu.memory_space<hbm>>, %arg8: memref<20000x16xf32, #tpu.memory_space<hbm>>, %arg9: memref<125x80xi32, #tpu.memory_space<vmem>>, %arg10: memref<80x128xf32, #tpu.memory_space<vmem>>, %arg11: memref<80x128xf32, #tpu.memory_space<vmem>>, %arg12: memref<80x16xf32, #tpu.memory_space<vmem>>, %arg13: memref<80x16xf32, #tpu.memory_space<vmem>>, %arg14: memref<10000x128xf32, #tpu.memory_space<vmem_shared>>, %arg15: memref<10000x16xf32, #tpu.memory_space<vmem_shared>>, %arg16: memref<!tpu.dma_semaphore, #tpu.memory_space<semaphore_mem>>, %arg17: memref<!tpu.dma_semaphore, #tpu.memory_space<semaphore_mem>>, %arg18: memref<!tpu.dma_semaphore, #tpu.memory_space<semaphore_mem>>, %arg19: memref<!tpu.dma_semaphore, #tpu.memory_space<semaphore_mem>>) attributes {dimension_semantics = [#tpu.dimension_semantics<core_parallel>, #tpu.dimension_semantics<subcore_parallel>], iteration_bounds = array<i64: 2, 16>, scalar_prefetch = 0 : i64, scratch_operands = 11 : i64, tpu.core_type = #tpu.core_type<sc_vector_subcore>, window_params = [{transform_indices = #map}, {transform_indices = #map1}, {transform_indices = #map1}, {transform_indices = #map1}, {transform_indices = #map1}, {transform_indices = #map1}, {transform_indices = #map1}]} {
    %mul3A = arith.constant 2 : i32
    %mul3A_0 = arith.muli %arg1, %mul3A : i32
    %add3A = arith.addi %mul3A_0, %arg0 : i32
    %mul3A_1 = arith.constant 625 : i32
    %mul3A_2 = arith.muli %arg1, %mul3A_1 : i32
    %mul3A_3 = arith.constant 625 : i32
    %mul3A_4 = arith.muli %arg1, %mul3A_3 : i32
    "tpu.region"() ({
      %run_scoped3A = tpu.sem_alloc : memref<!tpu.dma_semaphore, #tpu.memory_space<semaphore_mem>>
      %dma_start3A_91 = arith.constant 0 : i32
      %dma_start3A_92 = tpu.memref_slice %arg14[%mul3A_4, %dma_start3A_91] : memref<10000x128xf32, #tpu.memory_space<vmem_shared>> -> memref<625x128xf32, #tpu.memory_space<vmem_shared>>
      %dma_start3A_93 = arith.constant 0 : i32
      %dma_start3A_94 = tpu.memref_slice %arg5[%mul3A_2, %dma_start3A_93] : memref<10000x128xf32, #tpu.memory_space<hbm>> -> memref<625x128xf32, #tpu.memory_space<hbm>>
      tpu.enqueue_dma source(%dma_start3A_94 : memref<625x128xf32, #tpu.memory_space<hbm>>) target(%dma_start3A_92 : memref<625x128xf32, #tpu.memory_space<vmem_shared>>) target_semaphore(%run_scoped3A : memref<!tpu.dma_semaphore, #tpu.memory_space<semaphore_mem>>)
      %dma_wait3A_95 = arith.constant 0 : i32
      %dma_wait3A_96 = tpu.memref_slice %arg14[%mul3A_4, %dma_wait3A_95] : memref<10000x128xf32, #tpu.memory_space<vmem_shared>> -> memref<625x128xf32, #tpu.memory_space<vmem_shared>>
      %dma_wait3A_97 = arith.constant 0 : i32
      %dma_wait3A_98 = tpu.memref_slice %arg5[%mul3A_2, %dma_wait3A_97] : memref<10000x128xf32, #tpu.memory_space<hbm>> -> memref<625x128xf32, #tpu.memory_space<hbm>>
      tpu.wait_dma2 semaphore(%run_scoped3A : memref<!tpu.dma_semaphore, #tpu.memory_space<semaphore_mem>>) src(%dma_wait3A_98 : memref<625x128xf32, #tpu.memory_space<hbm>>) dst(%dma_wait3A_96 : memref<625x128xf32, #tpu.memory_space<vmem_shared>>)
      tpu.yield
    }) : () -> ()
    %mul3A_5 = arith.constant 625 : i32
    %mul3A_6 = arith.muli %arg1, %mul3A_5 : i32
    %mul3A_7 = arith.constant 625 : i32
    %mul3A_8 = arith.muli %arg1, %mul3A_7 : i32
    "tpu.region"() ({
      %run_scoped3A = tpu.sem_alloc : memref<!tpu.dma_semaphore, #tpu.memory_space<semaphore_mem>>
      %dma_start3A_91 = arith.constant 0 : i32
      %dma_start3A_92 = tpu.memref_slice %arg15[%mul3A_8, %dma_start3A_91] : memref<10000x16xf32, #tpu.memory_space<vmem_shared>> -> memref<625x16xf32, #tpu.memory_space<vmem_shared>>
      %dma_start3A_93 = arith.constant 0 : i32
      %dma_start3A_94 = tpu.memref_slice %arg6[%mul3A_6, %dma_start3A_93] : memref<10000x16xf32, #tpu.memory_space<hbm>> -> memref<625x16xf32, #tpu.memory_space<hbm>>
      tpu.enqueue_dma source(%dma_start3A_94 : memref<625x16xf32, #tpu.memory_space<hbm>>) target(%dma_start3A_92 : memref<625x16xf32, #tpu.memory_space<vmem_shared>>) target_semaphore(%run_scoped3A : memref<!tpu.dma_semaphore, #tpu.memory_space<semaphore_mem>>)
      %dma_wait3A_95 = arith.constant 0 : i32
      %dma_wait3A_96 = tpu.memref_slice %arg15[%mul3A_8, %dma_wait3A_95] : memref<10000x16xf32, #tpu.memory_space<vmem_shared>> -> memref<625x16xf32, #tpu.memory_space<vmem_shared>>
      %dma_wait3A_97 = arith.constant 0 : i32
      %dma_wait3A_98 = tpu.memref_slice %arg6[%mul3A_6, %dma_wait3A_97] : memref<10000x16xf32, #tpu.memory_space<hbm>> -> memref<625x16xf32, #tpu.memory_space<hbm>>
      tpu.wait_dma2 semaphore(%run_scoped3A : memref<!tpu.dma_semaphore, #tpu.memory_space<semaphore_mem>>) src(%dma_wait3A_98 : memref<625x16xf32, #tpu.memory_space<hbm>>) dst(%dma_wait3A_96 : memref<625x16xf32, #tpu.memory_space<vmem_shared>>)
      tpu.yield
    }) : () -> ()
    "tpu.region"() ({
      %run_scoped3A = tpu.sem_alloc : memref<!tpu.dma_semaphore, #tpu.memory_space<semaphore_mem>>
      %dma_start3A_91 = arith.constant 0 : i32
      %dma_start3A_92 = arith.constant 0 : i32
      %dma_start3A_93 = tpu.memref_slice %arg2[%add3A, %dma_start3A_91, %dma_start3A_92] : memref<32x125x80xi32, #tpu.memory_space<hbm>> -> memref<1x125x80xi32, #tpu.memory_space<hbm>>
      %dma_start3A_94 = tpu.memref_squeeze %dma_start3A_93 : memref<1x125x80xi32, #tpu.memory_space<hbm>> -> memref<125x80xi32, #tpu.memory_space<hbm>>
      %dma_start3A_95 = arith.constant 0 : i32
      %dma_start3A_96 = arith.constant 0 : i32
      %dma_start3A_97 = tpu.memref_slice %arg2[%add3A, %dma_start3A_95, %dma_start3A_96] : memref<32x125x80xi32, #tpu.memory_space<hbm>> -> memref<1x125x80xi32, #tpu.memory_space<hbm>>
      %dma_start3A_98 = tpu.memref_squeeze %dma_start3A_97 : memref<1x125x80xi32, #tpu.memory_space<hbm>> -> memref<125x80xi32, #tpu.memory_space<hbm>>
      tpu.enqueue_dma source(%dma_start3A_98 : memref<125x80xi32, #tpu.memory_space<hbm>>) target(%arg9 : memref<125x80xi32, #tpu.memory_space<vmem>>) target_semaphore(%run_scoped3A : memref<!tpu.dma_semaphore, #tpu.memory_space<semaphore_mem>>)
      %dma_wait3A_99 = arith.constant 0 : i32
      %dma_wait3A_100 = arith.constant 0 : i32
      %dma_wait3A_101 = tpu.memref_slice %arg2[%add3A, %dma_wait3A_99, %dma_wait3A_100] : memref<32x125x80xi32, #tpu.memory_space<hbm>> -> memref<1x125x80xi32, #tpu.memory_space<hbm>>
      %dma_wait3A_102 = tpu.memref_squeeze %dma_wait3A_101 : memref<1x125x80xi32, #tpu.memory_space<hbm>> -> memref<125x80xi32, #tpu.memory_space<hbm>>
      %dma_wait3A_103 = arith.constant 0 : i32
      %dma_wait3A_104 = arith.constant 0 : i32
      %dma_wait3A_105 = tpu.memref_slice %arg2[%add3A, %dma_wait3A_103, %dma_wait3A_104] : memref<32x125x80xi32, #tpu.memory_space<hbm>> -> memref<1x125x80xi32, #tpu.memory_space<hbm>>
      %dma_wait3A_106 = tpu.memref_squeeze %dma_wait3A_105 : memref<1x125x80xi32, #tpu.memory_space<hbm>> -> memref<125x80xi32, #tpu.memory_space<hbm>>
      tpu.wait_dma2 semaphore(%run_scoped3A : memref<!tpu.dma_semaphore, #tpu.memory_space<semaphore_mem>>) src(%dma_wait3A_106 : memref<125x80xi32, #tpu.memory_space<hbm>>) dst(%arg9 : memref<125x80xi32, #tpu.memory_space<vmem>>)
      tpu.yield
    }) : () -> ()
    %barrier3A = arith.constant 0 : index
    tpu.barrier barrier_id(%barrier3A)
    %mul3A_9 = arith.constant 10000 : i32
    %mul3A_10 = arith.muli %add3A, %mul3A_9 : i32
    %add3A_11 = arith.constant 0 : i32
    %add3A_12 = arith.addi %mul3A_10, %add3A_11 : i32
    %dma_start3A = arith.constant 0 : i32
    %dma_start3A_13 = tpu.memref_slice %arg3[%add3A_12, %dma_start3A] : memref<320000x128xf32, #tpu.memory_space<hbm>> -> memref<80x128xf32, #tpu.memory_space<hbm>>
    %dma_start3A_14 = arith.constant 0 : i32
    %dma_start3A_15 = tpu.memref_slice %arg3[%add3A_12, %dma_start3A_14] : memref<320000x128xf32, #tpu.memory_space<hbm>> -> memref<80x128xf32, #tpu.memory_space<hbm>>
    tpu.enqueue_dma source(%dma_start3A_15 : memref<80x128xf32, #tpu.memory_space<hbm>>) target(%arg10 : memref<80x128xf32, #tpu.memory_space<vmem>>) target_semaphore(%arg16 : memref<!tpu.dma_semaphore, #tpu.memory_space<semaphore_mem>>)
    %dma_start3A_16 = arith.constant 0 : i32
    %dma_start3A_17 = tpu.memref_slice %arg4[%add3A_12, %dma_start3A_16] : memref<320000x16xf32, #tpu.memory_space<hbm>> -> memref<80x16xf32, #tpu.memory_space<hbm>>
    %dma_start3A_18 = arith.constant 0 : i32
    %dma_start3A_19 = tpu.memref_slice %arg4[%add3A_12, %dma_start3A_18] : memref<320000x16xf32, #tpu.memory_space<hbm>> -> memref<80x16xf32, #tpu.memory_space<hbm>>
    tpu.enqueue_dma source(%dma_start3A_19 : memref<80x16xf32, #tpu.memory_space<hbm>>) target(%arg12 : memref<80x16xf32, #tpu.memory_space<vmem>>) target_semaphore(%arg16 : memref<!tpu.dma_semaphore, #tpu.memory_space<semaphore_mem>>)
    %scan3A = arith.constant 0 : i32
    %scan3A_20 = arith.constant 0 : i32
    %scan3A_21 = arith.constant 62 : i32
    %scan3A_22 = arith.addi %scan3A_20, %scan3A_21 : i32
    %scan3A_23 = arith.constant 1 : i32
    scf.for %scan3A_91 = %scan3A_20 to %scan3A_22 step %scan3A_23  : i32 {
      %mul3A_92 = arith.constant 2 : i32
      %mul3A_93 = arith.muli %mul3A_92, %scan3A_91 : i32
      %gt3A = arith.constant 0 : i32
      %gt3A_94 = arith.cmpi sgt, %scan3A_91, %gt3A : i32
      %convert_element_type3A = arith.extui %gt3A_94 : i1 to i32
      %cond3A = arith.constant 0 : i32
      %cond3A_95 = arith.cmpi ne, %convert_element_type3A, %cond3A : i32
      scf.if %cond3A_95 {
        %sub3A = arith.constant 1 : i32
        %sub3A_177 = arith.subi %mul3A_93, %sub3A : i32
        %dma_wait3A_178 = arith.constant 0 : i32
        %dma_wait3A_179 = tpu.memref_slice %arg9[%sub3A_177, %dma_wait3A_178] : memref<125x80xi32, #tpu.memory_space<vmem>> -> memref<1x80xi32, #tpu.memory_space<vmem>>
        %dma_wait3A_180 = tpu.memref_squeeze %dma_wait3A_179 : memref<1x80xi32, #tpu.memory_space<vmem>> -> memref<80xi32, #tpu.memory_space<vmem>>
        %dma_wait3A_181 = arith.constant 0 : i32
        %dma_wait3A_182 = arith.constant 0 : i32
        %dma_wait3A_183 = tpu.memref_slice %arg14[%dma_wait3A_181, %dma_wait3A_182] : memref<10000x128xf32, #tpu.memory_space<vmem_shared>> -> memref<10000x128xf32, #tpu.memory_space<vmem_shared>>
        tpu.wait_indirect_dma semaphore(%arg19 : memref<!tpu.dma_semaphore, #tpu.memory_space<semaphore_mem>>) src(%arg11 : memref<80x128xf32, #tpu.memory_space<vmem>>) dst(%dma_wait3A_183 : memref<10000x128xf32, #tpu.memory_space<vmem_shared>>)
        %dma_wait3A_184 = arith.constant 0 : i32
        %dma_wait3A_185 = tpu.memref_slice %arg9[%sub3A_177, %dma_wait3A_184] : memref<125x80xi32, #tpu.memory_space<vmem>> -> memref<1x80xi32, #tpu.memory_space<vmem>>
        %dma_wait3A_186 = tpu.memref_squeeze %dma_wait3A_185 : memref<1x80xi32, #tpu.memory_space<vmem>> -> memref<80xi32, #tpu.memory_space<vmem>>
        %dma_wait3A_187 = arith.constant 0 : i32
        %dma_wait3A_188 = arith.constant 0 : i32
        %dma_wait3A_189 = tpu.memref_slice %arg15[%dma_wait3A_187, %dma_wait3A_188] : memref<10000x16xf32, #tpu.memory_space<vmem_shared>> -> memref<10000x16xf32, #tpu.memory_space<vmem_shared>>
        tpu.wait_indirect_dma semaphore(%arg19 : memref<!tpu.dma_semaphore, #tpu.memory_space<semaphore_mem>>) src(%arg13 : memref<80x16xf32, #tpu.memory_space<vmem>>) dst(%dma_wait3A_189 : memref<10000x16xf32, #tpu.memory_space<vmem_shared>>)
      } else {
      }
      %add3A_96 = arith.constant 1 : i32
      %add3A_97 = arith.addi %mul3A_93, %add3A_96 : i32
      %mul3A_98 = arith.constant 80 : i32
      %mul3A_99 = arith.muli %add3A_97, %mul3A_98 : i32
      %add3A_100 = arith.addi %mul3A_10, %mul3A_99 : i32
      %dma_start3A_101 = arith.constant 0 : i32
      %dma_start3A_102 = tpu.memref_slice %arg3[%add3A_100, %dma_start3A_101] : memref<320000x128xf32, #tpu.memory_space<hbm>> -> memref<80x128xf32, #tpu.memory_space<hbm>>
      %dma_start3A_103 = arith.constant 0 : i32
      %dma_start3A_104 = tpu.memref_slice %arg3[%add3A_100, %dma_start3A_103] : memref<320000x128xf32, #tpu.memory_space<hbm>> -> memref<80x128xf32, #tpu.memory_space<hbm>>
      tpu.enqueue_dma source(%dma_start3A_104 : memref<80x128xf32, #tpu.memory_space<hbm>>) target(%arg11 : memref<80x128xf32, #tpu.memory_space<vmem>>) target_semaphore(%arg17 : memref<!tpu.dma_semaphore, #tpu.memory_space<semaphore_mem>>)
      %dma_start3A_105 = arith.constant 0 : i32
      %dma_start3A_106 = tpu.memref_slice %arg4[%add3A_100, %dma_start3A_105] : memref<320000x16xf32, #tpu.memory_space<hbm>> -> memref<80x16xf32, #tpu.memory_space<hbm>>
      %dma_start3A_107 = arith.constant 0 : i32
      %dma_start3A_108 = tpu.memref_slice %arg4[%add3A_100, %dma_start3A_107] : memref<320000x16xf32, #tpu.memory_space<hbm>> -> memref<80x16xf32, #tpu.memory_space<hbm>>
      tpu.enqueue_dma source(%dma_start3A_108 : memref<80x16xf32, #tpu.memory_space<hbm>>) target(%arg13 : memref<80x16xf32, #tpu.memory_space<vmem>>) target_semaphore(%arg17 : memref<!tpu.dma_semaphore, #tpu.memory_space<semaphore_mem>>)
      %mul3A_109 = arith.constant 80 : i32
      %mul3A_110 = arith.muli %mul3A_93, %mul3A_109 : i32
      %add3A_111 = arith.addi %mul3A_10, %mul3A_110 : i32
      %dma_wait3A_112 = arith.constant 0 : i32
      %dma_wait3A_113 = tpu.memref_slice %arg3[%add3A_111, %dma_wait3A_112] : memref<320000x128xf32, #tpu.memory_space<hbm>> -> memref<80x128xf32, #tpu.memory_space<hbm>>
      %dma_wait3A_114 = arith.constant 0 : i32
      %dma_wait3A_115 = tpu.memref_slice %arg3[%add3A_111, %dma_wait3A_114] : memref<320000x128xf32, #tpu.memory_space<hbm>> -> memref<80x128xf32, #tpu.memory_space<hbm>>
      tpu.wait_dma2 semaphore(%arg16 : memref<!tpu.dma_semaphore, #tpu.memory_space<semaphore_mem>>) src(%dma_wait3A_115 : memref<80x128xf32, #tpu.memory_space<hbm>>) dst(%arg10 : memref<80x128xf32, #tpu.memory_space<vmem>>)
      %dma_wait3A_116 = arith.constant 0 : i32
      %dma_wait3A_117 = tpu.memref_slice %arg4[%add3A_111, %dma_wait3A_116] : memref<320000x16xf32, #tpu.memory_space<hbm>> -> memref<80x16xf32, #tpu.memory_space<hbm>>
      %dma_wait3A_118 = arith.constant 0 : i32
      %dma_wait3A_119 = tpu.memref_slice %arg4[%add3A_111, %dma_wait3A_118] : memref<320000x16xf32, #tpu.memory_space<hbm>> -> memref<80x16xf32, #tpu.memory_space<hbm>>
      tpu.wait_dma2 semaphore(%arg16 : memref<!tpu.dma_semaphore, #tpu.memory_space<semaphore_mem>>) src(%dma_wait3A_119 : memref<80x16xf32, #tpu.memory_space<hbm>>) dst(%arg12 : memref<80x16xf32, #tpu.memory_space<vmem>>)
      %dma_start3A_120 = arith.constant 0 : i32
      %dma_start3A_121 = tpu.memref_slice %arg9[%mul3A_93, %dma_start3A_120] : memref<125x80xi32, #tpu.memory_space<vmem>> -> memref<1x80xi32, #tpu.memory_space<vmem>>
      %dma_start3A_122 = tpu.memref_squeeze %dma_start3A_121 : memref<1x80xi32, #tpu.memory_space<vmem>> -> memref<80xi32, #tpu.memory_space<vmem>>
      %dma_start3A_123 = arith.constant 0 : i32
      %dma_start3A_124 = arith.constant 0 : i32
      %dma_start3A_125 = tpu.memref_slice %arg14[%dma_start3A_123, %dma_start3A_124] : memref<10000x128xf32, #tpu.memory_space<vmem_shared>> -> memref<10000x128xf32, #tpu.memory_space<vmem_shared>>
      tpu.enqueue_indirect_dma source(%arg10 : memref<80x128xf32, #tpu.memory_space<vmem>>) target(%dma_start3A_125 : memref<10000x128xf32, #tpu.memory_space<vmem_shared>>) offsets(%dma_start3A_122 : memref<80xi32, #tpu.memory_space<vmem>>) semaphore(%arg18 : memref<!tpu.dma_semaphore, #tpu.memory_space<semaphore_mem>>) {add = true}
      %dma_start3A_126 = arith.constant 0 : i32
      %dma_start3A_127 = tpu.memref_slice %arg9[%mul3A_93, %dma_start3A_126] : memref<125x80xi32, #tpu.memory_space<vmem>> -> memref<1x80xi32, #tpu.memory_space<vmem>>
      %dma_start3A_128 = tpu.memref_squeeze %dma_start3A_127 : memref<1x80xi32, #tpu.memory_space<vmem>> -> memref<80xi32, #tpu.memory_space<vmem>>
      %dma_start3A_129 = arith.constant 0 : i32
      %dma_start3A_130 = arith.constant 0 : i32
      %dma_start3A_131 = tpu.memref_slice %arg15[%dma_start3A_129, %dma_start3A_130] : memref<10000x16xf32, #tpu.memory_space<vmem_shared>> -> memref<10000x16xf32, #tpu.memory_space<vmem_shared>>
      tpu.enqueue_indirect_dma source(%arg12 : memref<80x16xf32, #tpu.memory_space<vmem>>) target(%dma_start3A_131 : memref<10000x16xf32, #tpu.memory_space<vmem_shared>>) offsets(%dma_start3A_128 : memref<80xi32, #tpu.memory_space<vmem>>) semaphore(%arg18 : memref<!tpu.dma_semaphore, #tpu.memory_space<semaphore_mem>>) {add = true}
      %dma_wait3A_132 = arith.constant 0 : i32
      %dma_wait3A_133 = tpu.memref_slice %arg9[%mul3A_93, %dma_wait3A_132] : memref<125x80xi32, #tpu.memory_space<vmem>> -> memref<1x80xi32, #tpu.memory_space<vmem>>
      %dma_wait3A_134 = tpu.memref_squeeze %dma_wait3A_133 : memref<1x80xi32, #tpu.memory_space<vmem>> -> memref<80xi32, #tpu.memory_space<vmem>>
      %dma_wait3A_135 = arith.constant 0 : i32
      %dma_wait3A_136 = arith.constant 0 : i32
      %dma_wait3A_137 = tpu.memref_slice %arg14[%dma_wait3A_135, %dma_wait3A_136] : memref<10000x128xf32, #tpu.memory_space<vmem_shared>> -> memref<10000x128xf32, #tpu.memory_space<vmem_shared>>
      tpu.wait_indirect_dma semaphore(%arg18 : memref<!tpu.dma_semaphore, #tpu.memory_space<semaphore_mem>>) src(%arg10 : memref<80x128xf32, #tpu.memory_space<vmem>>) dst(%dma_wait3A_137 : memref<10000x128xf32, #tpu.memory_space<vmem_shared>>)
      %dma_wait3A_138 = arith.constant 0 : i32
      %dma_wait3A_139 = tpu.memref_slice %arg9[%mul3A_93, %dma_wait3A_138] : memref<125x80xi32, #tpu.memory_space<vmem>> -> memref<1x80xi32, #tpu.memory_space<vmem>>
      %dma_wait3A_140 = tpu.memref_squeeze %dma_wait3A_139 : memref<1x80xi32, #tpu.memory_space<vmem>> -> memref<80xi32, #tpu.memory_space<vmem>>
      %dma_wait3A_141 = arith.constant 0 : i32
      %dma_wait3A_142 = arith.constant 0 : i32
      %dma_wait3A_143 = tpu.memref_slice %arg15[%dma_wait3A_141, %dma_wait3A_142] : memref<10000x16xf32, #tpu.memory_space<vmem_shared>> -> memref<10000x16xf32, #tpu.memory_space<vmem_shared>>
      tpu.wait_indirect_dma semaphore(%arg18 : memref<!tpu.dma_semaphore, #tpu.memory_space<semaphore_mem>>) src(%arg12 : memref<80x16xf32, #tpu.memory_space<vmem>>) dst(%dma_wait3A_143 : memref<10000x16xf32, #tpu.memory_space<vmem_shared>>)
      %add3A_144 = arith.constant 2 : i32
      %add3A_145 = arith.addi %mul3A_93, %add3A_144 : i32
      %lt3A = arith.constant 125 : i32
      %lt3A_146 = arith.cmpi slt, %add3A_145, %lt3A : i32
      %convert_element_type3A_147 = arith.extui %lt3A_146 : i1 to i32
      %cond3A_148 = arith.constant 0 : i32
      %cond3A_149 = arith.cmpi ne, %convert_element_type3A_147, %cond3A_148 : i32
      scf.if %cond3A_149 {
        %add3A_177 = arith.constant 2 : i32
        %add3A_178 = arith.addi %mul3A_93, %add3A_177 : i32
        %mul3A_179 = arith.constant 80 : i32
        %mul3A_180 = arith.muli %add3A_178, %mul3A_179 : i32
        %add3A_181 = arith.addi %mul3A_10, %mul3A_180 : i32
        %dma_start3A_182 = arith.constant 0 : i32
        %dma_start3A_183 = tpu.memref_slice %arg3[%add3A_181, %dma_start3A_182] : memref<320000x128xf32, #tpu.memory_space<hbm>> -> memref<80x128xf32, #tpu.memory_space<hbm>>
        %dma_start3A_184 = arith.constant 0 : i32
        %dma_start3A_185 = tpu.memref_slice %arg3[%add3A_181, %dma_start3A_184] : memref<320000x128xf32, #tpu.memory_space<hbm>> -> memref<80x128xf32, #tpu.memory_space<hbm>>
        tpu.enqueue_dma source(%dma_start3A_185 : memref<80x128xf32, #tpu.memory_space<hbm>>) target(%arg10 : memref<80x128xf32, #tpu.memory_space<vmem>>) target_semaphore(%arg16 : memref<!tpu.dma_semaphore, #tpu.memory_space<semaphore_mem>>)
        %dma_start3A_186 = arith.constant 0 : i32
        %dma_start3A_187 = tpu.memref_slice %arg4[%add3A_181, %dma_start3A_186] : memref<320000x16xf32, #tpu.memory_space<hbm>> -> memref<80x16xf32, #tpu.memory_space<hbm>>
        %dma_start3A_188 = arith.constant 0 : i32
        %dma_start3A_189 = tpu.memref_slice %arg4[%add3A_181, %dma_start3A_188] : memref<320000x16xf32, #tpu.memory_space<hbm>> -> memref<80x16xf32, #tpu.memory_space<hbm>>
        tpu.enqueue_dma source(%dma_start3A_189 : memref<80x16xf32, #tpu.memory_space<hbm>>) target(%arg12 : memref<80x16xf32, #tpu.memory_space<vmem>>) target_semaphore(%arg16 : memref<!tpu.dma_semaphore, #tpu.memory_space<semaphore_mem>>)
      } else {
      }
      %add3A_150 = arith.constant 1 : i32
      %add3A_151 = arith.addi %mul3A_93, %add3A_150 : i32
      %mul3A_152 = arith.constant 80 : i32
      %mul3A_153 = arith.muli %add3A_151, %mul3A_152 : i32
      %add3A_154 = arith.addi %mul3A_10, %mul3A_153 : i32
      %dma_wait3A_155 = arith.constant 0 : i32
      %dma_wait3A_156 = tpu.memref_slice %arg3[%add3A_154, %dma_wait3A_155] : memref<320000x128xf32, #tpu.memory_space<hbm>> -> memref<80x128xf32, #tpu.memory_space<hbm>>
      %dma_wait3A_157 = arith.constant 0 : i32
      %dma_wait3A_158 = tpu.memref_slice %arg3[%add3A_154, %dma_wait3A_157] : memref<320000x128xf32, #tpu.memory_space<hbm>> -> memref<80x128xf32, #tpu.memory_space<hbm>>
      tpu.wait_dma2 semaphore(%arg17 : memref<!tpu.dma_semaphore, #tpu.memory_space<semaphore_mem>>) src(%dma_wait3A_158 : memref<80x128xf32, #tpu.memory_space<hbm>>) dst(%arg11 : memref<80x128xf32, #tpu.memory_space<vmem>>)
      %dma_wait3A_159 = arith.constant 0 : i32
      %dma_wait3A_160 = tpu.memref_slice %arg4[%add3A_154, %dma_wait3A_159] : memref<320000x16xf32, #tpu.memory_space<hbm>> -> memref<80x16xf32, #tpu.memory_space<hbm>>
      %dma_wait3A_161 = arith.constant 0 : i32
      %dma_wait3A_162 = tpu.memref_slice %arg4[%add3A_154, %dma_wait3A_161] : memref<320000x16xf32, #tpu.memory_space<hbm>> -> memref<80x16xf32, #tpu.memory_space<hbm>>
      tpu.wait_dma2 semaphore(%arg17 : memref<!tpu.dma_semaphore, #tpu.memory_space<semaphore_mem>>) src(%dma_wait3A_162 : memref<80x16xf32, #tpu.memory_space<hbm>>) dst(%arg13 : memref<80x16xf32, #tpu.memory_space<vmem>>)
      %add3A_163 = arith.constant 1 : i32
      %add3A_164 = arith.addi %mul3A_93, %add3A_163 : i32
      %dma_start3A_165 = arith.constant 0 : i32
      %dma_start3A_166 = tpu.memref_slice %arg9[%add3A_164, %dma_start3A_165] : memref<125x80xi32, #tpu.memory_space<vmem>> -> memref<1x80xi32, #tpu.memory_space<vmem>>
      %dma_start3A_167 = tpu.memref_squeeze %dma_start3A_166 : memref<1x80xi32, #tpu.memory_space<vmem>> -> memref<80xi32, #tpu.memory_space<vmem>>
      %dma_start3A_168 = arith.constant 0 : i32
      %dma_start3A_169 = arith.constant 0 : i32
      %dma_start3A_170 = tpu.memref_slice %arg14[%dma_start3A_168, %dma_start3A_169] : memref<10000x128xf32, #tpu.memory_space<vmem_shared>> -> memref<10000x128xf32, #tpu.memory_space<vmem_shared>>
      tpu.enqueue_indirect_dma source(%arg11 : memref<80x128xf32, #tpu.memory_space<vmem>>) target(%dma_start3A_170 : memref<10000x128xf32, #tpu.memory_space<vmem_shared>>) offsets(%dma_start3A_167 : memref<80xi32, #tpu.memory_space<vmem>>) semaphore(%arg19 : memref<!tpu.dma_semaphore, #tpu.memory_space<semaphore_mem>>) {add = true}
      %dma_start3A_171 = arith.constant 0 : i32
      %dma_start3A_172 = tpu.memref_slice %arg9[%add3A_164, %dma_start3A_171] : memref<125x80xi32, #tpu.memory_space<vmem>> -> memref<1x80xi32, #tpu.memory_space<vmem>>
      %dma_start3A_173 = tpu.memref_squeeze %dma_start3A_172 : memref<1x80xi32, #tpu.memory_space<vmem>> -> memref<80xi32, #tpu.memory_space<vmem>>
      %dma_start3A_174 = arith.constant 0 : i32
      %dma_start3A_175 = arith.constant 0 : i32
      %dma_start3A_176 = tpu.memref_slice %arg15[%dma_start3A_174, %dma_start3A_175] : memref<10000x16xf32, #tpu.memory_space<vmem_shared>> -> memref<10000x16xf32, #tpu.memory_space<vmem_shared>>
      tpu.enqueue_indirect_dma source(%arg13 : memref<80x16xf32, #tpu.memory_space<vmem>>) target(%dma_start3A_176 : memref<10000x16xf32, #tpu.memory_space<vmem_shared>>) offsets(%dma_start3A_173 : memref<80xi32, #tpu.memory_space<vmem>>) semaphore(%arg19 : memref<!tpu.dma_semaphore, #tpu.memory_space<semaphore_mem>>) {add = true}
    }
    %scan3A_24 = arith.constant 62 : i32
    %dma_wait3A = arith.constant 123 : i32
    %dma_wait3A_25 = arith.constant 0 : i32
    %dma_wait3A_26 = tpu.memref_slice %arg9[%dma_wait3A, %dma_wait3A_25] : memref<125x80xi32, #tpu.memory_space<vmem>> -> memref<1x80xi32, #tpu.memory_space<vmem>>
    %dma_wait3A_27 = tpu.memref_squeeze %dma_wait3A_26 : memref<1x80xi32, #tpu.memory_space<vmem>> -> memref<80xi32, #tpu.memory_space<vmem>>
    %dma_wait3A_28 = arith.constant 0 : i32
    %dma_wait3A_29 = arith.constant 0 : i32
    %dma_wait3A_30 = tpu.memref_slice %arg14[%dma_wait3A_28, %dma_wait3A_29] : memref<10000x128xf32, #tpu.memory_space<vmem_shared>> -> memref<10000x128xf32, #tpu.memory_space<vmem_shared>>
    tpu.wait_indirect_dma semaphore(%arg19 : memref<!tpu.dma_semaphore, #tpu.memory_space<semaphore_mem>>) src(%arg11 : memref<80x128xf32, #tpu.memory_space<vmem>>) dst(%dma_wait3A_30 : memref<10000x128xf32, #tpu.memory_space<vmem_shared>>)
    %dma_wait3A_31 = arith.constant 123 : i32
    %dma_wait3A_32 = arith.constant 0 : i32
    %dma_wait3A_33 = tpu.memref_slice %arg9[%dma_wait3A_31, %dma_wait3A_32] : memref<125x80xi32, #tpu.memory_space<vmem>> -> memref<1x80xi32, #tpu.memory_space<vmem>>
    %dma_wait3A_34 = tpu.memref_squeeze %dma_wait3A_33 : memref<1x80xi32, #tpu.memory_space<vmem>> -> memref<80xi32, #tpu.memory_space<vmem>>
    %dma_wait3A_35 = arith.constant 0 : i32
    %dma_wait3A_36 = arith.constant 0 : i32
    %dma_wait3A_37 = tpu.memref_slice %arg15[%dma_wait3A_35, %dma_wait3A_36] : memref<10000x16xf32, #tpu.memory_space<vmem_shared>> -> memref<10000x16xf32, #tpu.memory_space<vmem_shared>>
    tpu.wait_indirect_dma semaphore(%arg19 : memref<!tpu.dma_semaphore, #tpu.memory_space<semaphore_mem>>) src(%arg13 : memref<80x16xf32, #tpu.memory_space<vmem>>) dst(%dma_wait3A_37 : memref<10000x16xf32, #tpu.memory_space<vmem_shared>>)
    %add3A_38 = arith.constant 9920 : i32
    %add3A_39 = arith.addi %mul3A_10, %add3A_38 : i32
    %dma_wait3A_40 = arith.constant 0 : i32
    %dma_wait3A_41 = tpu.memref_slice %arg3[%add3A_39, %dma_wait3A_40] : memref<320000x128xf32, #tpu.memory_space<hbm>> -> memref<80x128xf32, #tpu.memory_space<hbm>>
    %dma_wait3A_42 = arith.constant 0 : i32
    %dma_wait3A_43 = tpu.memref_slice %arg3[%add3A_39, %dma_wait3A_42] : memref<320000x128xf32, #tpu.memory_space<hbm>> -> memref<80x128xf32, #tpu.memory_space<hbm>>
    tpu.wait_dma2 semaphore(%arg16 : memref<!tpu.dma_semaphore, #tpu.memory_space<semaphore_mem>>) src(%dma_wait3A_43 : memref<80x128xf32, #tpu.memory_space<hbm>>) dst(%arg10 : memref<80x128xf32, #tpu.memory_space<vmem>>)
    %dma_wait3A_44 = arith.constant 0 : i32
    %dma_wait3A_45 = tpu.memref_slice %arg4[%add3A_39, %dma_wait3A_44] : memref<320000x16xf32, #tpu.memory_space<hbm>> -> memref<80x16xf32, #tpu.memory_space<hbm>>
    %dma_wait3A_46 = arith.constant 0 : i32
    %dma_wait3A_47 = tpu.memref_slice %arg4[%add3A_39, %dma_wait3A_46] : memref<320000x16xf32, #tpu.memory_space<hbm>> -> memref<80x16xf32, #tpu.memory_space<hbm>>
    tpu.wait_dma2 semaphore(%arg16 : memref<!tpu.dma_semaphore, #tpu.memory_space<semaphore_mem>>) src(%dma_wait3A_47 : memref<80x16xf32, #tpu.memory_space<hbm>>) dst(%arg12 : memref<80x16xf32, #tpu.memory_space<vmem>>)
    %dma_start3A_48 = arith.constant 124 : i32
    %dma_start3A_49 = arith.constant 0 : i32
    %dma_start3A_50 = tpu.memref_slice %arg9[%dma_start3A_48, %dma_start3A_49] : memref<125x80xi32, #tpu.memory_space<vmem>> -> memref<1x80xi32, #tpu.memory_space<vmem>>
    %dma_start3A_51 = tpu.memref_squeeze %dma_start3A_50 : memref<1x80xi32, #tpu.memory_space<vmem>> -> memref<80xi32, #tpu.memory_space<vmem>>
    %dma_start3A_52 = arith.constant 0 : i32
    %dma_start3A_53 = arith.constant 0 : i32
    %dma_start3A_54 = tpu.memref_slice %arg14[%dma_start3A_52, %dma_start3A_53] : memref<10000x128xf32, #tpu.memory_space<vmem_shared>> -> memref<10000x128xf32, #tpu.memory_space<vmem_shared>>
    tpu.enqueue_indirect_dma source(%arg10 : memref<80x128xf32, #tpu.memory_space<vmem>>) target(%dma_start3A_54 : memref<10000x128xf32, #tpu.memory_space<vmem_shared>>) offsets(%dma_start3A_51 : memref<80xi32, #tpu.memory_space<vmem>>) semaphore(%arg18 : memref<!tpu.dma_semaphore, #tpu.memory_space<semaphore_mem>>) {add = true}
    %dma_start3A_55 = arith.constant 124 : i32
    %dma_start3A_56 = arith.constant 0 : i32
    %dma_start3A_57 = tpu.memref_slice %arg9[%dma_start3A_55, %dma_start3A_56] : memref<125x80xi32, #tpu.memory_space<vmem>> -> memref<1x80xi32, #tpu.memory_space<vmem>>
    %dma_start3A_58 = tpu.memref_squeeze %dma_start3A_57 : memref<1x80xi32, #tpu.memory_space<vmem>> -> memref<80xi32, #tpu.memory_space<vmem>>
    %dma_start3A_59 = arith.constant 0 : i32
    %dma_start3A_60 = arith.constant 0 : i32
    %dma_start3A_61 = tpu.memref_slice %arg15[%dma_start3A_59, %dma_start3A_60] : memref<10000x16xf32, #tpu.memory_space<vmem_shared>> -> memref<10000x16xf32, #tpu.memory_space<vmem_shared>>
    tpu.enqueue_indirect_dma source(%arg12 : memref<80x16xf32, #tpu.memory_space<vmem>>) target(%dma_start3A_61 : memref<10000x16xf32, #tpu.memory_space<vmem_shared>>) offsets(%dma_start3A_58 : memref<80xi32, #tpu.memory_space<vmem>>) semaphore(%arg18 : memref<!tpu.dma_semaphore, #tpu.memory_space<semaphore_mem>>) {add = true}
    %dma_wait3A_62 = arith.constant 124 : i32
    %dma_wait3A_63 = arith.constant 0 : i32
    %dma_wait3A_64 = tpu.memref_slice %arg9[%dma_wait3A_62, %dma_wait3A_63] : memref<125x80xi32, #tpu.memory_space<vmem>> -> memref<1x80xi32, #tpu.memory_space<vmem>>
    %dma_wait3A_65 = tpu.memref_squeeze %dma_wait3A_64 : memref<1x80xi32, #tpu.memory_space<vmem>> -> memref<80xi32, #tpu.memory_space<vmem>>
    %dma_wait3A_66 = arith.constant 0 : i32
    %dma_wait3A_67 = arith.constant 0 : i32
    %dma_wait3A_68 = tpu.memref_slice %arg14[%dma_wait3A_66, %dma_wait3A_67] : memref<10000x128xf32, #tpu.memory_space<vmem_shared>> -> memref<10000x128xf32, #tpu.memory_space<vmem_shared>>
    tpu.wait_indirect_dma semaphore(%arg18 : memref<!tpu.dma_semaphore, #tpu.memory_space<semaphore_mem>>) src(%arg10 : memref<80x128xf32, #tpu.memory_space<vmem>>) dst(%dma_wait3A_68 : memref<10000x128xf32, #tpu.memory_space<vmem_shared>>)
    %dma_wait3A_69 = arith.constant 124 : i32
    %dma_wait3A_70 = arith.constant 0 : i32
    %dma_wait3A_71 = tpu.memref_slice %arg9[%dma_wait3A_69, %dma_wait3A_70] : memref<125x80xi32, #tpu.memory_space<vmem>> -> memref<1x80xi32, #tpu.memory_space<vmem>>
    %dma_wait3A_72 = tpu.memref_squeeze %dma_wait3A_71 : memref<1x80xi32, #tpu.memory_space<vmem>> -> memref<80xi32, #tpu.memory_space<vmem>>
    %dma_wait3A_73 = arith.constant 0 : i32
    %dma_wait3A_74 = arith.constant 0 : i32
    %dma_wait3A_75 = tpu.memref_slice %arg15[%dma_wait3A_73, %dma_wait3A_74] : memref<10000x16xf32, #tpu.memory_space<vmem_shared>> -> memref<10000x16xf32, #tpu.memory_space<vmem_shared>>
    tpu.wait_indirect_dma semaphore(%arg18 : memref<!tpu.dma_semaphore, #tpu.memory_space<semaphore_mem>>) src(%arg12 : memref<80x16xf32, #tpu.memory_space<vmem>>) dst(%dma_wait3A_75 : memref<10000x16xf32, #tpu.memory_space<vmem_shared>>)
    %barrier3A_76 = arith.constant 0 : index
    tpu.barrier barrier_id(%barrier3A_76)
    %mul3A_77 = arith.constant 625 : i32
    %mul3A_78 = arith.muli %arg1, %mul3A_77 : i32
    %mul3A_79 = arith.constant 10000 : i32
    %mul3A_80 = arith.muli %arg0, %mul3A_79 : i32
    %mul3A_81 = arith.constant 625 : i32
    %mul3A_82 = arith.muli %arg1, %mul3A_81 : i32
    %add3A_83 = arith.addi %mul3A_80, %mul3A_82 : i32
    "tpu.region"() ({
      %run_scoped3A = tpu.sem_alloc : memref<!tpu.dma_semaphore, #tpu.memory_space<semaphore_mem>>
      %dma_start3A_91 = arith.constant 0 : i32
      %dma_start3A_92 = tpu.memref_slice %arg7[%add3A_83, %dma_start3A_91] : memref<20000x128xf32, #tpu.memory_space<hbm>> -> memref<625x128xf32, #tpu.memory_space<hbm>>
      %dma_start3A_93 = arith.constant 0 : i32
      %dma_start3A_94 = tpu.memref_slice %arg14[%mul3A_78, %dma_start3A_93] : memref<10000x128xf32, #tpu.memory_space<vmem_shared>> -> memref<625x128xf32, #tpu.memory_space<vmem_shared>>
      tpu.enqueue_dma source(%dma_start3A_94 : memref<625x128xf32, #tpu.memory_space<vmem_shared>>) target(%dma_start3A_92 : memref<625x128xf32, #tpu.memory_space<hbm>>) target_semaphore(%run_scoped3A : memref<!tpu.dma_semaphore, #tpu.memory_space<semaphore_mem>>)
      %dma_wait3A_95 = arith.constant 0 : i32
      %dma_wait3A_96 = tpu.memref_slice %arg7[%add3A_83, %dma_wait3A_95] : memref<20000x128xf32, #tpu.memory_space<hbm>> -> memref<625x128xf32, #tpu.memory_space<hbm>>
      %dma_wait3A_97 = arith.constant 0 : i32
      %dma_wait3A_98 = tpu.memref_slice %arg14[%mul3A_78, %dma_wait3A_97] : memref<10000x128xf32, #tpu.memory_space<vmem_shared>> -> memref<625x128xf32, #tpu.memory_space<vmem_shared>>
      tpu.wait_dma2 semaphore(%run_scoped3A : memref<!tpu.dma_semaphore, #tpu.memory_space<semaphore_mem>>) src(%dma_wait3A_98 : memref<625x128xf32, #tpu.memory_space<vmem_shared>>) dst(%dma_wait3A_96 : memref<625x128xf32, #tpu.memory_space<hbm>>)
      tpu.yield
    }) : () -> ()
    %mul3A_84 = arith.constant 625 : i32
    %mul3A_85 = arith.muli %arg1, %mul3A_84 : i32
    %mul3A_86 = arith.constant 10000 : i32
    %mul3A_87 = arith.muli %arg0, %mul3A_86 : i32
    %mul3A_88 = arith.constant 625 : i32
    %mul3A_89 = arith.muli %arg1, %mul3A_88 : i32
    %add3A_90 = arith.addi %mul3A_87, %mul3A_89 : i32
    "tpu.region"() ({
      %run_scoped3A = tpu.sem_alloc : memref<!tpu.dma_semaphore, #tpu.memory_space<semaphore_mem>>
      %dma_start3A_91 = arith.constant 0 : i32
      %dma_start3A_92 = tpu.memref_slice %arg8[%add3A_90, %dma_start3A_91] : memref<20000x16xf32, #tpu.memory_space<hbm>> -> memref<625x16xf32, #tpu.memory_space<hbm>>
      %dma_start3A_93 = arith.constant 0 : i32
      %dma_start3A_94 = tpu.memref_slice %arg15[%mul3A_85, %dma_start3A_93] : memref<10000x16xf32, #tpu.memory_space<vmem_shared>> -> memref<625x16xf32, #tpu.memory_space<vmem_shared>>
      tpu.enqueue_dma source(%dma_start3A_94 : memref<625x16xf32, #tpu.memory_space<vmem_shared>>) target(%dma_start3A_92 : memref<625x16xf32, #tpu.memory_space<hbm>>) target_semaphore(%run_scoped3A : memref<!tpu.dma_semaphore, #tpu.memory_space<semaphore_mem>>)
      %dma_wait3A_95 = arith.constant 0 : i32
      %dma_wait3A_96 = tpu.memref_slice %arg8[%add3A_90, %dma_wait3A_95] : memref<20000x16xf32, #tpu.memory_space<hbm>> -> memref<625x16xf32, #tpu.memory_space<hbm>>
      %dma_wait3A_97 = arith.constant 0 : i32
      %dma_wait3A_98 = tpu.memref_slice %arg15[%mul3A_85, %dma_wait3A_97] : memref<10000x16xf32, #tpu.memory_space<vmem_shared>> -> memref<625x16xf32, #tpu.memory_space<vmem_shared>>
      tpu.wait_dma2 semaphore(%run_scoped3A : memref<!tpu.dma_semaphore, #tpu.memory_space<semaphore_mem>>) src(%dma_wait3A_98 : memref<625x16xf32, #tpu.memory_space<vmem_shared>>) dst(%dma_wait3A_96 : memref<625x16xf32, #tpu.memory_space<hbm>>)
      tpu.yield
    }) : () -> ()
    return
  }
}

#map = affine_map<(d0, d1) -> (0, 0, 0)>
#map1 = affine_map<(d0, d1) -> (0, 0)>
module attributes {stable_mosaic.version = 14 : i64} {
  func.func @_sc_gather(%arg0: i32, %arg1: i32, %arg2: memref<32x125x80xi32, #tpu.memory_space<hbm>>, %arg3: memref<32x125x80xi32, #tpu.memory_space<hbm>>, %arg4: memref<10000x144xf32, #tpu.memory_space<hbm>>, %arg5: memref<10000x144xf32, #tpu.memory_space<hbm>>, %arg6: memref<320000x144xf32, #tpu.memory_space<hbm>>, %arg7: memref<320000x144xf32, #tpu.memory_space<hbm>>, %arg8: memref<125x80xi32, #tpu.memory_space<vmem>>, %arg9: memref<125x80xi32, #tpu.memory_space<vmem>>, %arg10: memref<80x144xf32, #tpu.memory_space<vmem>>, %arg11: memref<80x144xf32, #tpu.memory_space<vmem>>, %arg12: memref<80x144xf32, #tpu.memory_space<vmem>>, %arg13: memref<80x144xf32, #tpu.memory_space<vmem>>, %arg14: memref<!tpu.dma_semaphore, #tpu.memory_space<semaphore_mem>>, %arg15: memref<!tpu.dma_semaphore, #tpu.memory_space<semaphore_mem>>, %arg16: memref<!tpu.dma_semaphore, #tpu.memory_space<semaphore_mem>>, %arg17: memref<!tpu.dma_semaphore, #tpu.memory_space<semaphore_mem>>, %arg18: memref<!tpu.dma_semaphore, #tpu.memory_space<semaphore_mem>>, %arg19: memref<!tpu.dma_semaphore, #tpu.memory_space<semaphore_mem>>) attributes {dimension_semantics = [#tpu.dimension_semantics<core_parallel>, #tpu.dimension_semantics<subcore_parallel>], iteration_bounds = array<i64: 2, 16>, scalar_prefetch = 0 : i64, scratch_operands = 12 : i64, tpu.core_type = #tpu.core_type<sc_vector_subcore>, window_params = [{transform_indices = #map}, {transform_indices = #map}, {transform_indices = #map1}, {transform_indices = #map1}, {transform_indices = #map1}, {transform_indices = #map1}]} {
    %mul3A = arith.constant 2 : i32
    %mul3A_0 = arith.muli %arg1, %mul3A : i32
    %add3A = arith.addi %mul3A_0, %arg0 : i32
    %mul3A_1 = arith.constant 10000 : i32
    %mul3A_2 = arith.muli %add3A, %mul3A_1 : i32
    "tpu.region"() ({
      %run_scoped3A = tpu.sem_alloc : memref<!tpu.dma_semaphore, #tpu.memory_space<semaphore_mem>>
      %dma_start3A_64 = arith.constant 0 : i32
      %dma_start3A_65 = arith.constant 0 : i32
      %dma_start3A_66 = tpu.memref_slice %arg2[%add3A, %dma_start3A_64, %dma_start3A_65] : memref<32x125x80xi32, #tpu.memory_space<hbm>> -> memref<1x125x80xi32, #tpu.memory_space<hbm>>
      %dma_start3A_67 = tpu.memref_squeeze %dma_start3A_66 : memref<1x125x80xi32, #tpu.memory_space<hbm>> -> memref<125x80xi32, #tpu.memory_space<hbm>>
      %dma_start3A_68 = arith.constant 0 : i32
      %dma_start3A_69 = arith.constant 0 : i32
      %dma_start3A_70 = tpu.memref_slice %arg2[%add3A, %dma_start3A_68, %dma_start3A_69] : memref<32x125x80xi32, #tpu.memory_space<hbm>> -> memref<1x125x80xi32, #tpu.memory_space<hbm>>
      %dma_start3A_71 = tpu.memref_squeeze %dma_start3A_70 : memref<1x125x80xi32, #tpu.memory_space<hbm>> -> memref<125x80xi32, #tpu.memory_space<hbm>>
      tpu.enqueue_dma source(%dma_start3A_71 : memref<125x80xi32, #tpu.memory_space<hbm>>) target(%arg8 : memref<125x80xi32, #tpu.memory_space<vmem>>) target_semaphore(%run_scoped3A : memref<!tpu.dma_semaphore, #tpu.memory_space<semaphore_mem>>)
      %dma_wait3A_72 = arith.constant 0 : i32
      %dma_wait3A_73 = arith.constant 0 : i32
      %dma_wait3A_74 = tpu.memref_slice %arg2[%add3A, %dma_wait3A_72, %dma_wait3A_73] : memref<32x125x80xi32, #tpu.memory_space<hbm>> -> memref<1x125x80xi32, #tpu.memory_space<hbm>>
      %dma_wait3A_75 = tpu.memref_squeeze %dma_wait3A_74 : memref<1x125x80xi32, #tpu.memory_space<hbm>> -> memref<125x80xi32, #tpu.memory_space<hbm>>
      %dma_wait3A_76 = arith.constant 0 : i32
      %dma_wait3A_77 = arith.constant 0 : i32
      %dma_wait3A_78 = tpu.memref_slice %arg2[%add3A, %dma_wait3A_76, %dma_wait3A_77] : memref<32x125x80xi32, #tpu.memory_space<hbm>> -> memref<1x125x80xi32, #tpu.memory_space<hbm>>
      %dma_wait3A_79 = tpu.memref_squeeze %dma_wait3A_78 : memref<1x125x80xi32, #tpu.memory_space<hbm>> -> memref<125x80xi32, #tpu.memory_space<hbm>>
      tpu.wait_dma2 semaphore(%run_scoped3A : memref<!tpu.dma_semaphore, #tpu.memory_space<semaphore_mem>>) src(%dma_wait3A_79 : memref<125x80xi32, #tpu.memory_space<hbm>>) dst(%arg8 : memref<125x80xi32, #tpu.memory_space<vmem>>)
      tpu.yield
    }) : () -> ()
    "tpu.region"() ({
      %run_scoped3A = tpu.sem_alloc : memref<!tpu.dma_semaphore, #tpu.memory_space<semaphore_mem>>
      %dma_start3A_64 = arith.constant 0 : i32
      %dma_start3A_65 = arith.constant 0 : i32
      %dma_start3A_66 = tpu.memref_slice %arg3[%add3A, %dma_start3A_64, %dma_start3A_65] : memref<32x125x80xi32, #tpu.memory_space<hbm>> -> memref<1x125x80xi32, #tpu.memory_space<hbm>>
      %dma_start3A_67 = tpu.memref_squeeze %dma_start3A_66 : memref<1x125x80xi32, #tpu.memory_space<hbm>> -> memref<125x80xi32, #tpu.memory_space<hbm>>
      %dma_start3A_68 = arith.constant 0 : i32
      %dma_start3A_69 = arith.constant 0 : i32
      %dma_start3A_70 = tpu.memref_slice %arg3[%add3A, %dma_start3A_68, %dma_start3A_69] : memref<32x125x80xi32, #tpu.memory_space<hbm>> -> memref<1x125x80xi32, #tpu.memory_space<hbm>>
      %dma_start3A_71 = tpu.memref_squeeze %dma_start3A_70 : memref<1x125x80xi32, #tpu.memory_space<hbm>> -> memref<125x80xi32, #tpu.memory_space<hbm>>
      tpu.enqueue_dma source(%dma_start3A_71 : memref<125x80xi32, #tpu.memory_space<hbm>>) target(%arg9 : memref<125x80xi32, #tpu.memory_space<vmem>>) target_semaphore(%run_scoped3A : memref<!tpu.dma_semaphore, #tpu.memory_space<semaphore_mem>>)
      %dma_wait3A_72 = arith.constant 0 : i32
      %dma_wait3A_73 = arith.constant 0 : i32
      %dma_wait3A_74 = tpu.memref_slice %arg3[%add3A, %dma_wait3A_72, %dma_wait3A_73] : memref<32x125x80xi32, #tpu.memory_space<hbm>> -> memref<1x125x80xi32, #tpu.memory_space<hbm>>
      %dma_wait3A_75 = tpu.memref_squeeze %dma_wait3A_74 : memref<1x125x80xi32, #tpu.memory_space<hbm>> -> memref<125x80xi32, #tpu.memory_space<hbm>>
      %dma_wait3A_76 = arith.constant 0 : i32
      %dma_wait3A_77 = arith.constant 0 : i32
      %dma_wait3A_78 = tpu.memref_slice %arg3[%add3A, %dma_wait3A_76, %dma_wait3A_77] : memref<32x125x80xi32, #tpu.memory_space<hbm>> -> memref<1x125x80xi32, #tpu.memory_space<hbm>>
      %dma_wait3A_79 = tpu.memref_squeeze %dma_wait3A_78 : memref<1x125x80xi32, #tpu.memory_space<hbm>> -> memref<125x80xi32, #tpu.memory_space<hbm>>
      tpu.wait_dma2 semaphore(%run_scoped3A : memref<!tpu.dma_semaphore, #tpu.memory_space<semaphore_mem>>) src(%dma_wait3A_79 : memref<125x80xi32, #tpu.memory_space<hbm>>) dst(%arg9 : memref<125x80xi32, #tpu.memory_space<vmem>>)
      tpu.yield
    }) : () -> ()
    %dma_start3A = arith.constant 0 : i32
    %dma_start3A_3 = arith.constant 0 : i32
    %dma_start3A_4 = tpu.memref_slice %arg8[%dma_start3A, %dma_start3A_3] : memref<125x80xi32, #tpu.memory_space<vmem>> -> memref<1x80xi32, #tpu.memory_space<vmem>>
    %dma_start3A_5 = tpu.memref_squeeze %dma_start3A_4 : memref<1x80xi32, #tpu.memory_space<vmem>> -> memref<80xi32, #tpu.memory_space<vmem>>
    %dma_start3A_6 = arith.constant 0 : i32
    %dma_start3A_7 = arith.constant 0 : i32
    %dma_start3A_8 = tpu.memref_slice %arg4[%dma_start3A_6, %dma_start3A_7] : memref<10000x144xf32, #tpu.memory_space<hbm>> -> memref<10000x144xf32, #tpu.memory_space<hbm>>
    tpu.enqueue_indirect_dma source(%dma_start3A_8 : memref<10000x144xf32, #tpu.memory_space<hbm>>) target(%arg10 : memref<80x144xf32, #tpu.memory_space<vmem>>) offsets(%dma_start3A_5 : memref<80xi32, #tpu.memory_space<vmem>>) semaphore(%arg14 : memref<!tpu.dma_semaphore, #tpu.memory_space<semaphore_mem>>)
    %dma_start3A_9 = arith.constant 0 : i32
    %dma_start3A_10 = arith.constant 0 : i32
    %dma_start3A_11 = tpu.memref_slice %arg9[%dma_start3A_9, %dma_start3A_10] : memref<125x80xi32, #tpu.memory_space<vmem>> -> memref<1x80xi32, #tpu.memory_space<vmem>>
    %dma_start3A_12 = tpu.memref_squeeze %dma_start3A_11 : memref<1x80xi32, #tpu.memory_space<vmem>> -> memref<80xi32, #tpu.memory_space<vmem>>
    %dma_start3A_13 = arith.constant 0 : i32
    %dma_start3A_14 = arith.constant 0 : i32
    %dma_start3A_15 = tpu.memref_slice %arg5[%dma_start3A_13, %dma_start3A_14] : memref<10000x144xf32, #tpu.memory_space<hbm>> -> memref<10000x144xf32, #tpu.memory_space<hbm>>
    tpu.enqueue_indirect_dma source(%dma_start3A_15 : memref<10000x144xf32, #tpu.memory_space<hbm>>) target(%arg11 : memref<80x144xf32, #tpu.memory_space<vmem>>) offsets(%dma_start3A_12 : memref<80xi32, #tpu.memory_space<vmem>>) semaphore(%arg15 : memref<!tpu.dma_semaphore, #tpu.memory_space<semaphore_mem>>)
    %scan3A = arith.constant 0 : i32
    %scan3A_16 = arith.constant 0 : i32
    %scan3A_17 = arith.constant 62 : i32
    %scan3A_18 = arith.addi %scan3A_16, %scan3A_17 : i32
    %scan3A_19 = arith.constant 1 : i32
    scf.for %scan3A_64 = %scan3A_16 to %scan3A_18 step %scan3A_19  : i32 {
      %mul3A_65 = arith.constant 2 : i32
      %mul3A_66 = arith.muli %mul3A_65, %scan3A_64 : i32
      %gt3A = arith.constant 0 : i32
      %gt3A_67 = arith.cmpi sgt, %scan3A_64, %gt3A : i32
      %convert_element_type3A = arith.extui %gt3A_67 : i1 to i32
      %cond3A = arith.constant 0 : i32
      %cond3A_68 = arith.cmpi ne, %convert_element_type3A, %cond3A : i32
      scf.if %cond3A_68 {
        %sub3A = arith.constant 1 : i32
        %sub3A_150 = arith.subi %mul3A_66, %sub3A : i32
        %mul3A_151 = arith.constant 80 : i32
        %mul3A_152 = arith.muli %sub3A_150, %mul3A_151 : i32
        %add3A_153 = arith.addi %mul3A_2, %mul3A_152 : i32
        %dma_wait3A_154 = arith.constant 0 : i32
        %dma_wait3A_155 = tpu.memref_slice %arg6[%add3A_153, %dma_wait3A_154] : memref<320000x144xf32, #tpu.memory_space<hbm>> -> memref<80x144xf32, #tpu.memory_space<hbm>>
        %dma_wait3A_156 = arith.constant 0 : i32
        %dma_wait3A_157 = tpu.memref_slice %arg6[%add3A_153, %dma_wait3A_156] : memref<320000x144xf32, #tpu.memory_space<hbm>> -> memref<80x144xf32, #tpu.memory_space<hbm>>
        tpu.wait_dma2 semaphore(%arg19 : memref<!tpu.dma_semaphore, #tpu.memory_space<semaphore_mem>>) src(%arg12 : memref<80x144xf32, #tpu.memory_space<vmem>>) dst(%dma_wait3A_157 : memref<80x144xf32, #tpu.memory_space<hbm>>)
        %dma_wait3A_158 = arith.constant 0 : i32
        %dma_wait3A_159 = tpu.memref_slice %arg7[%add3A_153, %dma_wait3A_158] : memref<320000x144xf32, #tpu.memory_space<hbm>> -> memref<80x144xf32, #tpu.memory_space<hbm>>
        %dma_wait3A_160 = arith.constant 0 : i32
        %dma_wait3A_161 = tpu.memref_slice %arg7[%add3A_153, %dma_wait3A_160] : memref<320000x144xf32, #tpu.memory_space<hbm>> -> memref<80x144xf32, #tpu.memory_space<hbm>>
        tpu.wait_dma2 semaphore(%arg19 : memref<!tpu.dma_semaphore, #tpu.memory_space<semaphore_mem>>) src(%arg13 : memref<80x144xf32, #tpu.memory_space<vmem>>) dst(%dma_wait3A_161 : memref<80x144xf32, #tpu.memory_space<hbm>>)
      } else {
      }
      %add3A_69 = arith.constant 1 : i32
      %add3A_70 = arith.addi %mul3A_66, %add3A_69 : i32
      %dma_start3A_71 = arith.constant 0 : i32
      %dma_start3A_72 = tpu.memref_slice %arg8[%add3A_70, %dma_start3A_71] : memref<125x80xi32, #tpu.memory_space<vmem>> -> memref<1x80xi32, #tpu.memory_space<vmem>>
      %dma_start3A_73 = tpu.memref_squeeze %dma_start3A_72 : memref<1x80xi32, #tpu.memory_space<vmem>> -> memref<80xi32, #tpu.memory_space<vmem>>
      %dma_start3A_74 = arith.constant 0 : i32
      %dma_start3A_75 = arith.constant 0 : i32
      %dma_start3A_76 = tpu.memref_slice %arg4[%dma_start3A_74, %dma_start3A_75] : memref<10000x144xf32, #tpu.memory_space<hbm>> -> memref<10000x144xf32, #tpu.memory_space<hbm>>
      tpu.enqueue_indirect_dma source(%dma_start3A_76 : memref<10000x144xf32, #tpu.memory_space<hbm>>) target(%arg12 : memref<80x144xf32, #tpu.memory_space<vmem>>) offsets(%dma_start3A_73 : memref<80xi32, #tpu.memory_space<vmem>>) semaphore(%arg16 : memref<!tpu.dma_semaphore, #tpu.memory_space<semaphore_mem>>)
      %dma_start3A_77 = arith.constant 0 : i32
      %dma_start3A_78 = tpu.memref_slice %arg9[%add3A_70, %dma_start3A_77] : memref<125x80xi32, #tpu.memory_space<vmem>> -> memref<1x80xi32, #tpu.memory_space<vmem>>
      %dma_start3A_79 = tpu.memref_squeeze %dma_start3A_78 : memref<1x80xi32, #tpu.memory_space<vmem>> -> memref<80xi32, #tpu.memory_space<vmem>>
      %dma_start3A_80 = arith.constant 0 : i32
      %dma_start3A_81 = arith.constant 0 : i32
      %dma_start3A_82 = tpu.memref_slice %arg5[%dma_start3A_80, %dma_start3A_81] : memref<10000x144xf32, #tpu.memory_space<hbm>> -> memref<10000x144xf32, #tpu.memory_space<hbm>>
      tpu.enqueue_indirect_dma source(%dma_start3A_82 : memref<10000x144xf32, #tpu.memory_space<hbm>>) target(%arg13 : memref<80x144xf32, #tpu.memory_space<vmem>>) offsets(%dma_start3A_79 : memref<80xi32, #tpu.memory_space<vmem>>) semaphore(%arg17 : memref<!tpu.dma_semaphore, #tpu.memory_space<semaphore_mem>>)
      %dma_wait3A_83 = arith.constant 0 : i32
      %dma_wait3A_84 = tpu.memref_slice %arg8[%mul3A_66, %dma_wait3A_83] : memref<125x80xi32, #tpu.memory_space<vmem>> -> memref<1x80xi32, #tpu.memory_space<vmem>>
      %dma_wait3A_85 = tpu.memref_squeeze %dma_wait3A_84 : memref<1x80xi32, #tpu.memory_space<vmem>> -> memref<80xi32, #tpu.memory_space<vmem>>
      %dma_wait3A_86 = arith.constant 0 : i32
      %dma_wait3A_87 = arith.constant 0 : i32
      %dma_wait3A_88 = tpu.memref_slice %arg4[%dma_wait3A_86, %dma_wait3A_87] : memref<10000x144xf32, #tpu.memory_space<hbm>> -> memref<10000x144xf32, #tpu.memory_space<hbm>>
      tpu.wait_indirect_dma semaphore(%arg14 : memref<!tpu.dma_semaphore, #tpu.memory_space<semaphore_mem>>) src(%dma_wait3A_88 : memref<10000x144xf32, #tpu.memory_space<hbm>>) dst(%arg10 : memref<80x144xf32, #tpu.memory_space<vmem>>)
      %dma_wait3A_89 = arith.constant 0 : i32
      %dma_wait3A_90 = tpu.memref_slice %arg9[%mul3A_66, %dma_wait3A_89] : memref<125x80xi32, #tpu.memory_space<vmem>> -> memref<1x80xi32, #tpu.memory_space<vmem>>
      %dma_wait3A_91 = tpu.memref_squeeze %dma_wait3A_90 : memref<1x80xi32, #tpu.memory_space<vmem>> -> memref<80xi32, #tpu.memory_space<vmem>>
      %dma_wait3A_92 = arith.constant 0 : i32
      %dma_wait3A_93 = arith.constant 0 : i32
      %dma_wait3A_94 = tpu.memref_slice %arg5[%dma_wait3A_92, %dma_wait3A_93] : memref<10000x144xf32, #tpu.memory_space<hbm>> -> memref<10000x144xf32, #tpu.memory_space<hbm>>
      tpu.wait_indirect_dma semaphore(%arg15 : memref<!tpu.dma_semaphore, #tpu.memory_space<semaphore_mem>>) src(%dma_wait3A_94 : memref<10000x144xf32, #tpu.memory_space<hbm>>) dst(%arg11 : memref<80x144xf32, #tpu.memory_space<vmem>>)
      %mul3A_95 = arith.constant 80 : i32
      %mul3A_96 = arith.muli %mul3A_66, %mul3A_95 : i32
      %add3A_97 = arith.addi %mul3A_2, %mul3A_96 : i32
      %dma_start3A_98 = arith.constant 0 : i32
      %dma_start3A_99 = tpu.memref_slice %arg6[%add3A_97, %dma_start3A_98] : memref<320000x144xf32, #tpu.memory_space<hbm>> -> memref<80x144xf32, #tpu.memory_space<hbm>>
      %dma_start3A_100 = arith.constant 0 : i32
      %dma_start3A_101 = tpu.memref_slice %arg6[%add3A_97, %dma_start3A_100] : memref<320000x144xf32, #tpu.memory_space<hbm>> -> memref<80x144xf32, #tpu.memory_space<hbm>>
      tpu.enqueue_dma source(%arg10 : memref<80x144xf32, #tpu.memory_space<vmem>>) target(%dma_start3A_101 : memref<80x144xf32, #tpu.memory_space<hbm>>) target_semaphore(%arg18 : memref<!tpu.dma_semaphore, #tpu.memory_space<semaphore_mem>>)
      %dma_start3A_102 = arith.constant 0 : i32
      %dma_start3A_103 = tpu.memref_slice %arg7[%add3A_97, %dma_start3A_102] : memref<320000x144xf32, #tpu.memory_space<hbm>> -> memref<80x144xf32, #tpu.memory_space<hbm>>
      %dma_start3A_104 = arith.constant 0 : i32
      %dma_start3A_105 = tpu.memref_slice %arg7[%add3A_97, %dma_start3A_104] : memref<320000x144xf32, #tpu.memory_space<hbm>> -> memref<80x144xf32, #tpu.memory_space<hbm>>
      tpu.enqueue_dma source(%arg11 : memref<80x144xf32, #tpu.memory_space<vmem>>) target(%dma_start3A_105 : memref<80x144xf32, #tpu.memory_space<hbm>>) target_semaphore(%arg18 : memref<!tpu.dma_semaphore, #tpu.memory_space<semaphore_mem>>)
      %mul3A_106 = arith.constant 80 : i32
      %mul3A_107 = arith.muli %mul3A_66, %mul3A_106 : i32
      %add3A_108 = arith.addi %mul3A_2, %mul3A_107 : i32
      %dma_wait3A_109 = arith.constant 0 : i32
      %dma_wait3A_110 = tpu.memref_slice %arg6[%add3A_108, %dma_wait3A_109] : memref<320000x144xf32, #tpu.memory_space<hbm>> -> memref<80x144xf32, #tpu.memory_space<hbm>>
      %dma_wait3A_111 = arith.constant 0 : i32
      %dma_wait3A_112 = tpu.memref_slice %arg6[%add3A_108, %dma_wait3A_111] : memref<320000x144xf32, #tpu.memory_space<hbm>> -> memref<80x144xf32, #tpu.memory_space<hbm>>
      tpu.wait_dma2 semaphore(%arg18 : memref<!tpu.dma_semaphore, #tpu.memory_space<semaphore_mem>>) src(%arg10 : memref<80x144xf32, #tpu.memory_space<vmem>>) dst(%dma_wait3A_112 : memref<80x144xf32, #tpu.memory_space<hbm>>)
      %dma_wait3A_113 = arith.constant 0 : i32
      %dma_wait3A_114 = tpu.memref_slice %arg7[%add3A_108, %dma_wait3A_113] : memref<320000x144xf32, #tpu.memory_space<hbm>> -> memref<80x144xf32, #tpu.memory_space<hbm>>
      %dma_wait3A_115 = arith.constant 0 : i32
      %dma_wait3A_116 = tpu.memref_slice %arg7[%add3A_108, %dma_wait3A_115] : memref<320000x144xf32, #tpu.memory_space<hbm>> -> memref<80x144xf32, #tpu.memory_space<hbm>>
      tpu.wait_dma2 semaphore(%arg18 : memref<!tpu.dma_semaphore, #tpu.memory_space<semaphore_mem>>) src(%arg11 : memref<80x144xf32, #tpu.memory_space<vmem>>) dst(%dma_wait3A_116 : memref<80x144xf32, #tpu.memory_space<hbm>>)
      %add3A_117 = arith.constant 2 : i32
      %add3A_118 = arith.addi %mul3A_66, %add3A_117 : i32
      %lt3A = arith.constant 125 : i32
      %lt3A_119 = arith.cmpi slt, %add3A_118, %lt3A : i32
      %convert_element_type3A_120 = arith.extui %lt3A_119 : i1 to i32
      %cond3A_121 = arith.constant 0 : i32
      %cond3A_122 = arith.cmpi ne, %convert_element_type3A_120, %cond3A_121 : i32
      scf.if %cond3A_122 {
        %add3A_150 = arith.constant 2 : i32
        %add3A_151 = arith.addi %mul3A_66, %add3A_150 : i32
        %dma_start3A_152 = arith.constant 0 : i32
        %dma_start3A_153 = tpu.memref_slice %arg8[%add3A_151, %dma_start3A_152] : memref<125x80xi32, #tpu.memory_space<vmem>> -> memref<1x80xi32, #tpu.memory_space<vmem>>
        %dma_start3A_154 = tpu.memref_squeeze %dma_start3A_153 : memref<1x80xi32, #tpu.memory_space<vmem>> -> memref<80xi32, #tpu.memory_space<vmem>>
        %dma_start3A_155 = arith.constant 0 : i32
        %dma_start3A_156 = arith.constant 0 : i32
        %dma_start3A_157 = tpu.memref_slice %arg4[%dma_start3A_155, %dma_start3A_156] : memref<10000x144xf32, #tpu.memory_space<hbm>> -> memref<10000x144xf32, #tpu.memory_space<hbm>>
        tpu.enqueue_indirect_dma source(%dma_start3A_157 : memref<10000x144xf32, #tpu.memory_space<hbm>>) target(%arg10 : memref<80x144xf32, #tpu.memory_space<vmem>>) offsets(%dma_start3A_154 : memref<80xi32, #tpu.memory_space<vmem>>) semaphore(%arg14 : memref<!tpu.dma_semaphore, #tpu.memory_space<semaphore_mem>>)
        %dma_start3A_158 = arith.constant 0 : i32
        %dma_start3A_159 = tpu.memref_slice %arg9[%add3A_151, %dma_start3A_158] : memref<125x80xi32, #tpu.memory_space<vmem>> -> memref<1x80xi32, #tpu.memory_space<vmem>>
        %dma_start3A_160 = tpu.memref_squeeze %dma_start3A_159 : memref<1x80xi32, #tpu.memory_space<vmem>> -> memref<80xi32, #tpu.memory_space<vmem>>
        %dma_start3A_161 = arith.constant 0 : i32
        %dma_start3A_162 = arith.constant 0 : i32
        %dma_start3A_163 = tpu.memref_slice %arg5[%dma_start3A_161, %dma_start3A_162] : memref<10000x144xf32, #tpu.memory_space<hbm>> -> memref<10000x144xf32, #tpu.memory_space<hbm>>
        tpu.enqueue_indirect_dma source(%dma_start3A_163 : memref<10000x144xf32, #tpu.memory_space<hbm>>) target(%arg11 : memref<80x144xf32, #tpu.memory_space<vmem>>) offsets(%dma_start3A_160 : memref<80xi32, #tpu.memory_space<vmem>>) semaphore(%arg15 : memref<!tpu.dma_semaphore, #tpu.memory_space<semaphore_mem>>)
      } else {
      }
      %add3A_123 = arith.constant 1 : i32
      %add3A_124 = arith.addi %mul3A_66, %add3A_123 : i32
      %dma_wait3A_125 = arith.constant 0 : i32
      %dma_wait3A_126 = tpu.memref_slice %arg8[%add3A_124, %dma_wait3A_125] : memref<125x80xi32, #tpu.memory_space<vmem>> -> memref<1x80xi32, #tpu.memory_space<vmem>>
      %dma_wait3A_127 = tpu.memref_squeeze %dma_wait3A_126 : memref<1x80xi32, #tpu.memory_space<vmem>> -> memref<80xi32, #tpu.memory_space<vmem>>
      %dma_wait3A_128 = arith.constant 0 : i32
      %dma_wait3A_129 = arith.constant 0 : i32
      %dma_wait3A_130 = tpu.memref_slice %arg4[%dma_wait3A_128, %dma_wait3A_129] : memref<10000x144xf32, #tpu.memory_space<hbm>> -> memref<10000x144xf32, #tpu.memory_space<hbm>>
      tpu.wait_indirect_dma semaphore(%arg16 : memref<!tpu.dma_semaphore, #tpu.memory_space<semaphore_mem>>) src(%dma_wait3A_130 : memref<10000x144xf32, #tpu.memory_space<hbm>>) dst(%arg12 : memref<80x144xf32, #tpu.memory_space<vmem>>)
      %dma_wait3A_131 = arith.constant 0 : i32
      %dma_wait3A_132 = tpu.memref_slice %arg9[%add3A_124, %dma_wait3A_131] : memref<125x80xi32, #tpu.memory_space<vmem>> -> memref<1x80xi32, #tpu.memory_space<vmem>>
      %dma_wait3A_133 = tpu.memref_squeeze %dma_wait3A_132 : memref<1x80xi32, #tpu.memory_space<vmem>> -> memref<80xi32, #tpu.memory_space<vmem>>
      %dma_wait3A_134 = arith.constant 0 : i32
      %dma_wait3A_135 = arith.constant 0 : i32
      %dma_wait3A_136 = tpu.memref_slice %arg5[%dma_wait3A_134, %dma_wait3A_135] : memref<10000x144xf32, #tpu.memory_space<hbm>> -> memref<10000x144xf32, #tpu.memory_space<hbm>>
      tpu.wait_indirect_dma semaphore(%arg17 : memref<!tpu.dma_semaphore, #tpu.memory_space<semaphore_mem>>) src(%dma_wait3A_136 : memref<10000x144xf32, #tpu.memory_space<hbm>>) dst(%arg13 : memref<80x144xf32, #tpu.memory_space<vmem>>)
      %add3A_137 = arith.constant 1 : i32
      %add3A_138 = arith.addi %mul3A_66, %add3A_137 : i32
      %mul3A_139 = arith.constant 80 : i32
      %mul3A_140 = arith.muli %add3A_138, %mul3A_139 : i32
      %add3A_141 = arith.addi %mul3A_2, %mul3A_140 : i32
      %dma_start3A_142 = arith.constant 0 : i32
      %dma_start3A_143 = tpu.memref_slice %arg6[%add3A_141, %dma_start3A_142] : memref<320000x144xf32, #tpu.memory_space<hbm>> -> memref<80x144xf32, #tpu.memory_space<hbm>>
      %dma_start3A_144 = arith.constant 0 : i32
      %dma_start3A_145 = tpu.memref_slice %arg6[%add3A_141, %dma_start3A_144] : memref<320000x144xf32, #tpu.memory_space<hbm>> -> memref<80x144xf32, #tpu.memory_space<hbm>>
      tpu.enqueue_dma source(%arg12 : memref<80x144xf32, #tpu.memory_space<vmem>>) target(%dma_start3A_145 : memref<80x144xf32, #tpu.memory_space<hbm>>) target_semaphore(%arg19 : memref<!tpu.dma_semaphore, #tpu.memory_space<semaphore_mem>>)
      %dma_start3A_146 = arith.constant 0 : i32
      %dma_start3A_147 = tpu.memref_slice %arg7[%add3A_141, %dma_start3A_146] : memref<320000x144xf32, #tpu.memory_space<hbm>> -> memref<80x144xf32, #tpu.memory_space<hbm>>
      %dma_start3A_148 = arith.constant 0 : i32
      %dma_start3A_149 = tpu.memref_slice %arg7[%add3A_141, %dma_start3A_148] : memref<320000x144xf32, #tpu.memory_space<hbm>> -> memref<80x144xf32, #tpu.memory_space<hbm>>
      tpu.enqueue_dma source(%arg13 : memref<80x144xf32, #tpu.memory_space<vmem>>) target(%dma_start3A_149 : memref<80x144xf32, #tpu.memory_space<hbm>>) target_semaphore(%arg19 : memref<!tpu.dma_semaphore, #tpu.memory_space<semaphore_mem>>)
    }
    %scan3A_20 = arith.constant 62 : i32
    %add3A_21 = arith.constant 9840 : i32
    %add3A_22 = arith.addi %mul3A_2, %add3A_21 : i32
    %dma_wait3A = arith.constant 0 : i32
    %dma_wait3A_23 = tpu.memref_slice %arg6[%add3A_22, %dma_wait3A] : memref<320000x144xf32, #tpu.memory_space<hbm>> -> memref<80x144xf32, #tpu.memory_space<hbm>>
    %dma_wait3A_24 = arith.constant 0 : i32
    %dma_wait3A_25 = tpu.memref_slice %arg6[%add3A_22, %dma_wait3A_24] : memref<320000x144xf32, #tpu.memory_space<hbm>> -> memref<80x144xf32, #tpu.memory_space<hbm>>
    tpu.wait_dma2 semaphore(%arg19 : memref<!tpu.dma_semaphore, #tpu.memory_space<semaphore_mem>>) src(%arg12 : memref<80x144xf32, #tpu.memory_space<vmem>>) dst(%dma_wait3A_25 : memref<80x144xf32, #tpu.memory_space<hbm>>)
    %dma_wait3A_26 = arith.constant 0 : i32
    %dma_wait3A_27 = tpu.memref_slice %arg7[%add3A_22, %dma_wait3A_26] : memref<320000x144xf32, #tpu.memory_space<hbm>> -> memref<80x144xf32, #tpu.memory_space<hbm>>
    %dma_wait3A_28 = arith.constant 0 : i32
    %dma_wait3A_29 = tpu.memref_slice %arg7[%add3A_22, %dma_wait3A_28] : memref<320000x144xf32, #tpu.memory_space<hbm>> -> memref<80x144xf32, #tpu.memory_space<hbm>>
    tpu.wait_dma2 semaphore(%arg19 : memref<!tpu.dma_semaphore, #tpu.memory_space<semaphore_mem>>) src(%arg13 : memref<80x144xf32, #tpu.memory_space<vmem>>) dst(%dma_wait3A_29 : memref<80x144xf32, #tpu.memory_space<hbm>>)
    %dma_wait3A_30 = arith.constant 124 : i32
    %dma_wait3A_31 = arith.constant 0 : i32
    %dma_wait3A_32 = tpu.memref_slice %arg8[%dma_wait3A_30, %dma_wait3A_31] : memref<125x80xi32, #tpu.memory_space<vmem>> -> memref<1x80xi32, #tpu.memory_space<vmem>>
    %dma_wait3A_33 = tpu.memref_squeeze %dma_wait3A_32 : memref<1x80xi32, #tpu.memory_space<vmem>> -> memref<80xi32, #tpu.memory_space<vmem>>
    %dma_wait3A_34 = arith.constant 0 : i32
    %dma_wait3A_35 = arith.constant 0 : i32
    %dma_wait3A_36 = tpu.memref_slice %arg4[%dma_wait3A_34, %dma_wait3A_35] : memref<10000x144xf32, #tpu.memory_space<hbm>> -> memref<10000x144xf32, #tpu.memory_space<hbm>>
    tpu.wait_indirect_dma semaphore(%arg14 : memref<!tpu.dma_semaphore, #tpu.memory_space<semaphore_mem>>) src(%dma_wait3A_36 : memref<10000x144xf32, #tpu.memory_space<hbm>>) dst(%arg10 : memref<80x144xf32, #tpu.memory_space<vmem>>)
    %dma_wait3A_37 = arith.constant 124 : i32
    %dma_wait3A_38 = arith.constant 0 : i32
    %dma_wait3A_39 = tpu.memref_slice %arg9[%dma_wait3A_37, %dma_wait3A_38] : memref<125x80xi32, #tpu.memory_space<vmem>> -> memref<1x80xi32, #tpu.memory_space<vmem>>
    %dma_wait3A_40 = tpu.memref_squeeze %dma_wait3A_39 : memref<1x80xi32, #tpu.memory_space<vmem>> -> memref<80xi32, #tpu.memory_space<vmem>>
    %dma_wait3A_41 = arith.constant 0 : i32
    %dma_wait3A_42 = arith.constant 0 : i32
    %dma_wait3A_43 = tpu.memref_slice %arg5[%dma_wait3A_41, %dma_wait3A_42] : memref<10000x144xf32, #tpu.memory_space<hbm>> -> memref<10000x144xf32, #tpu.memory_space<hbm>>
    tpu.wait_indirect_dma semaphore(%arg15 : memref<!tpu.dma_semaphore, #tpu.memory_space<semaphore_mem>>) src(%dma_wait3A_43 : memref<10000x144xf32, #tpu.memory_space<hbm>>) dst(%arg11 : memref<80x144xf32, #tpu.memory_space<vmem>>)
    %add3A_44 = arith.constant 9920 : i32
    %add3A_45 = arith.addi %mul3A_2, %add3A_44 : i32
    %dma_start3A_46 = arith.constant 0 : i32
    %dma_start3A_47 = tpu.memref_slice %arg6[%add3A_45, %dma_start3A_46] : memref<320000x144xf32, #tpu.memory_space<hbm>> -> memref<80x144xf32, #tpu.memory_space<hbm>>
    %dma_start3A_48 = arith.constant 0 : i32
    %dma_start3A_49 = tpu.memref_slice %arg6[%add3A_45, %dma_start3A_48] : memref<320000x144xf32, #tpu.memory_space<hbm>> -> memref<80x144xf32, #tpu.memory_space<hbm>>
    tpu.enqueue_dma source(%arg10 : memref<80x144xf32, #tpu.memory_space<vmem>>) target(%dma_start3A_49 : memref<80x144xf32, #tpu.memory_space<hbm>>) target_semaphore(%arg18 : memref<!tpu.dma_semaphore, #tpu.memory_space<semaphore_mem>>)
    %dma_start3A_50 = arith.constant 0 : i32
    %dma_start3A_51 = tpu.memref_slice %arg7[%add3A_45, %dma_start3A_50] : memref<320000x144xf32, #tpu.memory_space<hbm>> -> memref<80x144xf32, #tpu.memory_space<hbm>>
    %dma_start3A_52 = arith.constant 0 : i32
    %dma_start3A_53 = tpu.memref_slice %arg7[%add3A_45, %dma_start3A_52] : memref<320000x144xf32, #tpu.memory_space<hbm>> -> memref<80x144xf32, #tpu.memory_space<hbm>>
    tpu.enqueue_dma source(%arg11 : memref<80x144xf32, #tpu.memory_space<vmem>>) target(%dma_start3A_53 : memref<80x144xf32, #tpu.memory_space<hbm>>) target_semaphore(%arg18 : memref<!tpu.dma_semaphore, #tpu.memory_space<semaphore_mem>>)
    %add3A_54 = arith.constant 9920 : i32
    %add3A_55 = arith.addi %mul3A_2, %add3A_54 : i32
    %dma_wait3A_56 = arith.constant 0 : i32
    %dma_wait3A_57 = tpu.memref_slice %arg6[%add3A_55, %dma_wait3A_56] : memref<320000x144xf32, #tpu.memory_space<hbm>> -> memref<80x144xf32, #tpu.memory_space<hbm>>
    %dma_wait3A_58 = arith.constant 0 : i32
    %dma_wait3A_59 = tpu.memref_slice %arg6[%add3A_55, %dma_wait3A_58] : memref<320000x144xf32, #tpu.memory_space<hbm>> -> memref<80x144xf32, #tpu.memory_space<hbm>>
    tpu.wait_dma2 semaphore(%arg18 : memref<!tpu.dma_semaphore, #tpu.memory_space<semaphore_mem>>) src(%arg10 : memref<80x144xf32, #tpu.memory_space<vmem>>) dst(%dma_wait3A_59 : memref<80x144xf32, #tpu.memory_space<hbm>>)
    %dma_wait3A_60 = arith.constant 0 : i32
    %dma_wait3A_61 = tpu.memref_slice %arg7[%add3A_55, %dma_wait3A_60] : memref<320000x144xf32, #tpu.memory_space<hbm>> -> memref<80x144xf32, #tpu.memory_space<hbm>>
    %dma_wait3A_62 = arith.constant 0 : i32
    %dma_wait3A_63 = tpu.memref_slice %arg7[%add3A_55, %dma_wait3A_62] : memref<320000x144xf32, #tpu.memory_space<hbm>> -> memref<80x144xf32, #tpu.memory_space<hbm>>
    tpu.wait_dma2 semaphore(%arg18 : memref<!tpu.dma_semaphore, #tpu.memory_space<semaphore_mem>>) src(%arg11 : memref<80x144xf32, #tpu.memory_space<vmem>>) dst(%dma_wait3A_63 : memref<80x144xf32, #tpu.memory_space<hbm>>)
    return
  }
}

#map = affine_map<(d0, d1) -> (0, 0, 0)>
#map1 = affine_map<(d0, d1) -> (0, 0)>
module attributes {stable_mosaic.version = 14 : i64} {
  func.func @_sc_scatter(%arg0: i32, %arg1: i32, %arg2: memref<32x125x80xi32, #tpu.memory_space<hbm>>, %arg3: memref<320000x128xf32, #tpu.memory_space<hbm>>, %arg4: memref<320000x16xf32, #tpu.memory_space<hbm>>, %arg5: memref<10000x128xf32, #tpu.memory_space<hbm>>, %arg6: memref<10000x16xf32, #tpu.memory_space<hbm>>, %arg7: memref<20000x128xf32, #tpu.memory_space<hbm>>, %arg8: memref<20000x16xf32, #tpu.memory_space<hbm>>, %arg9: memref<125x80xi32, #tpu.memory_space<vmem>>, %arg10: memref<80x128xf32, #tpu.memory_space<vmem>>, %arg11: memref<80x128xf32, #tpu.memory_space<vmem>>, %arg12: memref<80x16xf32, #tpu.memory_space<vmem>>, %arg13: memref<80x16xf32, #tpu.memory_space<vmem>>, %arg14: memref<10000x128xf32, #tpu.memory_space<vmem_shared>>, %arg15: memref<10000x16xf32, #tpu.memory_space<vmem_shared>>, %arg16: memref<!tpu.dma_semaphore, #tpu.memory_space<semaphore_mem>>, %arg17: memref<!tpu.dma_semaphore, #tpu.memory_space<semaphore_mem>>, %arg18: memref<!tpu.dma_semaphore, #tpu.memory_space<semaphore_mem>>, %arg19: memref<!tpu.dma_semaphore, #tpu.memory_space<semaphore_mem>>) attributes {dimension_semantics = [#tpu.dimension_semantics<core_parallel>, #tpu.dimension_semantics<subcore_parallel>], iteration_bounds = array<i64: 2, 16>, scalar_prefetch = 0 : i64, scratch_operands = 11 : i64, tpu.core_type = #tpu.core_type<sc_vector_subcore>, window_params = [{transform_indices = #map}, {transform_indices = #map1}, {transform_indices = #map1}, {transform_indices = #map1}, {transform_indices = #map1}, {transform_indices = #map1}, {transform_indices = #map1}]} {
    %mul3A = arith.constant 2 : i32
    %mul3A_0 = arith.muli %arg1, %mul3A : i32
    %add3A = arith.addi %mul3A_0, %arg0 : i32
    %mul3A_1 = arith.constant 625 : i32
    %mul3A_2 = arith.muli %arg1, %mul3A_1 : i32
    %mul3A_3 = arith.constant 625 : i32
    %mul3A_4 = arith.muli %arg1, %mul3A_3 : i32
    "tpu.region"() ({
      %run_scoped3A = tpu.sem_alloc : memref<!tpu.dma_semaphore, #tpu.memory_space<semaphore_mem>>
      %dma_start3A_91 = arith.constant 0 : i32
      %dma_start3A_92 = tpu.memref_slice %arg14[%mul3A_4, %dma_start3A_91] : memref<10000x128xf32, #tpu.memory_space<vmem_shared>> -> memref<625x128xf32, #tpu.memory_space<vmem_shared>>
      %dma_start3A_93 = arith.constant 0 : i32
      %dma_start3A_94 = tpu.memref_slice %arg5[%mul3A_2, %dma_start3A_93] : memref<10000x128xf32, #tpu.memory_space<hbm>> -> memref<625x128xf32, #tpu.memory_space<hbm>>
      tpu.enqueue_dma source(%dma_start3A_94 : memref<625x128xf32, #tpu.memory_space<hbm>>) target(%dma_start3A_92 : memref<625x128xf32, #tpu.memory_space<vmem_shared>>) target_semaphore(%run_scoped3A : memref<!tpu.dma_semaphore, #tpu.memory_space<semaphore_mem>>)
      %dma_wait3A_95 = arith.constant 0 : i32
      %dma_wait3A_96 = tpu.memref_slice %arg14[%mul3A_4, %dma_wait3A_95] : memref<10000x128xf32, #tpu.memory_space<vmem_shared>> -> memref<625x128xf32, #tpu.memory_space<vmem_shared>>
      %dma_wait3A_97 = arith.constant 0 : i32
      %dma_wait3A_98 = tpu.memref_slice %arg5[%mul3A_2, %dma_wait3A_97] : memref<10000x128xf32, #tpu.memory_space<hbm>> -> memref<625x128xf32, #tpu.memory_space<hbm>>
      tpu.wait_dma2 semaphore(%run_scoped3A : memref<!tpu.dma_semaphore, #tpu.memory_space<semaphore_mem>>) src(%dma_wait3A_98 : memref<625x128xf32, #tpu.memory_space<hbm>>) dst(%dma_wait3A_96 : memref<625x128xf32, #tpu.memory_space<vmem_shared>>)
      tpu.yield
    }) : () -> ()
    %mul3A_5 = arith.constant 625 : i32
    %mul3A_6 = arith.muli %arg1, %mul3A_5 : i32
    %mul3A_7 = arith.constant 625 : i32
    %mul3A_8 = arith.muli %arg1, %mul3A_7 : i32
    "tpu.region"() ({
      %run_scoped3A = tpu.sem_alloc : memref<!tpu.dma_semaphore, #tpu.memory_space<semaphore_mem>>
      %dma_start3A_91 = arith.constant 0 : i32
      %dma_start3A_92 = tpu.memref_slice %arg15[%mul3A_8, %dma_start3A_91] : memref<10000x16xf32, #tpu.memory_space<vmem_shared>> -> memref<625x16xf32, #tpu.memory_space<vmem_shared>>
      %dma_start3A_93 = arith.constant 0 : i32
      %dma_start3A_94 = tpu.memref_slice %arg6[%mul3A_6, %dma_start3A_93] : memref<10000x16xf32, #tpu.memory_space<hbm>> -> memref<625x16xf32, #tpu.memory_space<hbm>>
      tpu.enqueue_dma source(%dma_start3A_94 : memref<625x16xf32, #tpu.memory_space<hbm>>) target(%dma_start3A_92 : memref<625x16xf32, #tpu.memory_space<vmem_shared>>) target_semaphore(%run_scoped3A : memref<!tpu.dma_semaphore, #tpu.memory_space<semaphore_mem>>)
      %dma_wait3A_95 = arith.constant 0 : i32
      %dma_wait3A_96 = tpu.memref_slice %arg15[%mul3A_8, %dma_wait3A_95] : memref<10000x16xf32, #tpu.memory_space<vmem_shared>> -> memref<625x16xf32, #tpu.memory_space<vmem_shared>>
      %dma_wait3A_97 = arith.constant 0 : i32
      %dma_wait3A_98 = tpu.memref_slice %arg6[%mul3A_6, %dma_wait3A_97] : memref<10000x16xf32, #tpu.memory_space<hbm>> -> memref<625x16xf32, #tpu.memory_space<hbm>>
      tpu.wait_dma2 semaphore(%run_scoped3A : memref<!tpu.dma_semaphore, #tpu.memory_space<semaphore_mem>>) src(%dma_wait3A_98 : memref<625x16xf32, #tpu.memory_space<hbm>>) dst(%dma_wait3A_96 : memref<625x16xf32, #tpu.memory_space<vmem_shared>>)
      tpu.yield
    }) : () -> ()
    "tpu.region"() ({
      %run_scoped3A = tpu.sem_alloc : memref<!tpu.dma_semaphore, #tpu.memory_space<semaphore_mem>>
      %dma_start3A_91 = arith.constant 0 : i32
      %dma_start3A_92 = arith.constant 0 : i32
      %dma_start3A_93 = tpu.memref_slice %arg2[%add3A, %dma_start3A_91, %dma_start3A_92] : memref<32x125x80xi32, #tpu.memory_space<hbm>> -> memref<1x125x80xi32, #tpu.memory_space<hbm>>
      %dma_start3A_94 = tpu.memref_squeeze %dma_start3A_93 : memref<1x125x80xi32, #tpu.memory_space<hbm>> -> memref<125x80xi32, #tpu.memory_space<hbm>>
      %dma_start3A_95 = arith.constant 0 : i32
      %dma_start3A_96 = arith.constant 0 : i32
      %dma_start3A_97 = tpu.memref_slice %arg2[%add3A, %dma_start3A_95, %dma_start3A_96] : memref<32x125x80xi32, #tpu.memory_space<hbm>> -> memref<1x125x80xi32, #tpu.memory_space<hbm>>
      %dma_start3A_98 = tpu.memref_squeeze %dma_start3A_97 : memref<1x125x80xi32, #tpu.memory_space<hbm>> -> memref<125x80xi32, #tpu.memory_space<hbm>>
      tpu.enqueue_dma source(%dma_start3A_98 : memref<125x80xi32, #tpu.memory_space<hbm>>) target(%arg9 : memref<125x80xi32, #tpu.memory_space<vmem>>) target_semaphore(%run_scoped3A : memref<!tpu.dma_semaphore, #tpu.memory_space<semaphore_mem>>)
      %dma_wait3A_99 = arith.constant 0 : i32
      %dma_wait3A_100 = arith.constant 0 : i32
      %dma_wait3A_101 = tpu.memref_slice %arg2[%add3A, %dma_wait3A_99, %dma_wait3A_100] : memref<32x125x80xi32, #tpu.memory_space<hbm>> -> memref<1x125x80xi32, #tpu.memory_space<hbm>>
      %dma_wait3A_102 = tpu.memref_squeeze %dma_wait3A_101 : memref<1x125x80xi32, #tpu.memory_space<hbm>> -> memref<125x80xi32, #tpu.memory_space<hbm>>
      %dma_wait3A_103 = arith.constant 0 : i32
      %dma_wait3A_104 = arith.constant 0 : i32
      %dma_wait3A_105 = tpu.memref_slice %arg2[%add3A, %dma_wait3A_103, %dma_wait3A_104] : memref<32x125x80xi32, #tpu.memory_space<hbm>> -> memref<1x125x80xi32, #tpu.memory_space<hbm>>
      %dma_wait3A_106 = tpu.memref_squeeze %dma_wait3A_105 : memref<1x125x80xi32, #tpu.memory_space<hbm>> -> memref<125x80xi32, #tpu.memory_space<hbm>>
      tpu.wait_dma2 semaphore(%run_scoped3A : memref<!tpu.dma_semaphore, #tpu.memory_space<semaphore_mem>>) src(%dma_wait3A_106 : memref<125x80xi32, #tpu.memory_space<hbm>>) dst(%arg9 : memref<125x80xi32, #tpu.memory_space<vmem>>)
      tpu.yield
    }) : () -> ()
    %barrier3A = arith.constant 0 : index
    tpu.barrier barrier_id(%barrier3A)
    %mul3A_9 = arith.constant 10000 : i32
    %mul3A_10 = arith.muli %add3A, %mul3A_9 : i32
    %add3A_11 = arith.constant 0 : i32
    %add3A_12 = arith.addi %mul3A_10, %add3A_11 : i32
    %dma_start3A = arith.constant 0 : i32
    %dma_start3A_13 = tpu.memref_slice %arg3[%add3A_12, %dma_start3A] : memref<320000x128xf32, #tpu.memory_space<hbm>> -> memref<80x128xf32, #tpu.memory_space<hbm>>
    %dma_start3A_14 = arith.constant 0 : i32
    %dma_start3A_15 = tpu.memref_slice %arg3[%add3A_12, %dma_start3A_14] : memref<320000x128xf32, #tpu.memory_space<hbm>> -> memref<80x128xf32, #tpu.memory_space<hbm>>
    tpu.enqueue_dma source(%dma_start3A_15 : memref<80x128xf32, #tpu.memory_space<hbm>>) target(%arg10 : memref<80x128xf32, #tpu.memory_space<vmem>>) target_semaphore(%arg16 : memref<!tpu.dma_semaphore, #tpu.memory_space<semaphore_mem>>)
    %dma_start3A_16 = arith.constant 0 : i32
    %dma_start3A_17 = tpu.memref_slice %arg4[%add3A_12, %dma_start3A_16] : memref<320000x16xf32, #tpu.memory_space<hbm>> -> memref<80x16xf32, #tpu.memory_space<hbm>>
    %dma_start3A_18 = arith.constant 0 : i32
    %dma_start3A_19 = tpu.memref_slice %arg4[%add3A_12, %dma_start3A_18] : memref<320000x16xf32, #tpu.memory_space<hbm>> -> memref<80x16xf32, #tpu.memory_space<hbm>>
    tpu.enqueue_dma source(%dma_start3A_19 : memref<80x16xf32, #tpu.memory_space<hbm>>) target(%arg12 : memref<80x16xf32, #tpu.memory_space<vmem>>) target_semaphore(%arg16 : memref<!tpu.dma_semaphore, #tpu.memory_space<semaphore_mem>>)
    %scan3A = arith.constant 0 : i32
    %scan3A_20 = arith.constant 0 : i32
    %scan3A_21 = arith.constant 62 : i32
    %scan3A_22 = arith.addi %scan3A_20, %scan3A_21 : i32
    %scan3A_23 = arith.constant 1 : i32
    scf.for %scan3A_91 = %scan3A_20 to %scan3A_22 step %scan3A_23  : i32 {
      %mul3A_92 = arith.constant 2 : i32
      %mul3A_93 = arith.muli %mul3A_92, %scan3A_91 : i32
      %gt3A = arith.constant 0 : i32
      %gt3A_94 = arith.cmpi sgt, %scan3A_91, %gt3A : i32
      %convert_element_type3A = arith.extui %gt3A_94 : i1 to i32
      %cond3A = arith.constant 0 : i32
      %cond3A_95 = arith.cmpi ne, %convert_element_type3A, %cond3A : i32
      scf.if %cond3A_95 {
        %sub3A = arith.constant 1 : i32
        %sub3A_177 = arith.subi %mul3A_93, %sub3A : i32
        %dma_wait3A_178 = arith.constant 0 : i32
        %dma_wait3A_179 = tpu.memref_slice %arg9[%sub3A_177, %dma_wait3A_178] : memref<125x80xi32, #tpu.memory_space<vmem>> -> memref<1x80xi32, #tpu.memory_space<vmem>>
        %dma_wait3A_180 = tpu.memref_squeeze %dma_wait3A_179 : memref<1x80xi32, #tpu.memory_space<vmem>> -> memref<80xi32, #tpu.memory_space<vmem>>
        %dma_wait3A_181 = arith.constant 0 : i32
        %dma_wait3A_182 = arith.constant 0 : i32
        %dma_wait3A_183 = tpu.memref_slice %arg14[%dma_wait3A_181, %dma_wait3A_182] : memref<10000x128xf32, #tpu.memory_space<vmem_shared>> -> memref<10000x128xf32, #tpu.memory_space<vmem_shared>>
        tpu.wait_indirect_dma semaphore(%arg19 : memref<!tpu.dma_semaphore, #tpu.memory_space<semaphore_mem>>) src(%arg11 : memref<80x128xf32, #tpu.memory_space<vmem>>) dst(%dma_wait3A_183 : memref<10000x128xf32, #tpu.memory_space<vmem_shared>>)
        %dma_wait3A_184 = arith.constant 0 : i32
        %dma_wait3A_185 = tpu.memref_slice %arg9[%sub3A_177, %dma_wait3A_184] : memref<125x80xi32, #tpu.memory_space<vmem>> -> memref<1x80xi32, #tpu.memory_space<vmem>>
        %dma_wait3A_186 = tpu.memref_squeeze %dma_wait3A_185 : memref<1x80xi32, #tpu.memory_space<vmem>> -> memref<80xi32, #tpu.memory_space<vmem>>
        %dma_wait3A_187 = arith.constant 0 : i32
        %dma_wait3A_188 = arith.constant 0 : i32
        %dma_wait3A_189 = tpu.memref_slice %arg15[%dma_wait3A_187, %dma_wait3A_188] : memref<10000x16xf32, #tpu.memory_space<vmem_shared>> -> memref<10000x16xf32, #tpu.memory_space<vmem_shared>>
        tpu.wait_indirect_dma semaphore(%arg19 : memref<!tpu.dma_semaphore, #tpu.memory_space<semaphore_mem>>) src(%arg13 : memref<80x16xf32, #tpu.memory_space<vmem>>) dst(%dma_wait3A_189 : memref<10000x16xf32, #tpu.memory_space<vmem_shared>>)
      } else {
      }
      %add3A_96 = arith.constant 1 : i32
      %add3A_97 = arith.addi %mul3A_93, %add3A_96 : i32
      %mul3A_98 = arith.constant 80 : i32
      %mul3A_99 = arith.muli %add3A_97, %mul3A_98 : i32
      %add3A_100 = arith.addi %mul3A_10, %mul3A_99 : i32
      %dma_start3A_101 = arith.constant 0 : i32
      %dma_start3A_102 = tpu.memref_slice %arg3[%add3A_100, %dma_start3A_101] : memref<320000x128xf32, #tpu.memory_space<hbm>> -> memref<80x128xf32, #tpu.memory_space<hbm>>
      %dma_start3A_103 = arith.constant 0 : i32
      %dma_start3A_104 = tpu.memref_slice %arg3[%add3A_100, %dma_start3A_103] : memref<320000x128xf32, #tpu.memory_space<hbm>> -> memref<80x128xf32, #tpu.memory_space<hbm>>
      tpu.enqueue_dma source(%dma_start3A_104 : memref<80x128xf32, #tpu.memory_space<hbm>>) target(%arg11 : memref<80x128xf32, #tpu.memory_space<vmem>>) target_semaphore(%arg17 : memref<!tpu.dma_semaphore, #tpu.memory_space<semaphore_mem>>)
      %dma_start3A_105 = arith.constant 0 : i32
      %dma_start3A_106 = tpu.memref_slice %arg4[%add3A_100, %dma_start3A_105] : memref<320000x16xf32, #tpu.memory_space<hbm>> -> memref<80x16xf32, #tpu.memory_space<hbm>>
      %dma_start3A_107 = arith.constant 0 : i32
      %dma_start3A_108 = tpu.memref_slice %arg4[%add3A_100, %dma_start3A_107] : memref<320000x16xf32, #tpu.memory_space<hbm>> -> memref<80x16xf32, #tpu.memory_space<hbm>>
      tpu.enqueue_dma source(%dma_start3A_108 : memref<80x16xf32, #tpu.memory_space<hbm>>) target(%arg13 : memref<80x16xf32, #tpu.memory_space<vmem>>) target_semaphore(%arg17 : memref<!tpu.dma_semaphore, #tpu.memory_space<semaphore_mem>>)
      %mul3A_109 = arith.constant 80 : i32
      %mul3A_110 = arith.muli %mul3A_93, %mul3A_109 : i32
      %add3A_111 = arith.addi %mul3A_10, %mul3A_110 : i32
      %dma_wait3A_112 = arith.constant 0 : i32
      %dma_wait3A_113 = tpu.memref_slice %arg3[%add3A_111, %dma_wait3A_112] : memref<320000x128xf32, #tpu.memory_space<hbm>> -> memref<80x128xf32, #tpu.memory_space<hbm>>
      %dma_wait3A_114 = arith.constant 0 : i32
      %dma_wait3A_115 = tpu.memref_slice %arg3[%add3A_111, %dma_wait3A_114] : memref<320000x128xf32, #tpu.memory_space<hbm>> -> memref<80x128xf32, #tpu.memory_space<hbm>>
      tpu.wait_dma2 semaphore(%arg16 : memref<!tpu.dma_semaphore, #tpu.memory_space<semaphore_mem>>) src(%dma_wait3A_115 : memref<80x128xf32, #tpu.memory_space<hbm>>) dst(%arg10 : memref<80x128xf32, #tpu.memory_space<vmem>>)
      %dma_wait3A_116 = arith.constant 0 : i32
      %dma_wait3A_117 = tpu.memref_slice %arg4[%add3A_111, %dma_wait3A_116] : memref<320000x16xf32, #tpu.memory_space<hbm>> -> memref<80x16xf32, #tpu.memory_space<hbm>>
      %dma_wait3A_118 = arith.constant 0 : i32
      %dma_wait3A_119 = tpu.memref_slice %arg4[%add3A_111, %dma_wait3A_118] : memref<320000x16xf32, #tpu.memory_space<hbm>> -> memref<80x16xf32, #tpu.memory_space<hbm>>
      tpu.wait_dma2 semaphore(%arg16 : memref<!tpu.dma_semaphore, #tpu.memory_space<semaphore_mem>>) src(%dma_wait3A_119 : memref<80x16xf32, #tpu.memory_space<hbm>>) dst(%arg12 : memref<80x16xf32, #tpu.memory_space<vmem>>)
      %dma_start3A_120 = arith.constant 0 : i32
      %dma_start3A_121 = tpu.memref_slice %arg9[%mul3A_93, %dma_start3A_120] : memref<125x80xi32, #tpu.memory_space<vmem>> -> memref<1x80xi32, #tpu.memory_space<vmem>>
      %dma_start3A_122 = tpu.memref_squeeze %dma_start3A_121 : memref<1x80xi32, #tpu.memory_space<vmem>> -> memref<80xi32, #tpu.memory_space<vmem>>
      %dma_start3A_123 = arith.constant 0 : i32
      %dma_start3A_124 = arith.constant 0 : i32
      %dma_start3A_125 = tpu.memref_slice %arg14[%dma_start3A_123, %dma_start3A_124] : memref<10000x128xf32, #tpu.memory_space<vmem_shared>> -> memref<10000x128xf32, #tpu.memory_space<vmem_shared>>
      tpu.enqueue_indirect_dma source(%arg10 : memref<80x128xf32, #tpu.memory_space<vmem>>) target(%dma_start3A_125 : memref<10000x128xf32, #tpu.memory_space<vmem_shared>>) offsets(%dma_start3A_122 : memref<80xi32, #tpu.memory_space<vmem>>) semaphore(%arg18 : memref<!tpu.dma_semaphore, #tpu.memory_space<semaphore_mem>>) {add = true}
      %dma_start3A_126 = arith.constant 0 : i32
      %dma_start3A_127 = tpu.memref_slice %arg9[%mul3A_93, %dma_start3A_126] : memref<125x80xi32, #tpu.memory_space<vmem>> -> memref<1x80xi32, #tpu.memory_space<vmem>>
      %dma_start3A_128 = tpu.memref_squeeze %dma_start3A_127 : memref<1x80xi32, #tpu.memory_space<vmem>> -> memref<80xi32, #tpu.memory_space<vmem>>
      %dma_start3A_129 = arith.constant 0 : i32
      %dma_start3A_130 = arith.constant 0 : i32
      %dma_start3A_131 = tpu.memref_slice %arg15[%dma_start3A_129, %dma_start3A_130] : memref<10000x16xf32, #tpu.memory_space<vmem_shared>> -> memref<10000x16xf32, #tpu.memory_space<vmem_shared>>
      tpu.enqueue_indirect_dma source(%arg12 : memref<80x16xf32, #tpu.memory_space<vmem>>) target(%dma_start3A_131 : memref<10000x16xf32, #tpu.memory_space<vmem_shared>>) offsets(%dma_start3A_128 : memref<80xi32, #tpu.memory_space<vmem>>) semaphore(%arg18 : memref<!tpu.dma_semaphore, #tpu.memory_space<semaphore_mem>>) {add = true}
      %dma_wait3A_132 = arith.constant 0 : i32
      %dma_wait3A_133 = tpu.memref_slice %arg9[%mul3A_93, %dma_wait3A_132] : memref<125x80xi32, #tpu.memory_space<vmem>> -> memref<1x80xi32, #tpu.memory_space<vmem>>
      %dma_wait3A_134 = tpu.memref_squeeze %dma_wait3A_133 : memref<1x80xi32, #tpu.memory_space<vmem>> -> memref<80xi32, #tpu.memory_space<vmem>>
      %dma_wait3A_135 = arith.constant 0 : i32
      %dma_wait3A_136 = arith.constant 0 : i32
      %dma_wait3A_137 = tpu.memref_slice %arg14[%dma_wait3A_135, %dma_wait3A_136] : memref<10000x128xf32, #tpu.memory_space<vmem_shared>> -> memref<10000x128xf32, #tpu.memory_space<vmem_shared>>
      tpu.wait_indirect_dma semaphore(%arg18 : memref<!tpu.dma_semaphore, #tpu.memory_space<semaphore_mem>>) src(%arg10 : memref<80x128xf32, #tpu.memory_space<vmem>>) dst(%dma_wait3A_137 : memref<10000x128xf32, #tpu.memory_space<vmem_shared>>)
      %dma_wait3A_138 = arith.constant 0 : i32
      %dma_wait3A_139 = tpu.memref_slice %arg9[%mul3A_93, %dma_wait3A_138] : memref<125x80xi32, #tpu.memory_space<vmem>> -> memref<1x80xi32, #tpu.memory_space<vmem>>
      %dma_wait3A_140 = tpu.memref_squeeze %dma_wait3A_139 : memref<1x80xi32, #tpu.memory_space<vmem>> -> memref<80xi32, #tpu.memory_space<vmem>>
      %dma_wait3A_141 = arith.constant 0 : i32
      %dma_wait3A_142 = arith.constant 0 : i32
      %dma_wait3A_143 = tpu.memref_slice %arg15[%dma_wait3A_141, %dma_wait3A_142] : memref<10000x16xf32, #tpu.memory_space<vmem_shared>> -> memref<10000x16xf32, #tpu.memory_space<vmem_shared>>
      tpu.wait_indirect_dma semaphore(%arg18 : memref<!tpu.dma_semaphore, #tpu.memory_space<semaphore_mem>>) src(%arg12 : memref<80x16xf32, #tpu.memory_space<vmem>>) dst(%dma_wait3A_143 : memref<10000x16xf32, #tpu.memory_space<vmem_shared>>)
      %add3A_144 = arith.constant 2 : i32
      %add3A_145 = arith.addi %mul3A_93, %add3A_144 : i32
      %lt3A = arith.constant 125 : i32
      %lt3A_146 = arith.cmpi slt, %add3A_145, %lt3A : i32
      %convert_element_type3A_147 = arith.extui %lt3A_146 : i1 to i32
      %cond3A_148 = arith.constant 0 : i32
      %cond3A_149 = arith.cmpi ne, %convert_element_type3A_147, %cond3A_148 : i32
      scf.if %cond3A_149 {
        %add3A_177 = arith.constant 2 : i32
        %add3A_178 = arith.addi %mul3A_93, %add3A_177 : i32
        %mul3A_179 = arith.constant 80 : i32
        %mul3A_180 = arith.muli %add3A_178, %mul3A_179 : i32
        %add3A_181 = arith.addi %mul3A_10, %mul3A_180 : i32
        %dma_start3A_182 = arith.constant 0 : i32
        %dma_start3A_183 = tpu.memref_slice %arg3[%add3A_181, %dma_start3A_182] : memref<320000x128xf32, #tpu.memory_space<hbm>> -> memref<80x128xf32, #tpu.memory_space<hbm>>
        %dma_start3A_184 = arith.constant 0 : i32
        %dma_start3A_185 = tpu.memref_slice %arg3[%add3A_181, %dma_start3A_184] : memref<320000x128xf32, #tpu.memory_space<hbm>> -> memref<80x128xf32, #tpu.memory_space<hbm>>
        tpu.enqueue_dma source(%dma_start3A_185 : memref<80x128xf32, #tpu.memory_space<hbm>>) target(%arg10 : memref<80x128xf32, #tpu.memory_space<vmem>>) target_semaphore(%arg16 : memref<!tpu.dma_semaphore, #tpu.memory_space<semaphore_mem>>)
        %dma_start3A_186 = arith.constant 0 : i32
        %dma_start3A_187 = tpu.memref_slice %arg4[%add3A_181, %dma_start3A_186] : memref<320000x16xf32, #tpu.memory_space<hbm>> -> memref<80x16xf32, #tpu.memory_space<hbm>>
        %dma_start3A_188 = arith.constant 0 : i32
        %dma_start3A_189 = tpu.memref_slice %arg4[%add3A_181, %dma_start3A_188] : memref<320000x16xf32, #tpu.memory_space<hbm>> -> memref<80x16xf32, #tpu.memory_space<hbm>>
        tpu.enqueue_dma source(%dma_start3A_189 : memref<80x16xf32, #tpu.memory_space<hbm>>) target(%arg12 : memref<80x16xf32, #tpu.memory_space<vmem>>) target_semaphore(%arg16 : memref<!tpu.dma_semaphore, #tpu.memory_space<semaphore_mem>>)
      } else {
      }
      %add3A_150 = arith.constant 1 : i32
      %add3A_151 = arith.addi %mul3A_93, %add3A_150 : i32
      %mul3A_152 = arith.constant 80 : i32
      %mul3A_153 = arith.muli %add3A_151, %mul3A_152 : i32
      %add3A_154 = arith.addi %mul3A_10, %mul3A_153 : i32
      %dma_wait3A_155 = arith.constant 0 : i32
      %dma_wait3A_156 = tpu.memref_slice %arg3[%add3A_154, %dma_wait3A_155] : memref<320000x128xf32, #tpu.memory_space<hbm>> -> memref<80x128xf32, #tpu.memory_space<hbm>>
      %dma_wait3A_157 = arith.constant 0 : i32
      %dma_wait3A_158 = tpu.memref_slice %arg3[%add3A_154, %dma_wait3A_157] : memref<320000x128xf32, #tpu.memory_space<hbm>> -> memref<80x128xf32, #tpu.memory_space<hbm>>
      tpu.wait_dma2 semaphore(%arg17 : memref<!tpu.dma_semaphore, #tpu.memory_space<semaphore_mem>>) src(%dma_wait3A_158 : memref<80x128xf32, #tpu.memory_space<hbm>>) dst(%arg11 : memref<80x128xf32, #tpu.memory_space<vmem>>)
      %dma_wait3A_159 = arith.constant 0 : i32
      %dma_wait3A_160 = tpu.memref_slice %arg4[%add3A_154, %dma_wait3A_159] : memref<320000x16xf32, #tpu.memory_space<hbm>> -> memref<80x16xf32, #tpu.memory_space<hbm>>
      %dma_wait3A_161 = arith.constant 0 : i32
      %dma_wait3A_162 = tpu.memref_slice %arg4[%add3A_154, %dma_wait3A_161] : memref<320000x16xf32, #tpu.memory_space<hbm>> -> memref<80x16xf32, #tpu.memory_space<hbm>>
      tpu.wait_dma2 semaphore(%arg17 : memref<!tpu.dma_semaphore, #tpu.memory_space<semaphore_mem>>) src(%dma_wait3A_162 : memref<80x16xf32, #tpu.memory_space<hbm>>) dst(%arg13 : memref<80x16xf32, #tpu.memory_space<vmem>>)
      %add3A_163 = arith.constant 1 : i32
      %add3A_164 = arith.addi %mul3A_93, %add3A_163 : i32
      %dma_start3A_165 = arith.constant 0 : i32
      %dma_start3A_166 = tpu.memref_slice %arg9[%add3A_164, %dma_start3A_165] : memref<125x80xi32, #tpu.memory_space<vmem>> -> memref<1x80xi32, #tpu.memory_space<vmem>>
      %dma_start3A_167 = tpu.memref_squeeze %dma_start3A_166 : memref<1x80xi32, #tpu.memory_space<vmem>> -> memref<80xi32, #tpu.memory_space<vmem>>
      %dma_start3A_168 = arith.constant 0 : i32
      %dma_start3A_169 = arith.constant 0 : i32
      %dma_start3A_170 = tpu.memref_slice %arg14[%dma_start3A_168, %dma_start3A_169] : memref<10000x128xf32, #tpu.memory_space<vmem_shared>> -> memref<10000x128xf32, #tpu.memory_space<vmem_shared>>
      tpu.enqueue_indirect_dma source(%arg11 : memref<80x128xf32, #tpu.memory_space<vmem>>) target(%dma_start3A_170 : memref<10000x128xf32, #tpu.memory_space<vmem_shared>>) offsets(%dma_start3A_167 : memref<80xi32, #tpu.memory_space<vmem>>) semaphore(%arg19 : memref<!tpu.dma_semaphore, #tpu.memory_space<semaphore_mem>>) {add = true}
      %dma_start3A_171 = arith.constant 0 : i32
      %dma_start3A_172 = tpu.memref_slice %arg9[%add3A_164, %dma_start3A_171] : memref<125x80xi32, #tpu.memory_space<vmem>> -> memref<1x80xi32, #tpu.memory_space<vmem>>
      %dma_start3A_173 = tpu.memref_squeeze %dma_start3A_172 : memref<1x80xi32, #tpu.memory_space<vmem>> -> memref<80xi32, #tpu.memory_space<vmem>>
      %dma_start3A_174 = arith.constant 0 : i32
      %dma_start3A_175 = arith.constant 0 : i32
      %dma_start3A_176 = tpu.memref_slice %arg15[%dma_start3A_174, %dma_start3A_175] : memref<10000x16xf32, #tpu.memory_space<vmem_shared>> -> memref<10000x16xf32, #tpu.memory_space<vmem_shared>>
      tpu.enqueue_indirect_dma source(%arg13 : memref<80x16xf32, #tpu.memory_space<vmem>>) target(%dma_start3A_176 : memref<10000x16xf32, #tpu.memory_space<vmem_shared>>) offsets(%dma_start3A_173 : memref<80xi32, #tpu.memory_space<vmem>>) semaphore(%arg19 : memref<!tpu.dma_semaphore, #tpu.memory_space<semaphore_mem>>) {add = true}
    }
    %scan3A_24 = arith.constant 62 : i32
    %dma_wait3A = arith.constant 123 : i32
    %dma_wait3A_25 = arith.constant 0 : i32
    %dma_wait3A_26 = tpu.memref_slice %arg9[%dma_wait3A, %dma_wait3A_25] : memref<125x80xi32, #tpu.memory_space<vmem>> -> memref<1x80xi32, #tpu.memory_space<vmem>>
    %dma_wait3A_27 = tpu.memref_squeeze %dma_wait3A_26 : memref<1x80xi32, #tpu.memory_space<vmem>> -> memref<80xi32, #tpu.memory_space<vmem>>
    %dma_wait3A_28 = arith.constant 0 : i32
    %dma_wait3A_29 = arith.constant 0 : i32
    %dma_wait3A_30 = tpu.memref_slice %arg14[%dma_wait3A_28, %dma_wait3A_29] : memref<10000x128xf32, #tpu.memory_space<vmem_shared>> -> memref<10000x128xf32, #tpu.memory_space<vmem_shared>>
    tpu.wait_indirect_dma semaphore(%arg19 : memref<!tpu.dma_semaphore, #tpu.memory_space<semaphore_mem>>) src(%arg11 : memref<80x128xf32, #tpu.memory_space<vmem>>) dst(%dma_wait3A_30 : memref<10000x128xf32, #tpu.memory_space<vmem_shared>>)
    %dma_wait3A_31 = arith.constant 123 : i32
    %dma_wait3A_32 = arith.constant 0 : i32
    %dma_wait3A_33 = tpu.memref_slice %arg9[%dma_wait3A_31, %dma_wait3A_32] : memref<125x80xi32, #tpu.memory_space<vmem>> -> memref<1x80xi32, #tpu.memory_space<vmem>>
    %dma_wait3A_34 = tpu.memref_squeeze %dma_wait3A_33 : memref<1x80xi32, #tpu.memory_space<vmem>> -> memref<80xi32, #tpu.memory_space<vmem>>
    %dma_wait3A_35 = arith.constant 0 : i32
    %dma_wait3A_36 = arith.constant 0 : i32
    %dma_wait3A_37 = tpu.memref_slice %arg15[%dma_wait3A_35, %dma_wait3A_36] : memref<10000x16xf32, #tpu.memory_space<vmem_shared>> -> memref<10000x16xf32, #tpu.memory_space<vmem_shared>>
    tpu.wait_indirect_dma semaphore(%arg19 : memref<!tpu.dma_semaphore, #tpu.memory_space<semaphore_mem>>) src(%arg13 : memref<80x16xf32, #tpu.memory_space<vmem>>) dst(%dma_wait3A_37 : memref<10000x16xf32, #tpu.memory_space<vmem_shared>>)
    %add3A_38 = arith.constant 9920 : i32
    %add3A_39 = arith.addi %mul3A_10, %add3A_38 : i32
    %dma_wait3A_40 = arith.constant 0 : i32
    %dma_wait3A_41 = tpu.memref_slice %arg3[%add3A_39, %dma_wait3A_40] : memref<320000x128xf32, #tpu.memory_space<hbm>> -> memref<80x128xf32, #tpu.memory_space<hbm>>
    %dma_wait3A_42 = arith.constant 0 : i32
    %dma_wait3A_43 = tpu.memref_slice %arg3[%add3A_39, %dma_wait3A_42] : memref<320000x128xf32, #tpu.memory_space<hbm>> -> memref<80x128xf32, #tpu.memory_space<hbm>>
    tpu.wait_dma2 semaphore(%arg16 : memref<!tpu.dma_semaphore, #tpu.memory_space<semaphore_mem>>) src(%dma_wait3A_43 : memref<80x128xf32, #tpu.memory_space<hbm>>) dst(%arg10 : memref<80x128xf32, #tpu.memory_space<vmem>>)
    %dma_wait3A_44 = arith.constant 0 : i32
    %dma_wait3A_45 = tpu.memref_slice %arg4[%add3A_39, %dma_wait3A_44] : memref<320000x16xf32, #tpu.memory_space<hbm>> -> memref<80x16xf32, #tpu.memory_space<hbm>>
    %dma_wait3A_46 = arith.constant 0 : i32
    %dma_wait3A_47 = tpu.memref_slice %arg4[%add3A_39, %dma_wait3A_46] : memref<320000x16xf32, #tpu.memory_space<hbm>> -> memref<80x16xf32, #tpu.memory_space<hbm>>
    tpu.wait_dma2 semaphore(%arg16 : memref<!tpu.dma_semaphore, #tpu.memory_space<semaphore_mem>>) src(%dma_wait3A_47 : memref<80x16xf32, #tpu.memory_space<hbm>>) dst(%arg12 : memref<80x16xf32, #tpu.memory_space<vmem>>)
    %dma_start3A_48 = arith.constant 124 : i32
    %dma_start3A_49 = arith.constant 0 : i32
    %dma_start3A_50 = tpu.memref_slice %arg9[%dma_start3A_48, %dma_start3A_49] : memref<125x80xi32, #tpu.memory_space<vmem>> -> memref<1x80xi32, #tpu.memory_space<vmem>>
    %dma_start3A_51 = tpu.memref_squeeze %dma_start3A_50 : memref<1x80xi32, #tpu.memory_space<vmem>> -> memref<80xi32, #tpu.memory_space<vmem>>
    %dma_start3A_52 = arith.constant 0 : i32
    %dma_start3A_53 = arith.constant 0 : i32
    %dma_start3A_54 = tpu.memref_slice %arg14[%dma_start3A_52, %dma_start3A_53] : memref<10000x128xf32, #tpu.memory_space<vmem_shared>> -> memref<10000x128xf32, #tpu.memory_space<vmem_shared>>
    tpu.enqueue_indirect_dma source(%arg10 : memref<80x128xf32, #tpu.memory_space<vmem>>) target(%dma_start3A_54 : memref<10000x128xf32, #tpu.memory_space<vmem_shared>>) offsets(%dma_start3A_51 : memref<80xi32, #tpu.memory_space<vmem>>) semaphore(%arg18 : memref<!tpu.dma_semaphore, #tpu.memory_space<semaphore_mem>>) {add = true}
    %dma_start3A_55 = arith.constant 124 : i32
    %dma_start3A_56 = arith.constant 0 : i32
    %dma_start3A_57 = tpu.memref_slice %arg9[%dma_start3A_55, %dma_start3A_56] : memref<125x80xi32, #tpu.memory_space<vmem>> -> memref<1x80xi32, #tpu.memory_space<vmem>>
    %dma_start3A_58 = tpu.memref_squeeze %dma_start3A_57 : memref<1x80xi32, #tpu.memory_space<vmem>> -> memref<80xi32, #tpu.memory_space<vmem>>
    %dma_start3A_59 = arith.constant 0 : i32
    %dma_start3A_60 = arith.constant 0 : i32
    %dma_start3A_61 = tpu.memref_slice %arg15[%dma_start3A_59, %dma_start3A_60] : memref<10000x16xf32, #tpu.memory_space<vmem_shared>> -> memref<10000x16xf32, #tpu.memory_space<vmem_shared>>
    tpu.enqueue_indirect_dma source(%arg12 : memref<80x16xf32, #tpu.memory_space<vmem>>) target(%dma_start3A_61 : memref<10000x16xf32, #tpu.memory_space<vmem_shared>>) offsets(%dma_start3A_58 : memref<80xi32, #tpu.memory_space<vmem>>) semaphore(%arg18 : memref<!tpu.dma_semaphore, #tpu.memory_space<semaphore_mem>>) {add = true}
    %dma_wait3A_62 = arith.constant 124 : i32
    %dma_wait3A_63 = arith.constant 0 : i32
    %dma_wait3A_64 = tpu.memref_slice %arg9[%dma_wait3A_62, %dma_wait3A_63] : memref<125x80xi32, #tpu.memory_space<vmem>> -> memref<1x80xi32, #tpu.memory_space<vmem>>
    %dma_wait3A_65 = tpu.memref_squeeze %dma_wait3A_64 : memref<1x80xi32, #tpu.memory_space<vmem>> -> memref<80xi32, #tpu.memory_space<vmem>>
    %dma_wait3A_66 = arith.constant 0 : i32
    %dma_wait3A_67 = arith.constant 0 : i32
    %dma_wait3A_68 = tpu.memref_slice %arg14[%dma_wait3A_66, %dma_wait3A_67] : memref<10000x128xf32, #tpu.memory_space<vmem_shared>> -> memref<10000x128xf32, #tpu.memory_space<vmem_shared>>
    tpu.wait_indirect_dma semaphore(%arg18 : memref<!tpu.dma_semaphore, #tpu.memory_space<semaphore_mem>>) src(%arg10 : memref<80x128xf32, #tpu.memory_space<vmem>>) dst(%dma_wait3A_68 : memref<10000x128xf32, #tpu.memory_space<vmem_shared>>)
    %dma_wait3A_69 = arith.constant 124 : i32
    %dma_wait3A_70 = arith.constant 0 : i32
    %dma_wait3A_71 = tpu.memref_slice %arg9[%dma_wait3A_69, %dma_wait3A_70] : memref<125x80xi32, #tpu.memory_space<vmem>> -> memref<1x80xi32, #tpu.memory_space<vmem>>
    %dma_wait3A_72 = tpu.memref_squeeze %dma_wait3A_71 : memref<1x80xi32, #tpu.memory_space<vmem>> -> memref<80xi32, #tpu.memory_space<vmem>>
    %dma_wait3A_73 = arith.constant 0 : i32
    %dma_wait3A_74 = arith.constant 0 : i32
    %dma_wait3A_75 = tpu.memref_slice %arg15[%dma_wait3A_73, %dma_wait3A_74] : memref<10000x16xf32, #tpu.memory_space<vmem_shared>> -> memref<10000x16xf32, #tpu.memory_space<vmem_shared>>
    tpu.wait_indirect_dma semaphore(%arg18 : memref<!tpu.dma_semaphore, #tpu.memory_space<semaphore_mem>>) src(%arg12 : memref<80x16xf32, #tpu.memory_space<vmem>>) dst(%dma_wait3A_75 : memref<10000x16xf32, #tpu.memory_space<vmem_shared>>)
    %barrier3A_76 = arith.constant 0 : index
    tpu.barrier barrier_id(%barrier3A_76)
    %mul3A_77 = arith.constant 625 : i32
    %mul3A_78 = arith.muli %arg1, %mul3A_77 : i32
    %mul3A_79 = arith.constant 10000 : i32
    %mul3A_80 = arith.muli %arg0, %mul3A_79 : i32
    %mul3A_81 = arith.constant 625 : i32
    %mul3A_82 = arith.muli %arg1, %mul3A_81 : i32
    %add3A_83 = arith.addi %mul3A_80, %mul3A_82 : i32
    "tpu.region"() ({
      %run_scoped3A = tpu.sem_alloc : memref<!tpu.dma_semaphore, #tpu.memory_space<semaphore_mem>>
      %dma_start3A_91 = arith.constant 0 : i32
      %dma_start3A_92 = tpu.memref_slice %arg7[%add3A_83, %dma_start3A_91] : memref<20000x128xf32, #tpu.memory_space<hbm>> -> memref<625x128xf32, #tpu.memory_space<hbm>>
      %dma_start3A_93 = arith.constant 0 : i32
      %dma_start3A_94 = tpu.memref_slice %arg14[%mul3A_78, %dma_start3A_93] : memref<10000x128xf32, #tpu.memory_space<vmem_shared>> -> memref<625x128xf32, #tpu.memory_space<vmem_shared>>
      tpu.enqueue_dma source(%dma_start3A_94 : memref<625x128xf32, #tpu.memory_space<vmem_shared>>) target(%dma_start3A_92 : memref<625x128xf32, #tpu.memory_space<hbm>>) target_semaphore(%run_scoped3A : memref<!tpu.dma_semaphore, #tpu.memory_space<semaphore_mem>>)
      %dma_wait3A_95 = arith.constant 0 : i32
      %dma_wait3A_96 = tpu.memref_slice %arg7[%add3A_83, %dma_wait3A_95] : memref<20000x128xf32, #tpu.memory_space<hbm>> -> memref<625x128xf32, #tpu.memory_space<hbm>>
      %dma_wait3A_97 = arith.constant 0 : i32
      %dma_wait3A_98 = tpu.memref_slice %arg14[%mul3A_78, %dma_wait3A_97] : memref<10000x128xf32, #tpu.memory_space<vmem_shared>> -> memref<625x128xf32, #tpu.memory_space<vmem_shared>>
      tpu.wait_dma2 semaphore(%run_scoped3A : memref<!tpu.dma_semaphore, #tpu.memory_space<semaphore_mem>>) src(%dma_wait3A_98 : memref<625x128xf32, #tpu.memory_space<vmem_shared>>) dst(%dma_wait3A_96 : memref<625x128xf32, #tpu.memory_space<hbm>>)
      tpu.yield
    }) : () -> ()
    %mul3A_84 = arith.constant 625 : i32
    %mul3A_85 = arith.muli %arg1, %mul3A_84 : i32
    %mul3A_86 = arith.constant 10000 : i32
    %mul3A_87 = arith.muli %arg0, %mul3A_86 : i32
    %mul3A_88 = arith.constant 625 : i32
    %mul3A_89 = arith.muli %arg1, %mul3A_88 : i32
    %add3A_90 = arith.addi %mul3A_87, %mul3A_89 : i32
    "tpu.region"() ({
      %run_scoped3A = tpu.sem_alloc : memref<!tpu.dma_semaphore, #tpu.memory_space<semaphore_mem>>
      %dma_start3A_91 = arith.constant 0 : i32
      %dma_start3A_92 = tpu.memref_slice %arg8[%add3A_90, %dma_start3A_91] : memref<20000x16xf32, #tpu.memory_space<hbm>> -> memref<625x16xf32, #tpu.memory_space<hbm>>
      %dma_start3A_93 = arith.constant 0 : i32
      %dma_start3A_94 = tpu.memref_slice %arg15[%mul3A_85, %dma_start3A_93] : memref<10000x16xf32, #tpu.memory_space<vmem_shared>> -> memref<625x16xf32, #tpu.memory_space<vmem_shared>>
      tpu.enqueue_dma source(%dma_start3A_94 : memref<625x16xf32, #tpu.memory_space<vmem_shared>>) target(%dma_start3A_92 : memref<625x16xf32, #tpu.memory_space<hbm>>) target_semaphore(%run_scoped3A : memref<!tpu.dma_semaphore, #tpu.memory_space<semaphore_mem>>)
      %dma_wait3A_95 = arith.constant 0 : i32
      %dma_wait3A_96 = tpu.memref_slice %arg8[%add3A_90, %dma_wait3A_95] : memref<20000x16xf32, #tpu.memory_space<hbm>> -> memref<625x16xf32, #tpu.memory_space<hbm>>
      %dma_wait3A_97 = arith.constant 0 : i32
      %dma_wait3A_98 = tpu.memref_slice %arg15[%mul3A_85, %dma_wait3A_97] : memref<10000x16xf32, #tpu.memory_space<vmem_shared>> -> memref<625x16xf32, #tpu.memory_space<vmem_shared>>
      tpu.wait_dma2 semaphore(%run_scoped3A : memref<!tpu.dma_semaphore, #tpu.memory_space<semaphore_mem>>) src(%dma_wait3A_98 : memref<625x16xf32, #tpu.memory_space<vmem_shared>>) dst(%dma_wait3A_96 : memref<625x16xf32, #tpu.memory_space<hbm>>)
      tpu.yield
    }) : () -> ()
    return
  }
}

#map = affine_map<(d0, d1) -> (0, 0, 0)>
#map1 = affine_map<(d0, d1) -> (0, 0)>
module attributes {stable_mosaic.version = 14 : i64} {
  func.func @_sc_gather(%arg0: i32, %arg1: i32, %arg2: memref<32x125x80xi32, #tpu.memory_space<hbm>>, %arg3: memref<32x125x80xi32, #tpu.memory_space<hbm>>, %arg4: memref<10000x144xf32, #tpu.memory_space<hbm>>, %arg5: memref<10000x144xf32, #tpu.memory_space<hbm>>, %arg6: memref<320000x144xf32, #tpu.memory_space<hbm>>, %arg7: memref<320000x144xf32, #tpu.memory_space<hbm>>, %arg8: memref<125x80xi32, #tpu.memory_space<vmem>>, %arg9: memref<125x80xi32, #tpu.memory_space<vmem>>, %arg10: memref<80x144xf32, #tpu.memory_space<vmem>>, %arg11: memref<80x144xf32, #tpu.memory_space<vmem>>, %arg12: memref<80x144xf32, #tpu.memory_space<vmem>>, %arg13: memref<80x144xf32, #tpu.memory_space<vmem>>, %arg14: memref<!tpu.dma_semaphore, #tpu.memory_space<semaphore_mem>>, %arg15: memref<!tpu.dma_semaphore, #tpu.memory_space<semaphore_mem>>, %arg16: memref<!tpu.dma_semaphore, #tpu.memory_space<semaphore_mem>>, %arg17: memref<!tpu.dma_semaphore, #tpu.memory_space<semaphore_mem>>, %arg18: memref<!tpu.dma_semaphore, #tpu.memory_space<semaphore_mem>>, %arg19: memref<!tpu.dma_semaphore, #tpu.memory_space<semaphore_mem>>) attributes {dimension_semantics = [#tpu.dimension_semantics<core_parallel>, #tpu.dimension_semantics<subcore_parallel>], iteration_bounds = array<i64: 2, 16>, scalar_prefetch = 0 : i64, scratch_operands = 12 : i64, tpu.core_type = #tpu.core_type<sc_vector_subcore>, window_params = [{transform_indices = #map}, {transform_indices = #map}, {transform_indices = #map1}, {transform_indices = #map1}, {transform_indices = #map1}, {transform_indices = #map1}]} {
    %mul3A = arith.constant 2 : i32
    %mul3A_0 = arith.muli %arg1, %mul3A : i32
    %add3A = arith.addi %mul3A_0, %arg0 : i32
    %mul3A_1 = arith.constant 10000 : i32
    %mul3A_2 = arith.muli %add3A, %mul3A_1 : i32
    "tpu.region"() ({
      %run_scoped3A = tpu.sem_alloc : memref<!tpu.dma_semaphore, #tpu.memory_space<semaphore_mem>>
      %dma_start3A_64 = arith.constant 0 : i32
      %dma_start3A_65 = arith.constant 0 : i32
      %dma_start3A_66 = tpu.memref_slice %arg2[%add3A, %dma_start3A_64, %dma_start3A_65] : memref<32x125x80xi32, #tpu.memory_space<hbm>> -> memref<1x125x80xi32, #tpu.memory_space<hbm>>
      %dma_start3A_67 = tpu.memref_squeeze %dma_start3A_66 : memref<1x125x80xi32, #tpu.memory_space<hbm>> -> memref<125x80xi32, #tpu.memory_space<hbm>>
      %dma_start3A_68 = arith.constant 0 : i32
      %dma_start3A_69 = arith.constant 0 : i32
      %dma_start3A_70 = tpu.memref_slice %arg2[%add3A, %dma_start3A_68, %dma_start3A_69] : memref<32x125x80xi32, #tpu.memory_space<hbm>> -> memref<1x125x80xi32, #tpu.memory_space<hbm>>
      %dma_start3A_71 = tpu.memref_squeeze %dma_start3A_70 : memref<1x125x80xi32, #tpu.memory_space<hbm>> -> memref<125x80xi32, #tpu.memory_space<hbm>>
      tpu.enqueue_dma source(%dma_start3A_71 : memref<125x80xi32, #tpu.memory_space<hbm>>) target(%arg8 : memref<125x80xi32, #tpu.memory_space<vmem>>) target_semaphore(%run_scoped3A : memref<!tpu.dma_semaphore, #tpu.memory_space<semaphore_mem>>)
      %dma_wait3A_72 = arith.constant 0 : i32
      %dma_wait3A_73 = arith.constant 0 : i32
      %dma_wait3A_74 = tpu.memref_slice %arg2[%add3A, %dma_wait3A_72, %dma_wait3A_73] : memref<32x125x80xi32, #tpu.memory_space<hbm>> -> memref<1x125x80xi32, #tpu.memory_space<hbm>>
      %dma_wait3A_75 = tpu.memref_squeeze %dma_wait3A_74 : memref<1x125x80xi32, #tpu.memory_space<hbm>> -> memref<125x80xi32, #tpu.memory_space<hbm>>
      %dma_wait3A_76 = arith.constant 0 : i32
      %dma_wait3A_77 = arith.constant 0 : i32
      %dma_wait3A_78 = tpu.memref_slice %arg2[%add3A, %dma_wait3A_76, %dma_wait3A_77] : memref<32x125x80xi32, #tpu.memory_space<hbm>> -> memref<1x125x80xi32, #tpu.memory_space<hbm>>
      %dma_wait3A_79 = tpu.memref_squeeze %dma_wait3A_78 : memref<1x125x80xi32, #tpu.memory_space<hbm>> -> memref<125x80xi32, #tpu.memory_space<hbm>>
      tpu.wait_dma2 semaphore(%run_scoped3A : memref<!tpu.dma_semaphore, #tpu.memory_space<semaphore_mem>>) src(%dma_wait3A_79 : memref<125x80xi32, #tpu.memory_space<hbm>>) dst(%arg8 : memref<125x80xi32, #tpu.memory_space<vmem>>)
      tpu.yield
    }) : () -> ()
    "tpu.region"() ({
      %run_scoped3A = tpu.sem_alloc : memref<!tpu.dma_semaphore, #tpu.memory_space<semaphore_mem>>
      %dma_start3A_64 = arith.constant 0 : i32
      %dma_start3A_65 = arith.constant 0 : i32
      %dma_start3A_66 = tpu.memref_slice %arg3[%add3A, %dma_start3A_64, %dma_start3A_65] : memref<32x125x80xi32, #tpu.memory_space<hbm>> -> memref<1x125x80xi32, #tpu.memory_space<hbm>>
      %dma_start3A_67 = tpu.memref_squeeze %dma_start3A_66 : memref<1x125x80xi32, #tpu.memory_space<hbm>> -> memref<125x80xi32, #tpu.memory_space<hbm>>
      %dma_start3A_68 = arith.constant 0 : i32
      %dma_start3A_69 = arith.constant 0 : i32
      %dma_start3A_70 = tpu.memref_slice %arg3[%add3A, %dma_start3A_68, %dma_start3A_69] : memref<32x125x80xi32, #tpu.memory_space<hbm>> -> memref<1x125x80xi32, #tpu.memory_space<hbm>>
      %dma_start3A_71 = tpu.memref_squeeze %dma_start3A_70 : memref<1x125x80xi32, #tpu.memory_space<hbm>> -> memref<125x80xi32, #tpu.memory_space<hbm>>
      tpu.enqueue_dma source(%dma_start3A_71 : memref<125x80xi32, #tpu.memory_space<hbm>>) target(%arg9 : memref<125x80xi32, #tpu.memory_space<vmem>>) target_semaphore(%run_scoped3A : memref<!tpu.dma_semaphore, #tpu.memory_space<semaphore_mem>>)
      %dma_wait3A_72 = arith.constant 0 : i32
      %dma_wait3A_73 = arith.constant 0 : i32
      %dma_wait3A_74 = tpu.memref_slice %arg3[%add3A, %dma_wait3A_72, %dma_wait3A_73] : memref<32x125x80xi32, #tpu.memory_space<hbm>> -> memref<1x125x80xi32, #tpu.memory_space<hbm>>
      %dma_wait3A_75 = tpu.memref_squeeze %dma_wait3A_74 : memref<1x125x80xi32, #tpu.memory_space<hbm>> -> memref<125x80xi32, #tpu.memory_space<hbm>>
      %dma_wait3A_76 = arith.constant 0 : i32
      %dma_wait3A_77 = arith.constant 0 : i32
      %dma_wait3A_78 = tpu.memref_slice %arg3[%add3A, %dma_wait3A_76, %dma_wait3A_77] : memref<32x125x80xi32, #tpu.memory_space<hbm>> -> memref<1x125x80xi32, #tpu.memory_space<hbm>>
      %dma_wait3A_79 = tpu.memref_squeeze %dma_wait3A_78 : memref<1x125x80xi32, #tpu.memory_space<hbm>> -> memref<125x80xi32, #tpu.memory_space<hbm>>
      tpu.wait_dma2 semaphore(%run_scoped3A : memref<!tpu.dma_semaphore, #tpu.memory_space<semaphore_mem>>) src(%dma_wait3A_79 : memref<125x80xi32, #tpu.memory_space<hbm>>) dst(%arg9 : memref<125x80xi32, #tpu.memory_space<vmem>>)
      tpu.yield
    }) : () -> ()
    %dma_start3A = arith.constant 0 : i32
    %dma_start3A_3 = arith.constant 0 : i32
    %dma_start3A_4 = tpu.memref_slice %arg8[%dma_start3A, %dma_start3A_3] : memref<125x80xi32, #tpu.memory_space<vmem>> -> memref<1x80xi32, #tpu.memory_space<vmem>>
    %dma_start3A_5 = tpu.memref_squeeze %dma_start3A_4 : memref<1x80xi32, #tpu.memory_space<vmem>> -> memref<80xi32, #tpu.memory_space<vmem>>
    %dma_start3A_6 = arith.constant 0 : i32
    %dma_start3A_7 = arith.constant 0 : i32
    %dma_start3A_8 = tpu.memref_slice %arg4[%dma_start3A_6, %dma_start3A_7] : memref<10000x144xf32, #tpu.memory_space<hbm>> -> memref<10000x144xf32, #tpu.memory_space<hbm>>
    tpu.enqueue_indirect_dma source(%dma_start3A_8 : memref<10000x144xf32, #tpu.memory_space<hbm>>) target(%arg10 : memref<80x144xf32, #tpu.memory_space<vmem>>) offsets(%dma_start3A_5 : memref<80xi32, #tpu.memory_space<vmem>>) semaphore(%arg14 : memref<!tpu.dma_semaphore, #tpu.memory_space<semaphore_mem>>)
    %dma_start3A_9 = arith.constant 0 : i32
    %dma_start3A_10 = arith.constant 0 : i32
    %dma_start3A_11 = tpu.memref_slice %arg9[%dma_start3A_9, %dma_start3A_10] : memref<125x80xi32, #tpu.memory_space<vmem>> -> memref<1x80xi32, #tpu.memory_space<vmem>>
    %dma_start3A_12 = tpu.memref_squeeze %dma_start3A_11 : memref<1x80xi32, #tpu.memory_space<vmem>> -> memref<80xi32, #tpu.memory_space<vmem>>
    %dma_start3A_13 = arith.constant 0 : i32
    %dma_start3A_14 = arith.constant 0 : i32
    %dma_start3A_15 = tpu.memref_slice %arg5[%dma_start3A_13, %dma_start3A_14] : memref<10000x144xf32, #tpu.memory_space<hbm>> -> memref<10000x144xf32, #tpu.memory_space<hbm>>
    tpu.enqueue_indirect_dma source(%dma_start3A_15 : memref<10000x144xf32, #tpu.memory_space<hbm>>) target(%arg11 : memref<80x144xf32, #tpu.memory_space<vmem>>) offsets(%dma_start3A_12 : memref<80xi32, #tpu.memory_space<vmem>>) semaphore(%arg15 : memref<!tpu.dma_semaphore, #tpu.memory_space<semaphore_mem>>)
    %scan3A = arith.constant 0 : i32
    %scan3A_16 = arith.constant 0 : i32
    %scan3A_17 = arith.constant 62 : i32
    %scan3A_18 = arith.addi %scan3A_16, %scan3A_17 : i32
    %scan3A_19 = arith.constant 1 : i32
    scf.for %scan3A_64 = %scan3A_16 to %scan3A_18 step %scan3A_19  : i32 {
      %mul3A_65 = arith.constant 2 : i32
      %mul3A_66 = arith.muli %mul3A_65, %scan3A_64 : i32
      %gt3A = arith.constant 0 : i32
      %gt3A_67 = arith.cmpi sgt, %scan3A_64, %gt3A : i32
      %convert_element_type3A = arith.extui %gt3A_67 : i1 to i32
      %cond3A = arith.constant 0 : i32
      %cond3A_68 = arith.cmpi ne, %convert_element_type3A, %cond3A : i32
      scf.if %cond3A_68 {
        %sub3A = arith.constant 1 : i32
        %sub3A_150 = arith.subi %mul3A_66, %sub3A : i32
        %mul3A_151 = arith.constant 80 : i32
        %mul3A_152 = arith.muli %sub3A_150, %mul3A_151 : i32
        %add3A_153 = arith.addi %mul3A_2, %mul3A_152 : i32
        %dma_wait3A_154 = arith.constant 0 : i32
        %dma_wait3A_155 = tpu.memref_slice %arg6[%add3A_153, %dma_wait3A_154] : memref<320000x144xf32, #tpu.memory_space<hbm>> -> memref<80x144xf32, #tpu.memory_space<hbm>>
        %dma_wait3A_156 = arith.constant 0 : i32
        %dma_wait3A_157 = tpu.memref_slice %arg6[%add3A_153, %dma_wait3A_156] : memref<320000x144xf32, #tpu.memory_space<hbm>> -> memref<80x144xf32, #tpu.memory_space<hbm>>
        tpu.wait_dma2 semaphore(%arg19 : memref<!tpu.dma_semaphore, #tpu.memory_space<semaphore_mem>>) src(%arg12 : memref<80x144xf32, #tpu.memory_space<vmem>>) dst(%dma_wait3A_157 : memref<80x144xf32, #tpu.memory_space<hbm>>)
        %dma_wait3A_158 = arith.constant 0 : i32
        %dma_wait3A_159 = tpu.memref_slice %arg7[%add3A_153, %dma_wait3A_158] : memref<320000x144xf32, #tpu.memory_space<hbm>> -> memref<80x144xf32, #tpu.memory_space<hbm>>
        %dma_wait3A_160 = arith.constant 0 : i32
        %dma_wait3A_161 = tpu.memref_slice %arg7[%add3A_153, %dma_wait3A_160] : memref<320000x144xf32, #tpu.memory_space<hbm>> -> memref<80x144xf32, #tpu.memory_space<hbm>>
        tpu.wait_dma2 semaphore(%arg19 : memref<!tpu.dma_semaphore, #tpu.memory_space<semaphore_mem>>) src(%arg13 : memref<80x144xf32, #tpu.memory_space<vmem>>) dst(%dma_wait3A_161 : memref<80x144xf32, #tpu.memory_space<hbm>>)
      } else {
      }
      %add3A_69 = arith.constant 1 : i32
      %add3A_70 = arith.addi %mul3A_66, %add3A_69 : i32
      %dma_start3A_71 = arith.constant 0 : i32
      %dma_start3A_72 = tpu.memref_slice %arg8[%add3A_70, %dma_start3A_71] : memref<125x80xi32, #tpu.memory_space<vmem>> -> memref<1x80xi32, #tpu.memory_space<vmem>>
      %dma_start3A_73 = tpu.memref_squeeze %dma_start3A_72 : memref<1x80xi32, #tpu.memory_space<vmem>> -> memref<80xi32, #tpu.memory_space<vmem>>
      %dma_start3A_74 = arith.constant 0 : i32
      %dma_start3A_75 = arith.constant 0 : i32
      %dma_start3A_76 = tpu.memref_slice %arg4[%dma_start3A_74, %dma_start3A_75] : memref<10000x144xf32, #tpu.memory_space<hbm>> -> memref<10000x144xf32, #tpu.memory_space<hbm>>
      tpu.enqueue_indirect_dma source(%dma_start3A_76 : memref<10000x144xf32, #tpu.memory_space<hbm>>) target(%arg12 : memref<80x144xf32, #tpu.memory_space<vmem>>) offsets(%dma_start3A_73 : memref<80xi32, #tpu.memory_space<vmem>>) semaphore(%arg16 : memref<!tpu.dma_semaphore, #tpu.memory_space<semaphore_mem>>)
      %dma_start3A_77 = arith.constant 0 : i32
      %dma_start3A_78 = tpu.memref_slice %arg9[%add3A_70, %dma_start3A_77] : memref<125x80xi32, #tpu.memory_space<vmem>> -> memref<1x80xi32, #tpu.memory_space<vmem>>
      %dma_start3A_79 = tpu.memref_squeeze %dma_start3A_78 : memref<1x80xi32, #tpu.memory_space<vmem>> -> memref<80xi32, #tpu.memory_space<vmem>>
      %dma_start3A_80 = arith.constant 0 : i32
      %dma_start3A_81 = arith.constant 0 : i32
      %dma_start3A_82 = tpu.memref_slice %arg5[%dma_start3A_80, %dma_start3A_81] : memref<10000x144xf32, #tpu.memory_space<hbm>> -> memref<10000x144xf32, #tpu.memory_space<hbm>>
      tpu.enqueue_indirect_dma source(%dma_start3A_82 : memref<10000x144xf32, #tpu.memory_space<hbm>>) target(%arg13 : memref<80x144xf32, #tpu.memory_space<vmem>>) offsets(%dma_start3A_79 : memref<80xi32, #tpu.memory_space<vmem>>) semaphore(%arg17 : memref<!tpu.dma_semaphore, #tpu.memory_space<semaphore_mem>>)
      %dma_wait3A_83 = arith.constant 0 : i32
      %dma_wait3A_84 = tpu.memref_slice %arg8[%mul3A_66, %dma_wait3A_83] : memref<125x80xi32, #tpu.memory_space<vmem>> -> memref<1x80xi32, #tpu.memory_space<vmem>>
      %dma_wait3A_85 = tpu.memref_squeeze %dma_wait3A_84 : memref<1x80xi32, #tpu.memory_space<vmem>> -> memref<80xi32, #tpu.memory_space<vmem>>
      %dma_wait3A_86 = arith.constant 0 : i32
      %dma_wait3A_87 = arith.constant 0 : i32
      %dma_wait3A_88 = tpu.memref_slice %arg4[%dma_wait3A_86, %dma_wait3A_87] : memref<10000x144xf32, #tpu.memory_space<hbm>> -> memref<10000x144xf32, #tpu.memory_space<hbm>>
      tpu.wait_indirect_dma semaphore(%arg14 : memref<!tpu.dma_semaphore, #tpu.memory_space<semaphore_mem>>) src(%dma_wait3A_88 : memref<10000x144xf32, #tpu.memory_space<hbm>>) dst(%arg10 : memref<80x144xf32, #tpu.memory_space<vmem>>)
      %dma_wait3A_89 = arith.constant 0 : i32
      %dma_wait3A_90 = tpu.memref_slice %arg9[%mul3A_66, %dma_wait3A_89] : memref<125x80xi32, #tpu.memory_space<vmem>> -> memref<1x80xi32, #tpu.memory_space<vmem>>
      %dma_wait3A_91 = tpu.memref_squeeze %dma_wait3A_90 : memref<1x80xi32, #tpu.memory_space<vmem>> -> memref<80xi32, #tpu.memory_space<vmem>>
      %dma_wait3A_92 = arith.constant 0 : i32
      %dma_wait3A_93 = arith.constant 0 : i32
      %dma_wait3A_94 = tpu.memref_slice %arg5[%dma_wait3A_92, %dma_wait3A_93] : memref<10000x144xf32, #tpu.memory_space<hbm>> -> memref<10000x144xf32, #tpu.memory_space<hbm>>
      tpu.wait_indirect_dma semaphore(%arg15 : memref<!tpu.dma_semaphore, #tpu.memory_space<semaphore_mem>>) src(%dma_wait3A_94 : memref<10000x144xf32, #tpu.memory_space<hbm>>) dst(%arg11 : memref<80x144xf32, #tpu.memory_space<vmem>>)
      %mul3A_95 = arith.constant 80 : i32
      %mul3A_96 = arith.muli %mul3A_66, %mul3A_95 : i32
      %add3A_97 = arith.addi %mul3A_2, %mul3A_96 : i32
      %dma_start3A_98 = arith.constant 0 : i32
      %dma_start3A_99 = tpu.memref_slice %arg6[%add3A_97, %dma_start3A_98] : memref<320000x144xf32, #tpu.memory_space<hbm>> -> memref<80x144xf32, #tpu.memory_space<hbm>>
      %dma_start3A_100 = arith.constant 0 : i32
      %dma_start3A_101 = tpu.memref_slice %arg6[%add3A_97, %dma_start3A_100] : memref<320000x144xf32, #tpu.memory_space<hbm>> -> memref<80x144xf32, #tpu.memory_space<hbm>>
      tpu.enqueue_dma source(%arg10 : memref<80x144xf32, #tpu.memory_space<vmem>>) target(%dma_start3A_101 : memref<80x144xf32, #tpu.memory_space<hbm>>) target_semaphore(%arg18 : memref<!tpu.dma_semaphore, #tpu.memory_space<semaphore_mem>>)
      %dma_start3A_102 = arith.constant 0 : i32
      %dma_start3A_103 = tpu.memref_slice %arg7[%add3A_97, %dma_start3A_102] : memref<320000x144xf32, #tpu.memory_space<hbm>> -> memref<80x144xf32, #tpu.memory_space<hbm>>
      %dma_start3A_104 = arith.constant 0 : i32
      %dma_start3A_105 = tpu.memref_slice %arg7[%add3A_97, %dma_start3A_104] : memref<320000x144xf32, #tpu.memory_space<hbm>> -> memref<80x144xf32, #tpu.memory_space<hbm>>
      tpu.enqueue_dma source(%arg11 : memref<80x144xf32, #tpu.memory_space<vmem>>) target(%dma_start3A_105 : memref<80x144xf32, #tpu.memory_space<hbm>>) target_semaphore(%arg18 : memref<!tpu.dma_semaphore, #tpu.memory_space<semaphore_mem>>)
      %mul3A_106 = arith.constant 80 : i32
      %mul3A_107 = arith.muli %mul3A_66, %mul3A_106 : i32
      %add3A_108 = arith.addi %mul3A_2, %mul3A_107 : i32
      %dma_wait3A_109 = arith.constant 0 : i32
      %dma_wait3A_110 = tpu.memref_slice %arg6[%add3A_108, %dma_wait3A_109] : memref<320000x144xf32, #tpu.memory_space<hbm>> -> memref<80x144xf32, #tpu.memory_space<hbm>>
      %dma_wait3A_111 = arith.constant 0 : i32
      %dma_wait3A_112 = tpu.memref_slice %arg6[%add3A_108, %dma_wait3A_111] : memref<320000x144xf32, #tpu.memory_space<hbm>> -> memref<80x144xf32, #tpu.memory_space<hbm>>
      tpu.wait_dma2 semaphore(%arg18 : memref<!tpu.dma_semaphore, #tpu.memory_space<semaphore_mem>>) src(%arg10 : memref<80x144xf32, #tpu.memory_space<vmem>>) dst(%dma_wait3A_112 : memref<80x144xf32, #tpu.memory_space<hbm>>)
      %dma_wait3A_113 = arith.constant 0 : i32
      %dma_wait3A_114 = tpu.memref_slice %arg7[%add3A_108, %dma_wait3A_113] : memref<320000x144xf32, #tpu.memory_space<hbm>> -> memref<80x144xf32, #tpu.memory_space<hbm>>
      %dma_wait3A_115 = arith.constant 0 : i32
      %dma_wait3A_116 = tpu.memref_slice %arg7[%add3A_108, %dma_wait3A_115] : memref<320000x144xf32, #tpu.memory_space<hbm>> -> memref<80x144xf32, #tpu.memory_space<hbm>>
      tpu.wait_dma2 semaphore(%arg18 : memref<!tpu.dma_semaphore, #tpu.memory_space<semaphore_mem>>) src(%arg11 : memref<80x144xf32, #tpu.memory_space<vmem>>) dst(%dma_wait3A_116 : memref<80x144xf32, #tpu.memory_space<hbm>>)
      %add3A_117 = arith.constant 2 : i32
      %add3A_118 = arith.addi %mul3A_66, %add3A_117 : i32
      %lt3A = arith.constant 125 : i32
      %lt3A_119 = arith.cmpi slt, %add3A_118, %lt3A : i32
      %convert_element_type3A_120 = arith.extui %lt3A_119 : i1 to i32
      %cond3A_121 = arith.constant 0 : i32
      %cond3A_122 = arith.cmpi ne, %convert_element_type3A_120, %cond3A_121 : i32
      scf.if %cond3A_122 {
        %add3A_150 = arith.constant 2 : i32
        %add3A_151 = arith.addi %mul3A_66, %add3A_150 : i32
        %dma_start3A_152 = arith.constant 0 : i32
        %dma_start3A_153 = tpu.memref_slice %arg8[%add3A_151, %dma_start3A_152] : memref<125x80xi32, #tpu.memory_space<vmem>> -> memref<1x80xi32, #tpu.memory_space<vmem>>
        %dma_start3A_154 = tpu.memref_squeeze %dma_start3A_153 : memref<1x80xi32, #tpu.memory_space<vmem>> -> memref<80xi32, #tpu.memory_space<vmem>>
        %dma_start3A_155 = arith.constant 0 : i32
        %dma_start3A_156 = arith.constant 0 : i32
        %dma_start3A_157 = tpu.memref_slice %arg4[%dma_start3A_155, %dma_start3A_156] : memref<10000x144xf32, #tpu.memory_space<hbm>> -> memref<10000x144xf32, #tpu.memory_space<hbm>>
        tpu.enqueue_indirect_dma source(%dma_start3A_157 : memref<10000x144xf32, #tpu.memory_space<hbm>>) target(%arg10 : memref<80x144xf32, #tpu.memory_space<vmem>>) offsets(%dma_start3A_154 : memref<80xi32, #tpu.memory_space<vmem>>) semaphore(%arg14 : memref<!tpu.dma_semaphore, #tpu.memory_space<semaphore_mem>>)
        %dma_start3A_158 = arith.constant 0 : i32
        %dma_start3A_159 = tpu.memref_slice %arg9[%add3A_151, %dma_start3A_158] : memref<125x80xi32, #tpu.memory_space<vmem>> -> memref<1x80xi32, #tpu.memory_space<vmem>>
        %dma_start3A_160 = tpu.memref_squeeze %dma_start3A_159 : memref<1x80xi32, #tpu.memory_space<vmem>> -> memref<80xi32, #tpu.memory_space<vmem>>
        %dma_start3A_161 = arith.constant 0 : i32
        %dma_start3A_162 = arith.constant 0 : i32
        %dma_start3A_163 = tpu.memref_slice %arg5[%dma_start3A_161, %dma_start3A_162] : memref<10000x144xf32, #tpu.memory_space<hbm>> -> memref<10000x144xf32, #tpu.memory_space<hbm>>
        tpu.enqueue_indirect_dma source(%dma_start3A_163 : memref<10000x144xf32, #tpu.memory_space<hbm>>) target(%arg11 : memref<80x144xf32, #tpu.memory_space<vmem>>) offsets(%dma_start3A_160 : memref<80xi32, #tpu.memory_space<vmem>>) semaphore(%arg15 : memref<!tpu.dma_semaphore, #tpu.memory_space<semaphore_mem>>)
      } else {
      }
      %add3A_123 = arith.constant 1 : i32
      %add3A_124 = arith.addi %mul3A_66, %add3A_123 : i32
      %dma_wait3A_125 = arith.constant 0 : i32
      %dma_wait3A_126 = tpu.memref_slice %arg8[%add3A_124, %dma_wait3A_125] : memref<125x80xi32, #tpu.memory_space<vmem>> -> memref<1x80xi32, #tpu.memory_space<vmem>>
      %dma_wait3A_127 = tpu.memref_squeeze %dma_wait3A_126 : memref<1x80xi32, #tpu.memory_space<vmem>> -> memref<80xi32, #tpu.memory_space<vmem>>
      %dma_wait3A_128 = arith.constant 0 : i32
      %dma_wait3A_129 = arith.constant 0 : i32
      %dma_wait3A_130 = tpu.memref_slice %arg4[%dma_wait3A_128, %dma_wait3A_129] : memref<10000x144xf32, #tpu.memory_space<hbm>> -> memref<10000x144xf32, #tpu.memory_space<hbm>>
      tpu.wait_indirect_dma semaphore(%arg16 : memref<!tpu.dma_semaphore, #tpu.memory_space<semaphore_mem>>) src(%dma_wait3A_130 : memref<10000x144xf32, #tpu.memory_space<hbm>>) dst(%arg12 : memref<80x144xf32, #tpu.memory_space<vmem>>)
      %dma_wait3A_131 = arith.constant 0 : i32
      %dma_wait3A_132 = tpu.memref_slice %arg9[%add3A_124, %dma_wait3A_131] : memref<125x80xi32, #tpu.memory_space<vmem>> -> memref<1x80xi32, #tpu.memory_space<vmem>>
      %dma_wait3A_133 = tpu.memref_squeeze %dma_wait3A_132 : memref<1x80xi32, #tpu.memory_space<vmem>> -> memref<80xi32, #tpu.memory_space<vmem>>
      %dma_wait3A_134 = arith.constant 0 : i32
      %dma_wait3A_135 = arith.constant 0 : i32
      %dma_wait3A_136 = tpu.memref_slice %arg5[%dma_wait3A_134, %dma_wait3A_135] : memref<10000x144xf32, #tpu.memory_space<hbm>> -> memref<10000x144xf32, #tpu.memory_space<hbm>>
      tpu.wait_indirect_dma semaphore(%arg17 : memref<!tpu.dma_semaphore, #tpu.memory_space<semaphore_mem>>) src(%dma_wait3A_136 : memref<10000x144xf32, #tpu.memory_space<hbm>>) dst(%arg13 : memref<80x144xf32, #tpu.memory_space<vmem>>)
      %add3A_137 = arith.constant 1 : i32
      %add3A_138 = arith.addi %mul3A_66, %add3A_137 : i32
      %mul3A_139 = arith.constant 80 : i32
      %mul3A_140 = arith.muli %add3A_138, %mul3A_139 : i32
      %add3A_141 = arith.addi %mul3A_2, %mul3A_140 : i32
      %dma_start3A_142 = arith.constant 0 : i32
      %dma_start3A_143 = tpu.memref_slice %arg6[%add3A_141, %dma_start3A_142] : memref<320000x144xf32, #tpu.memory_space<hbm>> -> memref<80x144xf32, #tpu.memory_space<hbm>>
      %dma_start3A_144 = arith.constant 0 : i32
      %dma_start3A_145 = tpu.memref_slice %arg6[%add3A_141, %dma_start3A_144] : memref<320000x144xf32, #tpu.memory_space<hbm>> -> memref<80x144xf32, #tpu.memory_space<hbm>>
      tpu.enqueue_dma source(%arg12 : memref<80x144xf32, #tpu.memory_space<vmem>>) target(%dma_start3A_145 : memref<80x144xf32, #tpu.memory_space<hbm>>) target_semaphore(%arg19 : memref<!tpu.dma_semaphore, #tpu.memory_space<semaphore_mem>>)
      %dma_start3A_146 = arith.constant 0 : i32
      %dma_start3A_147 = tpu.memref_slice %arg7[%add3A_141, %dma_start3A_146] : memref<320000x144xf32, #tpu.memory_space<hbm>> -> memref<80x144xf32, #tpu.memory_space<hbm>>
      %dma_start3A_148 = arith.constant 0 : i32
      %dma_start3A_149 = tpu.memref_slice %arg7[%add3A_141, %dma_start3A_148] : memref<320000x144xf32, #tpu.memory_space<hbm>> -> memref<80x144xf32, #tpu.memory_space<hbm>>
      tpu.enqueue_dma source(%arg13 : memref<80x144xf32, #tpu.memory_space<vmem>>) target(%dma_start3A_149 : memref<80x144xf32, #tpu.memory_space<hbm>>) target_semaphore(%arg19 : memref<!tpu.dma_semaphore, #tpu.memory_space<semaphore_mem>>)
    }
    %scan3A_20 = arith.constant 62 : i32
    %add3A_21 = arith.constant 9840 : i32
    %add3A_22 = arith.addi %mul3A_2, %add3A_21 : i32
    %dma_wait3A = arith.constant 0 : i32
    %dma_wait3A_23 = tpu.memref_slice %arg6[%add3A_22, %dma_wait3A] : memref<320000x144xf32, #tpu.memory_space<hbm>> -> memref<80x144xf32, #tpu.memory_space<hbm>>
    %dma_wait3A_24 = arith.constant 0 : i32
    %dma_wait3A_25 = tpu.memref_slice %arg6[%add3A_22, %dma_wait3A_24] : memref<320000x144xf32, #tpu.memory_space<hbm>> -> memref<80x144xf32, #tpu.memory_space<hbm>>
    tpu.wait_dma2 semaphore(%arg19 : memref<!tpu.dma_semaphore, #tpu.memory_space<semaphore_mem>>) src(%arg12 : memref<80x144xf32, #tpu.memory_space<vmem>>) dst(%dma_wait3A_25 : memref<80x144xf32, #tpu.memory_space<hbm>>)
    %dma_wait3A_26 = arith.constant 0 : i32
    %dma_wait3A_27 = tpu.memref_slice %arg7[%add3A_22, %dma_wait3A_26] : memref<320000x144xf32, #tpu.memory_space<hbm>> -> memref<80x144xf32, #tpu.memory_space<hbm>>
    %dma_wait3A_28 = arith.constant 0 : i32
    %dma_wait3A_29 = tpu.memref_slice %arg7[%add3A_22, %dma_wait3A_28] : memref<320000x144xf32, #tpu.memory_space<hbm>> -> memref<80x144xf32, #tpu.memory_space<hbm>>
    tpu.wait_dma2 semaphore(%arg19 : memref<!tpu.dma_semaphore, #tpu.memory_space<semaphore_mem>>) src(%arg13 : memref<80x144xf32, #tpu.memory_space<vmem>>) dst(%dma_wait3A_29 : memref<80x144xf32, #tpu.memory_space<hbm>>)
    %dma_wait3A_30 = arith.constant 124 : i32
    %dma_wait3A_31 = arith.constant 0 : i32
    %dma_wait3A_32 = tpu.memref_slice %arg8[%dma_wait3A_30, %dma_wait3A_31] : memref<125x80xi32, #tpu.memory_space<vmem>> -> memref<1x80xi32, #tpu.memory_space<vmem>>
    %dma_wait3A_33 = tpu.memref_squeeze %dma_wait3A_32 : memref<1x80xi32, #tpu.memory_space<vmem>> -> memref<80xi32, #tpu.memory_space<vmem>>
    %dma_wait3A_34 = arith.constant 0 : i32
    %dma_wait3A_35 = arith.constant 0 : i32
    %dma_wait3A_36 = tpu.memref_slice %arg4[%dma_wait3A_34, %dma_wait3A_35] : memref<10000x144xf32, #tpu.memory_space<hbm>> -> memref<10000x144xf32, #tpu.memory_space<hbm>>
    tpu.wait_indirect_dma semaphore(%arg14 : memref<!tpu.dma_semaphore, #tpu.memory_space<semaphore_mem>>) src(%dma_wait3A_36 : memref<10000x144xf32, #tpu.memory_space<hbm>>) dst(%arg10 : memref<80x144xf32, #tpu.memory_space<vmem>>)
    %dma_wait3A_37 = arith.constant 124 : i32
    %dma_wait3A_38 = arith.constant 0 : i32
    %dma_wait3A_39 = tpu.memref_slice %arg9[%dma_wait3A_37, %dma_wait3A_38] : memref<125x80xi32, #tpu.memory_space<vmem>> -> memref<1x80xi32, #tpu.memory_space<vmem>>
    %dma_wait3A_40 = tpu.memref_squeeze %dma_wait3A_39 : memref<1x80xi32, #tpu.memory_space<vmem>> -> memref<80xi32, #tpu.memory_space<vmem>>
    %dma_wait3A_41 = arith.constant 0 : i32
    %dma_wait3A_42 = arith.constant 0 : i32
    %dma_wait3A_43 = tpu.memref_slice %arg5[%dma_wait3A_41, %dma_wait3A_42] : memref<10000x144xf32, #tpu.memory_space<hbm>> -> memref<10000x144xf32, #tpu.memory_space<hbm>>
    tpu.wait_indirect_dma semaphore(%arg15 : memref<!tpu.dma_semaphore, #tpu.memory_space<semaphore_mem>>) src(%dma_wait3A_43 : memref<10000x144xf32, #tpu.memory_space<hbm>>) dst(%arg11 : memref<80x144xf32, #tpu.memory_space<vmem>>)
    %add3A_44 = arith.constant 9920 : i32
    %add3A_45 = arith.addi %mul3A_2, %add3A_44 : i32
    %dma_start3A_46 = arith.constant 0 : i32
    %dma_start3A_47 = tpu.memref_slice %arg6[%add3A_45, %dma_start3A_46] : memref<320000x144xf32, #tpu.memory_space<hbm>> -> memref<80x144xf32, #tpu.memory_space<hbm>>
    %dma_start3A_48 = arith.constant 0 : i32
    %dma_start3A_49 = tpu.memref_slice %arg6[%add3A_45, %dma_start3A_48] : memref<320000x144xf32, #tpu.memory_space<hbm>> -> memref<80x144xf32, #tpu.memory_space<hbm>>
    tpu.enqueue_dma source(%arg10 : memref<80x144xf32, #tpu.memory_space<vmem>>) target(%dma_start3A_49 : memref<80x144xf32, #tpu.memory_space<hbm>>) target_semaphore(%arg18 : memref<!tpu.dma_semaphore, #tpu.memory_space<semaphore_mem>>)
    %dma_start3A_50 = arith.constant 0 : i32
    %dma_start3A_51 = tpu.memref_slice %arg7[%add3A_45, %dma_start3A_50] : memref<320000x144xf32, #tpu.memory_space<hbm>> -> memref<80x144xf32, #tpu.memory_space<hbm>>
    %dma_start3A_52 = arith.constant 0 : i32
    %dma_start3A_53 = tpu.memref_slice %arg7[%add3A_45, %dma_start3A_52] : memref<320000x144xf32, #tpu.memory_space<hbm>> -> memref<80x144xf32, #tpu.memory_space<hbm>>
    tpu.enqueue_dma source(%arg11 : memref<80x144xf32, #tpu.memory_space<vmem>>) target(%dma_start3A_53 : memref<80x144xf32, #tpu.memory_space<hbm>>) target_semaphore(%arg18 : memref<!tpu.dma_semaphore, #tpu.memory_space<semaphore_mem>>)
    %add3A_54 = arith.constant 9920 : i32
    %add3A_55 = arith.addi %mul3A_2, %add3A_54 : i32
    %dma_wait3A_56 = arith.constant 0 : i32
    %dma_wait3A_57 = tpu.memref_slice %arg6[%add3A_55, %dma_wait3A_56] : memref<320000x144xf32, #tpu.memory_space<hbm>> -> memref<80x144xf32, #tpu.memory_space<hbm>>
    %dma_wait3A_58 = arith.constant 0 : i32
    %dma_wait3A_59 = tpu.memref_slice %arg6[%add3A_55, %dma_wait3A_58] : memref<320000x144xf32, #tpu.memory_space<hbm>> -> memref<80x144xf32, #tpu.memory_space<hbm>>
    tpu.wait_dma2 semaphore(%arg18 : memref<!tpu.dma_semaphore, #tpu.memory_space<semaphore_mem>>) src(%arg10 : memref<80x144xf32, #tpu.memory_space<vmem>>) dst(%dma_wait3A_59 : memref<80x144xf32, #tpu.memory_space<hbm>>)
    %dma_wait3A_60 = arith.constant 0 : i32
    %dma_wait3A_61 = tpu.memref_slice %arg7[%add3A_55, %dma_wait3A_60] : memref<320000x144xf32, #tpu.memory_space<hbm>> -> memref<80x144xf32, #tpu.memory_space<hbm>>
    %dma_wait3A_62 = arith.constant 0 : i32
    %dma_wait3A_63 = tpu.memref_slice %arg7[%add3A_55, %dma_wait3A_62] : memref<320000x144xf32, #tpu.memory_space<hbm>> -> memref<80x144xf32, #tpu.memory_space<hbm>>
    tpu.wait_dma2 semaphore(%arg18 : memref<!tpu.dma_semaphore, #tpu.memory_space<semaphore_mem>>) src(%arg11 : memref<80x144xf32, #tpu.memory_space<vmem>>) dst(%dma_wait3A_63 : memref<80x144xf32, #tpu.memory_space<hbm>>)
    return
  }
}

#map = affine_map<(d0, d1) -> (0, 0, 0)>
#map1 = affine_map<(d0, d1) -> (0, 0)>
module attributes {stable_mosaic.version = 14 : i64} {
  func.func @_sc_gather(%arg0: i32, %arg1: i32, %arg2: memref<32x125x80xi32, #tpu.memory_space<hbm>>, %arg3: memref<32x125x80xi32, #tpu.memory_space<hbm>>, %arg4: memref<10000x144xf32, #tpu.memory_space<hbm>>, %arg5: memref<10000x144xf32, #tpu.memory_space<hbm>>, %arg6: memref<320000x144xf32, #tpu.memory_space<hbm>>, %arg7: memref<320000x144xf32, #tpu.memory_space<hbm>>, %arg8: memref<125x80xi32, #tpu.memory_space<vmem>>, %arg9: memref<125x80xi32, #tpu.memory_space<vmem>>, %arg10: memref<80x144xf32, #tpu.memory_space<vmem>>, %arg11: memref<80x144xf32, #tpu.memory_space<vmem>>, %arg12: memref<80x144xf32, #tpu.memory_space<vmem>>, %arg13: memref<80x144xf32, #tpu.memory_space<vmem>>, %arg14: memref<!tpu.dma_semaphore, #tpu.memory_space<semaphore_mem>>, %arg15: memref<!tpu.dma_semaphore, #tpu.memory_space<semaphore_mem>>, %arg16: memref<!tpu.dma_semaphore, #tpu.memory_space<semaphore_mem>>, %arg17: memref<!tpu.dma_semaphore, #tpu.memory_space<semaphore_mem>>, %arg18: memref<!tpu.dma_semaphore, #tpu.memory_space<semaphore_mem>>, %arg19: memref<!tpu.dma_semaphore, #tpu.memory_space<semaphore_mem>>) attributes {dimension_semantics = [#tpu.dimension_semantics<core_parallel>, #tpu.dimension_semantics<subcore_parallel>], iteration_bounds = array<i64: 2, 16>, scalar_prefetch = 0 : i64, scratch_operands = 12 : i64, tpu.core_type = #tpu.core_type<sc_vector_subcore>, window_params = [{transform_indices = #map}, {transform_indices = #map}, {transform_indices = #map1}, {transform_indices = #map1}, {transform_indices = #map1}, {transform_indices = #map1}]} {
    %mul3A = arith.constant 2 : i32
    %mul3A_0 = arith.muli %arg1, %mul3A : i32
    %add3A = arith.addi %mul3A_0, %arg0 : i32
    %mul3A_1 = arith.constant 10000 : i32
    %mul3A_2 = arith.muli %add3A, %mul3A_1 : i32
    "tpu.region"() ({
      %run_scoped3A = tpu.sem_alloc : memref<!tpu.dma_semaphore, #tpu.memory_space<semaphore_mem>>
      %dma_start3A_64 = arith.constant 0 : i32
      %dma_start3A_65 = arith.constant 0 : i32
      %dma_start3A_66 = tpu.memref_slice %arg2[%add3A, %dma_start3A_64, %dma_start3A_65] : memref<32x125x80xi32, #tpu.memory_space<hbm>> -> memref<1x125x80xi32, #tpu.memory_space<hbm>>
      %dma_start3A_67 = tpu.memref_squeeze %dma_start3A_66 : memref<1x125x80xi32, #tpu.memory_space<hbm>> -> memref<125x80xi32, #tpu.memory_space<hbm>>
      %dma_start3A_68 = arith.constant 0 : i32
      %dma_start3A_69 = arith.constant 0 : i32
      %dma_start3A_70 = tpu.memref_slice %arg2[%add3A, %dma_start3A_68, %dma_start3A_69] : memref<32x125x80xi32, #tpu.memory_space<hbm>> -> memref<1x125x80xi32, #tpu.memory_space<hbm>>
      %dma_start3A_71 = tpu.memref_squeeze %dma_start3A_70 : memref<1x125x80xi32, #tpu.memory_space<hbm>> -> memref<125x80xi32, #tpu.memory_space<hbm>>
      tpu.enqueue_dma source(%dma_start3A_71 : memref<125x80xi32, #tpu.memory_space<hbm>>) target(%arg8 : memref<125x80xi32, #tpu.memory_space<vmem>>) target_semaphore(%run_scoped3A : memref<!tpu.dma_semaphore, #tpu.memory_space<semaphore_mem>>)
      %dma_wait3A_72 = arith.constant 0 : i32
      %dma_wait3A_73 = arith.constant 0 : i32
      %dma_wait3A_74 = tpu.memref_slice %arg2[%add3A, %dma_wait3A_72, %dma_wait3A_73] : memref<32x125x80xi32, #tpu.memory_space<hbm>> -> memref<1x125x80xi32, #tpu.memory_space<hbm>>
      %dma_wait3A_75 = tpu.memref_squeeze %dma_wait3A_74 : memref<1x125x80xi32, #tpu.memory_space<hbm>> -> memref<125x80xi32, #tpu.memory_space<hbm>>
      %dma_wait3A_76 = arith.constant 0 : i32
      %dma_wait3A_77 = arith.constant 0 : i32
      %dma_wait3A_78 = tpu.memref_slice %arg2[%add3A, %dma_wait3A_76, %dma_wait3A_77] : memref<32x125x80xi32, #tpu.memory_space<hbm>> -> memref<1x125x80xi32, #tpu.memory_space<hbm>>
      %dma_wait3A_79 = tpu.memref_squeeze %dma_wait3A_78 : memref<1x125x80xi32, #tpu.memory_space<hbm>> -> memref<125x80xi32, #tpu.memory_space<hbm>>
      tpu.wait_dma2 semaphore(%run_scoped3A : memref<!tpu.dma_semaphore, #tpu.memory_space<semaphore_mem>>) src(%dma_wait3A_79 : memref<125x80xi32, #tpu.memory_space<hbm>>) dst(%arg8 : memref<125x80xi32, #tpu.memory_space<vmem>>)
      tpu.yield
    }) : () -> ()
    "tpu.region"() ({
      %run_scoped3A = tpu.sem_alloc : memref<!tpu.dma_semaphore, #tpu.memory_space<semaphore_mem>>
      %dma_start3A_64 = arith.constant 0 : i32
      %dma_start3A_65 = arith.constant 0 : i32
      %dma_start3A_66 = tpu.memref_slice %arg3[%add3A, %dma_start3A_64, %dma_start3A_65] : memref<32x125x80xi32, #tpu.memory_space<hbm>> -> memref<1x125x80xi32, #tpu.memory_space<hbm>>
      %dma_start3A_67 = tpu.memref_squeeze %dma_start3A_66 : memref<1x125x80xi32, #tpu.memory_space<hbm>> -> memref<125x80xi32, #tpu.memory_space<hbm>>
      %dma_start3A_68 = arith.constant 0 : i32
      %dma_start3A_69 = arith.constant 0 : i32
      %dma_start3A_70 = tpu.memref_slice %arg3[%add3A, %dma_start3A_68, %dma_start3A_69] : memref<32x125x80xi32, #tpu.memory_space<hbm>> -> memref<1x125x80xi32, #tpu.memory_space<hbm>>
      %dma_start3A_71 = tpu.memref_squeeze %dma_start3A_70 : memref<1x125x80xi32, #tpu.memory_space<hbm>> -> memref<125x80xi32, #tpu.memory_space<hbm>>
      tpu.enqueue_dma source(%dma_start3A_71 : memref<125x80xi32, #tpu.memory_space<hbm>>) target(%arg9 : memref<125x80xi32, #tpu.memory_space<vmem>>) target_semaphore(%run_scoped3A : memref<!tpu.dma_semaphore, #tpu.memory_space<semaphore_mem>>)
      %dma_wait3A_72 = arith.constant 0 : i32
      %dma_wait3A_73 = arith.constant 0 : i32
      %dma_wait3A_74 = tpu.memref_slice %arg3[%add3A, %dma_wait3A_72, %dma_wait3A_73] : memref<32x125x80xi32, #tpu.memory_space<hbm>> -> memref<1x125x80xi32, #tpu.memory_space<hbm>>
      %dma_wait3A_75 = tpu.memref_squeeze %dma_wait3A_74 : memref<1x125x80xi32, #tpu.memory_space<hbm>> -> memref<125x80xi32, #tpu.memory_space<hbm>>
      %dma_wait3A_76 = arith.constant 0 : i32
      %dma_wait3A_77 = arith.constant 0 : i32
      %dma_wait3A_78 = tpu.memref_slice %arg3[%add3A, %dma_wait3A_76, %dma_wait3A_77] : memref<32x125x80xi32, #tpu.memory_space<hbm>> -> memref<1x125x80xi32, #tpu.memory_space<hbm>>
      %dma_wait3A_79 = tpu.memref_squeeze %dma_wait3A_78 : memref<1x125x80xi32, #tpu.memory_space<hbm>> -> memref<125x80xi32, #tpu.memory_space<hbm>>
      tpu.wait_dma2 semaphore(%run_scoped3A : memref<!tpu.dma_semaphore, #tpu.memory_space<semaphore_mem>>) src(%dma_wait3A_79 : memref<125x80xi32, #tpu.memory_space<hbm>>) dst(%arg9 : memref<125x80xi32, #tpu.memory_space<vmem>>)
      tpu.yield
    }) : () -> ()
    %dma_start3A = arith.constant 0 : i32
    %dma_start3A_3 = arith.constant 0 : i32
    %dma_start3A_4 = tpu.memref_slice %arg8[%dma_start3A, %dma_start3A_3] : memref<125x80xi32, #tpu.memory_space<vmem>> -> memref<1x80xi32, #tpu.memory_space<vmem>>
    %dma_start3A_5 = tpu.memref_squeeze %dma_start3A_4 : memref<1x80xi32, #tpu.memory_space<vmem>> -> memref<80xi32, #tpu.memory_space<vmem>>
    %dma_start3A_6 = arith.constant 0 : i32
    %dma_start3A_7 = arith.constant 0 : i32
    %dma_start3A_8 = tpu.memref_slice %arg4[%dma_start3A_6, %dma_start3A_7] : memref<10000x144xf32, #tpu.memory_space<hbm>> -> memref<10000x144xf32, #tpu.memory_space<hbm>>
    tpu.enqueue_indirect_dma source(%dma_start3A_8 : memref<10000x144xf32, #tpu.memory_space<hbm>>) target(%arg10 : memref<80x144xf32, #tpu.memory_space<vmem>>) offsets(%dma_start3A_5 : memref<80xi32, #tpu.memory_space<vmem>>) semaphore(%arg14 : memref<!tpu.dma_semaphore, #tpu.memory_space<semaphore_mem>>)
    %dma_start3A_9 = arith.constant 0 : i32
    %dma_start3A_10 = arith.constant 0 : i32
    %dma_start3A_11 = tpu.memref_slice %arg9[%dma_start3A_9, %dma_start3A_10] : memref<125x80xi32, #tpu.memory_space<vmem>> -> memref<1x80xi32, #tpu.memory_space<vmem>>
    %dma_start3A_12 = tpu.memref_squeeze %dma_start3A_11 : memref<1x80xi32, #tpu.memory_space<vmem>> -> memref<80xi32, #tpu.memory_space<vmem>>
    %dma_start3A_13 = arith.constant 0 : i32
    %dma_start3A_14 = arith.constant 0 : i32
    %dma_start3A_15 = tpu.memref_slice %arg5[%dma_start3A_13, %dma_start3A_14] : memref<10000x144xf32, #tpu.memory_space<hbm>> -> memref<10000x144xf32, #tpu.memory_space<hbm>>
    tpu.enqueue_indirect_dma source(%dma_start3A_15 : memref<10000x144xf32, #tpu.memory_space<hbm>>) target(%arg11 : memref<80x144xf32, #tpu.memory_space<vmem>>) offsets(%dma_start3A_12 : memref<80xi32, #tpu.memory_space<vmem>>) semaphore(%arg15 : memref<!tpu.dma_semaphore, #tpu.memory_space<semaphore_mem>>)
    %scan3A = arith.constant 0 : i32
    %scan3A_16 = arith.constant 0 : i32
    %scan3A_17 = arith.constant 62 : i32
    %scan3A_18 = arith.addi %scan3A_16, %scan3A_17 : i32
    %scan3A_19 = arith.constant 1 : i32
    scf.for %scan3A_64 = %scan3A_16 to %scan3A_18 step %scan3A_19  : i32 {
      %mul3A_65 = arith.constant 2 : i32
      %mul3A_66 = arith.muli %mul3A_65, %scan3A_64 : i32
      %gt3A = arith.constant 0 : i32
      %gt3A_67 = arith.cmpi sgt, %scan3A_64, %gt3A : i32
      %convert_element_type3A = arith.extui %gt3A_67 : i1 to i32
      %cond3A = arith.constant 0 : i32
      %cond3A_68 = arith.cmpi ne, %convert_element_type3A, %cond3A : i32
      scf.if %cond3A_68 {
        %sub3A = arith.constant 1 : i32
        %sub3A_150 = arith.subi %mul3A_66, %sub3A : i32
        %mul3A_151 = arith.constant 80 : i32
        %mul3A_152 = arith.muli %sub3A_150, %mul3A_151 : i32
        %add3A_153 = arith.addi %mul3A_2, %mul3A_152 : i32
        %dma_wait3A_154 = arith.constant 0 : i32
        %dma_wait3A_155 = tpu.memref_slice %arg6[%add3A_153, %dma_wait3A_154] : memref<320000x144xf32, #tpu.memory_space<hbm>> -> memref<80x144xf32, #tpu.memory_space<hbm>>
        %dma_wait3A_156 = arith.constant 0 : i32
        %dma_wait3A_157 = tpu.memref_slice %arg6[%add3A_153, %dma_wait3A_156] : memref<320000x144xf32, #tpu.memory_space<hbm>> -> memref<80x144xf32, #tpu.memory_space<hbm>>
        tpu.wait_dma2 semaphore(%arg19 : memref<!tpu.dma_semaphore, #tpu.memory_space<semaphore_mem>>) src(%arg12 : memref<80x144xf32, #tpu.memory_space<vmem>>) dst(%dma_wait3A_157 : memref<80x144xf32, #tpu.memory_space<hbm>>)
        %dma_wait3A_158 = arith.constant 0 : i32
        %dma_wait3A_159 = tpu.memref_slice %arg7[%add3A_153, %dma_wait3A_158] : memref<320000x144xf32, #tpu.memory_space<hbm>> -> memref<80x144xf32, #tpu.memory_space<hbm>>
        %dma_wait3A_160 = arith.constant 0 : i32
        %dma_wait3A_161 = tpu.memref_slice %arg7[%add3A_153, %dma_wait3A_160] : memref<320000x144xf32, #tpu.memory_space<hbm>> -> memref<80x144xf32, #tpu.memory_space<hbm>>
        tpu.wait_dma2 semaphore(%arg19 : memref<!tpu.dma_semaphore, #tpu.memory_space<semaphore_mem>>) src(%arg13 : memref<80x144xf32, #tpu.memory_space<vmem>>) dst(%dma_wait3A_161 : memref<80x144xf32, #tpu.memory_space<hbm>>)
      } else {
      }
      %add3A_69 = arith.constant 1 : i32
      %add3A_70 = arith.addi %mul3A_66, %add3A_69 : i32
      %dma_start3A_71 = arith.constant 0 : i32
      %dma_start3A_72 = tpu.memref_slice %arg8[%add3A_70, %dma_start3A_71] : memref<125x80xi32, #tpu.memory_space<vmem>> -> memref<1x80xi32, #tpu.memory_space<vmem>>
      %dma_start3A_73 = tpu.memref_squeeze %dma_start3A_72 : memref<1x80xi32, #tpu.memory_space<vmem>> -> memref<80xi32, #tpu.memory_space<vmem>>
      %dma_start3A_74 = arith.constant 0 : i32
      %dma_start3A_75 = arith.constant 0 : i32
      %dma_start3A_76 = tpu.memref_slice %arg4[%dma_start3A_74, %dma_start3A_75] : memref<10000x144xf32, #tpu.memory_space<hbm>> -> memref<10000x144xf32, #tpu.memory_space<hbm>>
      tpu.enqueue_indirect_dma source(%dma_start3A_76 : memref<10000x144xf32, #tpu.memory_space<hbm>>) target(%arg12 : memref<80x144xf32, #tpu.memory_space<vmem>>) offsets(%dma_start3A_73 : memref<80xi32, #tpu.memory_space<vmem>>) semaphore(%arg16 : memref<!tpu.dma_semaphore, #tpu.memory_space<semaphore_mem>>)
      %dma_start3A_77 = arith.constant 0 : i32
      %dma_start3A_78 = tpu.memref_slice %arg9[%add3A_70, %dma_start3A_77] : memref<125x80xi32, #tpu.memory_space<vmem>> -> memref<1x80xi32, #tpu.memory_space<vmem>>
      %dma_start3A_79 = tpu.memref_squeeze %dma_start3A_78 : memref<1x80xi32, #tpu.memory_space<vmem>> -> memref<80xi32, #tpu.memory_space<vmem>>
      %dma_start3A_80 = arith.constant 0 : i32
      %dma_start3A_81 = arith.constant 0 : i32
      %dma_start3A_82 = tpu.memref_slice %arg5[%dma_start3A_80, %dma_start3A_81] : memref<10000x144xf32, #tpu.memory_space<hbm>> -> memref<10000x144xf32, #tpu.memory_space<hbm>>
      tpu.enqueue_indirect_dma source(%dma_start3A_82 : memref<10000x144xf32, #tpu.memory_space<hbm>>) target(%arg13 : memref<80x144xf32, #tpu.memory_space<vmem>>) offsets(%dma_start3A_79 : memref<80xi32, #tpu.memory_space<vmem>>) semaphore(%arg17 : memref<!tpu.dma_semaphore, #tpu.memory_space<semaphore_mem>>)
      %dma_wait3A_83 = arith.constant 0 : i32
      %dma_wait3A_84 = tpu.memref_slice %arg8[%mul3A_66, %dma_wait3A_83] : memref<125x80xi32, #tpu.memory_space<vmem>> -> memref<1x80xi32, #tpu.memory_space<vmem>>
      %dma_wait3A_85 = tpu.memref_squeeze %dma_wait3A_84 : memref<1x80xi32, #tpu.memory_space<vmem>> -> memref<80xi32, #tpu.memory_space<vmem>>
      %dma_wait3A_86 = arith.constant 0 : i32
      %dma_wait3A_87 = arith.constant 0 : i32
      %dma_wait3A_88 = tpu.memref_slice %arg4[%dma_wait3A_86, %dma_wait3A_87] : memref<10000x144xf32, #tpu.memory_space<hbm>> -> memref<10000x144xf32, #tpu.memory_space<hbm>>
      tpu.wait_indirect_dma semaphore(%arg14 : memref<!tpu.dma_semaphore, #tpu.memory_space<semaphore_mem>>) src(%dma_wait3A_88 : memref<10000x144xf32, #tpu.memory_space<hbm>>) dst(%arg10 : memref<80x144xf32, #tpu.memory_space<vmem>>)
      %dma_wait3A_89 = arith.constant 0 : i32
      %dma_wait3A_90 = tpu.memref_slice %arg9[%mul3A_66, %dma_wait3A_89] : memref<125x80xi32, #tpu.memory_space<vmem>> -> memref<1x80xi32, #tpu.memory_space<vmem>>
      %dma_wait3A_91 = tpu.memref_squeeze %dma_wait3A_90 : memref<1x80xi32, #tpu.memory_space<vmem>> -> memref<80xi32, #tpu.memory_space<vmem>>
      %dma_wait3A_92 = arith.constant 0 : i32
      %dma_wait3A_93 = arith.constant 0 : i32
      %dma_wait3A_94 = tpu.memref_slice %arg5[%dma_wait3A_92, %dma_wait3A_93] : memref<10000x144xf32, #tpu.memory_space<hbm>> -> memref<10000x144xf32, #tpu.memory_space<hbm>>
      tpu.wait_indirect_dma semaphore(%arg15 : memref<!tpu.dma_semaphore, #tpu.memory_space<semaphore_mem>>) src(%dma_wait3A_94 : memref<10000x144xf32, #tpu.memory_space<hbm>>) dst(%arg11 : memref<80x144xf32, #tpu.memory_space<vmem>>)
      %mul3A_95 = arith.constant 80 : i32
      %mul3A_96 = arith.muli %mul3A_66, %mul3A_95 : i32
      %add3A_97 = arith.addi %mul3A_2, %mul3A_96 : i32
      %dma_start3A_98 = arith.constant 0 : i32
      %dma_start3A_99 = tpu.memref_slice %arg6[%add3A_97, %dma_start3A_98] : memref<320000x144xf32, #tpu.memory_space<hbm>> -> memref<80x144xf32, #tpu.memory_space<hbm>>
      %dma_start3A_100 = arith.constant 0 : i32
      %dma_start3A_101 = tpu.memref_slice %arg6[%add3A_97, %dma_start3A_100] : memref<320000x144xf32, #tpu.memory_space<hbm>> -> memref<80x144xf32, #tpu.memory_space<hbm>>
      tpu.enqueue_dma source(%arg10 : memref<80x144xf32, #tpu.memory_space<vmem>>) target(%dma_start3A_101 : memref<80x144xf32, #tpu.memory_space<hbm>>) target_semaphore(%arg18 : memref<!tpu.dma_semaphore, #tpu.memory_space<semaphore_mem>>)
      %dma_start3A_102 = arith.constant 0 : i32
      %dma_start3A_103 = tpu.memref_slice %arg7[%add3A_97, %dma_start3A_102] : memref<320000x144xf32, #tpu.memory_space<hbm>> -> memref<80x144xf32, #tpu.memory_space<hbm>>
      %dma_start3A_104 = arith.constant 0 : i32
      %dma_start3A_105 = tpu.memref_slice %arg7[%add3A_97, %dma_start3A_104] : memref<320000x144xf32, #tpu.memory_space<hbm>> -> memref<80x144xf32, #tpu.memory_space<hbm>>
      tpu.enqueue_dma source(%arg11 : memref<80x144xf32, #tpu.memory_space<vmem>>) target(%dma_start3A_105 : memref<80x144xf32, #tpu.memory_space<hbm>>) target_semaphore(%arg18 : memref<!tpu.dma_semaphore, #tpu.memory_space<semaphore_mem>>)
      %mul3A_106 = arith.constant 80 : i32
      %mul3A_107 = arith.muli %mul3A_66, %mul3A_106 : i32
      %add3A_108 = arith.addi %mul3A_2, %mul3A_107 : i32
      %dma_wait3A_109 = arith.constant 0 : i32
      %dma_wait3A_110 = tpu.memref_slice %arg6[%add3A_108, %dma_wait3A_109] : memref<320000x144xf32, #tpu.memory_space<hbm>> -> memref<80x144xf32, #tpu.memory_space<hbm>>
      %dma_wait3A_111 = arith.constant 0 : i32
      %dma_wait3A_112 = tpu.memref_slice %arg6[%add3A_108, %dma_wait3A_111] : memref<320000x144xf32, #tpu.memory_space<hbm>> -> memref<80x144xf32, #tpu.memory_space<hbm>>
      tpu.wait_dma2 semaphore(%arg18 : memref<!tpu.dma_semaphore, #tpu.memory_space<semaphore_mem>>) src(%arg10 : memref<80x144xf32, #tpu.memory_space<vmem>>) dst(%dma_wait3A_112 : memref<80x144xf32, #tpu.memory_space<hbm>>)
      %dma_wait3A_113 = arith.constant 0 : i32
      %dma_wait3A_114 = tpu.memref_slice %arg7[%add3A_108, %dma_wait3A_113] : memref<320000x144xf32, #tpu.memory_space<hbm>> -> memref<80x144xf32, #tpu.memory_space<hbm>>
      %dma_wait3A_115 = arith.constant 0 : i32
      %dma_wait3A_116 = tpu.memref_slice %arg7[%add3A_108, %dma_wait3A_115] : memref<320000x144xf32, #tpu.memory_space<hbm>> -> memref<80x144xf32, #tpu.memory_space<hbm>>
      tpu.wait_dma2 semaphore(%arg18 : memref<!tpu.dma_semaphore, #tpu.memory_space<semaphore_mem>>) src(%arg11 : memref<80x144xf32, #tpu.memory_space<vmem>>) dst(%dma_wait3A_116 : memref<80x144xf32, #tpu.memory_space<hbm>>)
      %add3A_117 = arith.constant 2 : i32
      %add3A_118 = arith.addi %mul3A_66, %add3A_117 : i32
      %lt3A = arith.constant 125 : i32
      %lt3A_119 = arith.cmpi slt, %add3A_118, %lt3A : i32
      %convert_element_type3A_120 = arith.extui %lt3A_119 : i1 to i32
      %cond3A_121 = arith.constant 0 : i32
      %cond3A_122 = arith.cmpi ne, %convert_element_type3A_120, %cond3A_121 : i32
      scf.if %cond3A_122 {
        %add3A_150 = arith.constant 2 : i32
        %add3A_151 = arith.addi %mul3A_66, %add3A_150 : i32
        %dma_start3A_152 = arith.constant 0 : i32
        %dma_start3A_153 = tpu.memref_slice %arg8[%add3A_151, %dma_start3A_152] : memref<125x80xi32, #tpu.memory_space<vmem>> -> memref<1x80xi32, #tpu.memory_space<vmem>>
        %dma_start3A_154 = tpu.memref_squeeze %dma_start3A_153 : memref<1x80xi32, #tpu.memory_space<vmem>> -> memref<80xi32, #tpu.memory_space<vmem>>
        %dma_start3A_155 = arith.constant 0 : i32
        %dma_start3A_156 = arith.constant 0 : i32
        %dma_start3A_157 = tpu.memref_slice %arg4[%dma_start3A_155, %dma_start3A_156] : memref<10000x144xf32, #tpu.memory_space<hbm>> -> memref<10000x144xf32, #tpu.memory_space<hbm>>
        tpu.enqueue_indirect_dma source(%dma_start3A_157 : memref<10000x144xf32, #tpu.memory_space<hbm>>) target(%arg10 : memref<80x144xf32, #tpu.memory_space<vmem>>) offsets(%dma_start3A_154 : memref<80xi32, #tpu.memory_space<vmem>>) semaphore(%arg14 : memref<!tpu.dma_semaphore, #tpu.memory_space<semaphore_mem>>)
        %dma_start3A_158 = arith.constant 0 : i32
        %dma_start3A_159 = tpu.memref_slice %arg9[%add3A_151, %dma_start3A_158] : memref<125x80xi32, #tpu.memory_space<vmem>> -> memref<1x80xi32, #tpu.memory_space<vmem>>
        %dma_start3A_160 = tpu.memref_squeeze %dma_start3A_159 : memref<1x80xi32, #tpu.memory_space<vmem>> -> memref<80xi32, #tpu.memory_space<vmem>>
        %dma_start3A_161 = arith.constant 0 : i32
        %dma_start3A_162 = arith.constant 0 : i32
        %dma_start3A_163 = tpu.memref_slice %arg5[%dma_start3A_161, %dma_start3A_162] : memref<10000x144xf32, #tpu.memory_space<hbm>> -> memref<10000x144xf32, #tpu.memory_space<hbm>>
        tpu.enqueue_indirect_dma source(%dma_start3A_163 : memref<10000x144xf32, #tpu.memory_space<hbm>>) target(%arg11 : memref<80x144xf32, #tpu.memory_space<vmem>>) offsets(%dma_start3A_160 : memref<80xi32, #tpu.memory_space<vmem>>) semaphore(%arg15 : memref<!tpu.dma_semaphore, #tpu.memory_space<semaphore_mem>>)
      } else {
      }
      %add3A_123 = arith.constant 1 : i32
      %add3A_124 = arith.addi %mul3A_66, %add3A_123 : i32
      %dma_wait3A_125 = arith.constant 0 : i32
      %dma_wait3A_126 = tpu.memref_slice %arg8[%add3A_124, %dma_wait3A_125] : memref<125x80xi32, #tpu.memory_space<vmem>> -> memref<1x80xi32, #tpu.memory_space<vmem>>
      %dma_wait3A_127 = tpu.memref_squeeze %dma_wait3A_126 : memref<1x80xi32, #tpu.memory_space<vmem>> -> memref<80xi32, #tpu.memory_space<vmem>>
      %dma_wait3A_128 = arith.constant 0 : i32
      %dma_wait3A_129 = arith.constant 0 : i32
      %dma_wait3A_130 = tpu.memref_slice %arg4[%dma_wait3A_128, %dma_wait3A_129] : memref<10000x144xf32, #tpu.memory_space<hbm>> -> memref<10000x144xf32, #tpu.memory_space<hbm>>
      tpu.wait_indirect_dma semaphore(%arg16 : memref<!tpu.dma_semaphore, #tpu.memory_space<semaphore_mem>>) src(%dma_wait3A_130 : memref<10000x144xf32, #tpu.memory_space<hbm>>) dst(%arg12 : memref<80x144xf32, #tpu.memory_space<vmem>>)
      %dma_wait3A_131 = arith.constant 0 : i32
      %dma_wait3A_132 = tpu.memref_slice %arg9[%add3A_124, %dma_wait3A_131] : memref<125x80xi32, #tpu.memory_space<vmem>> -> memref<1x80xi32, #tpu.memory_space<vmem>>
      %dma_wait3A_133 = tpu.memref_squeeze %dma_wait3A_132 : memref<1x80xi32, #tpu.memory_space<vmem>> -> memref<80xi32, #tpu.memory_space<vmem>>
      %dma_wait3A_134 = arith.constant 0 : i32
      %dma_wait3A_135 = arith.constant 0 : i32
      %dma_wait3A_136 = tpu.memref_slice %arg5[%dma_wait3A_134, %dma_wait3A_135] : memref<10000x144xf32, #tpu.memory_space<hbm>> -> memref<10000x144xf32, #tpu.memory_space<hbm>>
      tpu.wait_indirect_dma semaphore(%arg17 : memref<!tpu.dma_semaphore, #tpu.memory_space<semaphore_mem>>) src(%dma_wait3A_136 : memref<10000x144xf32, #tpu.memory_space<hbm>>) dst(%arg13 : memref<80x144xf32, #tpu.memory_space<vmem>>)
      %add3A_137 = arith.constant 1 : i32
      %add3A_138 = arith.addi %mul3A_66, %add3A_137 : i32
      %mul3A_139 = arith.constant 80 : i32
      %mul3A_140 = arith.muli %add3A_138, %mul3A_139 : i32
      %add3A_141 = arith.addi %mul3A_2, %mul3A_140 : i32
      %dma_start3A_142 = arith.constant 0 : i32
      %dma_start3A_143 = tpu.memref_slice %arg6[%add3A_141, %dma_start3A_142] : memref<320000x144xf32, #tpu.memory_space<hbm>> -> memref<80x144xf32, #tpu.memory_space<hbm>>
      %dma_start3A_144 = arith.constant 0 : i32
      %dma_start3A_145 = tpu.memref_slice %arg6[%add3A_141, %dma_start3A_144] : memref<320000x144xf32, #tpu.memory_space<hbm>> -> memref<80x144xf32, #tpu.memory_space<hbm>>
      tpu.enqueue_dma source(%arg12 : memref<80x144xf32, #tpu.memory_space<vmem>>) target(%dma_start3A_145 : memref<80x144xf32, #tpu.memory_space<hbm>>) target_semaphore(%arg19 : memref<!tpu.dma_semaphore, #tpu.memory_space<semaphore_mem>>)
      %dma_start3A_146 = arith.constant 0 : i32
      %dma_start3A_147 = tpu.memref_slice %arg7[%add3A_141, %dma_start3A_146] : memref<320000x144xf32, #tpu.memory_space<hbm>> -> memref<80x144xf32, #tpu.memory_space<hbm>>
      %dma_start3A_148 = arith.constant 0 : i32
      %dma_start3A_149 = tpu.memref_slice %arg7[%add3A_141, %dma_start3A_148] : memref<320000x144xf32, #tpu.memory_space<hbm>> -> memref<80x144xf32, #tpu.memory_space<hbm>>
      tpu.enqueue_dma source(%arg13 : memref<80x144xf32, #tpu.memory_space<vmem>>) target(%dma_start3A_149 : memref<80x144xf32, #tpu.memory_space<hbm>>) target_semaphore(%arg19 : memref<!tpu.dma_semaphore, #tpu.memory_space<semaphore_mem>>)
    }
    %scan3A_20 = arith.constant 62 : i32
    %add3A_21 = arith.constant 9840 : i32
    %add3A_22 = arith.addi %mul3A_2, %add3A_21 : i32
    %dma_wait3A = arith.constant 0 : i32
    %dma_wait3A_23 = tpu.memref_slice %arg6[%add3A_22, %dma_wait3A] : memref<320000x144xf32, #tpu.memory_space<hbm>> -> memref<80x144xf32, #tpu.memory_space<hbm>>
    %dma_wait3A_24 = arith.constant 0 : i32
    %dma_wait3A_25 = tpu.memref_slice %arg6[%add3A_22, %dma_wait3A_24] : memref<320000x144xf32, #tpu.memory_space<hbm>> -> memref<80x144xf32, #tpu.memory_space<hbm>>
    tpu.wait_dma2 semaphore(%arg19 : memref<!tpu.dma_semaphore, #tpu.memory_space<semaphore_mem>>) src(%arg12 : memref<80x144xf32, #tpu.memory_space<vmem>>) dst(%dma_wait3A_25 : memref<80x144xf32, #tpu.memory_space<hbm>>)
    %dma_wait3A_26 = arith.constant 0 : i32
    %dma_wait3A_27 = tpu.memref_slice %arg7[%add3A_22, %dma_wait3A_26] : memref<320000x144xf32, #tpu.memory_space<hbm>> -> memref<80x144xf32, #tpu.memory_space<hbm>>
    %dma_wait3A_28 = arith.constant 0 : i32
    %dma_wait3A_29 = tpu.memref_slice %arg7[%add3A_22, %dma_wait3A_28] : memref<320000x144xf32, #tpu.memory_space<hbm>> -> memref<80x144xf32, #tpu.memory_space<hbm>>
    tpu.wait_dma2 semaphore(%arg19 : memref<!tpu.dma_semaphore, #tpu.memory_space<semaphore_mem>>) src(%arg13 : memref<80x144xf32, #tpu.memory_space<vmem>>) dst(%dma_wait3A_29 : memref<80x144xf32, #tpu.memory_space<hbm>>)
    %dma_wait3A_30 = arith.constant 124 : i32
    %dma_wait3A_31 = arith.constant 0 : i32
    %dma_wait3A_32 = tpu.memref_slice %arg8[%dma_wait3A_30, %dma_wait3A_31] : memref<125x80xi32, #tpu.memory_space<vmem>> -> memref<1x80xi32, #tpu.memory_space<vmem>>
    %dma_wait3A_33 = tpu.memref_squeeze %dma_wait3A_32 : memref<1x80xi32, #tpu.memory_space<vmem>> -> memref<80xi32, #tpu.memory_space<vmem>>
    %dma_wait3A_34 = arith.constant 0 : i32
    %dma_wait3A_35 = arith.constant 0 : i32
    %dma_wait3A_36 = tpu.memref_slice %arg4[%dma_wait3A_34, %dma_wait3A_35] : memref<10000x144xf32, #tpu.memory_space<hbm>> -> memref<10000x144xf32, #tpu.memory_space<hbm>>
    tpu.wait_indirect_dma semaphore(%arg14 : memref<!tpu.dma_semaphore, #tpu.memory_space<semaphore_mem>>) src(%dma_wait3A_36 : memref<10000x144xf32, #tpu.memory_space<hbm>>) dst(%arg10 : memref<80x144xf32, #tpu.memory_space<vmem>>)
    %dma_wait3A_37 = arith.constant 124 : i32
    %dma_wait3A_38 = arith.constant 0 : i32
    %dma_wait3A_39 = tpu.memref_slice %arg9[%dma_wait3A_37, %dma_wait3A_38] : memref<125x80xi32, #tpu.memory_space<vmem>> -> memref<1x80xi32, #tpu.memory_space<vmem>>
    %dma_wait3A_40 = tpu.memref_squeeze %dma_wait3A_39 : memref<1x80xi32, #tpu.memory_space<vmem>> -> memref<80xi32, #tpu.memory_space<vmem>>
    %dma_wait3A_41 = arith.constant 0 : i32
    %dma_wait3A_42 = arith.constant 0 : i32
    %dma_wait3A_43 = tpu.memref_slice %arg5[%dma_wait3A_41, %dma_wait3A_42] : memref<10000x144xf32, #tpu.memory_space<hbm>> -> memref<10000x144xf32, #tpu.memory_space<hbm>>
    tpu.wait_indirect_dma semaphore(%arg15 : memref<!tpu.dma_semaphore, #tpu.memory_space<semaphore_mem>>) src(%dma_wait3A_43 : memref<10000x144xf32, #tpu.memory_space<hbm>>) dst(%arg11 : memref<80x144xf32, #tpu.memory_space<vmem>>)
    %add3A_44 = arith.constant 9920 : i32
    %add3A_45 = arith.addi %mul3A_2, %add3A_44 : i32
    %dma_start3A_46 = arith.constant 0 : i32
    %dma_start3A_47 = tpu.memref_slice %arg6[%add3A_45, %dma_start3A_46] : memref<320000x144xf32, #tpu.memory_space<hbm>> -> memref<80x144xf32, #tpu.memory_space<hbm>>
    %dma_start3A_48 = arith.constant 0 : i32
    %dma_start3A_49 = tpu.memref_slice %arg6[%add3A_45, %dma_start3A_48] : memref<320000x144xf32, #tpu.memory_space<hbm>> -> memref<80x144xf32, #tpu.memory_space<hbm>>
    tpu.enqueue_dma source(%arg10 : memref<80x144xf32, #tpu.memory_space<vmem>>) target(%dma_start3A_49 : memref<80x144xf32, #tpu.memory_space<hbm>>) target_semaphore(%arg18 : memref<!tpu.dma_semaphore, #tpu.memory_space<semaphore_mem>>)
    %dma_start3A_50 = arith.constant 0 : i32
    %dma_start3A_51 = tpu.memref_slice %arg7[%add3A_45, %dma_start3A_50] : memref<320000x144xf32, #tpu.memory_space<hbm>> -> memref<80x144xf32, #tpu.memory_space<hbm>>
    %dma_start3A_52 = arith.constant 0 : i32
    %dma_start3A_53 = tpu.memref_slice %arg7[%add3A_45, %dma_start3A_52] : memref<320000x144xf32, #tpu.memory_space<hbm>> -> memref<80x144xf32, #tpu.memory_space<hbm>>
    tpu.enqueue_dma source(%arg11 : memref<80x144xf32, #tpu.memory_space<vmem>>) target(%dma_start3A_53 : memref<80x144xf32, #tpu.memory_space<hbm>>) target_semaphore(%arg18 : memref<!tpu.dma_semaphore, #tpu.memory_space<semaphore_mem>>)
    %add3A_54 = arith.constant 9920 : i32
    %add3A_55 = arith.addi %mul3A_2, %add3A_54 : i32
    %dma_wait3A_56 = arith.constant 0 : i32
    %dma_wait3A_57 = tpu.memref_slice %arg6[%add3A_55, %dma_wait3A_56] : memref<320000x144xf32, #tpu.memory_space<hbm>> -> memref<80x144xf32, #tpu.memory_space<hbm>>
    %dma_wait3A_58 = arith.constant 0 : i32
    %dma_wait3A_59 = tpu.memref_slice %arg6[%add3A_55, %dma_wait3A_58] : memref<320000x144xf32, #tpu.memory_space<hbm>> -> memref<80x144xf32, #tpu.memory_space<hbm>>
    tpu.wait_dma2 semaphore(%arg18 : memref<!tpu.dma_semaphore, #tpu.memory_space<semaphore_mem>>) src(%arg10 : memref<80x144xf32, #tpu.memory_space<vmem>>) dst(%dma_wait3A_59 : memref<80x144xf32, #tpu.memory_space<hbm>>)
    %dma_wait3A_60 = arith.constant 0 : i32
    %dma_wait3A_61 = tpu.memref_slice %arg7[%add3A_55, %dma_wait3A_60] : memref<320000x144xf32, #tpu.memory_space<hbm>> -> memref<80x144xf32, #tpu.memory_space<hbm>>
    %dma_wait3A_62 = arith.constant 0 : i32
    %dma_wait3A_63 = tpu.memref_slice %arg7[%add3A_55, %dma_wait3A_62] : memref<320000x144xf32, #tpu.memory_space<hbm>> -> memref<80x144xf32, #tpu.memory_space<hbm>>
    tpu.wait_dma2 semaphore(%arg18 : memref<!tpu.dma_semaphore, #tpu.memory_space<semaphore_mem>>) src(%arg11 : memref<80x144xf32, #tpu.memory_space<vmem>>) dst(%dma_wait3A_63 : memref<80x144xf32, #tpu.memory_space<hbm>>)
    return
  }
}

#map = affine_map<(d0, d1) -> (0, 0, 0)>
#map1 = affine_map<(d0, d1) -> (0, 0)>
module attributes {stable_mosaic.version = 14 : i64} {
  func.func @_sc_scatter(%arg0: i32, %arg1: i32, %arg2: memref<32x125x80xi32, #tpu.memory_space<hbm>>, %arg3: memref<320000x128xf32, #tpu.memory_space<hbm>>, %arg4: memref<320000x16xf32, #tpu.memory_space<hbm>>, %arg5: memref<10000x128xf32, #tpu.memory_space<hbm>>, %arg6: memref<10000x16xf32, #tpu.memory_space<hbm>>, %arg7: memref<20000x128xf32, #tpu.memory_space<hbm>>, %arg8: memref<20000x16xf32, #tpu.memory_space<hbm>>, %arg9: memref<125x80xi32, #tpu.memory_space<vmem>>, %arg10: memref<80x128xf32, #tpu.memory_space<vmem>>, %arg11: memref<80x128xf32, #tpu.memory_space<vmem>>, %arg12: memref<80x16xf32, #tpu.memory_space<vmem>>, %arg13: memref<80x16xf32, #tpu.memory_space<vmem>>, %arg14: memref<10000x128xf32, #tpu.memory_space<vmem_shared>>, %arg15: memref<10000x16xf32, #tpu.memory_space<vmem_shared>>, %arg16: memref<!tpu.dma_semaphore, #tpu.memory_space<semaphore_mem>>, %arg17: memref<!tpu.dma_semaphore, #tpu.memory_space<semaphore_mem>>, %arg18: memref<!tpu.dma_semaphore, #tpu.memory_space<semaphore_mem>>, %arg19: memref<!tpu.dma_semaphore, #tpu.memory_space<semaphore_mem>>) attributes {dimension_semantics = [#tpu.dimension_semantics<core_parallel>, #tpu.dimension_semantics<subcore_parallel>], iteration_bounds = array<i64: 2, 16>, scalar_prefetch = 0 : i64, scratch_operands = 11 : i64, tpu.core_type = #tpu.core_type<sc_vector_subcore>, window_params = [{transform_indices = #map}, {transform_indices = #map1}, {transform_indices = #map1}, {transform_indices = #map1}, {transform_indices = #map1}, {transform_indices = #map1}, {transform_indices = #map1}]} {
    %mul3A = arith.constant 2 : i32
    %mul3A_0 = arith.muli %arg1, %mul3A : i32
    %add3A = arith.addi %mul3A_0, %arg0 : i32
    %mul3A_1 = arith.constant 625 : i32
    %mul3A_2 = arith.muli %arg1, %mul3A_1 : i32
    %mul3A_3 = arith.constant 625 : i32
    %mul3A_4 = arith.muli %arg1, %mul3A_3 : i32
    "tpu.region"() ({
      %run_scoped3A = tpu.sem_alloc : memref<!tpu.dma_semaphore, #tpu.memory_space<semaphore_mem>>
      %dma_start3A_91 = arith.constant 0 : i32
      %dma_start3A_92 = tpu.memref_slice %arg14[%mul3A_4, %dma_start3A_91] : memref<10000x128xf32, #tpu.memory_space<vmem_shared>> -> memref<625x128xf32, #tpu.memory_space<vmem_shared>>
      %dma_start3A_93 = arith.constant 0 : i32
      %dma_start3A_94 = tpu.memref_slice %arg5[%mul3A_2, %dma_start3A_93] : memref<10000x128xf32, #tpu.memory_space<hbm>> -> memref<625x128xf32, #tpu.memory_space<hbm>>
      tpu.enqueue_dma source(%dma_start3A_94 : memref<625x128xf32, #tpu.memory_space<hbm>>) target(%dma_start3A_92 : memref<625x128xf32, #tpu.memory_space<vmem_shared>>) target_semaphore(%run_scoped3A : memref<!tpu.dma_semaphore, #tpu.memory_space<semaphore_mem>>)
      %dma_wait3A_95 = arith.constant 0 : i32
      %dma_wait3A_96 = tpu.memref_slice %arg14[%mul3A_4, %dma_wait3A_95] : memref<10000x128xf32, #tpu.memory_space<vmem_shared>> -> memref<625x128xf32, #tpu.memory_space<vmem_shared>>
      %dma_wait3A_97 = arith.constant 0 : i32
      %dma_wait3A_98 = tpu.memref_slice %arg5[%mul3A_2, %dma_wait3A_97] : memref<10000x128xf32, #tpu.memory_space<hbm>> -> memref<625x128xf32, #tpu.memory_space<hbm>>
      tpu.wait_dma2 semaphore(%run_scoped3A : memref<!tpu.dma_semaphore, #tpu.memory_space<semaphore_mem>>) src(%dma_wait3A_98 : memref<625x128xf32, #tpu.memory_space<hbm>>) dst(%dma_wait3A_96 : memref<625x128xf32, #tpu.memory_space<vmem_shared>>)
      tpu.yield
    }) : () -> ()
    %mul3A_5 = arith.constant 625 : i32
    %mul3A_6 = arith.muli %arg1, %mul3A_5 : i32
    %mul3A_7 = arith.constant 625 : i32
    %mul3A_8 = arith.muli %arg1, %mul3A_7 : i32
    "tpu.region"() ({
      %run_scoped3A = tpu.sem_alloc : memref<!tpu.dma_semaphore, #tpu.memory_space<semaphore_mem>>
      %dma_start3A_91 = arith.constant 0 : i32
      %dma_start3A_92 = tpu.memref_slice %arg15[%mul3A_8, %dma_start3A_91] : memref<10000x16xf32, #tpu.memory_space<vmem_shared>> -> memref<625x16xf32, #tpu.memory_space<vmem_shared>>
      %dma_start3A_93 = arith.constant 0 : i32
      %dma_start3A_94 = tpu.memref_slice %arg6[%mul3A_6, %dma_start3A_93] : memref<10000x16xf32, #tpu.memory_space<hbm>> -> memref<625x16xf32, #tpu.memory_space<hbm>>
      tpu.enqueue_dma source(%dma_start3A_94 : memref<625x16xf32, #tpu.memory_space<hbm>>) target(%dma_start3A_92 : memref<625x16xf32, #tpu.memory_space<vmem_shared>>) target_semaphore(%run_scoped3A : memref<!tpu.dma_semaphore, #tpu.memory_space<semaphore_mem>>)
      %dma_wait3A_95 = arith.constant 0 : i32
      %dma_wait3A_96 = tpu.memref_slice %arg15[%mul3A_8, %dma_wait3A_95] : memref<10000x16xf32, #tpu.memory_space<vmem_shared>> -> memref<625x16xf32, #tpu.memory_space<vmem_shared>>
      %dma_wait3A_97 = arith.constant 0 : i32
      %dma_wait3A_98 = tpu.memref_slice %arg6[%mul3A_6, %dma_wait3A_97] : memref<10000x16xf32, #tpu.memory_space<hbm>> -> memref<625x16xf32, #tpu.memory_space<hbm>>
      tpu.wait_dma2 semaphore(%run_scoped3A : memref<!tpu.dma_semaphore, #tpu.memory_space<semaphore_mem>>) src(%dma_wait3A_98 : memref<625x16xf32, #tpu.memory_space<hbm>>) dst(%dma_wait3A_96 : memref<625x16xf32, #tpu.memory_space<vmem_shared>>)
      tpu.yield
    }) : () -> ()
    "tpu.region"() ({
      %run_scoped3A = tpu.sem_alloc : memref<!tpu.dma_semaphore, #tpu.memory_space<semaphore_mem>>
      %dma_start3A_91 = arith.constant 0 : i32
      %dma_start3A_92 = arith.constant 0 : i32
      %dma_start3A_93 = tpu.memref_slice %arg2[%add3A, %dma_start3A_91, %dma_start3A_92] : memref<32x125x80xi32, #tpu.memory_space<hbm>> -> memref<1x125x80xi32, #tpu.memory_space<hbm>>
      %dma_start3A_94 = tpu.memref_squeeze %dma_start3A_93 : memref<1x125x80xi32, #tpu.memory_space<hbm>> -> memref<125x80xi32, #tpu.memory_space<hbm>>
      %dma_start3A_95 = arith.constant 0 : i32
      %dma_start3A_96 = arith.constant 0 : i32
      %dma_start3A_97 = tpu.memref_slice %arg2[%add3A, %dma_start3A_95, %dma_start3A_96] : memref<32x125x80xi32, #tpu.memory_space<hbm>> -> memref<1x125x80xi32, #tpu.memory_space<hbm>>
      %dma_start3A_98 = tpu.memref_squeeze %dma_start3A_97 : memref<1x125x80xi32, #tpu.memory_space<hbm>> -> memref<125x80xi32, #tpu.memory_space<hbm>>
      tpu.enqueue_dma source(%dma_start3A_98 : memref<125x80xi32, #tpu.memory_space<hbm>>) target(%arg9 : memref<125x80xi32, #tpu.memory_space<vmem>>) target_semaphore(%run_scoped3A : memref<!tpu.dma_semaphore, #tpu.memory_space<semaphore_mem>>)
      %dma_wait3A_99 = arith.constant 0 : i32
      %dma_wait3A_100 = arith.constant 0 : i32
      %dma_wait3A_101 = tpu.memref_slice %arg2[%add3A, %dma_wait3A_99, %dma_wait3A_100] : memref<32x125x80xi32, #tpu.memory_space<hbm>> -> memref<1x125x80xi32, #tpu.memory_space<hbm>>
      %dma_wait3A_102 = tpu.memref_squeeze %dma_wait3A_101 : memref<1x125x80xi32, #tpu.memory_space<hbm>> -> memref<125x80xi32, #tpu.memory_space<hbm>>
      %dma_wait3A_103 = arith.constant 0 : i32
      %dma_wait3A_104 = arith.constant 0 : i32
      %dma_wait3A_105 = tpu.memref_slice %arg2[%add3A, %dma_wait3A_103, %dma_wait3A_104] : memref<32x125x80xi32, #tpu.memory_space<hbm>> -> memref<1x125x80xi32, #tpu.memory_space<hbm>>
      %dma_wait3A_106 = tpu.memref_squeeze %dma_wait3A_105 : memref<1x125x80xi32, #tpu.memory_space<hbm>> -> memref<125x80xi32, #tpu.memory_space<hbm>>
      tpu.wait_dma2 semaphore(%run_scoped3A : memref<!tpu.dma_semaphore, #tpu.memory_space<semaphore_mem>>) src(%dma_wait3A_106 : memref<125x80xi32, #tpu.memory_space<hbm>>) dst(%arg9 : memref<125x80xi32, #tpu.memory_space<vmem>>)
      tpu.yield
    }) : () -> ()
    %barrier3A = arith.constant 0 : index
    tpu.barrier barrier_id(%barrier3A)
    %mul3A_9 = arith.constant 10000 : i32
    %mul3A_10 = arith.muli %add3A, %mul3A_9 : i32
    %add3A_11 = arith.constant 0 : i32
    %add3A_12 = arith.addi %mul3A_10, %add3A_11 : i32
    %dma_start3A = arith.constant 0 : i32
    %dma_start3A_13 = tpu.memref_slice %arg3[%add3A_12, %dma_start3A] : memref<320000x128xf32, #tpu.memory_space<hbm>> -> memref<80x128xf32, #tpu.memory_space<hbm>>
    %dma_start3A_14 = arith.constant 0 : i32
    %dma_start3A_15 = tpu.memref_slice %arg3[%add3A_12, %dma_start3A_14] : memref<320000x128xf32, #tpu.memory_space<hbm>> -> memref<80x128xf32, #tpu.memory_space<hbm>>
    tpu.enqueue_dma source(%dma_start3A_15 : memref<80x128xf32, #tpu.memory_space<hbm>>) target(%arg10 : memref<80x128xf32, #tpu.memory_space<vmem>>) target_semaphore(%arg16 : memref<!tpu.dma_semaphore, #tpu.memory_space<semaphore_mem>>)
    %dma_start3A_16 = arith.constant 0 : i32
    %dma_start3A_17 = tpu.memref_slice %arg4[%add3A_12, %dma_start3A_16] : memref<320000x16xf32, #tpu.memory_space<hbm>> -> memref<80x16xf32, #tpu.memory_space<hbm>>
    %dma_start3A_18 = arith.constant 0 : i32
    %dma_start3A_19 = tpu.memref_slice %arg4[%add3A_12, %dma_start3A_18] : memref<320000x16xf32, #tpu.memory_space<hbm>> -> memref<80x16xf32, #tpu.memory_space<hbm>>
    tpu.enqueue_dma source(%dma_start3A_19 : memref<80x16xf32, #tpu.memory_space<hbm>>) target(%arg12 : memref<80x16xf32, #tpu.memory_space<vmem>>) target_semaphore(%arg16 : memref<!tpu.dma_semaphore, #tpu.memory_space<semaphore_mem>>)
    %scan3A = arith.constant 0 : i32
    %scan3A_20 = arith.constant 0 : i32
    %scan3A_21 = arith.constant 62 : i32
    %scan3A_22 = arith.addi %scan3A_20, %scan3A_21 : i32
    %scan3A_23 = arith.constant 1 : i32
    scf.for %scan3A_91 = %scan3A_20 to %scan3A_22 step %scan3A_23  : i32 {
      %mul3A_92 = arith.constant 2 : i32
      %mul3A_93 = arith.muli %mul3A_92, %scan3A_91 : i32
      %gt3A = arith.constant 0 : i32
      %gt3A_94 = arith.cmpi sgt, %scan3A_91, %gt3A : i32
      %convert_element_type3A = arith.extui %gt3A_94 : i1 to i32
      %cond3A = arith.constant 0 : i32
      %cond3A_95 = arith.cmpi ne, %convert_element_type3A, %cond3A : i32
      scf.if %cond3A_95 {
        %sub3A = arith.constant 1 : i32
        %sub3A_177 = arith.subi %mul3A_93, %sub3A : i32
        %dma_wait3A_178 = arith.constant 0 : i32
        %dma_wait3A_179 = tpu.memref_slice %arg9[%sub3A_177, %dma_wait3A_178] : memref<125x80xi32, #tpu.memory_space<vmem>> -> memref<1x80xi32, #tpu.memory_space<vmem>>
        %dma_wait3A_180 = tpu.memref_squeeze %dma_wait3A_179 : memref<1x80xi32, #tpu.memory_space<vmem>> -> memref<80xi32, #tpu.memory_space<vmem>>
        %dma_wait3A_181 = arith.constant 0 : i32
        %dma_wait3A_182 = arith.constant 0 : i32
        %dma_wait3A_183 = tpu.memref_slice %arg14[%dma_wait3A_181, %dma_wait3A_182] : memref<10000x128xf32, #tpu.memory_space<vmem_shared>> -> memref<10000x128xf32, #tpu.memory_space<vmem_shared>>
        tpu.wait_indirect_dma semaphore(%arg19 : memref<!tpu.dma_semaphore, #tpu.memory_space<semaphore_mem>>) src(%arg11 : memref<80x128xf32, #tpu.memory_space<vmem>>) dst(%dma_wait3A_183 : memref<10000x128xf32, #tpu.memory_space<vmem_shared>>)
        %dma_wait3A_184 = arith.constant 0 : i32
        %dma_wait3A_185 = tpu.memref_slice %arg9[%sub3A_177, %dma_wait3A_184] : memref<125x80xi32, #tpu.memory_space<vmem>> -> memref<1x80xi32, #tpu.memory_space<vmem>>
        %dma_wait3A_186 = tpu.memref_squeeze %dma_wait3A_185 : memref<1x80xi32, #tpu.memory_space<vmem>> -> memref<80xi32, #tpu.memory_space<vmem>>
        %dma_wait3A_187 = arith.constant 0 : i32
        %dma_wait3A_188 = arith.constant 0 : i32
        %dma_wait3A_189 = tpu.memref_slice %arg15[%dma_wait3A_187, %dma_wait3A_188] : memref<10000x16xf32, #tpu.memory_space<vmem_shared>> -> memref<10000x16xf32, #tpu.memory_space<vmem_shared>>
        tpu.wait_indirect_dma semaphore(%arg19 : memref<!tpu.dma_semaphore, #tpu.memory_space<semaphore_mem>>) src(%arg13 : memref<80x16xf32, #tpu.memory_space<vmem>>) dst(%dma_wait3A_189 : memref<10000x16xf32, #tpu.memory_space<vmem_shared>>)
      } else {
      }
      %add3A_96 = arith.constant 1 : i32
      %add3A_97 = arith.addi %mul3A_93, %add3A_96 : i32
      %mul3A_98 = arith.constant 80 : i32
      %mul3A_99 = arith.muli %add3A_97, %mul3A_98 : i32
      %add3A_100 = arith.addi %mul3A_10, %mul3A_99 : i32
      %dma_start3A_101 = arith.constant 0 : i32
      %dma_start3A_102 = tpu.memref_slice %arg3[%add3A_100, %dma_start3A_101] : memref<320000x128xf32, #tpu.memory_space<hbm>> -> memref<80x128xf32, #tpu.memory_space<hbm>>
      %dma_start3A_103 = arith.constant 0 : i32
      %dma_start3A_104 = tpu.memref_slice %arg3[%add3A_100, %dma_start3A_103] : memref<320000x128xf32, #tpu.memory_space<hbm>> -> memref<80x128xf32, #tpu.memory_space<hbm>>
      tpu.enqueue_dma source(%dma_start3A_104 : memref<80x128xf32, #tpu.memory_space<hbm>>) target(%arg11 : memref<80x128xf32, #tpu.memory_space<vmem>>) target_semaphore(%arg17 : memref<!tpu.dma_semaphore, #tpu.memory_space<semaphore_mem>>)
      %dma_start3A_105 = arith.constant 0 : i32
      %dma_start3A_106 = tpu.memref_slice %arg4[%add3A_100, %dma_start3A_105] : memref<320000x16xf32, #tpu.memory_space<hbm>> -> memref<80x16xf32, #tpu.memory_space<hbm>>
      %dma_start3A_107 = arith.constant 0 : i32
      %dma_start3A_108 = tpu.memref_slice %arg4[%add3A_100, %dma_start3A_107] : memref<320000x16xf32, #tpu.memory_space<hbm>> -> memref<80x16xf32, #tpu.memory_space<hbm>>
      tpu.enqueue_dma source(%dma_start3A_108 : memref<80x16xf32, #tpu.memory_space<hbm>>) target(%arg13 : memref<80x16xf32, #tpu.memory_space<vmem>>) target_semaphore(%arg17 : memref<!tpu.dma_semaphore, #tpu.memory_space<semaphore_mem>>)
      %mul3A_109 = arith.constant 80 : i32
      %mul3A_110 = arith.muli %mul3A_93, %mul3A_109 : i32
      %add3A_111 = arith.addi %mul3A_10, %mul3A_110 : i32
      %dma_wait3A_112 = arith.constant 0 : i32
      %dma_wait3A_113 = tpu.memref_slice %arg3[%add3A_111, %dma_wait3A_112] : memref<320000x128xf32, #tpu.memory_space<hbm>> -> memref<80x128xf32, #tpu.memory_space<hbm>>
      %dma_wait3A_114 = arith.constant 0 : i32
      %dma_wait3A_115 = tpu.memref_slice %arg3[%add3A_111, %dma_wait3A_114] : memref<320000x128xf32, #tpu.memory_space<hbm>> -> memref<80x128xf32, #tpu.memory_space<hbm>>
      tpu.wait_dma2 semaphore(%arg16 : memref<!tpu.dma_semaphore, #tpu.memory_space<semaphore_mem>>) src(%dma_wait3A_115 : memref<80x128xf32, #tpu.memory_space<hbm>>) dst(%arg10 : memref<80x128xf32, #tpu.memory_space<vmem>>)
      %dma_wait3A_116 = arith.constant 0 : i32
      %dma_wait3A_117 = tpu.memref_slice %arg4[%add3A_111, %dma_wait3A_116] : memref<320000x16xf32, #tpu.memory_space<hbm>> -> memref<80x16xf32, #tpu.memory_space<hbm>>
      %dma_wait3A_118 = arith.constant 0 : i32
      %dma_wait3A_119 = tpu.memref_slice %arg4[%add3A_111, %dma_wait3A_118] : memref<320000x16xf32, #tpu.memory_space<hbm>> -> memref<80x16xf32, #tpu.memory_space<hbm>>
      tpu.wait_dma2 semaphore(%arg16 : memref<!tpu.dma_semaphore, #tpu.memory_space<semaphore_mem>>) src(%dma_wait3A_119 : memref<80x16xf32, #tpu.memory_space<hbm>>) dst(%arg12 : memref<80x16xf32, #tpu.memory_space<vmem>>)
      %dma_start3A_120 = arith.constant 0 : i32
      %dma_start3A_121 = tpu.memref_slice %arg9[%mul3A_93, %dma_start3A_120] : memref<125x80xi32, #tpu.memory_space<vmem>> -> memref<1x80xi32, #tpu.memory_space<vmem>>
      %dma_start3A_122 = tpu.memref_squeeze %dma_start3A_121 : memref<1x80xi32, #tpu.memory_space<vmem>> -> memref<80xi32, #tpu.memory_space<vmem>>
      %dma_start3A_123 = arith.constant 0 : i32
      %dma_start3A_124 = arith.constant 0 : i32
      %dma_start3A_125 = tpu.memref_slice %arg14[%dma_start3A_123, %dma_start3A_124] : memref<10000x128xf32, #tpu.memory_space<vmem_shared>> -> memref<10000x128xf32, #tpu.memory_space<vmem_shared>>
      tpu.enqueue_indirect_dma source(%arg10 : memref<80x128xf32, #tpu.memory_space<vmem>>) target(%dma_start3A_125 : memref<10000x128xf32, #tpu.memory_space<vmem_shared>>) offsets(%dma_start3A_122 : memref<80xi32, #tpu.memory_space<vmem>>) semaphore(%arg18 : memref<!tpu.dma_semaphore, #tpu.memory_space<semaphore_mem>>) {add = true}
      %dma_start3A_126 = arith.constant 0 : i32
      %dma_start3A_127 = tpu.memref_slice %arg9[%mul3A_93, %dma_start3A_126] : memref<125x80xi32, #tpu.memory_space<vmem>> -> memref<1x80xi32, #tpu.memory_space<vmem>>
      %dma_start3A_128 = tpu.memref_squeeze %dma_start3A_127 : memref<1x80xi32, #tpu.memory_space<vmem>> -> memref<80xi32, #tpu.memory_space<vmem>>
      %dma_start3A_129 = arith.constant 0 : i32
      %dma_start3A_130 = arith.constant 0 : i32
      %dma_start3A_131 = tpu.memref_slice %arg15[%dma_start3A_129, %dma_start3A_130] : memref<10000x16xf32, #tpu.memory_space<vmem_shared>> -> memref<10000x16xf32, #tpu.memory_space<vmem_shared>>
      tpu.enqueue_indirect_dma source(%arg12 : memref<80x16xf32, #tpu.memory_space<vmem>>) target(%dma_start3A_131 : memref<10000x16xf32, #tpu.memory_space<vmem_shared>>) offsets(%dma_start3A_128 : memref<80xi32, #tpu.memory_space<vmem>>) semaphore(%arg18 : memref<!tpu.dma_semaphore, #tpu.memory_space<semaphore_mem>>) {add = true}
      %dma_wait3A_132 = arith.constant 0 : i32
      %dma_wait3A_133 = tpu.memref_slice %arg9[%mul3A_93, %dma_wait3A_132] : memref<125x80xi32, #tpu.memory_space<vmem>> -> memref<1x80xi32, #tpu.memory_space<vmem>>
      %dma_wait3A_134 = tpu.memref_squeeze %dma_wait3A_133 : memref<1x80xi32, #tpu.memory_space<vmem>> -> memref<80xi32, #tpu.memory_space<vmem>>
      %dma_wait3A_135 = arith.constant 0 : i32
      %dma_wait3A_136 = arith.constant 0 : i32
      %dma_wait3A_137 = tpu.memref_slice %arg14[%dma_wait3A_135, %dma_wait3A_136] : memref<10000x128xf32, #tpu.memory_space<vmem_shared>> -> memref<10000x128xf32, #tpu.memory_space<vmem_shared>>
      tpu.wait_indirect_dma semaphore(%arg18 : memref<!tpu.dma_semaphore, #tpu.memory_space<semaphore_mem>>) src(%arg10 : memref<80x128xf32, #tpu.memory_space<vmem>>) dst(%dma_wait3A_137 : memref<10000x128xf32, #tpu.memory_space<vmem_shared>>)
      %dma_wait3A_138 = arith.constant 0 : i32
      %dma_wait3A_139 = tpu.memref_slice %arg9[%mul3A_93, %dma_wait3A_138] : memref<125x80xi32, #tpu.memory_space<vmem>> -> memref<1x80xi32, #tpu.memory_space<vmem>>
      %dma_wait3A_140 = tpu.memref_squeeze %dma_wait3A_139 : memref<1x80xi32, #tpu.memory_space<vmem>> -> memref<80xi32, #tpu.memory_space<vmem>>
      %dma_wait3A_141 = arith.constant 0 : i32
      %dma_wait3A_142 = arith.constant 0 : i32
      %dma_wait3A_143 = tpu.memref_slice %arg15[%dma_wait3A_141, %dma_wait3A_142] : memref<10000x16xf32, #tpu.memory_space<vmem_shared>> -> memref<10000x16xf32, #tpu.memory_space<vmem_shared>>
      tpu.wait_indirect_dma semaphore(%arg18 : memref<!tpu.dma_semaphore, #tpu.memory_space<semaphore_mem>>) src(%arg12 : memref<80x16xf32, #tpu.memory_space<vmem>>) dst(%dma_wait3A_143 : memref<10000x16xf32, #tpu.memory_space<vmem_shared>>)
      %add3A_144 = arith.constant 2 : i32
      %add3A_145 = arith.addi %mul3A_93, %add3A_144 : i32
      %lt3A = arith.constant 125 : i32
      %lt3A_146 = arith.cmpi slt, %add3A_145, %lt3A : i32
      %convert_element_type3A_147 = arith.extui %lt3A_146 : i1 to i32
      %cond3A_148 = arith.constant 0 : i32
      %cond3A_149 = arith.cmpi ne, %convert_element_type3A_147, %cond3A_148 : i32
      scf.if %cond3A_149 {
        %add3A_177 = arith.constant 2 : i32
        %add3A_178 = arith.addi %mul3A_93, %add3A_177 : i32
        %mul3A_179 = arith.constant 80 : i32
        %mul3A_180 = arith.muli %add3A_178, %mul3A_179 : i32
        %add3A_181 = arith.addi %mul3A_10, %mul3A_180 : i32
        %dma_start3A_182 = arith.constant 0 : i32
        %dma_start3A_183 = tpu.memref_slice %arg3[%add3A_181, %dma_start3A_182] : memref<320000x128xf32, #tpu.memory_space<hbm>> -> memref<80x128xf32, #tpu.memory_space<hbm>>
        %dma_start3A_184 = arith.constant 0 : i32
        %dma_start3A_185 = tpu.memref_slice %arg3[%add3A_181, %dma_start3A_184] : memref<320000x128xf32, #tpu.memory_space<hbm>> -> memref<80x128xf32, #tpu.memory_space<hbm>>
        tpu.enqueue_dma source(%dma_start3A_185 : memref<80x128xf32, #tpu.memory_space<hbm>>) target(%arg10 : memref<80x128xf32, #tpu.memory_space<vmem>>) target_semaphore(%arg16 : memref<!tpu.dma_semaphore, #tpu.memory_space<semaphore_mem>>)
        %dma_start3A_186 = arith.constant 0 : i32
        %dma_start3A_187 = tpu.memref_slice %arg4[%add3A_181, %dma_start3A_186] : memref<320000x16xf32, #tpu.memory_space<hbm>> -> memref<80x16xf32, #tpu.memory_space<hbm>>
        %dma_start3A_188 = arith.constant 0 : i32
        %dma_start3A_189 = tpu.memref_slice %arg4[%add3A_181, %dma_start3A_188] : memref<320000x16xf32, #tpu.memory_space<hbm>> -> memref<80x16xf32, #tpu.memory_space<hbm>>
        tpu.enqueue_dma source(%dma_start3A_189 : memref<80x16xf32, #tpu.memory_space<hbm>>) target(%arg12 : memref<80x16xf32, #tpu.memory_space<vmem>>) target_semaphore(%arg16 : memref<!tpu.dma_semaphore, #tpu.memory_space<semaphore_mem>>)
      } else {
      }
      %add3A_150 = arith.constant 1 : i32
      %add3A_151 = arith.addi %mul3A_93, %add3A_150 : i32
      %mul3A_152 = arith.constant 80 : i32
      %mul3A_153 = arith.muli %add3A_151, %mul3A_152 : i32
      %add3A_154 = arith.addi %mul3A_10, %mul3A_153 : i32
      %dma_wait3A_155 = arith.constant 0 : i32
      %dma_wait3A_156 = tpu.memref_slice %arg3[%add3A_154, %dma_wait3A_155] : memref<320000x128xf32, #tpu.memory_space<hbm>> -> memref<80x128xf32, #tpu.memory_space<hbm>>
      %dma_wait3A_157 = arith.constant 0 : i32
      %dma_wait3A_158 = tpu.memref_slice %arg3[%add3A_154, %dma_wait3A_157] : memref<320000x128xf32, #tpu.memory_space<hbm>> -> memref<80x128xf32, #tpu.memory_space<hbm>>
      tpu.wait_dma2 semaphore(%arg17 : memref<!tpu.dma_semaphore, #tpu.memory_space<semaphore_mem>>) src(%dma_wait3A_158 : memref<80x128xf32, #tpu.memory_space<hbm>>) dst(%arg11 : memref<80x128xf32, #tpu.memory_space<vmem>>)
      %dma_wait3A_159 = arith.constant 0 : i32
      %dma_wait3A_160 = tpu.memref_slice %arg4[%add3A_154, %dma_wait3A_159] : memref<320000x16xf32, #tpu.memory_space<hbm>> -> memref<80x16xf32, #tpu.memory_space<hbm>>
      %dma_wait3A_161 = arith.constant 0 : i32
      %dma_wait3A_162 = tpu.memref_slice %arg4[%add3A_154, %dma_wait3A_161] : memref<320000x16xf32, #tpu.memory_space<hbm>> -> memref<80x16xf32, #tpu.memory_space<hbm>>
      tpu.wait_dma2 semaphore(%arg17 : memref<!tpu.dma_semaphore, #tpu.memory_space<semaphore_mem>>) src(%dma_wait3A_162 : memref<80x16xf32, #tpu.memory_space<hbm>>) dst(%arg13 : memref<80x16xf32, #tpu.memory_space<vmem>>)
      %add3A_163 = arith.constant 1 : i32
      %add3A_164 = arith.addi %mul3A_93, %add3A_163 : i32
      %dma_start3A_165 = arith.constant 0 : i32
      %dma_start3A_166 = tpu.memref_slice %arg9[%add3A_164, %dma_start3A_165] : memref<125x80xi32, #tpu.memory_space<vmem>> -> memref<1x80xi32, #tpu.memory_space<vmem>>
      %dma_start3A_167 = tpu.memref_squeeze %dma_start3A_166 : memref<1x80xi32, #tpu.memory_space<vmem>> -> memref<80xi32, #tpu.memory_space<vmem>>
      %dma_start3A_168 = arith.constant 0 : i32
      %dma_start3A_169 = arith.constant 0 : i32
      %dma_start3A_170 = tpu.memref_slice %arg14[%dma_start3A_168, %dma_start3A_169] : memref<10000x128xf32, #tpu.memory_space<vmem_shared>> -> memref<10000x128xf32, #tpu.memory_space<vmem_shared>>
      tpu.enqueue_indirect_dma source(%arg11 : memref<80x128xf32, #tpu.memory_space<vmem>>) target(%dma_start3A_170 : memref<10000x128xf32, #tpu.memory_space<vmem_shared>>) offsets(%dma_start3A_167 : memref<80xi32, #tpu.memory_space<vmem>>) semaphore(%arg19 : memref<!tpu.dma_semaphore, #tpu.memory_space<semaphore_mem>>) {add = true}
      %dma_start3A_171 = arith.constant 0 : i32
      %dma_start3A_172 = tpu.memref_slice %arg9[%add3A_164, %dma_start3A_171] : memref<125x80xi32, #tpu.memory_space<vmem>> -> memref<1x80xi32, #tpu.memory_space<vmem>>
      %dma_start3A_173 = tpu.memref_squeeze %dma_start3A_172 : memref<1x80xi32, #tpu.memory_space<vmem>> -> memref<80xi32, #tpu.memory_space<vmem>>
      %dma_start3A_174 = arith.constant 0 : i32
      %dma_start3A_175 = arith.constant 0 : i32
      %dma_start3A_176 = tpu.memref_slice %arg15[%dma_start3A_174, %dma_start3A_175] : memref<10000x16xf32, #tpu.memory_space<vmem_shared>> -> memref<10000x16xf32, #tpu.memory_space<vmem_shared>>
      tpu.enqueue_indirect_dma source(%arg13 : memref<80x16xf32, #tpu.memory_space<vmem>>) target(%dma_start3A_176 : memref<10000x16xf32, #tpu.memory_space<vmem_shared>>) offsets(%dma_start3A_173 : memref<80xi32, #tpu.memory_space<vmem>>) semaphore(%arg19 : memref<!tpu.dma_semaphore, #tpu.memory_space<semaphore_mem>>) {add = true}
    }
    %scan3A_24 = arith.constant 62 : i32
    %dma_wait3A = arith.constant 123 : i32
    %dma_wait3A_25 = arith.constant 0 : i32
    %dma_wait3A_26 = tpu.memref_slice %arg9[%dma_wait3A, %dma_wait3A_25] : memref<125x80xi32, #tpu.memory_space<vmem>> -> memref<1x80xi32, #tpu.memory_space<vmem>>
    %dma_wait3A_27 = tpu.memref_squeeze %dma_wait3A_26 : memref<1x80xi32, #tpu.memory_space<vmem>> -> memref<80xi32, #tpu.memory_space<vmem>>
    %dma_wait3A_28 = arith.constant 0 : i32
    %dma_wait3A_29 = arith.constant 0 : i32
    %dma_wait3A_30 = tpu.memref_slice %arg14[%dma_wait3A_28, %dma_wait3A_29] : memref<10000x128xf32, #tpu.memory_space<vmem_shared>> -> memref<10000x128xf32, #tpu.memory_space<vmem_shared>>
    tpu.wait_indirect_dma semaphore(%arg19 : memref<!tpu.dma_semaphore, #tpu.memory_space<semaphore_mem>>) src(%arg11 : memref<80x128xf32, #tpu.memory_space<vmem>>) dst(%dma_wait3A_30 : memref<10000x128xf32, #tpu.memory_space<vmem_shared>>)
    %dma_wait3A_31 = arith.constant 123 : i32
    %dma_wait3A_32 = arith.constant 0 : i32
    %dma_wait3A_33 = tpu.memref_slice %arg9[%dma_wait3A_31, %dma_wait3A_32] : memref<125x80xi32, #tpu.memory_space<vmem>> -> memref<1x80xi32, #tpu.memory_space<vmem>>
    %dma_wait3A_34 = tpu.memref_squeeze %dma_wait3A_33 : memref<1x80xi32, #tpu.memory_space<vmem>> -> memref<80xi32, #tpu.memory_space<vmem>>
    %dma_wait3A_35 = arith.constant 0 : i32
    %dma_wait3A_36 = arith.constant 0 : i32
    %dma_wait3A_37 = tpu.memref_slice %arg15[%dma_wait3A_35, %dma_wait3A_36] : memref<10000x16xf32, #tpu.memory_space<vmem_shared>> -> memref<10000x16xf32, #tpu.memory_space<vmem_shared>>
    tpu.wait_indirect_dma semaphore(%arg19 : memref<!tpu.dma_semaphore, #tpu.memory_space<semaphore_mem>>) src(%arg13 : memref<80x16xf32, #tpu.memory_space<vmem>>) dst(%dma_wait3A_37 : memref<10000x16xf32, #tpu.memory_space<vmem_shared>>)
    %add3A_38 = arith.constant 9920 : i32
    %add3A_39 = arith.addi %mul3A_10, %add3A_38 : i32
    %dma_wait3A_40 = arith.constant 0 : i32
    %dma_wait3A_41 = tpu.memref_slice %arg3[%add3A_39, %dma_wait3A_40] : memref<320000x128xf32, #tpu.memory_space<hbm>> -> memref<80x128xf32, #tpu.memory_space<hbm>>
    %dma_wait3A_42 = arith.constant 0 : i32
    %dma_wait3A_43 = tpu.memref_slice %arg3[%add3A_39, %dma_wait3A_42] : memref<320000x128xf32, #tpu.memory_space<hbm>> -> memref<80x128xf32, #tpu.memory_space<hbm>>
    tpu.wait_dma2 semaphore(%arg16 : memref<!tpu.dma_semaphore, #tpu.memory_space<semaphore_mem>>) src(%dma_wait3A_43 : memref<80x128xf32, #tpu.memory_space<hbm>>) dst(%arg10 : memref<80x128xf32, #tpu.memory_space<vmem>>)
    %dma_wait3A_44 = arith.constant 0 : i32
    %dma_wait3A_45 = tpu.memref_slice %arg4[%add3A_39, %dma_wait3A_44] : memref<320000x16xf32, #tpu.memory_space<hbm>> -> memref<80x16xf32, #tpu.memory_space<hbm>>
    %dma_wait3A_46 = arith.constant 0 : i32
    %dma_wait3A_47 = tpu.memref_slice %arg4[%add3A_39, %dma_wait3A_46] : memref<320000x16xf32, #tpu.memory_space<hbm>> -> memref<80x16xf32, #tpu.memory_space<hbm>>
    tpu.wait_dma2 semaphore(%arg16 : memref<!tpu.dma_semaphore, #tpu.memory_space<semaphore_mem>>) src(%dma_wait3A_47 : memref<80x16xf32, #tpu.memory_space<hbm>>) dst(%arg12 : memref<80x16xf32, #tpu.memory_space<vmem>>)
    %dma_start3A_48 = arith.constant 124 : i32
    %dma_start3A_49 = arith.constant 0 : i32
    %dma_start3A_50 = tpu.memref_slice %arg9[%dma_start3A_48, %dma_start3A_49] : memref<125x80xi32, #tpu.memory_space<vmem>> -> memref<1x80xi32, #tpu.memory_space<vmem>>
    %dma_start3A_51 = tpu.memref_squeeze %dma_start3A_50 : memref<1x80xi32, #tpu.memory_space<vmem>> -> memref<80xi32, #tpu.memory_space<vmem>>
    %dma_start3A_52 = arith.constant 0 : i32
    %dma_start3A_53 = arith.constant 0 : i32
    %dma_start3A_54 = tpu.memref_slice %arg14[%dma_start3A_52, %dma_start3A_53] : memref<10000x128xf32, #tpu.memory_space<vmem_shared>> -> memref<10000x128xf32, #tpu.memory_space<vmem_shared>>
    tpu.enqueue_indirect_dma source(%arg10 : memref<80x128xf32, #tpu.memory_space<vmem>>) target(%dma_start3A_54 : memref<10000x128xf32, #tpu.memory_space<vmem_shared>>) offsets(%dma_start3A_51 : memref<80xi32, #tpu.memory_space<vmem>>) semaphore(%arg18 : memref<!tpu.dma_semaphore, #tpu.memory_space<semaphore_mem>>) {add = true}
    %dma_start3A_55 = arith.constant 124 : i32
    %dma_start3A_56 = arith.constant 0 : i32
    %dma_start3A_57 = tpu.memref_slice %arg9[%dma_start3A_55, %dma_start3A_56] : memref<125x80xi32, #tpu.memory_space<vmem>> -> memref<1x80xi32, #tpu.memory_space<vmem>>
    %dma_start3A_58 = tpu.memref_squeeze %dma_start3A_57 : memref<1x80xi32, #tpu.memory_space<vmem>> -> memref<80xi32, #tpu.memory_space<vmem>>
    %dma_start3A_59 = arith.constant 0 : i32
    %dma_start3A_60 = arith.constant 0 : i32
    %dma_start3A_61 = tpu.memref_slice %arg15[%dma_start3A_59, %dma_start3A_60] : memref<10000x16xf32, #tpu.memory_space<vmem_shared>> -> memref<10000x16xf32, #tpu.memory_space<vmem_shared>>
    tpu.enqueue_indirect_dma source(%arg12 : memref<80x16xf32, #tpu.memory_space<vmem>>) target(%dma_start3A_61 : memref<10000x16xf32, #tpu.memory_space<vmem_shared>>) offsets(%dma_start3A_58 : memref<80xi32, #tpu.memory_space<vmem>>) semaphore(%arg18 : memref<!tpu.dma_semaphore, #tpu.memory_space<semaphore_mem>>) {add = true}
    %dma_wait3A_62 = arith.constant 124 : i32
    %dma_wait3A_63 = arith.constant 0 : i32
    %dma_wait3A_64 = tpu.memref_slice %arg9[%dma_wait3A_62, %dma_wait3A_63] : memref<125x80xi32, #tpu.memory_space<vmem>> -> memref<1x80xi32, #tpu.memory_space<vmem>>
    %dma_wait3A_65 = tpu.memref_squeeze %dma_wait3A_64 : memref<1x80xi32, #tpu.memory_space<vmem>> -> memref<80xi32, #tpu.memory_space<vmem>>
    %dma_wait3A_66 = arith.constant 0 : i32
    %dma_wait3A_67 = arith.constant 0 : i32
    %dma_wait3A_68 = tpu.memref_slice %arg14[%dma_wait3A_66, %dma_wait3A_67] : memref<10000x128xf32, #tpu.memory_space<vmem_shared>> -> memref<10000x128xf32, #tpu.memory_space<vmem_shared>>
    tpu.wait_indirect_dma semaphore(%arg18 : memref<!tpu.dma_semaphore, #tpu.memory_space<semaphore_mem>>) src(%arg10 : memref<80x128xf32, #tpu.memory_space<vmem>>) dst(%dma_wait3A_68 : memref<10000x128xf32, #tpu.memory_space<vmem_shared>>)
    %dma_wait3A_69 = arith.constant 124 : i32
    %dma_wait3A_70 = arith.constant 0 : i32
    %dma_wait3A_71 = tpu.memref_slice %arg9[%dma_wait3A_69, %dma_wait3A_70] : memref<125x80xi32, #tpu.memory_space<vmem>> -> memref<1x80xi32, #tpu.memory_space<vmem>>
    %dma_wait3A_72 = tpu.memref_squeeze %dma_wait3A_71 : memref<1x80xi32, #tpu.memory_space<vmem>> -> memref<80xi32, #tpu.memory_space<vmem>>
    %dma_wait3A_73 = arith.constant 0 : i32
    %dma_wait3A_74 = arith.constant 0 : i32
    %dma_wait3A_75 = tpu.memref_slice %arg15[%dma_wait3A_73, %dma_wait3A_74] : memref<10000x16xf32, #tpu.memory_space<vmem_shared>> -> memref<10000x16xf32, #tpu.memory_space<vmem_shared>>
    tpu.wait_indirect_dma semaphore(%arg18 : memref<!tpu.dma_semaphore, #tpu.memory_space<semaphore_mem>>) src(%arg12 : memref<80x16xf32, #tpu.memory_space<vmem>>) dst(%dma_wait3A_75 : memref<10000x16xf32, #tpu.memory_space<vmem_shared>>)
    %barrier3A_76 = arith.constant 0 : index
    tpu.barrier barrier_id(%barrier3A_76)
    %mul3A_77 = arith.constant 625 : i32
    %mul3A_78 = arith.muli %arg1, %mul3A_77 : i32
    %mul3A_79 = arith.constant 10000 : i32
    %mul3A_80 = arith.muli %arg0, %mul3A_79 : i32
    %mul3A_81 = arith.constant 625 : i32
    %mul3A_82 = arith.muli %arg1, %mul3A_81 : i32
    %add3A_83 = arith.addi %mul3A_80, %mul3A_82 : i32
    "tpu.region"() ({
      %run_scoped3A = tpu.sem_alloc : memref<!tpu.dma_semaphore, #tpu.memory_space<semaphore_mem>>
      %dma_start3A_91 = arith.constant 0 : i32
      %dma_start3A_92 = tpu.memref_slice %arg7[%add3A_83, %dma_start3A_91] : memref<20000x128xf32, #tpu.memory_space<hbm>> -> memref<625x128xf32, #tpu.memory_space<hbm>>
      %dma_start3A_93 = arith.constant 0 : i32
      %dma_start3A_94 = tpu.memref_slice %arg14[%mul3A_78, %dma_start3A_93] : memref<10000x128xf32, #tpu.memory_space<vmem_shared>> -> memref<625x128xf32, #tpu.memory_space<vmem_shared>>
      tpu.enqueue_dma source(%dma_start3A_94 : memref<625x128xf32, #tpu.memory_space<vmem_shared>>) target(%dma_start3A_92 : memref<625x128xf32, #tpu.memory_space<hbm>>) target_semaphore(%run_scoped3A : memref<!tpu.dma_semaphore, #tpu.memory_space<semaphore_mem>>)
      %dma_wait3A_95 = arith.constant 0 : i32
      %dma_wait3A_96 = tpu.memref_slice %arg7[%add3A_83, %dma_wait3A_95] : memref<20000x128xf32, #tpu.memory_space<hbm>> -> memref<625x128xf32, #tpu.memory_space<hbm>>
      %dma_wait3A_97 = arith.constant 0 : i32
      %dma_wait3A_98 = tpu.memref_slice %arg14[%mul3A_78, %dma_wait3A_97] : memref<10000x128xf32, #tpu.memory_space<vmem_shared>> -> memref<625x128xf32, #tpu.memory_space<vmem_shared>>
      tpu.wait_dma2 semaphore(%run_scoped3A : memref<!tpu.dma_semaphore, #tpu.memory_space<semaphore_mem>>) src(%dma_wait3A_98 : memref<625x128xf32, #tpu.memory_space<vmem_shared>>) dst(%dma_wait3A_96 : memref<625x128xf32, #tpu.memory_space<hbm>>)
      tpu.yield
    }) : () -> ()
    %mul3A_84 = arith.constant 625 : i32
    %mul3A_85 = arith.muli %arg1, %mul3A_84 : i32
    %mul3A_86 = arith.constant 10000 : i32
    %mul3A_87 = arith.muli %arg0, %mul3A_86 : i32
    %mul3A_88 = arith.constant 625 : i32
    %mul3A_89 = arith.muli %arg1, %mul3A_88 : i32
    %add3A_90 = arith.addi %mul3A_87, %mul3A_89 : i32
    "tpu.region"() ({
      %run_scoped3A = tpu.sem_alloc : memref<!tpu.dma_semaphore, #tpu.memory_space<semaphore_mem>>
      %dma_start3A_91 = arith.constant 0 : i32
      %dma_start3A_92 = tpu.memref_slice %arg8[%add3A_90, %dma_start3A_91] : memref<20000x16xf32, #tpu.memory_space<hbm>> -> memref<625x16xf32, #tpu.memory_space<hbm>>
      %dma_start3A_93 = arith.constant 0 : i32
      %dma_start3A_94 = tpu.memref_slice %arg15[%mul3A_85, %dma_start3A_93] : memref<10000x16xf32, #tpu.memory_space<vmem_shared>> -> memref<625x16xf32, #tpu.memory_space<vmem_shared>>
      tpu.enqueue_dma source(%dma_start3A_94 : memref<625x16xf32, #tpu.memory_space<vmem_shared>>) target(%dma_start3A_92 : memref<625x16xf32, #tpu.memory_space<hbm>>) target_semaphore(%run_scoped3A : memref<!tpu.dma_semaphore, #tpu.memory_space<semaphore_mem>>)
      %dma_wait3A_95 = arith.constant 0 : i32
      %dma_wait3A_96 = tpu.memref_slice %arg8[%add3A_90, %dma_wait3A_95] : memref<20000x16xf32, #tpu.memory_space<hbm>> -> memref<625x16xf32, #tpu.memory_space<hbm>>
      %dma_wait3A_97 = arith.constant 0 : i32
      %dma_wait3A_98 = tpu.memref_slice %arg15[%mul3A_85, %dma_wait3A_97] : memref<10000x16xf32, #tpu.memory_space<vmem_shared>> -> memref<625x16xf32, #tpu.memory_space<vmem_shared>>
      tpu.wait_dma2 semaphore(%run_scoped3A : memref<!tpu.dma_semaphore, #tpu.memory_space<semaphore_mem>>) src(%dma_wait3A_98 : memref<625x16xf32, #tpu.memory_space<vmem_shared>>) dst(%dma_wait3A_96 : memref<625x16xf32, #tpu.memory_space<hbm>>)
      tpu.yield
    }) : () -> ()
    return
  }
}

#map = affine_map<(d0, d1) -> (0, 0, 0)>
#map1 = affine_map<(d0, d1) -> (0, 0)>
module attributes {stable_mosaic.version = 14 : i64} {
  func.func @_sc_gather(%arg0: i32, %arg1: i32, %arg2: memref<32x125x80xi32, #tpu.memory_space<hbm>>, %arg3: memref<32x125x80xi32, #tpu.memory_space<hbm>>, %arg4: memref<10000x144xf32, #tpu.memory_space<hbm>>, %arg5: memref<10000x144xf32, #tpu.memory_space<hbm>>, %arg6: memref<320000x144xf32, #tpu.memory_space<hbm>>, %arg7: memref<320000x144xf32, #tpu.memory_space<hbm>>, %arg8: memref<125x80xi32, #tpu.memory_space<vmem>>, %arg9: memref<125x80xi32, #tpu.memory_space<vmem>>, %arg10: memref<80x144xf32, #tpu.memory_space<vmem>>, %arg11: memref<80x144xf32, #tpu.memory_space<vmem>>, %arg12: memref<80x144xf32, #tpu.memory_space<vmem>>, %arg13: memref<80x144xf32, #tpu.memory_space<vmem>>, %arg14: memref<!tpu.dma_semaphore, #tpu.memory_space<semaphore_mem>>, %arg15: memref<!tpu.dma_semaphore, #tpu.memory_space<semaphore_mem>>, %arg16: memref<!tpu.dma_semaphore, #tpu.memory_space<semaphore_mem>>, %arg17: memref<!tpu.dma_semaphore, #tpu.memory_space<semaphore_mem>>, %arg18: memref<!tpu.dma_semaphore, #tpu.memory_space<semaphore_mem>>, %arg19: memref<!tpu.dma_semaphore, #tpu.memory_space<semaphore_mem>>) attributes {dimension_semantics = [#tpu.dimension_semantics<core_parallel>, #tpu.dimension_semantics<subcore_parallel>], iteration_bounds = array<i64: 2, 16>, scalar_prefetch = 0 : i64, scratch_operands = 12 : i64, tpu.core_type = #tpu.core_type<sc_vector_subcore>, window_params = [{transform_indices = #map}, {transform_indices = #map}, {transform_indices = #map1}, {transform_indices = #map1}, {transform_indices = #map1}, {transform_indices = #map1}]} {
    %mul3A = arith.constant 2 : i32
    %mul3A_0 = arith.muli %arg1, %mul3A : i32
    %add3A = arith.addi %mul3A_0, %arg0 : i32
    %mul3A_1 = arith.constant 10000 : i32
    %mul3A_2 = arith.muli %add3A, %mul3A_1 : i32
    "tpu.region"() ({
      %run_scoped3A = tpu.sem_alloc : memref<!tpu.dma_semaphore, #tpu.memory_space<semaphore_mem>>
      %dma_start3A_64 = arith.constant 0 : i32
      %dma_start3A_65 = arith.constant 0 : i32
      %dma_start3A_66 = tpu.memref_slice %arg2[%add3A, %dma_start3A_64, %dma_start3A_65] : memref<32x125x80xi32, #tpu.memory_space<hbm>> -> memref<1x125x80xi32, #tpu.memory_space<hbm>>
      %dma_start3A_67 = tpu.memref_squeeze %dma_start3A_66 : memref<1x125x80xi32, #tpu.memory_space<hbm>> -> memref<125x80xi32, #tpu.memory_space<hbm>>
      %dma_start3A_68 = arith.constant 0 : i32
      %dma_start3A_69 = arith.constant 0 : i32
      %dma_start3A_70 = tpu.memref_slice %arg2[%add3A, %dma_start3A_68, %dma_start3A_69] : memref<32x125x80xi32, #tpu.memory_space<hbm>> -> memref<1x125x80xi32, #tpu.memory_space<hbm>>
      %dma_start3A_71 = tpu.memref_squeeze %dma_start3A_70 : memref<1x125x80xi32, #tpu.memory_space<hbm>> -> memref<125x80xi32, #tpu.memory_space<hbm>>
      tpu.enqueue_dma source(%dma_start3A_71 : memref<125x80xi32, #tpu.memory_space<hbm>>) target(%arg8 : memref<125x80xi32, #tpu.memory_space<vmem>>) target_semaphore(%run_scoped3A : memref<!tpu.dma_semaphore, #tpu.memory_space<semaphore_mem>>)
      %dma_wait3A_72 = arith.constant 0 : i32
      %dma_wait3A_73 = arith.constant 0 : i32
      %dma_wait3A_74 = tpu.memref_slice %arg2[%add3A, %dma_wait3A_72, %dma_wait3A_73] : memref<32x125x80xi32, #tpu.memory_space<hbm>> -> memref<1x125x80xi32, #tpu.memory_space<hbm>>
      %dma_wait3A_75 = tpu.memref_squeeze %dma_wait3A_74 : memref<1x125x80xi32, #tpu.memory_space<hbm>> -> memref<125x80xi32, #tpu.memory_space<hbm>>
      %dma_wait3A_76 = arith.constant 0 : i32
      %dma_wait3A_77 = arith.constant 0 : i32
      %dma_wait3A_78 = tpu.memref_slice %arg2[%add3A, %dma_wait3A_76, %dma_wait3A_77] : memref<32x125x80xi32, #tpu.memory_space<hbm>> -> memref<1x125x80xi32, #tpu.memory_space<hbm>>
      %dma_wait3A_79 = tpu.memref_squeeze %dma_wait3A_78 : memref<1x125x80xi32, #tpu.memory_space<hbm>> -> memref<125x80xi32, #tpu.memory_space<hbm>>
      tpu.wait_dma2 semaphore(%run_scoped3A : memref<!tpu.dma_semaphore, #tpu.memory_space<semaphore_mem>>) src(%dma_wait3A_79 : memref<125x80xi32, #tpu.memory_space<hbm>>) dst(%arg8 : memref<125x80xi32, #tpu.memory_space<vmem>>)
      tpu.yield
    }) : () -> ()
    "tpu.region"() ({
      %run_scoped3A = tpu.sem_alloc : memref<!tpu.dma_semaphore, #tpu.memory_space<semaphore_mem>>
      %dma_start3A_64 = arith.constant 0 : i32
      %dma_start3A_65 = arith.constant 0 : i32
      %dma_start3A_66 = tpu.memref_slice %arg3[%add3A, %dma_start3A_64, %dma_start3A_65] : memref<32x125x80xi32, #tpu.memory_space<hbm>> -> memref<1x125x80xi32, #tpu.memory_space<hbm>>
      %dma_start3A_67 = tpu.memref_squeeze %dma_start3A_66 : memref<1x125x80xi32, #tpu.memory_space<hbm>> -> memref<125x80xi32, #tpu.memory_space<hbm>>
      %dma_start3A_68 = arith.constant 0 : i32
      %dma_start3A_69 = arith.constant 0 : i32
      %dma_start3A_70 = tpu.memref_slice %arg3[%add3A, %dma_start3A_68, %dma_start3A_69] : memref<32x125x80xi32, #tpu.memory_space<hbm>> -> memref<1x125x80xi32, #tpu.memory_space<hbm>>
      %dma_start3A_71 = tpu.memref_squeeze %dma_start3A_70 : memref<1x125x80xi32, #tpu.memory_space<hbm>> -> memref<125x80xi32, #tpu.memory_space<hbm>>
      tpu.enqueue_dma source(%dma_start3A_71 : memref<125x80xi32, #tpu.memory_space<hbm>>) target(%arg9 : memref<125x80xi32, #tpu.memory_space<vmem>>) target_semaphore(%run_scoped3A : memref<!tpu.dma_semaphore, #tpu.memory_space<semaphore_mem>>)
      %dma_wait3A_72 = arith.constant 0 : i32
      %dma_wait3A_73 = arith.constant 0 : i32
      %dma_wait3A_74 = tpu.memref_slice %arg3[%add3A, %dma_wait3A_72, %dma_wait3A_73] : memref<32x125x80xi32, #tpu.memory_space<hbm>> -> memref<1x125x80xi32, #tpu.memory_space<hbm>>
      %dma_wait3A_75 = tpu.memref_squeeze %dma_wait3A_74 : memref<1x125x80xi32, #tpu.memory_space<hbm>> -> memref<125x80xi32, #tpu.memory_space<hbm>>
      %dma_wait3A_76 = arith.constant 0 : i32
      %dma_wait3A_77 = arith.constant 0 : i32
      %dma_wait3A_78 = tpu.memref_slice %arg3[%add3A, %dma_wait3A_76, %dma_wait3A_77] : memref<32x125x80xi32, #tpu.memory_space<hbm>> -> memref<1x125x80xi32, #tpu.memory_space<hbm>>
      %dma_wait3A_79 = tpu.memref_squeeze %dma_wait3A_78 : memref<1x125x80xi32, #tpu.memory_space<hbm>> -> memref<125x80xi32, #tpu.memory_space<hbm>>
      tpu.wait_dma2 semaphore(%run_scoped3A : memref<!tpu.dma_semaphore, #tpu.memory_space<semaphore_mem>>) src(%dma_wait3A_79 : memref<125x80xi32, #tpu.memory_space<hbm>>) dst(%arg9 : memref<125x80xi32, #tpu.memory_space<vmem>>)
      tpu.yield
    }) : () -> ()
    %dma_start3A = arith.constant 0 : i32
    %dma_start3A_3 = arith.constant 0 : i32
    %dma_start3A_4 = tpu.memref_slice %arg8[%dma_start3A, %dma_start3A_3] : memref<125x80xi32, #tpu.memory_space<vmem>> -> memref<1x80xi32, #tpu.memory_space<vmem>>
    %dma_start3A_5 = tpu.memref_squeeze %dma_start3A_4 : memref<1x80xi32, #tpu.memory_space<vmem>> -> memref<80xi32, #tpu.memory_space<vmem>>
    %dma_start3A_6 = arith.constant 0 : i32
    %dma_start3A_7 = arith.constant 0 : i32
    %dma_start3A_8 = tpu.memref_slice %arg4[%dma_start3A_6, %dma_start3A_7] : memref<10000x144xf32, #tpu.memory_space<hbm>> -> memref<10000x144xf32, #tpu.memory_space<hbm>>
    tpu.enqueue_indirect_dma source(%dma_start3A_8 : memref<10000x144xf32, #tpu.memory_space<hbm>>) target(%arg10 : memref<80x144xf32, #tpu.memory_space<vmem>>) offsets(%dma_start3A_5 : memref<80xi32, #tpu.memory_space<vmem>>) semaphore(%arg14 : memref<!tpu.dma_semaphore, #tpu.memory_space<semaphore_mem>>)
    %dma_start3A_9 = arith.constant 0 : i32
    %dma_start3A_10 = arith.constant 0 : i32
    %dma_start3A_11 = tpu.memref_slice %arg9[%dma_start3A_9, %dma_start3A_10] : memref<125x80xi32, #tpu.memory_space<vmem>> -> memref<1x80xi32, #tpu.memory_space<vmem>>
    %dma_start3A_12 = tpu.memref_squeeze %dma_start3A_11 : memref<1x80xi32, #tpu.memory_space<vmem>> -> memref<80xi32, #tpu.memory_space<vmem>>
    %dma_start3A_13 = arith.constant 0 : i32
    %dma_start3A_14 = arith.constant 0 : i32
    %dma_start3A_15 = tpu.memref_slice %arg5[%dma_start3A_13, %dma_start3A_14] : memref<10000x144xf32, #tpu.memory_space<hbm>> -> memref<10000x144xf32, #tpu.memory_space<hbm>>
    tpu.enqueue_indirect_dma source(%dma_start3A_15 : memref<10000x144xf32, #tpu.memory_space<hbm>>) target(%arg11 : memref<80x144xf32, #tpu.memory_space<vmem>>) offsets(%dma_start3A_12 : memref<80xi32, #tpu.memory_space<vmem>>) semaphore(%arg15 : memref<!tpu.dma_semaphore, #tpu.memory_space<semaphore_mem>>)
    %scan3A = arith.constant 0 : i32
    %scan3A_16 = arith.constant 0 : i32
    %scan3A_17 = arith.constant 62 : i32
    %scan3A_18 = arith.addi %scan3A_16, %scan3A_17 : i32
    %scan3A_19 = arith.constant 1 : i32
    scf.for %scan3A_64 = %scan3A_16 to %scan3A_18 step %scan3A_19  : i32 {
      %mul3A_65 = arith.constant 2 : i32
      %mul3A_66 = arith.muli %mul3A_65, %scan3A_64 : i32
      %gt3A = arith.constant 0 : i32
      %gt3A_67 = arith.cmpi sgt, %scan3A_64, %gt3A : i32
      %convert_element_type3A = arith.extui %gt3A_67 : i1 to i32
      %cond3A = arith.constant 0 : i32
      %cond3A_68 = arith.cmpi ne, %convert_element_type3A, %cond3A : i32
      scf.if %cond3A_68 {
        %sub3A = arith.constant 1 : i32
        %sub3A_150 = arith.subi %mul3A_66, %sub3A : i32
        %mul3A_151 = arith.constant 80 : i32
        %mul3A_152 = arith.muli %sub3A_150, %mul3A_151 : i32
        %add3A_153 = arith.addi %mul3A_2, %mul3A_152 : i32
        %dma_wait3A_154 = arith.constant 0 : i32
        %dma_wait3A_155 = tpu.memref_slice %arg6[%add3A_153, %dma_wait3A_154] : memref<320000x144xf32, #tpu.memory_space<hbm>> -> memref<80x144xf32, #tpu.memory_space<hbm>>
        %dma_wait3A_156 = arith.constant 0 : i32
        %dma_wait3A_157 = tpu.memref_slice %arg6[%add3A_153, %dma_wait3A_156] : memref<320000x144xf32, #tpu.memory_space<hbm>> -> memref<80x144xf32, #tpu.memory_space<hbm>>
        tpu.wait_dma2 semaphore(%arg19 : memref<!tpu.dma_semaphore, #tpu.memory_space<semaphore_mem>>) src(%arg12 : memref<80x144xf32, #tpu.memory_space<vmem>>) dst(%dma_wait3A_157 : memref<80x144xf32, #tpu.memory_space<hbm>>)
        %dma_wait3A_158 = arith.constant 0 : i32
        %dma_wait3A_159 = tpu.memref_slice %arg7[%add3A_153, %dma_wait3A_158] : memref<320000x144xf32, #tpu.memory_space<hbm>> -> memref<80x144xf32, #tpu.memory_space<hbm>>
        %dma_wait3A_160 = arith.constant 0 : i32
        %dma_wait3A_161 = tpu.memref_slice %arg7[%add3A_153, %dma_wait3A_160] : memref<320000x144xf32, #tpu.memory_space<hbm>> -> memref<80x144xf32, #tpu.memory_space<hbm>>
        tpu.wait_dma2 semaphore(%arg19 : memref<!tpu.dma_semaphore, #tpu.memory_space<semaphore_mem>>) src(%arg13 : memref<80x144xf32, #tpu.memory_space<vmem>>) dst(%dma_wait3A_161 : memref<80x144xf32, #tpu.memory_space<hbm>>)
      } else {
      }
      %add3A_69 = arith.constant 1 : i32
      %add3A_70 = arith.addi %mul3A_66, %add3A_69 : i32
      %dma_start3A_71 = arith.constant 0 : i32
      %dma_start3A_72 = tpu.memref_slice %arg8[%add3A_70, %dma_start3A_71] : memref<125x80xi32, #tpu.memory_space<vmem>> -> memref<1x80xi32, #tpu.memory_space<vmem>>
      %dma_start3A_73 = tpu.memref_squeeze %dma_start3A_72 : memref<1x80xi32, #tpu.memory_space<vmem>> -> memref<80xi32, #tpu.memory_space<vmem>>
      %dma_start3A_74 = arith.constant 0 : i32
      %dma_start3A_75 = arith.constant 0 : i32
      %dma_start3A_76 = tpu.memref_slice %arg4[%dma_start3A_74, %dma_start3A_75] : memref<10000x144xf32, #tpu.memory_space<hbm>> -> memref<10000x144xf32, #tpu.memory_space<hbm>>
      tpu.enqueue_indirect_dma source(%dma_start3A_76 : memref<10000x144xf32, #tpu.memory_space<hbm>>) target(%arg12 : memref<80x144xf32, #tpu.memory_space<vmem>>) offsets(%dma_start3A_73 : memref<80xi32, #tpu.memory_space<vmem>>) semaphore(%arg16 : memref<!tpu.dma_semaphore, #tpu.memory_space<semaphore_mem>>)
      %dma_start3A_77 = arith.constant 0 : i32
      %dma_start3A_78 = tpu.memref_slice %arg9[%add3A_70, %dma_start3A_77] : memref<125x80xi32, #tpu.memory_space<vmem>> -> memref<1x80xi32, #tpu.memory_space<vmem>>
      %dma_start3A_79 = tpu.memref_squeeze %dma_start3A_78 : memref<1x80xi32, #tpu.memory_space<vmem>> -> memref<80xi32, #tpu.memory_space<vmem>>
      %dma_start3A_80 = arith.constant 0 : i32
      %dma_start3A_81 = arith.constant 0 : i32
      %dma_start3A_82 = tpu.memref_slice %arg5[%dma_start3A_80, %dma_start3A_81] : memref<10000x144xf32, #tpu.memory_space<hbm>> -> memref<10000x144xf32, #tpu.memory_space<hbm>>
      tpu.enqueue_indirect_dma source(%dma_start3A_82 : memref<10000x144xf32, #tpu.memory_space<hbm>>) target(%arg13 : memref<80x144xf32, #tpu.memory_space<vmem>>) offsets(%dma_start3A_79 : memref<80xi32, #tpu.memory_space<vmem>>) semaphore(%arg17 : memref<!tpu.dma_semaphore, #tpu.memory_space<semaphore_mem>>)
      %dma_wait3A_83 = arith.constant 0 : i32
      %dma_wait3A_84 = tpu.memref_slice %arg8[%mul3A_66, %dma_wait3A_83] : memref<125x80xi32, #tpu.memory_space<vmem>> -> memref<1x80xi32, #tpu.memory_space<vmem>>
      %dma_wait3A_85 = tpu.memref_squeeze %dma_wait3A_84 : memref<1x80xi32, #tpu.memory_space<vmem>> -> memref<80xi32, #tpu.memory_space<vmem>>
      %dma_wait3A_86 = arith.constant 0 : i32
      %dma_wait3A_87 = arith.constant 0 : i32
      %dma_wait3A_88 = tpu.memref_slice %arg4[%dma_wait3A_86, %dma_wait3A_87] : memref<10000x144xf32, #tpu.memory_space<hbm>> -> memref<10000x144xf32, #tpu.memory_space<hbm>>
      tpu.wait_indirect_dma semaphore(%arg14 : memref<!tpu.dma_semaphore, #tpu.memory_space<semaphore_mem>>) src(%dma_wait3A_88 : memref<10000x144xf32, #tpu.memory_space<hbm>>) dst(%arg10 : memref<80x144xf32, #tpu.memory_space<vmem>>)
      %dma_wait3A_89 = arith.constant 0 : i32
      %dma_wait3A_90 = tpu.memref_slice %arg9[%mul3A_66, %dma_wait3A_89] : memref<125x80xi32, #tpu.memory_space<vmem>> -> memref<1x80xi32, #tpu.memory_space<vmem>>
      %dma_wait3A_91 = tpu.memref_squeeze %dma_wait3A_90 : memref<1x80xi32, #tpu.memory_space<vmem>> -> memref<80xi32, #tpu.memory_space<vmem>>
      %dma_wait3A_92 = arith.constant 0 : i32
      %dma_wait3A_93 = arith.constant 0 : i32
      %dma_wait3A_94 = tpu.memref_slice %arg5[%dma_wait3A_92, %dma_wait3A_93] : memref<10000x144xf32, #tpu.memory_space<hbm>> -> memref<10000x144xf32, #tpu.memory_space<hbm>>
      tpu.wait_indirect_dma semaphore(%arg15 : memref<!tpu.dma_semaphore, #tpu.memory_space<semaphore_mem>>) src(%dma_wait3A_94 : memref<10000x144xf32, #tpu.memory_space<hbm>>) dst(%arg11 : memref<80x144xf32, #tpu.memory_space<vmem>>)
      %mul3A_95 = arith.constant 80 : i32
      %mul3A_96 = arith.muli %mul3A_66, %mul3A_95 : i32
      %add3A_97 = arith.addi %mul3A_2, %mul3A_96 : i32
      %dma_start3A_98 = arith.constant 0 : i32
      %dma_start3A_99 = tpu.memref_slice %arg6[%add3A_97, %dma_start3A_98] : memref<320000x144xf32, #tpu.memory_space<hbm>> -> memref<80x144xf32, #tpu.memory_space<hbm>>
      %dma_start3A_100 = arith.constant 0 : i32
      %dma_start3A_101 = tpu.memref_slice %arg6[%add3A_97, %dma_start3A_100] : memref<320000x144xf32, #tpu.memory_space<hbm>> -> memref<80x144xf32, #tpu.memory_space<hbm>>
      tpu.enqueue_dma source(%arg10 : memref<80x144xf32, #tpu.memory_space<vmem>>) target(%dma_start3A_101 : memref<80x144xf32, #tpu.memory_space<hbm>>) target_semaphore(%arg18 : memref<!tpu.dma_semaphore, #tpu.memory_space<semaphore_mem>>)
      %dma_start3A_102 = arith.constant 0 : i32
      %dma_start3A_103 = tpu.memref_slice %arg7[%add3A_97, %dma_start3A_102] : memref<320000x144xf32, #tpu.memory_space<hbm>> -> memref<80x144xf32, #tpu.memory_space<hbm>>
      %dma_start3A_104 = arith.constant 0 : i32
      %dma_start3A_105 = tpu.memref_slice %arg7[%add3A_97, %dma_start3A_104] : memref<320000x144xf32, #tpu.memory_space<hbm>> -> memref<80x144xf32, #tpu.memory_space<hbm>>
      tpu.enqueue_dma source(%arg11 : memref<80x144xf32, #tpu.memory_space<vmem>>) target(%dma_start3A_105 : memref<80x144xf32, #tpu.memory_space<hbm>>) target_semaphore(%arg18 : memref<!tpu.dma_semaphore, #tpu.memory_space<semaphore_mem>>)
      %mul3A_106 = arith.constant 80 : i32
      %mul3A_107 = arith.muli %mul3A_66, %mul3A_106 : i32
      %add3A_108 = arith.addi %mul3A_2, %mul3A_107 : i32
      %dma_wait3A_109 = arith.constant 0 : i32
      %dma_wait3A_110 = tpu.memref_slice %arg6[%add3A_108, %dma_wait3A_109] : memref<320000x144xf32, #tpu.memory_space<hbm>> -> memref<80x144xf32, #tpu.memory_space<hbm>>
      %dma_wait3A_111 = arith.constant 0 : i32
      %dma_wait3A_112 = tpu.memref_slice %arg6[%add3A_108, %dma_wait3A_111] : memref<320000x144xf32, #tpu.memory_space<hbm>> -> memref<80x144xf32, #tpu.memory_space<hbm>>
      tpu.wait_dma2 semaphore(%arg18 : memref<!tpu.dma_semaphore, #tpu.memory_space<semaphore_mem>>) src(%arg10 : memref<80x144xf32, #tpu.memory_space<vmem>>) dst(%dma_wait3A_112 : memref<80x144xf32, #tpu.memory_space<hbm>>)
      %dma_wait3A_113 = arith.constant 0 : i32
      %dma_wait3A_114 = tpu.memref_slice %arg7[%add3A_108, %dma_wait3A_113] : memref<320000x144xf32, #tpu.memory_space<hbm>> -> memref<80x144xf32, #tpu.memory_space<hbm>>
      %dma_wait3A_115 = arith.constant 0 : i32
      %dma_wait3A_116 = tpu.memref_slice %arg7[%add3A_108, %dma_wait3A_115] : memref<320000x144xf32, #tpu.memory_space<hbm>> -> memref<80x144xf32, #tpu.memory_space<hbm>>
      tpu.wait_dma2 semaphore(%arg18 : memref<!tpu.dma_semaphore, #tpu.memory_space<semaphore_mem>>) src(%arg11 : memref<80x144xf32, #tpu.memory_space<vmem>>) dst(%dma_wait3A_116 : memref<80x144xf32, #tpu.memory_space<hbm>>)
      %add3A_117 = arith.constant 2 : i32
      %add3A_118 = arith.addi %mul3A_66, %add3A_117 : i32
      %lt3A = arith.constant 125 : i32
      %lt3A_119 = arith.cmpi slt, %add3A_118, %lt3A : i32
      %convert_element_type3A_120 = arith.extui %lt3A_119 : i1 to i32
      %cond3A_121 = arith.constant 0 : i32
      %cond3A_122 = arith.cmpi ne, %convert_element_type3A_120, %cond3A_121 : i32
      scf.if %cond3A_122 {
        %add3A_150 = arith.constant 2 : i32
        %add3A_151 = arith.addi %mul3A_66, %add3A_150 : i32
        %dma_start3A_152 = arith.constant 0 : i32
        %dma_start3A_153 = tpu.memref_slice %arg8[%add3A_151, %dma_start3A_152] : memref<125x80xi32, #tpu.memory_space<vmem>> -> memref<1x80xi32, #tpu.memory_space<vmem>>
        %dma_start3A_154 = tpu.memref_squeeze %dma_start3A_153 : memref<1x80xi32, #tpu.memory_space<vmem>> -> memref<80xi32, #tpu.memory_space<vmem>>
        %dma_start3A_155 = arith.constant 0 : i32
        %dma_start3A_156 = arith.constant 0 : i32
        %dma_start3A_157 = tpu.memref_slice %arg4[%dma_start3A_155, %dma_start3A_156] : memref<10000x144xf32, #tpu.memory_space<hbm>> -> memref<10000x144xf32, #tpu.memory_space<hbm>>
        tpu.enqueue_indirect_dma source(%dma_start3A_157 : memref<10000x144xf32, #tpu.memory_space<hbm>>) target(%arg10 : memref<80x144xf32, #tpu.memory_space<vmem>>) offsets(%dma_start3A_154 : memref<80xi32, #tpu.memory_space<vmem>>) semaphore(%arg14 : memref<!tpu.dma_semaphore, #tpu.memory_space<semaphore_mem>>)
        %dma_start3A_158 = arith.constant 0 : i32
        %dma_start3A_159 = tpu.memref_slice %arg9[%add3A_151, %dma_start3A_158] : memref<125x80xi32, #tpu.memory_space<vmem>> -> memref<1x80xi32, #tpu.memory_space<vmem>>
        %dma_start3A_160 = tpu.memref_squeeze %dma_start3A_159 : memref<1x80xi32, #tpu.memory_space<vmem>> -> memref<80xi32, #tpu.memory_space<vmem>>
        %dma_start3A_161 = arith.constant 0 : i32
        %dma_start3A_162 = arith.constant 0 : i32
        %dma_start3A_163 = tpu.memref_slice %arg5[%dma_start3A_161, %dma_start3A_162] : memref<10000x144xf32, #tpu.memory_space<hbm>> -> memref<10000x144xf32, #tpu.memory_space<hbm>>
        tpu.enqueue_indirect_dma source(%dma_start3A_163 : memref<10000x144xf32, #tpu.memory_space<hbm>>) target(%arg11 : memref<80x144xf32, #tpu.memory_space<vmem>>) offsets(%dma_start3A_160 : memref<80xi32, #tpu.memory_space<vmem>>) semaphore(%arg15 : memref<!tpu.dma_semaphore, #tpu.memory_space<semaphore_mem>>)
      } else {
      }
      %add3A_123 = arith.constant 1 : i32
      %add3A_124 = arith.addi %mul3A_66, %add3A_123 : i32
      %dma_wait3A_125 = arith.constant 0 : i32
      %dma_wait3A_126 = tpu.memref_slice %arg8[%add3A_124, %dma_wait3A_125] : memref<125x80xi32, #tpu.memory_space<vmem>> -> memref<1x80xi32, #tpu.memory_space<vmem>>
      %dma_wait3A_127 = tpu.memref_squeeze %dma_wait3A_126 : memref<1x80xi32, #tpu.memory_space<vmem>> -> memref<80xi32, #tpu.memory_space<vmem>>
      %dma_wait3A_128 = arith.constant 0 : i32
      %dma_wait3A_129 = arith.constant 0 : i32
      %dma_wait3A_130 = tpu.memref_slice %arg4[%dma_wait3A_128, %dma_wait3A_129] : memref<10000x144xf32, #tpu.memory_space<hbm>> -> memref<10000x144xf32, #tpu.memory_space<hbm>>
      tpu.wait_indirect_dma semaphore(%arg16 : memref<!tpu.dma_semaphore, #tpu.memory_space<semaphore_mem>>) src(%dma_wait3A_130 : memref<10000x144xf32, #tpu.memory_space<hbm>>) dst(%arg12 : memref<80x144xf32, #tpu.memory_space<vmem>>)
      %dma_wait3A_131 = arith.constant 0 : i32
      %dma_wait3A_132 = tpu.memref_slice %arg9[%add3A_124, %dma_wait3A_131] : memref<125x80xi32, #tpu.memory_space<vmem>> -> memref<1x80xi32, #tpu.memory_space<vmem>>
      %dma_wait3A_133 = tpu.memref_squeeze %dma_wait3A_132 : memref<1x80xi32, #tpu.memory_space<vmem>> -> memref<80xi32, #tpu.memory_space<vmem>>
      %dma_wait3A_134 = arith.constant 0 : i32
      %dma_wait3A_135 = arith.constant 0 : i32
      %dma_wait3A_136 = tpu.memref_slice %arg5[%dma_wait3A_134, %dma_wait3A_135] : memref<10000x144xf32, #tpu.memory_space<hbm>> -> memref<10000x144xf32, #tpu.memory_space<hbm>>
      tpu.wait_indirect_dma semaphore(%arg17 : memref<!tpu.dma_semaphore, #tpu.memory_space<semaphore_mem>>) src(%dma_wait3A_136 : memref<10000x144xf32, #tpu.memory_space<hbm>>) dst(%arg13 : memref<80x144xf32, #tpu.memory_space<vmem>>)
      %add3A_137 = arith.constant 1 : i32
      %add3A_138 = arith.addi %mul3A_66, %add3A_137 : i32
      %mul3A_139 = arith.constant 80 : i32
      %mul3A_140 = arith.muli %add3A_138, %mul3A_139 : i32
      %add3A_141 = arith.addi %mul3A_2, %mul3A_140 : i32
      %dma_start3A_142 = arith.constant 0 : i32
      %dma_start3A_143 = tpu.memref_slice %arg6[%add3A_141, %dma_start3A_142] : memref<320000x144xf32, #tpu.memory_space<hbm>> -> memref<80x144xf32, #tpu.memory_space<hbm>>
      %dma_start3A_144 = arith.constant 0 : i32
      %dma_start3A_145 = tpu.memref_slice %arg6[%add3A_141, %dma_start3A_144] : memref<320000x144xf32, #tpu.memory_space<hbm>> -> memref<80x144xf32, #tpu.memory_space<hbm>>
      tpu.enqueue_dma source(%arg12 : memref<80x144xf32, #tpu.memory_space<vmem>>) target(%dma_start3A_145 : memref<80x144xf32, #tpu.memory_space<hbm>>) target_semaphore(%arg19 : memref<!tpu.dma_semaphore, #tpu.memory_space<semaphore_mem>>)
      %dma_start3A_146 = arith.constant 0 : i32
      %dma_start3A_147 = tpu.memref_slice %arg7[%add3A_141, %dma_start3A_146] : memref<320000x144xf32, #tpu.memory_space<hbm>> -> memref<80x144xf32, #tpu.memory_space<hbm>>
      %dma_start3A_148 = arith.constant 0 : i32
      %dma_start3A_149 = tpu.memref_slice %arg7[%add3A_141, %dma_start3A_148] : memref<320000x144xf32, #tpu.memory_space<hbm>> -> memref<80x144xf32, #tpu.memory_space<hbm>>
      tpu.enqueue_dma source(%arg13 : memref<80x144xf32, #tpu.memory_space<vmem>>) target(%dma_start3A_149 : memref<80x144xf32, #tpu.memory_space<hbm>>) target_semaphore(%arg19 : memref<!tpu.dma_semaphore, #tpu.memory_space<semaphore_mem>>)
    }
    %scan3A_20 = arith.constant 62 : i32
    %add3A_21 = arith.constant 9840 : i32
    %add3A_22 = arith.addi %mul3A_2, %add3A_21 : i32
    %dma_wait3A = arith.constant 0 : i32
    %dma_wait3A_23 = tpu.memref_slice %arg6[%add3A_22, %dma_wait3A] : memref<320000x144xf32, #tpu.memory_space<hbm>> -> memref<80x144xf32, #tpu.memory_space<hbm>>
    %dma_wait3A_24 = arith.constant 0 : i32
    %dma_wait3A_25 = tpu.memref_slice %arg6[%add3A_22, %dma_wait3A_24] : memref<320000x144xf32, #tpu.memory_space<hbm>> -> memref<80x144xf32, #tpu.memory_space<hbm>>
    tpu.wait_dma2 semaphore(%arg19 : memref<!tpu.dma_semaphore, #tpu.memory_space<semaphore_mem>>) src(%arg12 : memref<80x144xf32, #tpu.memory_space<vmem>>) dst(%dma_wait3A_25 : memref<80x144xf32, #tpu.memory_space<hbm>>)
    %dma_wait3A_26 = arith.constant 0 : i32
    %dma_wait3A_27 = tpu.memref_slice %arg7[%add3A_22, %dma_wait3A_26] : memref<320000x144xf32, #tpu.memory_space<hbm>> -> memref<80x144xf32, #tpu.memory_space<hbm>>
    %dma_wait3A_28 = arith.constant 0 : i32
    %dma_wait3A_29 = tpu.memref_slice %arg7[%add3A_22, %dma_wait3A_28] : memref<320000x144xf32, #tpu.memory_space<hbm>> -> memref<80x144xf32, #tpu.memory_space<hbm>>
    tpu.wait_dma2 semaphore(%arg19 : memref<!tpu.dma_semaphore, #tpu.memory_space<semaphore_mem>>) src(%arg13 : memref<80x144xf32, #tpu.memory_space<vmem>>) dst(%dma_wait3A_29 : memref<80x144xf32, #tpu.memory_space<hbm>>)
    %dma_wait3A_30 = arith.constant 124 : i32
    %dma_wait3A_31 = arith.constant 0 : i32
    %dma_wait3A_32 = tpu.memref_slice %arg8[%dma_wait3A_30, %dma_wait3A_31] : memref<125x80xi32, #tpu.memory_space<vmem>> -> memref<1x80xi32, #tpu.memory_space<vmem>>
    %dma_wait3A_33 = tpu.memref_squeeze %dma_wait3A_32 : memref<1x80xi32, #tpu.memory_space<vmem>> -> memref<80xi32, #tpu.memory_space<vmem>>
    %dma_wait3A_34 = arith.constant 0 : i32
    %dma_wait3A_35 = arith.constant 0 : i32
    %dma_wait3A_36 = tpu.memref_slice %arg4[%dma_wait3A_34, %dma_wait3A_35] : memref<10000x144xf32, #tpu.memory_space<hbm>> -> memref<10000x144xf32, #tpu.memory_space<hbm>>
    tpu.wait_indirect_dma semaphore(%arg14 : memref<!tpu.dma_semaphore, #tpu.memory_space<semaphore_mem>>) src(%dma_wait3A_36 : memref<10000x144xf32, #tpu.memory_space<hbm>>) dst(%arg10 : memref<80x144xf32, #tpu.memory_space<vmem>>)
    %dma_wait3A_37 = arith.constant 124 : i32
    %dma_wait3A_38 = arith.constant 0 : i32
    %dma_wait3A_39 = tpu.memref_slice %arg9[%dma_wait3A_37, %dma_wait3A_38] : memref<125x80xi32, #tpu.memory_space<vmem>> -> memref<1x80xi32, #tpu.memory_space<vmem>>
    %dma_wait3A_40 = tpu.memref_squeeze %dma_wait3A_39 : memref<1x80xi32, #tpu.memory_space<vmem>> -> memref<80xi32, #tpu.memory_space<vmem>>
    %dma_wait3A_41 = arith.constant 0 : i32
    %dma_wait3A_42 = arith.constant 0 : i32
    %dma_wait3A_43 = tpu.memref_slice %arg5[%dma_wait3A_41, %dma_wait3A_42] : memref<10000x144xf32, #tpu.memory_space<hbm>> -> memref<10000x144xf32, #tpu.memory_space<hbm>>
    tpu.wait_indirect_dma semaphore(%arg15 : memref<!tpu.dma_semaphore, #tpu.memory_space<semaphore_mem>>) src(%dma_wait3A_43 : memref<10000x144xf32, #tpu.memory_space<hbm>>) dst(%arg11 : memref<80x144xf32, #tpu.memory_space<vmem>>)
    %add3A_44 = arith.constant 9920 : i32
    %add3A_45 = arith.addi %mul3A_2, %add3A_44 : i32
    %dma_start3A_46 = arith.constant 0 : i32
    %dma_start3A_47 = tpu.memref_slice %arg6[%add3A_45, %dma_start3A_46] : memref<320000x144xf32, #tpu.memory_space<hbm>> -> memref<80x144xf32, #tpu.memory_space<hbm>>
    %dma_start3A_48 = arith.constant 0 : i32
    %dma_start3A_49 = tpu.memref_slice %arg6[%add3A_45, %dma_start3A_48] : memref<320000x144xf32, #tpu.memory_space<hbm>> -> memref<80x144xf32, #tpu.memory_space<hbm>>
    tpu.enqueue_dma source(%arg10 : memref<80x144xf32, #tpu.memory_space<vmem>>) target(%dma_start3A_49 : memref<80x144xf32, #tpu.memory_space<hbm>>) target_semaphore(%arg18 : memref<!tpu.dma_semaphore, #tpu.memory_space<semaphore_mem>>)
    %dma_start3A_50 = arith.constant 0 : i32
    %dma_start3A_51 = tpu.memref_slice %arg7[%add3A_45, %dma_start3A_50] : memref<320000x144xf32, #tpu.memory_space<hbm>> -> memref<80x144xf32, #tpu.memory_space<hbm>>
    %dma_start3A_52 = arith.constant 0 : i32
    %dma_start3A_53 = tpu.memref_slice %arg7[%add3A_45, %dma_start3A_52] : memref<320000x144xf32, #tpu.memory_space<hbm>> -> memref<80x144xf32, #tpu.memory_space<hbm>>
    tpu.enqueue_dma source(%arg11 : memref<80x144xf32, #tpu.memory_space<vmem>>) target(%dma_start3A_53 : memref<80x144xf32, #tpu.memory_space<hbm>>) target_semaphore(%arg18 : memref<!tpu.dma_semaphore, #tpu.memory_space<semaphore_mem>>)
    %add3A_54 = arith.constant 9920 : i32
    %add3A_55 = arith.addi %mul3A_2, %add3A_54 : i32
    %dma_wait3A_56 = arith.constant 0 : i32
    %dma_wait3A_57 = tpu.memref_slice %arg6[%add3A_55, %dma_wait3A_56] : memref<320000x144xf32, #tpu.memory_space<hbm>> -> memref<80x144xf32, #tpu.memory_space<hbm>>
    %dma_wait3A_58 = arith.constant 0 : i32
    %dma_wait3A_59 = tpu.memref_slice %arg6[%add3A_55, %dma_wait3A_58] : memref<320000x144xf32, #tpu.memory_space<hbm>> -> memref<80x144xf32, #tpu.memory_space<hbm>>
    tpu.wait_dma2 semaphore(%arg18 : memref<!tpu.dma_semaphore, #tpu.memory_space<semaphore_mem>>) src(%arg10 : memref<80x144xf32, #tpu.memory_space<vmem>>) dst(%dma_wait3A_59 : memref<80x144xf32, #tpu.memory_space<hbm>>)
    %dma_wait3A_60 = arith.constant 0 : i32
    %dma_wait3A_61 = tpu.memref_slice %arg7[%add3A_55, %dma_wait3A_60] : memref<320000x144xf32, #tpu.memory_space<hbm>> -> memref<80x144xf32, #tpu.memory_space<hbm>>
    %dma_wait3A_62 = arith.constant 0 : i32
    %dma_wait3A_63 = tpu.memref_slice %arg7[%add3A_55, %dma_wait3A_62] : memref<320000x144xf32, #tpu.memory_space<hbm>> -> memref<80x144xf32, #tpu.memory_space<hbm>>
    tpu.wait_dma2 semaphore(%arg18 : memref<!tpu.dma_semaphore, #tpu.memory_space<semaphore_mem>>) src(%arg11 : memref<80x144xf32, #tpu.memory_space<vmem>>) dst(%dma_wait3A_63 : memref<80x144xf32, #tpu.memory_space<hbm>>)
    return
  }
}

#map = affine_map<(d0, d1) -> (0, 0, 0)>
#map1 = affine_map<(d0, d1) -> (0, 0)>
module attributes {stable_mosaic.version = 14 : i64} {
  func.func @_sc_scatter_t(%arg0: i32, %arg1: i32, %arg2: memref<32x125x80xi32, #tpu.memory_space<hbm>>, %arg3: memref<320000x16xf32, #tpu.memory_space<hbm>>, %arg4: memref<10000x16xf32, #tpu.memory_space<hbm>>, %arg5: memref<20000x16xf32, #tpu.memory_space<hbm>>, %arg6: memref<125x80xi32, #tpu.memory_space<vmem>>, %arg7: memref<80x16xf32, #tpu.memory_space<vmem>>, %arg8: memref<80x16xf32, #tpu.memory_space<vmem>>, %arg9: memref<10000x16xf32, #tpu.memory_space<vmem_shared>>, %arg10: memref<!tpu.dma_semaphore, #tpu.memory_space<semaphore_mem>>, %arg11: memref<!tpu.dma_semaphore, #tpu.memory_space<semaphore_mem>>, %arg12: memref<!tpu.dma_semaphore, #tpu.memory_space<semaphore_mem>>, %arg13: memref<!tpu.dma_semaphore, #tpu.memory_space<semaphore_mem>>) attributes {dimension_semantics = [#tpu.dimension_semantics<core_parallel>, #tpu.dimension_semantics<subcore_parallel>], iteration_bounds = array<i64: 2, 16>, scalar_prefetch = 0 : i64, scratch_operands = 8 : i64, tpu.core_type = #tpu.core_type<sc_vector_subcore>, window_params = [{transform_indices = #map}, {transform_indices = #map1}, {transform_indices = #map1}, {transform_indices = #map1}]} {
    %mul3A = arith.constant 2 : i32
    %mul3A_0 = arith.muli %arg1, %mul3A : i32
    %add3A = arith.addi %mul3A_0, %arg0 : i32
    %mul3A_1 = arith.constant 625 : i32
    %mul3A_2 = arith.muli %arg1, %mul3A_1 : i32
    %mul3A_3 = arith.constant 625 : i32
    %mul3A_4 = arith.muli %arg1, %mul3A_3 : i32
    "tpu.region"() ({
      %run_scoped3A = tpu.sem_alloc : memref<!tpu.dma_semaphore, #tpu.memory_space<semaphore_mem>>
      %dma_start3A_51 = arith.constant 0 : i32
      %dma_start3A_52 = tpu.memref_slice %arg9[%mul3A_4, %dma_start3A_51] : memref<10000x16xf32, #tpu.memory_space<vmem_shared>> -> memref<625x16xf32, #tpu.memory_space<vmem_shared>>
      %dma_start3A_53 = arith.constant 0 : i32
      %dma_start3A_54 = tpu.memref_slice %arg4[%mul3A_2, %dma_start3A_53] : memref<10000x16xf32, #tpu.memory_space<hbm>> -> memref<625x16xf32, #tpu.memory_space<hbm>>
      tpu.enqueue_dma source(%dma_start3A_54 : memref<625x16xf32, #tpu.memory_space<hbm>>) target(%dma_start3A_52 : memref<625x16xf32, #tpu.memory_space<vmem_shared>>) target_semaphore(%run_scoped3A : memref<!tpu.dma_semaphore, #tpu.memory_space<semaphore_mem>>)
      %dma_wait3A_55 = arith.constant 0 : i32
      %dma_wait3A_56 = tpu.memref_slice %arg9[%mul3A_4, %dma_wait3A_55] : memref<10000x16xf32, #tpu.memory_space<vmem_shared>> -> memref<625x16xf32, #tpu.memory_space<vmem_shared>>
      %dma_wait3A_57 = arith.constant 0 : i32
      %dma_wait3A_58 = tpu.memref_slice %arg4[%mul3A_2, %dma_wait3A_57] : memref<10000x16xf32, #tpu.memory_space<hbm>> -> memref<625x16xf32, #tpu.memory_space<hbm>>
      tpu.wait_dma2 semaphore(%run_scoped3A : memref<!tpu.dma_semaphore, #tpu.memory_space<semaphore_mem>>) src(%dma_wait3A_58 : memref<625x16xf32, #tpu.memory_space<hbm>>) dst(%dma_wait3A_56 : memref<625x16xf32, #tpu.memory_space<vmem_shared>>)
      tpu.yield
    }) : () -> ()
    "tpu.region"() ({
      %run_scoped3A = tpu.sem_alloc : memref<!tpu.dma_semaphore, #tpu.memory_space<semaphore_mem>>
      %dma_start3A_51 = arith.constant 0 : i32
      %dma_start3A_52 = arith.constant 0 : i32
      %dma_start3A_53 = tpu.memref_slice %arg2[%add3A, %dma_start3A_51, %dma_start3A_52] : memref<32x125x80xi32, #tpu.memory_space<hbm>> -> memref<1x125x80xi32, #tpu.memory_space<hbm>>
      %dma_start3A_54 = tpu.memref_squeeze %dma_start3A_53 : memref<1x125x80xi32, #tpu.memory_space<hbm>> -> memref<125x80xi32, #tpu.memory_space<hbm>>
      %dma_start3A_55 = arith.constant 0 : i32
      %dma_start3A_56 = arith.constant 0 : i32
      %dma_start3A_57 = tpu.memref_slice %arg2[%add3A, %dma_start3A_55, %dma_start3A_56] : memref<32x125x80xi32, #tpu.memory_space<hbm>> -> memref<1x125x80xi32, #tpu.memory_space<hbm>>
      %dma_start3A_58 = tpu.memref_squeeze %dma_start3A_57 : memref<1x125x80xi32, #tpu.memory_space<hbm>> -> memref<125x80xi32, #tpu.memory_space<hbm>>
      tpu.enqueue_dma source(%dma_start3A_58 : memref<125x80xi32, #tpu.memory_space<hbm>>) target(%arg6 : memref<125x80xi32, #tpu.memory_space<vmem>>) target_semaphore(%run_scoped3A : memref<!tpu.dma_semaphore, #tpu.memory_space<semaphore_mem>>)
      %dma_wait3A_59 = arith.constant 0 : i32
      %dma_wait3A_60 = arith.constant 0 : i32
      %dma_wait3A_61 = tpu.memref_slice %arg2[%add3A, %dma_wait3A_59, %dma_wait3A_60] : memref<32x125x80xi32, #tpu.memory_space<hbm>> -> memref<1x125x80xi32, #tpu.memory_space<hbm>>
      %dma_wait3A_62 = tpu.memref_squeeze %dma_wait3A_61 : memref<1x125x80xi32, #tpu.memory_space<hbm>> -> memref<125x80xi32, #tpu.memory_space<hbm>>
      %dma_wait3A_63 = arith.constant 0 : i32
      %dma_wait3A_64 = arith.constant 0 : i32
      %dma_wait3A_65 = tpu.memref_slice %arg2[%add3A, %dma_wait3A_63, %dma_wait3A_64] : memref<32x125x80xi32, #tpu.memory_space<hbm>> -> memref<1x125x80xi32, #tpu.memory_space<hbm>>
      %dma_wait3A_66 = tpu.memref_squeeze %dma_wait3A_65 : memref<1x125x80xi32, #tpu.memory_space<hbm>> -> memref<125x80xi32, #tpu.memory_space<hbm>>
      tpu.wait_dma2 semaphore(%run_scoped3A : memref<!tpu.dma_semaphore, #tpu.memory_space<semaphore_mem>>) src(%dma_wait3A_66 : memref<125x80xi32, #tpu.memory_space<hbm>>) dst(%arg6 : memref<125x80xi32, #tpu.memory_space<vmem>>)
      tpu.yield
    }) : () -> ()
    %barrier3A = arith.constant 0 : index
    tpu.barrier barrier_id(%barrier3A)
    %mul3A_5 = arith.constant 10000 : i32
    %mul3A_6 = arith.muli %add3A, %mul3A_5 : i32
    %add3A_7 = arith.constant 0 : i32
    %add3A_8 = arith.addi %mul3A_6, %add3A_7 : i32
    %dma_start3A = arith.constant 0 : i32
    %dma_start3A_9 = tpu.memref_slice %arg3[%add3A_8, %dma_start3A] : memref<320000x16xf32, #tpu.memory_space<hbm>> -> memref<80x16xf32, #tpu.memory_space<hbm>>
    %dma_start3A_10 = arith.constant 0 : i32
    %dma_start3A_11 = tpu.memref_slice %arg3[%add3A_8, %dma_start3A_10] : memref<320000x16xf32, #tpu.memory_space<hbm>> -> memref<80x16xf32, #tpu.memory_space<hbm>>
    tpu.enqueue_dma source(%dma_start3A_11 : memref<80x16xf32, #tpu.memory_space<hbm>>) target(%arg7 : memref<80x16xf32, #tpu.memory_space<vmem>>) target_semaphore(%arg10 : memref<!tpu.dma_semaphore, #tpu.memory_space<semaphore_mem>>)
    %scan3A = arith.constant 0 : i32
    %scan3A_12 = arith.constant 0 : i32
    %scan3A_13 = arith.constant 62 : i32
    %scan3A_14 = arith.addi %scan3A_12, %scan3A_13 : i32
    %scan3A_15 = arith.constant 1 : i32
    scf.for %scan3A_51 = %scan3A_12 to %scan3A_14 step %scan3A_15  : i32 {
      %mul3A_52 = arith.constant 2 : i32
      %mul3A_53 = arith.muli %mul3A_52, %scan3A_51 : i32
      %gt3A = arith.constant 0 : i32
      %gt3A_54 = arith.cmpi sgt, %scan3A_51, %gt3A : i32
      %convert_element_type3A = arith.extui %gt3A_54 : i1 to i32
      %cond3A = arith.constant 0 : i32
      %cond3A_55 = arith.cmpi ne, %convert_element_type3A, %cond3A : i32
      scf.if %cond3A_55 {
        %sub3A = arith.constant 1 : i32
        %sub3A_107 = arith.subi %mul3A_53, %sub3A : i32
        %dma_wait3A_108 = arith.constant 0 : i32
        %dma_wait3A_109 = tpu.memref_slice %arg6[%sub3A_107, %dma_wait3A_108] : memref<125x80xi32, #tpu.memory_space<vmem>> -> memref<1x80xi32, #tpu.memory_space<vmem>>
        %dma_wait3A_110 = tpu.memref_squeeze %dma_wait3A_109 : memref<1x80xi32, #tpu.memory_space<vmem>> -> memref<80xi32, #tpu.memory_space<vmem>>
        %dma_wait3A_111 = arith.constant 0 : i32
        %dma_wait3A_112 = arith.constant 0 : i32
        %dma_wait3A_113 = tpu.memref_slice %arg9[%dma_wait3A_111, %dma_wait3A_112] : memref<10000x16xf32, #tpu.memory_space<vmem_shared>> -> memref<10000x16xf32, #tpu.memory_space<vmem_shared>>
        tpu.wait_indirect_dma semaphore(%arg13 : memref<!tpu.dma_semaphore, #tpu.memory_space<semaphore_mem>>) src(%arg8 : memref<80x16xf32, #tpu.memory_space<vmem>>) dst(%dma_wait3A_113 : memref<10000x16xf32, #tpu.memory_space<vmem_shared>>)
      } else {
      }
      %add3A_56 = arith.constant 1 : i32
      %add3A_57 = arith.addi %mul3A_53, %add3A_56 : i32
      %mul3A_58 = arith.constant 80 : i32
      %mul3A_59 = arith.muli %add3A_57, %mul3A_58 : i32
      %add3A_60 = arith.addi %mul3A_6, %mul3A_59 : i32
      %dma_start3A_61 = arith.constant 0 : i32
      %dma_start3A_62 = tpu.memref_slice %arg3[%add3A_60, %dma_start3A_61] : memref<320000x16xf32, #tpu.memory_space<hbm>> -> memref<80x16xf32, #tpu.memory_space<hbm>>
      %dma_start3A_63 = arith.constant 0 : i32
      %dma_start3A_64 = tpu.memref_slice %arg3[%add3A_60, %dma_start3A_63] : memref<320000x16xf32, #tpu.memory_space<hbm>> -> memref<80x16xf32, #tpu.memory_space<hbm>>
      tpu.enqueue_dma source(%dma_start3A_64 : memref<80x16xf32, #tpu.memory_space<hbm>>) target(%arg8 : memref<80x16xf32, #tpu.memory_space<vmem>>) target_semaphore(%arg11 : memref<!tpu.dma_semaphore, #tpu.memory_space<semaphore_mem>>)
      %mul3A_65 = arith.constant 80 : i32
      %mul3A_66 = arith.muli %mul3A_53, %mul3A_65 : i32
      %add3A_67 = arith.addi %mul3A_6, %mul3A_66 : i32
      %dma_wait3A_68 = arith.constant 0 : i32
      %dma_wait3A_69 = tpu.memref_slice %arg3[%add3A_67, %dma_wait3A_68] : memref<320000x16xf32, #tpu.memory_space<hbm>> -> memref<80x16xf32, #tpu.memory_space<hbm>>
      %dma_wait3A_70 = arith.constant 0 : i32
      %dma_wait3A_71 = tpu.memref_slice %arg3[%add3A_67, %dma_wait3A_70] : memref<320000x16xf32, #tpu.memory_space<hbm>> -> memref<80x16xf32, #tpu.memory_space<hbm>>
      tpu.wait_dma2 semaphore(%arg10 : memref<!tpu.dma_semaphore, #tpu.memory_space<semaphore_mem>>) src(%dma_wait3A_71 : memref<80x16xf32, #tpu.memory_space<hbm>>) dst(%arg7 : memref<80x16xf32, #tpu.memory_space<vmem>>)
      %dma_start3A_72 = arith.constant 0 : i32
      %dma_start3A_73 = tpu.memref_slice %arg6[%mul3A_53, %dma_start3A_72] : memref<125x80xi32, #tpu.memory_space<vmem>> -> memref<1x80xi32, #tpu.memory_space<vmem>>
      %dma_start3A_74 = tpu.memref_squeeze %dma_start3A_73 : memref<1x80xi32, #tpu.memory_space<vmem>> -> memref<80xi32, #tpu.memory_space<vmem>>
      %dma_start3A_75 = arith.constant 0 : i32
      %dma_start3A_76 = arith.constant 0 : i32
      %dma_start3A_77 = tpu.memref_slice %arg9[%dma_start3A_75, %dma_start3A_76] : memref<10000x16xf32, #tpu.memory_space<vmem_shared>> -> memref<10000x16xf32, #tpu.memory_space<vmem_shared>>
      tpu.enqueue_indirect_dma source(%arg7 : memref<80x16xf32, #tpu.memory_space<vmem>>) target(%dma_start3A_77 : memref<10000x16xf32, #tpu.memory_space<vmem_shared>>) offsets(%dma_start3A_74 : memref<80xi32, #tpu.memory_space<vmem>>) semaphore(%arg12 : memref<!tpu.dma_semaphore, #tpu.memory_space<semaphore_mem>>) {add = true}
      %dma_wait3A_78 = arith.constant 0 : i32
      %dma_wait3A_79 = tpu.memref_slice %arg6[%mul3A_53, %dma_wait3A_78] : memref<125x80xi32, #tpu.memory_space<vmem>> -> memref<1x80xi32, #tpu.memory_space<vmem>>
      %dma_wait3A_80 = tpu.memref_squeeze %dma_wait3A_79 : memref<1x80xi32, #tpu.memory_space<vmem>> -> memref<80xi32, #tpu.memory_space<vmem>>
      %dma_wait3A_81 = arith.constant 0 : i32
      %dma_wait3A_82 = arith.constant 0 : i32
      %dma_wait3A_83 = tpu.memref_slice %arg9[%dma_wait3A_81, %dma_wait3A_82] : memref<10000x16xf32, #tpu.memory_space<vmem_shared>> -> memref<10000x16xf32, #tpu.memory_space<vmem_shared>>
      tpu.wait_indirect_dma semaphore(%arg12 : memref<!tpu.dma_semaphore, #tpu.memory_space<semaphore_mem>>) src(%arg7 : memref<80x16xf32, #tpu.memory_space<vmem>>) dst(%dma_wait3A_83 : memref<10000x16xf32, #tpu.memory_space<vmem_shared>>)
      %add3A_84 = arith.constant 2 : i32
      %add3A_85 = arith.addi %mul3A_53, %add3A_84 : i32
      %lt3A = arith.constant 125 : i32
      %lt3A_86 = arith.cmpi slt, %add3A_85, %lt3A : i32
      %convert_element_type3A_87 = arith.extui %lt3A_86 : i1 to i32
      %cond3A_88 = arith.constant 0 : i32
      %cond3A_89 = arith.cmpi ne, %convert_element_type3A_87, %cond3A_88 : i32
      scf.if %cond3A_89 {
        %add3A_107 = arith.constant 2 : i32
        %add3A_108 = arith.addi %mul3A_53, %add3A_107 : i32
        %mul3A_109 = arith.constant 80 : i32
        %mul3A_110 = arith.muli %add3A_108, %mul3A_109 : i32
        %add3A_111 = arith.addi %mul3A_6, %mul3A_110 : i32
        %dma_start3A_112 = arith.constant 0 : i32
        %dma_start3A_113 = tpu.memref_slice %arg3[%add3A_111, %dma_start3A_112] : memref<320000x16xf32, #tpu.memory_space<hbm>> -> memref<80x16xf32, #tpu.memory_space<hbm>>
        %dma_start3A_114 = arith.constant 0 : i32
        %dma_start3A_115 = tpu.memref_slice %arg3[%add3A_111, %dma_start3A_114] : memref<320000x16xf32, #tpu.memory_space<hbm>> -> memref<80x16xf32, #tpu.memory_space<hbm>>
        tpu.enqueue_dma source(%dma_start3A_115 : memref<80x16xf32, #tpu.memory_space<hbm>>) target(%arg7 : memref<80x16xf32, #tpu.memory_space<vmem>>) target_semaphore(%arg10 : memref<!tpu.dma_semaphore, #tpu.memory_space<semaphore_mem>>)
      } else {
      }
      %add3A_90 = arith.constant 1 : i32
      %add3A_91 = arith.addi %mul3A_53, %add3A_90 : i32
      %mul3A_92 = arith.constant 80 : i32
      %mul3A_93 = arith.muli %add3A_91, %mul3A_92 : i32
      %add3A_94 = arith.addi %mul3A_6, %mul3A_93 : i32
      %dma_wait3A_95 = arith.constant 0 : i32
      %dma_wait3A_96 = tpu.memref_slice %arg3[%add3A_94, %dma_wait3A_95] : memref<320000x16xf32, #tpu.memory_space<hbm>> -> memref<80x16xf32, #tpu.memory_space<hbm>>
      %dma_wait3A_97 = arith.constant 0 : i32
      %dma_wait3A_98 = tpu.memref_slice %arg3[%add3A_94, %dma_wait3A_97] : memref<320000x16xf32, #tpu.memory_space<hbm>> -> memref<80x16xf32, #tpu.memory_space<hbm>>
      tpu.wait_dma2 semaphore(%arg11 : memref<!tpu.dma_semaphore, #tpu.memory_space<semaphore_mem>>) src(%dma_wait3A_98 : memref<80x16xf32, #tpu.memory_space<hbm>>) dst(%arg8 : memref<80x16xf32, #tpu.memory_space<vmem>>)
      %add3A_99 = arith.constant 1 : i32
      %add3A_100 = arith.addi %mul3A_53, %add3A_99 : i32
      %dma_start3A_101 = arith.constant 0 : i32
      %dma_start3A_102 = tpu.memref_slice %arg6[%add3A_100, %dma_start3A_101] : memref<125x80xi32, #tpu.memory_space<vmem>> -> memref<1x80xi32, #tpu.memory_space<vmem>>
      %dma_start3A_103 = tpu.memref_squeeze %dma_start3A_102 : memref<1x80xi32, #tpu.memory_space<vmem>> -> memref<80xi32, #tpu.memory_space<vmem>>
      %dma_start3A_104 = arith.constant 0 : i32
      %dma_start3A_105 = arith.constant 0 : i32
      %dma_start3A_106 = tpu.memref_slice %arg9[%dma_start3A_104, %dma_start3A_105] : memref<10000x16xf32, #tpu.memory_space<vmem_shared>> -> memref<10000x16xf32, #tpu.memory_space<vmem_shared>>
      tpu.enqueue_indirect_dma source(%arg8 : memref<80x16xf32, #tpu.memory_space<vmem>>) target(%dma_start3A_106 : memref<10000x16xf32, #tpu.memory_space<vmem_shared>>) offsets(%dma_start3A_103 : memref<80xi32, #tpu.memory_space<vmem>>) semaphore(%arg13 : memref<!tpu.dma_semaphore, #tpu.memory_space<semaphore_mem>>) {add = true}
    }
    %scan3A_16 = arith.constant 62 : i32
    %dma_wait3A = arith.constant 123 : i32
    %dma_wait3A_17 = arith.constant 0 : i32
    %dma_wait3A_18 = tpu.memref_slice %arg6[%dma_wait3A, %dma_wait3A_17] : memref<125x80xi32, #tpu.memory_space<vmem>> -> memref<1x80xi32, #tpu.memory_space<vmem>>
    %dma_wait3A_19 = tpu.memref_squeeze %dma_wait3A_18 : memref<1x80xi32, #tpu.memory_space<vmem>> -> memref<80xi32, #tpu.memory_space<vmem>>
    %dma_wait3A_20 = arith.constant 0 : i32
    %dma_wait3A_21 = arith.constant 0 : i32
    %dma_wait3A_22 = tpu.memref_slice %arg9[%dma_wait3A_20, %dma_wait3A_21] : memref<10000x16xf32, #tpu.memory_space<vmem_shared>> -> memref<10000x16xf32, #tpu.memory_space<vmem_shared>>
    tpu.wait_indirect_dma semaphore(%arg13 : memref<!tpu.dma_semaphore, #tpu.memory_space<semaphore_mem>>) src(%arg8 : memref<80x16xf32, #tpu.memory_space<vmem>>) dst(%dma_wait3A_22 : memref<10000x16xf32, #tpu.memory_space<vmem_shared>>)
    %add3A_23 = arith.constant 9920 : i32
    %add3A_24 = arith.addi %mul3A_6, %add3A_23 : i32
    %dma_wait3A_25 = arith.constant 0 : i32
    %dma_wait3A_26 = tpu.memref_slice %arg3[%add3A_24, %dma_wait3A_25] : memref<320000x16xf32, #tpu.memory_space<hbm>> -> memref<80x16xf32, #tpu.memory_space<hbm>>
    %dma_wait3A_27 = arith.constant 0 : i32
    %dma_wait3A_28 = tpu.memref_slice %arg3[%add3A_24, %dma_wait3A_27] : memref<320000x16xf32, #tpu.memory_space<hbm>> -> memref<80x16xf32, #tpu.memory_space<hbm>>
    tpu.wait_dma2 semaphore(%arg10 : memref<!tpu.dma_semaphore, #tpu.memory_space<semaphore_mem>>) src(%dma_wait3A_28 : memref<80x16xf32, #tpu.memory_space<hbm>>) dst(%arg7 : memref<80x16xf32, #tpu.memory_space<vmem>>)
    %dma_start3A_29 = arith.constant 124 : i32
    %dma_start3A_30 = arith.constant 0 : i32
    %dma_start3A_31 = tpu.memref_slice %arg6[%dma_start3A_29, %dma_start3A_30] : memref<125x80xi32, #tpu.memory_space<vmem>> -> memref<1x80xi32, #tpu.memory_space<vmem>>
    %dma_start3A_32 = tpu.memref_squeeze %dma_start3A_31 : memref<1x80xi32, #tpu.memory_space<vmem>> -> memref<80xi32, #tpu.memory_space<vmem>>
    %dma_start3A_33 = arith.constant 0 : i32
    %dma_start3A_34 = arith.constant 0 : i32
    %dma_start3A_35 = tpu.memref_slice %arg9[%dma_start3A_33, %dma_start3A_34] : memref<10000x16xf32, #tpu.memory_space<vmem_shared>> -> memref<10000x16xf32, #tpu.memory_space<vmem_shared>>
    tpu.enqueue_indirect_dma source(%arg7 : memref<80x16xf32, #tpu.memory_space<vmem>>) target(%dma_start3A_35 : memref<10000x16xf32, #tpu.memory_space<vmem_shared>>) offsets(%dma_start3A_32 : memref<80xi32, #tpu.memory_space<vmem>>) semaphore(%arg12 : memref<!tpu.dma_semaphore, #tpu.memory_space<semaphore_mem>>) {add = true}
    %dma_wait3A_36 = arith.constant 124 : i32
    %dma_wait3A_37 = arith.constant 0 : i32
    %dma_wait3A_38 = tpu.memref_slice %arg6[%dma_wait3A_36, %dma_wait3A_37] : memref<125x80xi32, #tpu.memory_space<vmem>> -> memref<1x80xi32, #tpu.memory_space<vmem>>
    %dma_wait3A_39 = tpu.memref_squeeze %dma_wait3A_38 : memref<1x80xi32, #tpu.memory_space<vmem>> -> memref<80xi32, #tpu.memory_space<vmem>>
    %dma_wait3A_40 = arith.constant 0 : i32
    %dma_wait3A_41 = arith.constant 0 : i32
    %dma_wait3A_42 = tpu.memref_slice %arg9[%dma_wait3A_40, %dma_wait3A_41] : memref<10000x16xf32, #tpu.memory_space<vmem_shared>> -> memref<10000x16xf32, #tpu.memory_space<vmem_shared>>
    tpu.wait_indirect_dma semaphore(%arg12 : memref<!tpu.dma_semaphore, #tpu.memory_space<semaphore_mem>>) src(%arg7 : memref<80x16xf32, #tpu.memory_space<vmem>>) dst(%dma_wait3A_42 : memref<10000x16xf32, #tpu.memory_space<vmem_shared>>)
    %barrier3A_43 = arith.constant 0 : index
    tpu.barrier barrier_id(%barrier3A_43)
    %mul3A_44 = arith.constant 625 : i32
    %mul3A_45 = arith.muli %arg1, %mul3A_44 : i32
    %mul3A_46 = arith.constant 10000 : i32
    %mul3A_47 = arith.muli %arg0, %mul3A_46 : i32
    %mul3A_48 = arith.constant 625 : i32
    %mul3A_49 = arith.muli %arg1, %mul3A_48 : i32
    %add3A_50 = arith.addi %mul3A_47, %mul3A_49 : i32
    "tpu.region"() ({
      %run_scoped3A = tpu.sem_alloc : memref<!tpu.dma_semaphore, #tpu.memory_space<semaphore_mem>>
      %dma_start3A_51 = arith.constant 0 : i32
      %dma_start3A_52 = tpu.memref_slice %arg5[%add3A_50, %dma_start3A_51] : memref<20000x16xf32, #tpu.memory_space<hbm>> -> memref<625x16xf32, #tpu.memory_space<hbm>>
      %dma_start3A_53 = arith.constant 0 : i32
      %dma_start3A_54 = tpu.memref_slice %arg9[%mul3A_45, %dma_start3A_53] : memref<10000x16xf32, #tpu.memory_space<vmem_shared>> -> memref<625x16xf32, #tpu.memory_space<vmem_shared>>
      tpu.enqueue_dma source(%dma_start3A_54 : memref<625x16xf32, #tpu.memory_space<vmem_shared>>) target(%dma_start3A_52 : memref<625x16xf32, #tpu.memory_space<hbm>>) target_semaphore(%run_scoped3A : memref<!tpu.dma_semaphore, #tpu.memory_space<semaphore_mem>>)
      %dma_wait3A_55 = arith.constant 0 : i32
      %dma_wait3A_56 = tpu.memref_slice %arg5[%add3A_50, %dma_wait3A_55] : memref<20000x16xf32, #tpu.memory_space<hbm>> -> memref<625x16xf32, #tpu.memory_space<hbm>>
      %dma_wait3A_57 = arith.constant 0 : i32
      %dma_wait3A_58 = tpu.memref_slice %arg9[%mul3A_45, %dma_wait3A_57] : memref<10000x16xf32, #tpu.memory_space<vmem_shared>> -> memref<625x16xf32, #tpu.memory_space<vmem_shared>>
      tpu.wait_dma2 semaphore(%run_scoped3A : memref<!tpu.dma_semaphore, #tpu.memory_space<semaphore_mem>>) src(%dma_wait3A_58 : memref<625x16xf32, #tpu.memory_space<vmem_shared>>) dst(%dma_wait3A_56 : memref<625x16xf32, #tpu.memory_space<hbm>>)
      tpu.yield
    }) : () -> ()
    return
  }
}

module attributes {stable_mosaic.version = 14 : i64} {
  func.func @_prep_body(%arg0: i32, %arg1: memref<128x128xf32, #tpu.memory_space<vmem>>, %arg2: memref<128x128xf32, #tpu.memory_space<vmem>>, %arg3: memref<2000x128xf32, #tpu.memory_space<vmem>>, %arg4: memref<2000x16xf32, #tpu.memory_space<vmem>>, %arg5: memref<2000x144xf32, #tpu.memory_space<vmem>>, %arg6: memref<2000x144xf32, #tpu.memory_space<vmem>>) attributes {dimension_semantics = [#tpu.dimension_semantics<arbitrary>], iteration_bounds = array<i64: 5>, scalar_prefetch = 0 : i64, scratch_operands = 0 : i64, tpu.core_type = #tpu.core_type<tc>, window_params = [{pipeline_mode = #tpu.pipeline_mode<synchronous>, transform_indices = @transform_0, window_bounds = array<i64: 128, 128>}, {pipeline_mode = #tpu.pipeline_mode<synchronous>, transform_indices = @transform_1, window_bounds = array<i64: 128, 128>}, {transform_indices = @transform_2, window_bounds = array<i64: 2000, 128>}, {transform_indices = @transform_3, window_bounds = array<i64: 2000, 16>}, {transform_indices = @transform_4, window_bounds = array<i64: 2000, 144>}, {transform_indices = @transform_5, window_bounds = array<i64: 2000, 144>}]} {
    %get3A = arith.constant 0 : index
    %get3A_0 = arith.constant 0 : index
    %get3A_1 = vector.load %arg3[%get3A, %get3A_0] : memref<2000x128xf32, #tpu.memory_space<vmem>>, vector<2000x128xf32>
    %get3A_2 = arith.constant 0 : index
    %get3A_3 = arith.constant 0 : index
    %get3A_4 = vector.load %arg4[%get3A_2, %get3A_3] : memref<2000x16xf32, #tpu.memory_space<vmem>>, vector<2000x16xf32>
    %get3A_5 = arith.constant 0 : index
    %get3A_6 = arith.constant 0 : index
    %get3A_7 = vector.load %arg1[%get3A_5, %get3A_6] : memref<128x128xf32, #tpu.memory_space<vmem>>, vector<128x128xf32>
    %dot_general3A = arith.constant dense<0.000000e+00> : vector<2000x128xf32>
    %dot_general3A_8 = tpu.matmul %get3A_1, %get3A_7, %dot_general3A {dimension_numbers = #tpu.dot_dimension_numbers<[1], [0], [0], [1], [0, 0, 1, 1], [], []>, transpose_lhs_hint = false} : vector<2000x128xf32>, vector<128x128xf32>, vector<2000x128xf32> -> vector<2000x128xf32>
    %concatenate3A = tpu.concatenate %dot_general3A_8, %get3A_4 in 1 : vector<2000x128xf32>, vector<2000x16xf32> -> vector<2000x144xf32>
    %swap3A = arith.constant 0 : index
    %swap3A_9 = arith.constant 0 : index
    %swap3A_10 = vector.load %arg5[%swap3A, %swap3A_9] : memref<2000x144xf32, #tpu.memory_space<vmem>>, vector<2000x144xf32>
    tpu.vector_store %arg5[%swap3A, %swap3A_9], %concatenate3A {strides = array<i32>} : memref<2000x144xf32, #tpu.memory_space<vmem>>, vector<2000x144xf32>,
    %get3A_11 = arith.constant 0 : index
    %get3A_12 = arith.constant 0 : index
    %get3A_13 = vector.load %arg2[%get3A_11, %get3A_12] : memref<128x128xf32, #tpu.memory_space<vmem>>, vector<128x128xf32>
    %dot_general3A_14 = arith.constant dense<0.000000e+00> : vector<2000x128xf32>
    %dot_general3A_15 = tpu.matmul %get3A_1, %get3A_13, %dot_general3A_14 {dimension_numbers = #tpu.dot_dimension_numbers<[1], [0], [0], [1], [0, 0, 1, 1], [], []>, transpose_lhs_hint = false} : vector<2000x128xf32>, vector<128x128xf32>, vector<2000x128xf32> -> vector<2000x128xf32>
    %concatenate3A_16 = tpu.concatenate %dot_general3A_15, %get3A_4 in 1 : vector<2000x128xf32>, vector<2000x16xf32> -> vector<2000x144xf32>
    %swap3A_17 = arith.constant 0 : index
    %swap3A_18 = arith.constant 0 : index
    %swap3A_19 = vector.load %arg6[%swap3A_17, %swap3A_18] : memref<2000x144xf32, #tpu.memory_space<vmem>>, vector<2000x144xf32>
    tpu.vector_store %arg6[%swap3A_17, %swap3A_18], %concatenate3A_16 {strides = array<i32>} : memref<2000x144xf32, #tpu.memory_space<vmem>>, vector<2000x144xf32>,
    return
  }
  func.func @transform_0(%arg0: i32) -> (i32, i32) {
    %c0_i32 = arith.constant 0 : i32
    %c0_i32_0 = arith.constant 0 : i32
    %c0_i32_1 = arith.constant 0 : i32
    return %c0_i32, %c0_i32_0 : i32, i32
  }
  func.func @transform_1(%arg0: i32) -> (i32, i32) {
    %c0_i32 = arith.constant 0 : i32
    %c0_i32_0 = arith.constant 0 : i32
    %c0_i32_1 = arith.constant 0 : i32
    return %c0_i32, %c0_i32_0 : i32, i32
  }
  func.func @transform_2(%arg0: i32) -> (i32, i32) {
    %c0_i32 = arith.constant 0 : i32
    %c0_i32_0 = arith.constant 0 : i32
    return %arg0, %c0_i32 : i32, i32
  }
  func.func @transform_3(%arg0: i32) -> (i32, i32) {
    %c0_i32 = arith.constant 0 : i32
    %c0_i32_0 = arith.constant 0 : i32
    return %arg0, %c0_i32 : i32, i32
  }
  func.func @transform_4(%arg0: i32) -> (i32, i32) {
    %c0_i32 = arith.constant 0 : i32
    %c0_i32_0 = arith.constant 0 : i32
    return %arg0, %c0_i32 : i32, i32
  }
  func.func @transform_5(%arg0: i32) -> (i32, i32) {
    %c0_i32 = arith.constant 0 : i32
    %c0_i32_0 = arith.constant 0 : i32
    return %arg0, %c0_i32 : i32, i32
  }
}

module attributes {stable_mosaic.version = 14 : i64} {
  func.func @_edge_body(%arg0: i32, %arg1: memref<1x128xf32, #tpu.memory_space<vmem>>, %arg2: memref<1x128xf32, #tpu.memory_space<vmem>>, %arg3: memref<128x128xf32, #tpu.memory_space<vmem>>, %arg4: memref<1x128xf32, #tpu.memory_space<vmem>>, %arg5: memref<128x128xf32, #tpu.memory_space<vmem>>, %arg6: memref<1x128xf32, #tpu.memory_space<vmem>>, %arg7: memref<1x128xf32, #tpu.memory_space<vmem>>, %arg8: memref<2000x144xf32, #tpu.memory_space<vmem>>, %arg9: memref<2000x144xf32, #tpu.memory_space<vmem>>, %arg10: memref<2000x128xf32, #tpu.memory_space<vmem>>, %arg11: memref<2000x16xf32, #tpu.memory_space<vmem>>) attributes {dimension_semantics = [#tpu.dimension_semantics<arbitrary>], iteration_bounds = array<i64: 160>, scalar_prefetch = 0 : i64, scratch_operands = 0 : i64, tpu.core_type = #tpu.core_type<tc>, window_params = [{pipeline_mode = #tpu.pipeline_mode<synchronous>, transform_indices = @transform_0, window_bounds = array<i64: 1, 128>}, {pipeline_mode = #tpu.pipeline_mode<synchronous>, transform_indices = @transform_1, window_bounds = array<i64: 1, 128>}, {pipeline_mode = #tpu.pipeline_mode<synchronous>, transform_indices = @transform_2, window_bounds = array<i64: 128, 128>}, {pipeline_mode = #tpu.pipeline_mode<synchronous>, transform_indices = @transform_3, window_bounds = array<i64: 1, 128>}, {pipeline_mode = #tpu.pipeline_mode<synchronous>, transform_indices = @transform_4, window_bounds = array<i64: 128, 128>}, {pipeline_mode = #tpu.pipeline_mode<synchronous>, transform_indices = @transform_5, window_bounds = array<i64: 1, 128>}, {pipeline_mode = #tpu.pipeline_mode<synchronous>, transform_indices = @transform_6, window_bounds = array<i64: 1, 128>}, {transform_indices = @transform_7, window_bounds = array<i64: 2000, 144>}, {transform_indices = @transform_8, window_bounds = array<i64: 2000, 144>}, {transform_indices = @transform_9, window_bounds = array<i64: 2000, 128>}, {transform_indices = @transform_10, window_bounds = array<i64: 2000, 16>}]} {
    %get3A = arith.constant 0 : index
    %get3A_0 = arith.constant 0 : index
    %get3A_1 = vector.load %arg8[%get3A, %get3A_0] : memref<2000x144xf32, #tpu.memory_space<vmem>>, vector<2000x144xf32>
    %get3A_2 = arith.constant 0 : index
    %get3A_3 = arith.constant 0 : index
    %get3A_4 = vector.load %arg9[%get3A_2, %get3A_3] : memref<2000x144xf32, #tpu.memory_space<vmem>>, vector<2000x144xf32>
    %slice3A = vector.extract_strided_slice %get3A_1 {offsets = [0, 0], sizes = [2000, 128], strides = [1, 1]} : vector<2000x144xf32> to vector<2000x128xf32>
    %slice3A_5 = vector.extract_strided_slice %get3A_4 {offsets = [0, 0], sizes = [2000, 128], strides = [1, 1]} : vector<2000x144xf32> to vector<2000x128xf32>
    %add3A = arith.addf %slice3A, %slice3A_5 : vector<2000x128xf32>
    %slice3A_6 = vector.extract_strided_slice %get3A_1 {offsets = [0, 128], sizes = [2000, 16], strides = [1, 1]} : vector<2000x144xf32> to vector<2000x16xf32>
    %slice3A_7 = vector.extract_strided_slice %get3A_4 {offsets = [0, 128], sizes = [2000, 16], strides = [1, 1]} : vector<2000x144xf32> to vector<2000x16xf32>
    %sub3A = arith.subf %slice3A_6, %slice3A_7 : vector<2000x16xf32>
    %mul3A = arith.mulf %sub3A, %sub3A : vector<2000x16xf32>
    %reduce_sum3A = arith.constant dense<0.000000e+00> : vector<2000xf32>
    %reduce_sum3A_8 = vector.multi_reduction <add>, %mul3A, %reduce_sum3A [1] : vector<2000x16xf32> to vector<2000xf32>
    %broadcast_in_dim3A = vector.shape_cast %reduce_sum3A_8 : vector<2000xf32> to vector<2000x1xf32>
    %get3A_9 = arith.constant 0 : index
    %get3A_10 = arith.constant 0 : index
    %get3A_11 = vector.load %arg1[%get3A_9, %get3A_10] : memref<1x128xf32, #tpu.memory_space<vmem>>, vector<1x128xf32>
    %mul3A_12 = vector.broadcast %broadcast_in_dim3A : vector<2000x1xf32> to vector<2000x128xf32>
    %mul3A_13 = vector.broadcast %get3A_11 : vector<1x128xf32> to vector<2000x128xf32>
    %mul3A_14 = arith.mulf %mul3A_12, %mul3A_13 : vector<2000x128xf32>
    %add3A_15 = arith.addf %add3A, %mul3A_14 : vector<2000x128xf32>
    %get3A_16 = arith.constant 0 : index
    %get3A_17 = arith.constant 0 : index
    %get3A_18 = vector.load %arg2[%get3A_16, %get3A_17] : memref<1x128xf32, #tpu.memory_space<vmem>>, vector<1x128xf32>
    %add3A_19 = vector.broadcast %get3A_18 : vector<1x128xf32> to vector<2000x128xf32>
    %add3A_20 = arith.addf %add3A_15, %add3A_19 : vector<2000x128xf32>
    %mul3A_21 = arith.constant 5.000000e-01 : f32
    %mul3A_22 = vector.broadcast %mul3A_21 : f32 to vector<2000x128xf32>
    %mul3A_23 = arith.mulf %mul3A_22, %add3A_20 : vector<2000x128xf32>
    %tanh3A = math.tanh %mul3A_23 : vector<2000x128xf32>
    %mul3A_24 = arith.constant 5.000000e-01 : f32
    %mul3A_25 = vector.broadcast %mul3A_24 : f32 to vector<2000x128xf32>
    %mul3A_26 = arith.mulf %mul3A_25, %tanh3A : vector<2000x128xf32>
    %add3A_27 = arith.constant 5.000000e-01 : f32
    %add3A_28 = vector.broadcast %add3A_27 : f32 to vector<2000x128xf32>
    %add3A_29 = arith.addf %mul3A_26, %add3A_28 : vector<2000x128xf32>
    %mul3A_30 = arith.mulf %add3A_20, %add3A_29 : vector<2000x128xf32>
    %get3A_31 = arith.constant 0 : index
    %get3A_32 = arith.constant 0 : index
    %get3A_33 = vector.load %arg3[%get3A_31, %get3A_32] : memref<128x128xf32, #tpu.memory_space<vmem>>, vector<128x128xf32>
    %dot_general3A = arith.constant dense<0.000000e+00> : vector<2000x128xf32>
    %dot_general3A_34 = tpu.matmul %mul3A_30, %get3A_33, %dot_general3A {dimension_numbers = #tpu.dot_dimension_numbers<[1], [0], [0], [1], [0, 0, 1, 1], [], []>, transpose_lhs_hint = false} : vector<2000x128xf32>, vector<128x128xf32>, vector<2000x128xf32> -> vector<2000x128xf32>
    %get3A_35 = arith.constant 0 : index
    %get3A_36 = arith.constant 0 : index
    %get3A_37 = vector.load %arg4[%get3A_35, %get3A_36] : memref<1x128xf32, #tpu.memory_space<vmem>>, vector<1x128xf32>
    %add3A_38 = vector.broadcast %get3A_37 : vector<1x128xf32> to vector<2000x128xf32>
    %add3A_39 = arith.addf %dot_general3A_34, %add3A_38 : vector<2000x128xf32>
    %mul3A_40 = arith.constant 5.000000e-01 : f32
    %mul3A_41 = vector.broadcast %mul3A_40 : f32 to vector<2000x128xf32>
    %mul3A_42 = arith.mulf %mul3A_41, %add3A_39 : vector<2000x128xf32>
    %tanh3A_43 = math.tanh %mul3A_42 : vector<2000x128xf32>
    %mul3A_44 = arith.constant 5.000000e-01 : f32
    %mul3A_45 = vector.broadcast %mul3A_44 : f32 to vector<2000x128xf32>
    %mul3A_46 = arith.mulf %mul3A_45, %tanh3A_43 : vector<2000x128xf32>
    %add3A_47 = arith.constant 5.000000e-01 : f32
    %add3A_48 = vector.broadcast %add3A_47 : f32 to vector<2000x128xf32>
    %add3A_49 = arith.addf %mul3A_46, %add3A_48 : vector<2000x128xf32>
    %mul3A_50 = arith.mulf %add3A_39, %add3A_49 : vector<2000x128xf32>
    %get3A_51 = arith.constant 0 : index
    %get3A_52 = arith.constant 0 : index
    %get3A_53 = vector.load %arg5[%get3A_51, %get3A_52] : memref<128x128xf32, #tpu.memory_space<vmem>>, vector<128x128xf32>
    %dot_general3A_54 = arith.constant dense<0.000000e+00> : vector<2000x128xf32>
    %dot_general3A_55 = tpu.matmul %mul3A_50, %get3A_53, %dot_general3A_54 {dimension_numbers = #tpu.dot_dimension_numbers<[1], [0], [0], [1], [0, 0, 1, 1], [], []>, transpose_lhs_hint = false} : vector<2000x128xf32>, vector<128x128xf32>, vector<2000x128xf32> -> vector<2000x128xf32>
    %get3A_56 = arith.constant 0 : index
    %get3A_57 = arith.constant 0 : index
    %get3A_58 = vector.load %arg6[%get3A_56, %get3A_57] : memref<1x128xf32, #tpu.memory_space<vmem>>, vector<1x128xf32>
    %add3A_59 = vector.broadcast %get3A_58 : vector<1x128xf32> to vector<2000x128xf32>
    %add3A_60 = arith.addf %dot_general3A_55, %add3A_59 : vector<2000x128xf32>
    %mul3A_61 = arith.constant 5.000000e-01 : f32
    %mul3A_62 = vector.broadcast %mul3A_61 : f32 to vector<2000x128xf32>
    %mul3A_63 = arith.mulf %mul3A_62, %add3A_60 : vector<2000x128xf32>
    %tanh3A_64 = math.tanh %mul3A_63 : vector<2000x128xf32>
    %mul3A_65 = arith.constant 5.000000e-01 : f32
    %mul3A_66 = vector.broadcast %mul3A_65 : f32 to vector<2000x128xf32>
    %mul3A_67 = arith.mulf %mul3A_66, %tanh3A_64 : vector<2000x128xf32>
    %add3A_68 = arith.constant 5.000000e-01 : f32
    %add3A_69 = vector.broadcast %add3A_68 : f32 to vector<2000x128xf32>
    %add3A_70 = arith.addf %mul3A_67, %add3A_69 : vector<2000x128xf32>
    %mul3A_71 = arith.mulf %add3A_60, %add3A_70 : vector<2000x128xf32>
    %get3A_72 = arith.constant 0 : index
    %get3A_73 = arith.constant 0 : index
    %get3A_74 = vector.load %arg7[%get3A_72, %get3A_73] : memref<1x128xf32, #tpu.memory_space<vmem>>, vector<1x128xf32>
    %mul3A_75 = vector.broadcast %get3A_74 : vector<1x128xf32> to vector<2000x128xf32>
    %mul3A_76 = arith.mulf %mul3A_71, %mul3A_75 : vector<2000x128xf32>
    %reduce_sum3A_77 = arith.constant dense<0.000000e+00> : vector<2000xf32>
    %reduce_sum3A_78 = vector.multi_reduction <add>, %mul3A_76, %reduce_sum3A_77 [1] : vector<2000x128xf32> to vector<2000xf32>
    %broadcast_in_dim3A_79 = vector.shape_cast %reduce_sum3A_78 : vector<2000xf32> to vector<2000x1xf32>
    %add3A_80 = arith.constant 9.99999993E-9 : f32
    %add3A_81 = vector.broadcast %add3A_80 : f32 to vector<2000x1xf32>
    %add3A_82 = arith.addf %broadcast_in_dim3A, %add3A_81 : vector<2000x1xf32>
    %rsqrt3A = math.rsqrt %add3A_82 : vector<2000x1xf32>
    %mul3A_83 = arith.mulf %add3A_82, %rsqrt3A : vector<2000x1xf32>
    %add3A_84 = arith.constant 1.000000e+00 : f32
    %add3A_85 = vector.broadcast %add3A_84 : f32 to vector<2000x1xf32>
    %add3A_86 = arith.addf %mul3A_83, %add3A_85 : vector<2000x1xf32>
    %div3A = arith.divf %broadcast_in_dim3A_79, %add3A_86 : vector<2000x1xf32>
    %mul3A_87 = vector.broadcast %div3A : vector<2000x1xf32> to vector<2000x16xf32>
    %mul3A_88 = arith.mulf %sub3A, %mul3A_87 : vector<2000x16xf32>
    %swap3A = arith.constant 0 : index
    %swap3A_89 = arith.constant 0 : index
    %swap3A_90 = vector.load %arg10[%swap3A, %swap3A_89] : memref<2000x128xf32, #tpu.memory_space<vmem>>, vector<2000x128xf32>
    tpu.vector_store %arg10[%swap3A, %swap3A_89], %mul3A_50 {strides = array<i32>} : memref<2000x128xf32, #tpu.memory_space<vmem>>, vector<2000x128xf32>,
    %swap3A_91 = arith.constant 0 : index
    %swap3A_92 = arith.constant 0 : index
    %swap3A_93 = vector.load %arg11[%swap3A_91, %swap3A_92] : memref<2000x16xf32, #tpu.memory_space<vmem>>, vector<2000x16xf32>
    tpu.vector_store %arg11[%swap3A_91, %swap3A_92], %mul3A_88 {strides = array<i32>} : memref<2000x16xf32, #tpu.memory_space<vmem>>, vector<2000x16xf32>,
    return
  }
  func.func @transform_0(%arg0: i32) -> (i32, i32) {
    %c0_i32 = arith.constant 0 : i32
    %c0_i32_0 = arith.constant 0 : i32
    %c0_i32_1 = arith.constant 0 : i32
    return %c0_i32, %c0_i32_0 : i32, i32
  }
  func.func @transform_1(%arg0: i32) -> (i32, i32) {
    %c0_i32 = arith.constant 0 : i32
    %c0_i32_0 = arith.constant 0 : i32
    %c0_i32_1 = arith.constant 0 : i32
    return %c0_i32, %c0_i32_0 : i32, i32
  }
  func.func @transform_2(%arg0: i32) -> (i32, i32) {
    %c0_i32 = arith.constant 0 : i32
    %c0_i32_0 = arith.constant 0 : i32
    %c0_i32_1 = arith.constant 0 : i32
    return %c0_i32, %c0_i32_0 : i32, i32
  }
  func.func @transform_3(%arg0: i32) -> (i32, i32) {
    %c0_i32 = arith.constant 0 : i32
    %c0_i32_0 = arith.constant 0 : i32
    %c0_i32_1 = arith.constant 0 : i32
    return %c0_i32, %c0_i32_0 : i32, i32
  }
  func.func @transform_4(%arg0: i32) -> (i32, i32) {
    %c0_i32 = arith.constant 0 : i32
    %c0_i32_0 = arith.constant 0 : i32
    %c0_i32_1 = arith.constant 0 : i32
    return %c0_i32, %c0_i32_0 : i32, i32
  }
  func.func @transform_5(%arg0: i32) -> (i32, i32) {
    %c0_i32 = arith.constant 0 : i32
    %c0_i32_0 = arith.constant 0 : i32
    %c0_i32_1 = arith.constant 0 : i32
    return %c0_i32, %c0_i32_0 : i32, i32
  }
  func.func @transform_6(%arg0: i32) -> (i32, i32) {
    %c0_i32 = arith.constant 0 : i32
    %c0_i32_0 = arith.constant 0 : i32
    %c0_i32_1 = arith.constant 0 : i32
    return %c0_i32, %c0_i32_0 : i32, i32
  }
  func.func @transform_7(%arg0: i32) -> (i32, i32) {
    %c0_i32 = arith.constant 0 : i32
    %c0_i32_0 = arith.constant 0 : i32
    return %arg0, %c0_i32 : i32, i32
  }
  func.func @transform_8(%arg0: i32) -> (i32, i32) {
    %c0_i32 = arith.constant 0 : i32
    %c0_i32_0 = arith.constant 0 : i32
    return %arg0, %c0_i32 : i32, i32
  }
  func.func @transform_9(%arg0: i32) -> (i32, i32) {
    %c0_i32 = arith.constant 0 : i32
    %c0_i32_0 = arith.constant 0 : i32
    return %arg0, %c0_i32 : i32, i32
  }
  func.func @transform_10(%arg0: i32) -> (i32, i32) {
    %c0_i32 = arith.constant 0 : i32
    %c0_i32_0 = arith.constant 0 : i32
    return %arg0, %c0_i32 : i32, i32
  }
}

module attributes {stable_mosaic.version = 14 : i64} {
  func.func @_node_body(%arg0: i32, %arg1: memref<128x128xf32, #tpu.memory_space<vmem>>, %arg2: memref<128x128xf32, #tpu.memory_space<vmem>>, %arg3: memref<1x128xf32, #tpu.memory_space<vmem>>, %arg4: memref<128x128xf32, #tpu.memory_space<vmem>>, %arg5: memref<1x128xf32, #tpu.memory_space<vmem>>, %arg6: memref<128x128xf32, #tpu.memory_space<vmem>>, %arg7: memref<128x128xf32, #tpu.memory_space<vmem>>, %arg8: memref<2000x128xf32, #tpu.memory_space<vmem>>, %arg9: memref<2000x16xf32, #tpu.memory_space<vmem>>, %arg10: memref<2000x128xf32, #tpu.memory_space<vmem>>, %arg11: memref<2000x128xf32, #tpu.memory_space<vmem>>, %arg12: memref<2000x16xf32, #tpu.memory_space<vmem>>, %arg13: memref<2000x16xf32, #tpu.memory_space<vmem>>, %arg14: memref<2000x128xf32, #tpu.memory_space<vmem>>, %arg15: memref<2000x16xf32, #tpu.memory_space<vmem>>, %arg16: memref<2000x144xf32, #tpu.memory_space<vmem>>, %arg17: memref<2000x144xf32, #tpu.memory_space<vmem>>) attributes {dimension_semantics = [#tpu.dimension_semantics<arbitrary>], iteration_bounds = array<i64: 5>, scalar_prefetch = 0 : i64, scratch_operands = 0 : i64, tpu.core_type = #tpu.core_type<tc>, window_params = [{pipeline_mode = #tpu.pipeline_mode<synchronous>, transform_indices = @transform_0, window_bounds = array<i64: 128, 128>}, {pipeline_mode = #tpu.pipeline_mode<synchronous>, transform_indices = @transform_1, window_bounds = array<i64: 128, 128>}, {pipeline_mode = #tpu.pipeline_mode<synchronous>, transform_indices = @transform_2, window_bounds = array<i64: 1, 128>}, {pipeline_mode = #tpu.pipeline_mode<synchronous>, transform_indices = @transform_3, window_bounds = array<i64: 128, 128>}, {pipeline_mode = #tpu.pipeline_mode<synchronous>, transform_indices = @transform_4, window_bounds = array<i64: 1, 128>}, {pipeline_mode = #tpu.pipeline_mode<synchronous>, transform_indices = @transform_5, window_bounds = array<i64: 128, 128>}, {pipeline_mode = #tpu.pipeline_mode<synchronous>, transform_indices = @transform_6, window_bounds = array<i64: 128, 128>}, {transform_indices = @transform_7, window_bounds = array<i64: 2000, 128>}, {transform_indices = @transform_8, window_bounds = array<i64: 2000, 16>}, {transform_indices = @transform_9, window_bounds = array<i64: 2000, 128>}, {transform_indices = @transform_10, window_bounds = array<i64: 2000, 128>}, {transform_indices = @transform_11, window_bounds = array<i64: 2000, 16>}, {transform_indices = @transform_12, window_bounds = array<i64: 2000, 16>}, {transform_indices = @transform_13, window_bounds = array<i64: 2000, 128>}, {transform_indices = @transform_14, window_bounds = array<i64: 2000, 16>}, {transform_indices = @transform_15, window_bounds = array<i64: 2000, 144>}, {transform_indices = @transform_16, window_bounds = array<i64: 2000, 144>}]} {
    %get3A = arith.constant 0 : index
    %get3A_0 = arith.constant 0 : index
    %get3A_1 = vector.load %arg8[%get3A, %get3A_0] : memref<2000x128xf32, #tpu.memory_space<vmem>>, vector<2000x128xf32>
    %get3A_2 = arith.constant 0 : index
    %get3A_3 = arith.constant 0 : index
    %get3A_4 = vector.load %arg10[%get3A_2, %get3A_3] : memref<2000x128xf32, #tpu.memory_space<vmem>>, vector<2000x128xf32>
    %get3A_5 = arith.constant 0 : index
    %get3A_6 = arith.constant 0 : index
    %get3A_7 = vector.load %arg11[%get3A_5, %get3A_6] : memref<2000x128xf32, #tpu.memory_space<vmem>>, vector<2000x128xf32>
    %add3A = arith.addf %get3A_4, %get3A_7 : vector<2000x128xf32>
    %get3A_8 = arith.constant 0 : index
    %get3A_9 = arith.constant 0 : index
    %get3A_10 = vector.load %arg1[%get3A_8, %get3A_9] : memref<128x128xf32, #tpu.memory_space<vmem>>, vector<128x128xf32>
    %dot_general3A = arith.constant dense<0.000000e+00> : vector<2000x128xf32>
    %dot_general3A_11 = tpu.matmul %get3A_1, %get3A_10, %dot_general3A {dimension_numbers = #tpu.dot_dimension_numbers<[1], [0], [0], [1], [0, 0, 1, 1], [], []>, transpose_lhs_hint = false} : vector<2000x128xf32>, vector<128x128xf32>, vector<2000x128xf32> -> vector<2000x128xf32>
    %get3A_12 = arith.constant 0 : index
    %get3A_13 = arith.constant 0 : index
    %get3A_14 = vector.load %arg2[%get3A_12, %get3A_13] : memref<128x128xf32, #tpu.memory_space<vmem>>, vector<128x128xf32>
    %dot_general3A_15 = arith.constant dense<0.000000e+00> : vector<2000x128xf32>
    %dot_general3A_16 = tpu.matmul %add3A, %get3A_14, %dot_general3A_15 {dimension_numbers = #tpu.dot_dimension_numbers<[1], [0], [0], [1], [0, 0, 1, 1], [], []>, transpose_lhs_hint = false} : vector<2000x128xf32>, vector<128x128xf32>, vector<2000x128xf32> -> vector<2000x128xf32>
    %add3A_17 = arith.addf %dot_general3A_11, %dot_general3A_16 : vector<2000x128xf32>
    %get3A_18 = arith.constant 0 : index
    %get3A_19 = arith.constant 0 : index
    %get3A_20 = vector.load %arg3[%get3A_18, %get3A_19] : memref<1x128xf32, #tpu.memory_space<vmem>>, vector<1x128xf32>
    %add3A_21 = vector.broadcast %get3A_20 : vector<1x128xf32> to vector<2000x128xf32>
    %add3A_22 = arith.addf %add3A_17, %add3A_21 : vector<2000x128xf32>
    %mul3A = arith.constant 5.000000e-01 : f32
    %mul3A_23 = vector.broadcast %mul3A : f32 to vector<2000x128xf32>
    %mul3A_24 = arith.mulf %mul3A_23, %add3A_22 : vector<2000x128xf32>
    %tanh3A = math.tanh %mul3A_24 : vector<2000x128xf32>
    %mul3A_25 = arith.constant 5.000000e-01 : f32
    %mul3A_26 = vector.broadcast %mul3A_25 : f32 to vector<2000x128xf32>
    %mul3A_27 = arith.mulf %mul3A_26, %tanh3A : vector<2000x128xf32>
    %add3A_28 = arith.constant 5.000000e-01 : f32
    %add3A_29 = vector.broadcast %add3A_28 : f32 to vector<2000x128xf32>
    %add3A_30 = arith.addf %mul3A_27, %add3A_29 : vector<2000x128xf32>
    %mul3A_31 = arith.mulf %add3A_22, %add3A_30 : vector<2000x128xf32>
    %get3A_32 = arith.constant 0 : index
    %get3A_33 = arith.constant 0 : index
    %get3A_34 = vector.load %arg4[%get3A_32, %get3A_33] : memref<128x128xf32, #tpu.memory_space<vmem>>, vector<128x128xf32>
    %dot_general3A_35 = arith.constant dense<0.000000e+00> : vector<2000x128xf32>
    %dot_general3A_36 = tpu.matmul %mul3A_31, %get3A_34, %dot_general3A_35 {dimension_numbers = #tpu.dot_dimension_numbers<[1], [0], [0], [1], [0, 0, 1, 1], [], []>, transpose_lhs_hint = false} : vector<2000x128xf32>, vector<128x128xf32>, vector<2000x128xf32> -> vector<2000x128xf32>
    %add3A_37 = arith.addf %get3A_1, %dot_general3A_36 : vector<2000x128xf32>
    %get3A_38 = arith.constant 0 : index
    %get3A_39 = arith.constant 0 : index
    %get3A_40 = vector.load %arg5[%get3A_38, %get3A_39] : memref<1x128xf32, #tpu.memory_space<vmem>>, vector<1x128xf32>
    %add3A_41 = vector.broadcast %get3A_40 : vector<1x128xf32> to vector<2000x128xf32>
    %add3A_42 = arith.addf %add3A_37, %add3A_41 : vector<2000x128xf32>
    %get3A_43 = arith.constant 0 : index
    %get3A_44 = arith.constant 0 : index
    %get3A_45 = vector.load %arg9[%get3A_43, %get3A_44] : memref<2000x16xf32, #tpu.memory_space<vmem>>, vector<2000x16xf32>
    %get3A_46 = arith.constant 0 : index
    %get3A_47 = arith.constant 0 : index
    %get3A_48 = vector.load %arg12[%get3A_46, %get3A_47] : memref<2000x16xf32, #tpu.memory_space<vmem>>, vector<2000x16xf32>
    %get3A_49 = arith.constant 0 : index
    %get3A_50 = arith.constant 0 : index
    %get3A_51 = vector.load %arg13[%get3A_49, %get3A_50] : memref<2000x16xf32, #tpu.memory_space<vmem>>, vector<2000x16xf32>
    %add3A_52 = arith.addf %get3A_48, %get3A_51 : vector<2000x16xf32>
    %add3A_53 = arith.addf %get3A_45, %add3A_52 : vector<2000x16xf32>
    %swap3A = arith.constant 0 : index
    %swap3A_54 = arith.constant 0 : index
    %swap3A_55 = vector.load %arg14[%swap3A, %swap3A_54] : memref<2000x128xf32, #tpu.memory_space<vmem>>, vector<2000x128xf32>
    tpu.vector_store %arg14[%swap3A, %swap3A_54], %add3A_42 {strides = array<i32>} : memref<2000x128xf32, #tpu.memory_space<vmem>>, vector<2000x128xf32>,
    %swap3A_56 = arith.constant 0 : index
    %swap3A_57 = arith.constant 0 : index
    %swap3A_58 = vector.load %arg15[%swap3A_56, %swap3A_57] : memref<2000x16xf32, #tpu.memory_space<vmem>>, vector<2000x16xf32>
    tpu.vector_store %arg15[%swap3A_56, %swap3A_57], %add3A_53 {strides = array<i32>} : memref<2000x16xf32, #tpu.memory_space<vmem>>, vector<2000x16xf32>,
    %get3A_59 = arith.constant 0 : index
    %get3A_60 = arith.constant 0 : index
    %get3A_61 = vector.load %arg6[%get3A_59, %get3A_60] : memref<128x128xf32, #tpu.memory_space<vmem>>, vector<128x128xf32>
    %dot_general3A_62 = arith.constant dense<0.000000e+00> : vector<2000x128xf32>
    %dot_general3A_63 = tpu.matmul %add3A_42, %get3A_61, %dot_general3A_62 {dimension_numbers = #tpu.dot_dimension_numbers<[1], [0], [0], [1], [0, 0, 1, 1], [], []>, transpose_lhs_hint = false} : vector<2000x128xf32>, vector<128x128xf32>, vector<2000x128xf32> -> vector<2000x128xf32>
    %concatenate3A = tpu.concatenate %dot_general3A_63, %add3A_53 in 1 : vector<2000x128xf32>, vector<2000x16xf32> -> vector<2000x144xf32>
    %swap3A_64 = arith.constant 0 : index
    %swap3A_65 = arith.constant 0 : index
    %swap3A_66 = vector.load %arg16[%swap3A_64, %swap3A_65] : memref<2000x144xf32, #tpu.memory_space<vmem>>, vector<2000x144xf32>
    tpu.vector_store %arg16[%swap3A_64, %swap3A_65], %concatenate3A {strides = array<i32>} : memref<2000x144xf32, #tpu.memory_space<vmem>>, vector<2000x144xf32>,
    %get3A_67 = arith.constant 0 : index
    %get3A_68 = arith.constant 0 : index
    %get3A_69 = vector.load %arg7[%get3A_67, %get3A_68] : memref<128x128xf32, #tpu.memory_space<vmem>>, vector<128x128xf32>
    %dot_general3A_70 = arith.constant dense<0.000000e+00> : vector<2000x128xf32>
    %dot_general3A_71 = tpu.matmul %add3A_42, %get3A_69, %dot_general3A_70 {dimension_numbers = #tpu.dot_dimension_numbers<[1], [0], [0], [1], [0, 0, 1, 1], [], []>, transpose_lhs_hint = false} : vector<2000x128xf32>, vector<128x128xf32>, vector<2000x128xf32> -> vector<2000x128xf32>
    %concatenate3A_72 = tpu.concatenate %dot_general3A_71, %add3A_53 in 1 : vector<2000x128xf32>, vector<2000x16xf32> -> vector<2000x144xf32>
    %swap3A_73 = arith.constant 0 : index
    %swap3A_74 = arith.constant 0 : index
    %swap3A_75 = vector.load %arg17[%swap3A_73, %swap3A_74] : memref<2000x144xf32, #tpu.memory_space<vmem>>, vector<2000x144xf32>
    tpu.vector_store %arg17[%swap3A_73, %swap3A_74], %concatenate3A_72 {strides = array<i32>} : memref<2000x144xf32, #tpu.memory_space<vmem>>, vector<2000x144xf32>,
    return
  }
  func.func @transform_0(%arg0: i32) -> (i32, i32) {
    %c0_i32 = arith.constant 0 : i32
    %c0_i32_0 = arith.constant 0 : i32
    %c0_i32_1 = arith.constant 0 : i32
    return %c0_i32, %c0_i32_0 : i32, i32
  }
  func.func @transform_1(%arg0: i32) -> (i32, i32) {
    %c0_i32 = arith.constant 0 : i32
    %c0_i32_0 = arith.constant 0 : i32
    %c0_i32_1 = arith.constant 0 : i32
    return %c0_i32, %c0_i32_0 : i32, i32
  }
  func.func @transform_2(%arg0: i32) -> (i32, i32) {
    %c0_i32 = arith.constant 0 : i32
    %c0_i32_0 = arith.constant 0 : i32
    %c0_i32_1 = arith.constant 0 : i32
    return %c0_i32, %c0_i32_0 : i32, i32
  }
  func.func @transform_3(%arg0: i32) -> (i32, i32) {
    %c0_i32 = arith.constant 0 : i32
    %c0_i32_0 = arith.constant 0 : i32
    %c0_i32_1 = arith.constant 0 : i32
    return %c0_i32, %c0_i32_0 : i32, i32
  }
  func.func @transform_4(%arg0: i32) -> (i32, i32) {
    %c0_i32 = arith.constant 0 : i32
    %c0_i32_0 = arith.constant 0 : i32
    %c0_i32_1 = arith.constant 0 : i32
    return %c0_i32, %c0_i32_0 : i32, i32
  }
  func.func @transform_5(%arg0: i32) -> (i32, i32) {
    %c0_i32 = arith.constant 0 : i32
    %c0_i32_0 = arith.constant 0 : i32
    %c0_i32_1 = arith.constant 0 : i32
    return %c0_i32, %c0_i32_0 : i32, i32
  }
  func.func @transform_6(%arg0: i32) -> (i32, i32) {
    %c0_i32 = arith.constant 0 : i32
    %c0_i32_0 = arith.constant 0 : i32
    %c0_i32_1 = arith.constant 0 : i32
    return %c0_i32, %c0_i32_0 : i32, i32
  }
  func.func @transform_7(%arg0: i32) -> (i32, i32) {
    %c0_i32 = arith.constant 0 : i32
    %c0_i32_0 = arith.constant 0 : i32
    return %arg0, %c0_i32 : i32, i32
  }
  func.func @transform_8(%arg0: i32) -> (i32, i32) {
    %c0_i32 = arith.constant 0 : i32
    %c0_i32_0 = arith.constant 0 : i32
    return %arg0, %c0_i32 : i32, i32
  }
  func.func @transform_9(%arg0: i32) -> (i32, i32) {
    %c0_i32 = arith.constant 0 : i32
    %c0_i32_0 = arith.constant 0 : i32
    return %arg0, %c0_i32 : i32, i32
  }
  func.func @transform_10(%arg0: i32) -> (i32, i32) {
    %add3A = arith.constant 5 : i32
    %add3A_0 = arith.addi %arg0, %add3A : i32
    %c0_i32 = arith.constant 0 : i32
    %c0_i32_1 = arith.constant 0 : i32
    return %add3A_0, %c0_i32 : i32, i32
  }
  func.func @transform_11(%arg0: i32) -> (i32, i32) {
    %c0_i32 = arith.constant 0 : i32
    %c0_i32_0 = arith.constant 0 : i32
    return %arg0, %c0_i32 : i32, i32
  }
  func.func @transform_12(%arg0: i32) -> (i32, i32) {
    %add3A = arith.constant 5 : i32
    %add3A_0 = arith.addi %arg0, %add3A : i32
    %c0_i32 = arith.constant 0 : i32
    %c0_i32_1 = arith.constant 0 : i32
    return %add3A_0, %c0_i32 : i32, i32
  }
  func.func @transform_13(%arg0: i32) -> (i32, i32) {
    %c0_i32 = arith.constant 0 : i32
    %c0_i32_0 = arith.constant 0 : i32
    return %arg0, %c0_i32 : i32, i32
  }
  func.func @transform_14(%arg0: i32) -> (i32, i32) {
    %c0_i32 = arith.constant 0 : i32
    %c0_i32_0 = arith.constant 0 : i32
    return %arg0, %c0_i32 : i32, i32
  }
  func.func @transform_15(%arg0: i32) -> (i32, i32) {
    %c0_i32 = arith.constant 0 : i32
    %c0_i32_0 = arith.constant 0 : i32
    return %arg0, %c0_i32 : i32, i32
  }
  func.func @transform_16(%arg0: i32) -> (i32, i32) {
    %c0_i32 = arith.constant 0 : i32
    %c0_i32_0 = arith.constant 0 : i32
    return %arg0, %c0_i32 : i32, i32
  }
}

module attributes {stable_mosaic.version = 14 : i64} {
  func.func @_node_body(%arg0: i32, %arg1: memref<128x128xf32, #tpu.memory_space<vmem>>, %arg2: memref<128x128xf32, #tpu.memory_space<vmem>>, %arg3: memref<1x128xf32, #tpu.memory_space<vmem>>, %arg4: memref<128x128xf32, #tpu.memory_space<vmem>>, %arg5: memref<1x128xf32, #tpu.memory_space<vmem>>, %arg6: memref<128x128xf32, #tpu.memory_space<vmem>>, %arg7: memref<128x128xf32, #tpu.memory_space<vmem>>, %arg8: memref<2000x128xf32, #tpu.memory_space<vmem>>, %arg9: memref<2000x16xf32, #tpu.memory_space<vmem>>, %arg10: memref<2000x128xf32, #tpu.memory_space<vmem>>, %arg11: memref<2000x128xf32, #tpu.memory_space<vmem>>, %arg12: memref<2000x16xf32, #tpu.memory_space<vmem>>, %arg13: memref<2000x16xf32, #tpu.memory_space<vmem>>, %arg14: memref<2000x128xf32, #tpu.memory_space<vmem>>, %arg15: memref<2000x16xf32, #tpu.memory_space<vmem>>, %arg16: memref<2000x144xf32, #tpu.memory_space<vmem>>, %arg17: memref<2000x144xf32, #tpu.memory_space<vmem>>) attributes {dimension_semantics = [#tpu.dimension_semantics<arbitrary>], iteration_bounds = array<i64: 5>, scalar_prefetch = 0 : i64, scratch_operands = 0 : i64, tpu.core_type = #tpu.core_type<tc>, window_params = [{pipeline_mode = #tpu.pipeline_mode<synchronous>, transform_indices = @transform_0, window_bounds = array<i64: 128, 128>}, {pipeline_mode = #tpu.pipeline_mode<synchronous>, transform_indices = @transform_1, window_bounds = array<i64: 128, 128>}, {pipeline_mode = #tpu.pipeline_mode<synchronous>, transform_indices = @transform_2, window_bounds = array<i64: 1, 128>}, {pipeline_mode = #tpu.pipeline_mode<synchronous>, transform_indices = @transform_3, window_bounds = array<i64: 128, 128>}, {pipeline_mode = #tpu.pipeline_mode<synchronous>, transform_indices = @transform_4, window_bounds = array<i64: 1, 128>}, {pipeline_mode = #tpu.pipeline_mode<synchronous>, transform_indices = @transform_5, window_bounds = array<i64: 128, 128>}, {pipeline_mode = #tpu.pipeline_mode<synchronous>, transform_indices = @transform_6, window_bounds = array<i64: 128, 128>}, {transform_indices = @transform_7, window_bounds = array<i64: 2000, 128>}, {transform_indices = @transform_8, window_bounds = array<i64: 2000, 16>}, {transform_indices = @transform_9, window_bounds = array<i64: 2000, 128>}, {transform_indices = @transform_10, window_bounds = array<i64: 2000, 128>}, {transform_indices = @transform_11, window_bounds = array<i64: 2000, 16>}, {transform_indices = @transform_12, window_bounds = array<i64: 2000, 16>}, {transform_indices = @transform_13, window_bounds = array<i64: 2000, 128>}, {transform_indices = @transform_14, window_bounds = array<i64: 2000, 16>}, {transform_indices = @transform_15, window_bounds = array<i64: 2000, 144>}, {transform_indices = @transform_16, window_bounds = array<i64: 2000, 144>}]} {
    %get3A = arith.constant 0 : index
    %get3A_0 = arith.constant 0 : index
    %get3A_1 = vector.load %arg8[%get3A, %get3A_0] : memref<2000x128xf32, #tpu.memory_space<vmem>>, vector<2000x128xf32>
    %get3A_2 = arith.constant 0 : index
    %get3A_3 = arith.constant 0 : index
    %get3A_4 = vector.load %arg10[%get3A_2, %get3A_3] : memref<2000x128xf32, #tpu.memory_space<vmem>>, vector<2000x128xf32>
    %get3A_5 = arith.constant 0 : index
    %get3A_6 = arith.constant 0 : index
    %get3A_7 = vector.load %arg11[%get3A_5, %get3A_6] : memref<2000x128xf32, #tpu.memory_space<vmem>>, vector<2000x128xf32>
    %add3A = arith.addf %get3A_4, %get3A_7 : vector<2000x128xf32>
    %get3A_8 = arith.constant 0 : index
    %get3A_9 = arith.constant 0 : index
    %get3A_10 = vector.load %arg1[%get3A_8, %get3A_9] : memref<128x128xf32, #tpu.memory_space<vmem>>, vector<128x128xf32>
    %dot_general3A = arith.constant dense<0.000000e+00> : vector<2000x128xf32>
    %dot_general3A_11 = tpu.matmul %get3A_1, %get3A_10, %dot_general3A {dimension_numbers = #tpu.dot_dimension_numbers<[1], [0], [0], [1], [0, 0, 1, 1], [], []>, transpose_lhs_hint = false} : vector<2000x128xf32>, vector<128x128xf32>, vector<2000x128xf32> -> vector<2000x128xf32>
    %get3A_12 = arith.constant 0 : index
    %get3A_13 = arith.constant 0 : index
    %get3A_14 = vector.load %arg2[%get3A_12, %get3A_13] : memref<128x128xf32, #tpu.memory_space<vmem>>, vector<128x128xf32>
    %dot_general3A_15 = arith.constant dense<0.000000e+00> : vector<2000x128xf32>
    %dot_general3A_16 = tpu.matmul %add3A, %get3A_14, %dot_general3A_15 {dimension_numbers = #tpu.dot_dimension_numbers<[1], [0], [0], [1], [0, 0, 1, 1], [], []>, transpose_lhs_hint = false} : vector<2000x128xf32>, vector<128x128xf32>, vector<2000x128xf32> -> vector<2000x128xf32>
    %add3A_17 = arith.addf %dot_general3A_11, %dot_general3A_16 : vector<2000x128xf32>
    %get3A_18 = arith.constant 0 : index
    %get3A_19 = arith.constant 0 : index
    %get3A_20 = vector.load %arg3[%get3A_18, %get3A_19] : memref<1x128xf32, #tpu.memory_space<vmem>>, vector<1x128xf32>
    %add3A_21 = vector.broadcast %get3A_20 : vector<1x128xf32> to vector<2000x128xf32>
    %add3A_22 = arith.addf %add3A_17, %add3A_21 : vector<2000x128xf32>
    %mul3A = arith.constant 5.000000e-01 : f32
    %mul3A_23 = vector.broadcast %mul3A : f32 to vector<2000x128xf32>
    %mul3A_24 = arith.mulf %mul3A_23, %add3A_22 : vector<2000x128xf32>
    %tanh3A = math.tanh %mul3A_24 : vector<2000x128xf32>
    %mul3A_25 = arith.constant 5.000000e-01 : f32
    %mul3A_26 = vector.broadcast %mul3A_25 : f32 to vector<2000x128xf32>
    %mul3A_27 = arith.mulf %mul3A_26, %tanh3A : vector<2000x128xf32>
    %add3A_28 = arith.constant 5.000000e-01 : f32
    %add3A_29 = vector.broadcast %add3A_28 : f32 to vector<2000x128xf32>
    %add3A_30 = arith.addf %mul3A_27, %add3A_29 : vector<2000x128xf32>
    %mul3A_31 = arith.mulf %add3A_22, %add3A_30 : vector<2000x128xf32>
    %get3A_32 = arith.constant 0 : index
    %get3A_33 = arith.constant 0 : index
    %get3A_34 = vector.load %arg4[%get3A_32, %get3A_33] : memref<128x128xf32, #tpu.memory_space<vmem>>, vector<128x128xf32>
    %dot_general3A_35 = arith.constant dense<0.000000e+00> : vector<2000x128xf32>
    %dot_general3A_36 = tpu.matmul %mul3A_31, %get3A_34, %dot_general3A_35 {dimension_numbers = #tpu.dot_dimension_numbers<[1], [0], [0], [1], [0, 0, 1, 1], [], []>, transpose_lhs_hint = false} : vector<2000x128xf32>, vector<128x128xf32>, vector<2000x128xf32> -> vector<2000x128xf32>
    %add3A_37 = arith.addf %get3A_1, %dot_general3A_36 : vector<2000x128xf32>
    %get3A_38 = arith.constant 0 : index
    %get3A_39 = arith.constant 0 : index
    %get3A_40 = vector.load %arg5[%get3A_38, %get3A_39] : memref<1x128xf32, #tpu.memory_space<vmem>>, vector<1x128xf32>
    %add3A_41 = vector.broadcast %get3A_40 : vector<1x128xf32> to vector<2000x128xf32>
    %add3A_42 = arith.addf %add3A_37, %add3A_41 : vector<2000x128xf32>
    %get3A_43 = arith.constant 0 : index
    %get3A_44 = arith.constant 0 : index
    %get3A_45 = vector.load %arg9[%get3A_43, %get3A_44] : memref<2000x16xf32, #tpu.memory_space<vmem>>, vector<2000x16xf32>
    %get3A_46 = arith.constant 0 : index
    %get3A_47 = arith.constant 0 : index
    %get3A_48 = vector.load %arg12[%get3A_46, %get3A_47] : memref<2000x16xf32, #tpu.memory_space<vmem>>, vector<2000x16xf32>
    %get3A_49 = arith.constant 0 : index
    %get3A_50 = arith.constant 0 : index
    %get3A_51 = vector.load %arg13[%get3A_49, %get3A_50] : memref<2000x16xf32, #tpu.memory_space<vmem>>, vector<2000x16xf32>
    %add3A_52 = arith.addf %get3A_48, %get3A_51 : vector<2000x16xf32>
    %add3A_53 = arith.addf %get3A_45, %add3A_52 : vector<2000x16xf32>
    %swap3A = arith.constant 0 : index
    %swap3A_54 = arith.constant 0 : index
    %swap3A_55 = vector.load %arg14[%swap3A, %swap3A_54] : memref<2000x128xf32, #tpu.memory_space<vmem>>, vector<2000x128xf32>
    tpu.vector_store %arg14[%swap3A, %swap3A_54], %add3A_42 {strides = array<i32>} : memref<2000x128xf32, #tpu.memory_space<vmem>>, vector<2000x128xf32>,
    %swap3A_56 = arith.constant 0 : index
    %swap3A_57 = arith.constant 0 : index
    %swap3A_58 = vector.load %arg15[%swap3A_56, %swap3A_57] : memref<2000x16xf32, #tpu.memory_space<vmem>>, vector<2000x16xf32>
    tpu.vector_store %arg15[%swap3A_56, %swap3A_57], %add3A_53 {strides = array<i32>} : memref<2000x16xf32, #tpu.memory_space<vmem>>, vector<2000x16xf32>,
    %get3A_59 = arith.constant 0 : index
    %get3A_60 = arith.constant 0 : index
    %get3A_61 = vector.load %arg6[%get3A_59, %get3A_60] : memref<128x128xf32, #tpu.memory_space<vmem>>, vector<128x128xf32>
    %dot_general3A_62 = arith.constant dense<0.000000e+00> : vector<2000x128xf32>
    %dot_general3A_63 = tpu.matmul %add3A_42, %get3A_61, %dot_general3A_62 {dimension_numbers = #tpu.dot_dimension_numbers<[1], [0], [0], [1], [0, 0, 1, 1], [], []>, transpose_lhs_hint = false} : vector<2000x128xf32>, vector<128x128xf32>, vector<2000x128xf32> -> vector<2000x128xf32>
    %concatenate3A = tpu.concatenate %dot_general3A_63, %add3A_53 in 1 : vector<2000x128xf32>, vector<2000x16xf32> -> vector<2000x144xf32>
    %swap3A_64 = arith.constant 0 : index
    %swap3A_65 = arith.constant 0 : index
    %swap3A_66 = vector.load %arg16[%swap3A_64, %swap3A_65] : memref<2000x144xf32, #tpu.memory_space<vmem>>, vector<2000x144xf32>
    tpu.vector_store %arg16[%swap3A_64, %swap3A_65], %concatenate3A {strides = array<i32>} : memref<2000x144xf32, #tpu.memory_space<vmem>>, vector<2000x144xf32>,
    %get3A_67 = arith.constant 0 : index
    %get3A_68 = arith.constant 0 : index
    %get3A_69 = vector.load %arg7[%get3A_67, %get3A_68] : memref<128x128xf32, #tpu.memory_space<vmem>>, vector<128x128xf32>
    %dot_general3A_70 = arith.constant dense<0.000000e+00> : vector<2000x128xf32>
    %dot_general3A_71 = tpu.matmul %add3A_42, %get3A_69, %dot_general3A_70 {dimension_numbers = #tpu.dot_dimension_numbers<[1], [0], [0], [1], [0, 0, 1, 1], [], []>, transpose_lhs_hint = false} : vector<2000x128xf32>, vector<128x128xf32>, vector<2000x128xf32> -> vector<2000x128xf32>
    %concatenate3A_72 = tpu.concatenate %dot_general3A_71, %add3A_53 in 1 : vector<2000x128xf32>, vector<2000x16xf32> -> vector<2000x144xf32>
    %swap3A_73 = arith.constant 0 : index
    %swap3A_74 = arith.constant 0 : index
    %swap3A_75 = vector.load %arg17[%swap3A_73, %swap3A_74] : memref<2000x144xf32, #tpu.memory_space<vmem>>, vector<2000x144xf32>
    tpu.vector_store %arg17[%swap3A_73, %swap3A_74], %concatenate3A_72 {strides = array<i32>} : memref<2000x144xf32, #tpu.memory_space<vmem>>, vector<2000x144xf32>,
    return
  }
  func.func @transform_0(%arg0: i32) -> (i32, i32) {
    %c0_i32 = arith.constant 0 : i32
    %c0_i32_0 = arith.constant 0 : i32
    %c0_i32_1 = arith.constant 0 : i32
    return %c0_i32, %c0_i32_0 : i32, i32
  }
  func.func @transform_1(%arg0: i32) -> (i32, i32) {
    %c0_i32 = arith.constant 0 : i32
    %c0_i32_0 = arith.constant 0 : i32
    %c0_i32_1 = arith.constant 0 : i32
    return %c0_i32, %c0_i32_0 : i32, i32
  }
  func.func @transform_2(%arg0: i32) -> (i32, i32) {
    %c0_i32 = arith.constant 0 : i32
    %c0_i32_0 = arith.constant 0 : i32
    %c0_i32_1 = arith.constant 0 : i32
    return %c0_i32, %c0_i32_0 : i32, i32
  }
  func.func @transform_3(%arg0: i32) -> (i32, i32) {
    %c0_i32 = arith.constant 0 : i32
    %c0_i32_0 = arith.constant 0 : i32
    %c0_i32_1 = arith.constant 0 : i32
    return %c0_i32, %c0_i32_0 : i32, i32
  }
  func.func @transform_4(%arg0: i32) -> (i32, i32) {
    %c0_i32 = arith.constant 0 : i32
    %c0_i32_0 = arith.constant 0 : i32
    %c0_i32_1 = arith.constant 0 : i32
    return %c0_i32, %c0_i32_0 : i32, i32
  }
  func.func @transform_5(%arg0: i32) -> (i32, i32) {
    %c0_i32 = arith.constant 0 : i32
    %c0_i32_0 = arith.constant 0 : i32
    %c0_i32_1 = arith.constant 0 : i32
    return %c0_i32, %c0_i32_0 : i32, i32
  }
  func.func @transform_6(%arg0: i32) -> (i32, i32) {
    %c0_i32 = arith.constant 0 : i32
    %c0_i32_0 = arith.constant 0 : i32
    %c0_i32_1 = arith.constant 0 : i32
    return %c0_i32, %c0_i32_0 : i32, i32
  }
  func.func @transform_7(%arg0: i32) -> (i32, i32) {
    %c0_i32 = arith.constant 0 : i32
    %c0_i32_0 = arith.constant 0 : i32
    return %arg0, %c0_i32 : i32, i32
  }
  func.func @transform_8(%arg0: i32) -> (i32, i32) {
    %c0_i32 = arith.constant 0 : i32
    %c0_i32_0 = arith.constant 0 : i32
    return %arg0, %c0_i32 : i32, i32
  }
  func.func @transform_9(%arg0: i32) -> (i32, i32) {
    %c0_i32 = arith.constant 0 : i32
    %c0_i32_0 = arith.constant 0 : i32
    return %arg0, %c0_i32 : i32, i32
  }
  func.func @transform_10(%arg0: i32) -> (i32, i32) {
    %add3A = arith.constant 5 : i32
    %add3A_0 = arith.addi %arg0, %add3A : i32
    %c0_i32 = arith.constant 0 : i32
    %c0_i32_1 = arith.constant 0 : i32
    return %add3A_0, %c0_i32 : i32, i32
  }
  func.func @transform_11(%arg0: i32) -> (i32, i32) {
    %c0_i32 = arith.constant 0 : i32
    %c0_i32_0 = arith.constant 0 : i32
    return %arg0, %c0_i32 : i32, i32
  }
  func.func @transform_12(%arg0: i32) -> (i32, i32) {
    %add3A = arith.constant 5 : i32
    %add3A_0 = arith.addi %arg0, %add3A : i32
    %c0_i32 = arith.constant 0 : i32
    %c0_i32_1 = arith.constant 0 : i32
    return %add3A_0, %c0_i32 : i32, i32
  }
  func.func @transform_13(%arg0: i32) -> (i32, i32) {
    %c0_i32 = arith.constant 0 : i32
    %c0_i32_0 = arith.constant 0 : i32
    return %arg0, %c0_i32 : i32, i32
  }
  func.func @transform_14(%arg0: i32) -> (i32, i32) {
    %c0_i32 = arith.constant 0 : i32
    %c0_i32_0 = arith.constant 0 : i32
    return %arg0, %c0_i32 : i32, i32
  }
  func.func @transform_15(%arg0: i32) -> (i32, i32) {
    %c0_i32 = arith.constant 0 : i32
    %c0_i32_0 = arith.constant 0 : i32
    return %arg0, %c0_i32 : i32, i32
  }
  func.func @transform_16(%arg0: i32) -> (i32, i32) {
    %c0_i32 = arith.constant 0 : i32
    %c0_i32_0 = arith.constant 0 : i32
    return %arg0, %c0_i32 : i32, i32
  }
}

module attributes {stable_mosaic.version = 14 : i64} {
  func.func @_edge_body_t(%arg0: i32, %arg1: memref<1x128xf32, #tpu.memory_space<vmem>>, %arg2: memref<1x128xf32, #tpu.memory_space<vmem>>, %arg3: memref<128x128xf32, #tpu.memory_space<vmem>>, %arg4: memref<1x128xf32, #tpu.memory_space<vmem>>, %arg5: memref<128x128xf32, #tpu.memory_space<vmem>>, %arg6: memref<1x128xf32, #tpu.memory_space<vmem>>, %arg7: memref<1x128xf32, #tpu.memory_space<vmem>>, %arg8: memref<2000x144xf32, #tpu.memory_space<vmem>>, %arg9: memref<2000x144xf32, #tpu.memory_space<vmem>>, %arg10: memref<2000x16xf32, #tpu.memory_space<vmem>>) attributes {dimension_semantics = [#tpu.dimension_semantics<arbitrary>], iteration_bounds = array<i64: 160>, scalar_prefetch = 0 : i64, scratch_operands = 0 : i64, tpu.core_type = #tpu.core_type<tc>, window_params = [{pipeline_mode = #tpu.pipeline_mode<synchronous>, transform_indices = @transform_0, window_bounds = array<i64: 1, 128>}, {pipeline_mode = #tpu.pipeline_mode<synchronous>, transform_indices = @transform_1, window_bounds = array<i64: 1, 128>}, {pipeline_mode = #tpu.pipeline_mode<synchronous>, transform_indices = @transform_2, window_bounds = array<i64: 128, 128>}, {pipeline_mode = #tpu.pipeline_mode<synchronous>, transform_indices = @transform_3, window_bounds = array<i64: 1, 128>}, {pipeline_mode = #tpu.pipeline_mode<synchronous>, transform_indices = @transform_4, window_bounds = array<i64: 128, 128>}, {pipeline_mode = #tpu.pipeline_mode<synchronous>, transform_indices = @transform_5, window_bounds = array<i64: 1, 128>}, {pipeline_mode = #tpu.pipeline_mode<synchronous>, transform_indices = @transform_6, window_bounds = array<i64: 1, 128>}, {transform_indices = @transform_7, window_bounds = array<i64: 2000, 144>}, {transform_indices = @transform_8, window_bounds = array<i64: 2000, 144>}, {transform_indices = @transform_9, window_bounds = array<i64: 2000, 16>}]} {
    %get3A = arith.constant 0 : index
    %get3A_0 = arith.constant 0 : index
    %get3A_1 = vector.load %arg8[%get3A, %get3A_0] : memref<2000x144xf32, #tpu.memory_space<vmem>>, vector<2000x144xf32>
    %get3A_2 = arith.constant 0 : index
    %get3A_3 = arith.constant 0 : index
    %get3A_4 = vector.load %arg9[%get3A_2, %get3A_3] : memref<2000x144xf32, #tpu.memory_space<vmem>>, vector<2000x144xf32>
    %slice3A = vector.extract_strided_slice %get3A_1 {offsets = [0, 0], sizes = [2000, 128], strides = [1, 1]} : vector<2000x144xf32> to vector<2000x128xf32>
    %slice3A_5 = vector.extract_strided_slice %get3A_4 {offsets = [0, 0], sizes = [2000, 128], strides = [1, 1]} : vector<2000x144xf32> to vector<2000x128xf32>
    %add3A = arith.addf %slice3A, %slice3A_5 : vector<2000x128xf32>
    %slice3A_6 = vector.extract_strided_slice %get3A_1 {offsets = [0, 128], sizes = [2000, 16], strides = [1, 1]} : vector<2000x144xf32> to vector<2000x16xf32>
    %slice3A_7 = vector.extract_strided_slice %get3A_4 {offsets = [0, 128], sizes = [2000, 16], strides = [1, 1]} : vector<2000x144xf32> to vector<2000x16xf32>
    %sub3A = arith.subf %slice3A_6, %slice3A_7 : vector<2000x16xf32>
    %mul3A = arith.mulf %sub3A, %sub3A : vector<2000x16xf32>
    %reduce_sum3A = arith.constant dense<0.000000e+00> : vector<2000xf32>
    %reduce_sum3A_8 = vector.multi_reduction <add>, %mul3A, %reduce_sum3A [1] : vector<2000x16xf32> to vector<2000xf32>
    %broadcast_in_dim3A = vector.shape_cast %reduce_sum3A_8 : vector<2000xf32> to vector<2000x1xf32>
    %get3A_9 = arith.constant 0 : index
    %get3A_10 = arith.constant 0 : index
    %get3A_11 = vector.load %arg1[%get3A_9, %get3A_10] : memref<1x128xf32, #tpu.memory_space<vmem>>, vector<1x128xf32>
    %mul3A_12 = vector.broadcast %broadcast_in_dim3A : vector<2000x1xf32> to vector<2000x128xf32>
    %mul3A_13 = vector.broadcast %get3A_11 : vector<1x128xf32> to vector<2000x128xf32>
    %mul3A_14 = arith.mulf %mul3A_12, %mul3A_13 : vector<2000x128xf32>
    %add3A_15 = arith.addf %add3A, %mul3A_14 : vector<2000x128xf32>
    %get3A_16 = arith.constant 0 : index
    %get3A_17 = arith.constant 0 : index
    %get3A_18 = vector.load %arg2[%get3A_16, %get3A_17] : memref<1x128xf32, #tpu.memory_space<vmem>>, vector<1x128xf32>
    %add3A_19 = vector.broadcast %get3A_18 : vector<1x128xf32> to vector<2000x128xf32>
    %add3A_20 = arith.addf %add3A_15, %add3A_19 : vector<2000x128xf32>
    %mul3A_21 = arith.constant 5.000000e-01 : f32
    %mul3A_22 = vector.broadcast %mul3A_21 : f32 to vector<2000x128xf32>
    %mul3A_23 = arith.mulf %mul3A_22, %add3A_20 : vector<2000x128xf32>
    %tanh3A = math.tanh %mul3A_23 : vector<2000x128xf32>
    %mul3A_24 = arith.constant 5.000000e-01 : f32
    %mul3A_25 = vector.broadcast %mul3A_24 : f32 to vector<2000x128xf32>
    %mul3A_26 = arith.mulf %mul3A_25, %tanh3A : vector<2000x128xf32>
    %add3A_27 = arith.constant 5.000000e-01 : f32
    %add3A_28 = vector.broadcast %add3A_27 : f32 to vector<2000x128xf32>
    %add3A_29 = arith.addf %mul3A_26, %add3A_28 : vector<2000x128xf32>
    %mul3A_30 = arith.mulf %add3A_20, %add3A_29 : vector<2000x128xf32>
    %get3A_31 = arith.constant 0 : index
    %get3A_32 = arith.constant 0 : index
    %get3A_33 = vector.load %arg3[%get3A_31, %get3A_32] : memref<128x128xf32, #tpu.memory_space<vmem>>, vector<128x128xf32>
    %dot_general3A = arith.constant dense<0.000000e+00> : vector<2000x128xf32>
    %dot_general3A_34 = tpu.matmul %mul3A_30, %get3A_33, %dot_general3A {dimension_numbers = #tpu.dot_dimension_numbers<[1], [0], [0], [1], [0, 0, 1, 1], [], []>, transpose_lhs_hint = false} : vector<2000x128xf32>, vector<128x128xf32>, vector<2000x128xf32> -> vector<2000x128xf32>
    %get3A_35 = arith.constant 0 : index
    %get3A_36 = arith.constant 0 : index
    %get3A_37 = vector.load %arg4[%get3A_35, %get3A_36] : memref<1x128xf32, #tpu.memory_space<vmem>>, vector<1x128xf32>
    %add3A_38 = vector.broadcast %get3A_37 : vector<1x128xf32> to vector<2000x128xf32>
    %add3A_39 = arith.addf %dot_general3A_34, %add3A_38 : vector<2000x128xf32>
    %mul3A_40 = arith.constant 5.000000e-01 : f32
    %mul3A_41 = vector.broadcast %mul3A_40 : f32 to vector<2000x128xf32>
    %mul3A_42 = arith.mulf %mul3A_41, %add3A_39 : vector<2000x128xf32>
    %tanh3A_43 = math.tanh %mul3A_42 : vector<2000x128xf32>
    %mul3A_44 = arith.constant 5.000000e-01 : f32
    %mul3A_45 = vector.broadcast %mul3A_44 : f32 to vector<2000x128xf32>
    %mul3A_46 = arith.mulf %mul3A_45, %tanh3A_43 : vector<2000x128xf32>
    %add3A_47 = arith.constant 5.000000e-01 : f32
    %add3A_48 = vector.broadcast %add3A_47 : f32 to vector<2000x128xf32>
    %add3A_49 = arith.addf %mul3A_46, %add3A_48 : vector<2000x128xf32>
    %mul3A_50 = arith.mulf %add3A_39, %add3A_49 : vector<2000x128xf32>
    %get3A_51 = arith.constant 0 : index
    %get3A_52 = arith.constant 0 : index
    %get3A_53 = vector.load %arg5[%get3A_51, %get3A_52] : memref<128x128xf32, #tpu.memory_space<vmem>>, vector<128x128xf32>
    %dot_general3A_54 = arith.constant dense<0.000000e+00> : vector<2000x128xf32>
    %dot_general3A_55 = tpu.matmul %mul3A_50, %get3A_53, %dot_general3A_54 {dimension_numbers = #tpu.dot_dimension_numbers<[1], [0], [0], [1], [0, 0, 1, 1], [], []>, transpose_lhs_hint = false} : vector<2000x128xf32>, vector<128x128xf32>, vector<2000x128xf32> -> vector<2000x128xf32>
    %get3A_56 = arith.constant 0 : index
    %get3A_57 = arith.constant 0 : index
    %get3A_58 = vector.load %arg6[%get3A_56, %get3A_57] : memref<1x128xf32, #tpu.memory_space<vmem>>, vector<1x128xf32>
    %add3A_59 = vector.broadcast %get3A_58 : vector<1x128xf32> to vector<2000x128xf32>
    %add3A_60 = arith.addf %dot_general3A_55, %add3A_59 : vector<2000x128xf32>
    %mul3A_61 = arith.constant 5.000000e-01 : f32
    %mul3A_62 = vector.broadcast %mul3A_61 : f32 to vector<2000x128xf32>
    %mul3A_63 = arith.mulf %mul3A_62, %add3A_60 : vector<2000x128xf32>
    %tanh3A_64 = math.tanh %mul3A_63 : vector<2000x128xf32>
    %mul3A_65 = arith.constant 5.000000e-01 : f32
    %mul3A_66 = vector.broadcast %mul3A_65 : f32 to vector<2000x128xf32>
    %mul3A_67 = arith.mulf %mul3A_66, %tanh3A_64 : vector<2000x128xf32>
    %add3A_68 = arith.constant 5.000000e-01 : f32
    %add3A_69 = vector.broadcast %add3A_68 : f32 to vector<2000x128xf32>
    %add3A_70 = arith.addf %mul3A_67, %add3A_69 : vector<2000x128xf32>
    %mul3A_71 = arith.mulf %add3A_60, %add3A_70 : vector<2000x128xf32>
    %get3A_72 = arith.constant 0 : index
    %get3A_73 = arith.constant 0 : index
    %get3A_74 = vector.load %arg7[%get3A_72, %get3A_73] : memref<1x128xf32, #tpu.memory_space<vmem>>, vector<1x128xf32>
    %mul3A_75 = vector.broadcast %get3A_74 : vector<1x128xf32> to vector<2000x128xf32>
    %mul3A_76 = arith.mulf %mul3A_71, %mul3A_75 : vector<2000x128xf32>
    %reduce_sum3A_77 = arith.constant dense<0.000000e+00> : vector<2000xf32>
    %reduce_sum3A_78 = vector.multi_reduction <add>, %mul3A_76, %reduce_sum3A_77 [1] : vector<2000x128xf32> to vector<2000xf32>
    %broadcast_in_dim3A_79 = vector.shape_cast %reduce_sum3A_78 : vector<2000xf32> to vector<2000x1xf32>
    %add3A_80 = arith.constant 9.99999993E-9 : f32
    %add3A_81 = vector.broadcast %add3A_80 : f32 to vector<2000x1xf32>
    %add3A_82 = arith.addf %broadcast_in_dim3A, %add3A_81 : vector<2000x1xf32>
    %rsqrt3A = math.rsqrt %add3A_82 : vector<2000x1xf32>
    %mul3A_83 = arith.mulf %add3A_82, %rsqrt3A : vector<2000x1xf32>
    %add3A_84 = arith.constant 1.000000e+00 : f32
    %add3A_85 = vector.broadcast %add3A_84 : f32 to vector<2000x1xf32>
    %add3A_86 = arith.addf %mul3A_83, %add3A_85 : vector<2000x1xf32>
    %div3A = arith.divf %broadcast_in_dim3A_79, %add3A_86 : vector<2000x1xf32>
    %mul3A_87 = vector.broadcast %div3A : vector<2000x1xf32> to vector<2000x16xf32>
    %mul3A_88 = arith.mulf %sub3A, %mul3A_87 : vector<2000x16xf32>
    %swap3A = arith.constant 0 : index
    %swap3A_89 = arith.constant 0 : index
    %swap3A_90 = vector.load %arg10[%swap3A, %swap3A_89] : memref<2000x16xf32, #tpu.memory_space<vmem>>, vector<2000x16xf32>
    tpu.vector_store %arg10[%swap3A, %swap3A_89], %mul3A_88 {strides = array<i32>} : memref<2000x16xf32, #tpu.memory_space<vmem>>, vector<2000x16xf32>,
    return
  }
  func.func @transform_0(%arg0: i32) -> (i32, i32) {
    %c0_i32 = arith.constant 0 : i32
    %c0_i32_0 = arith.constant 0 : i32
    %c0_i32_1 = arith.constant 0 : i32
    return %c0_i32, %c0_i32_0 : i32, i32
  }
  func.func @transform_1(%arg0: i32) -> (i32, i32) {
    %c0_i32 = arith.constant 0 : i32
    %c0_i32_0 = arith.constant 0 : i32
    %c0_i32_1 = arith.constant 0 : i32
    return %c0_i32, %c0_i32_0 : i32, i32
  }
  func.func @transform_2(%arg0: i32) -> (i32, i32) {
    %c0_i32 = arith.constant 0 : i32
    %c0_i32_0 = arith.constant 0 : i32
    %c0_i32_1 = arith.constant 0 : i32
    return %c0_i32, %c0_i32_0 : i32, i32
  }
  func.func @transform_3(%arg0: i32) -> (i32, i32) {
    %c0_i32 = arith.constant 0 : i32
    %c0_i32_0 = arith.constant 0 : i32
    %c0_i32_1 = arith.constant 0 : i32
    return %c0_i32, %c0_i32_0 : i32, i32
  }
  func.func @transform_4(%arg0: i32) -> (i32, i32) {
    %c0_i32 = arith.constant 0 : i32
    %c0_i32_0 = arith.constant 0 : i32
    %c0_i32_1 = arith.constant 0 : i32
    return %c0_i32, %c0_i32_0 : i32, i32
  }
  func.func @transform_5(%arg0: i32) -> (i32, i32) {
    %c0_i32 = arith.constant 0 : i32
    %c0_i32_0 = arith.constant 0 : i32
    %c0_i32_1 = arith.constant 0 : i32
    return %c0_i32, %c0_i32_0 : i32, i32
  }
  func.func @transform_6(%arg0: i32) -> (i32, i32) {
    %c0_i32 = arith.constant 0 : i32
    %c0_i32_0 = arith.constant 0 : i32
    %c0_i32_1 = arith.constant 0 : i32
    return %c0_i32, %c0_i32_0 : i32, i32
  }
  func.func @transform_7(%arg0: i32) -> (i32, i32) {
    %c0_i32 = arith.constant 0 : i32
    %c0_i32_0 = arith.constant 0 : i32
    return %arg0, %c0_i32 : i32, i32
  }
  func.func @transform_8(%arg0: i32) -> (i32, i32) {
    %c0_i32 = arith.constant 0 : i32
    %c0_i32_0 = arith.constant 0 : i32
    return %arg0, %c0_i32 : i32, i32
  }
  func.func @transform_9(%arg0: i32) -> (i32, i32) {
    %c0_i32 = arith.constant 0 : i32
    %c0_i32_0 = arith.constant 0 : i32
    return %arg0, %c0_i32 : i32, i32
  }
}

module attributes {stable_mosaic.version = 14 : i64} {
  func.func @_final_body(%arg0: i32, %arg1: memref<10000x16xf32, #tpu.memory_space<vmem>>, %arg2: memref<10000x16xf32, #tpu.memory_space<vmem>>, %arg3: memref<10000x16xf32, #tpu.memory_space<vmem>>, %arg4: memref<10000x16xf32, #tpu.memory_space<vmem>>) attributes {dimension_semantics = [#tpu.dimension_semantics<arbitrary>], iteration_bounds = array<i64: 1>, scalar_prefetch = 0 : i64, scratch_operands = 0 : i64, tpu.core_type = #tpu.core_type<tc>, window_params = [{pipeline_mode = #tpu.pipeline_mode<synchronous>, transform_indices = @transform_0, window_bounds = array<i64: 10000, 16>}, {transform_indices = @transform_1, window_bounds = array<i64: 10000, 16>}, {transform_indices = @transform_2, window_bounds = array<i64: 10000, 16>}, {pipeline_mode = #tpu.pipeline_mode<synchronous>, transform_indices = @transform_3, window_bounds = array<i64: 10000, 16>}]} {
    %get3A = arith.constant 0 : index
    %get3A_0 = arith.constant 0 : index
    %get3A_1 = vector.load %arg1[%get3A, %get3A_0] : memref<10000x16xf32, #tpu.memory_space<vmem>>, vector<10000x16xf32>
    %get3A_2 = arith.constant 0 : index
    %get3A_3 = arith.constant 0 : index
    %get3A_4 = vector.load %arg2[%get3A_2, %get3A_3] : memref<10000x16xf32, #tpu.memory_space<vmem>>, vector<10000x16xf32>
    %add3A = arith.addf %get3A_1, %get3A_4 : vector<10000x16xf32>
    %get3A_5 = arith.constant 0 : index
    %get3A_6 = arith.constant 0 : index
    %get3A_7 = vector.load %arg3[%get3A_5, %get3A_6] : memref<10000x16xf32, #tpu.memory_space<vmem>>, vector<10000x16xf32>
    %add3A_8 = arith.addf %add3A, %get3A_7 : vector<10000x16xf32>
    %reduce_sum3A = arith.constant dense<0.000000e+00> : vector<16xf32>
    %reduce_sum3A_9 = vector.multi_reduction <add>, %add3A_8, %reduce_sum3A [0] : vector<10000x16xf32> to vector<16xf32>
    %broadcast_in_dim3A = vector.shape_cast %reduce_sum3A_9 : vector<16xf32> to vector<1x16xf32>
    %div3A = arith.constant 1.000000e+04 : f32
    %div3A_10 = vector.broadcast %div3A : f32 to vector<1x16xf32>
    %div3A_11 = arith.divf %broadcast_in_dim3A, %div3A_10 : vector<1x16xf32>
    %sub3A = vector.broadcast %div3A_11 : vector<1x16xf32> to vector<10000x16xf32>
    %sub3A_12 = arith.subf %add3A_8, %sub3A : vector<10000x16xf32>
    %swap3A = arith.constant 0 : index
    %swap3A_13 = arith.constant 0 : index
    %swap3A_14 = vector.load %arg4[%swap3A, %swap3A_13] : memref<10000x16xf32, #tpu.memory_space<vmem>>, vector<10000x16xf32>
    tpu.vector_store %arg4[%swap3A, %swap3A_13], %sub3A_12 {strides = array<i32>} : memref<10000x16xf32, #tpu.memory_space<vmem>>, vector<10000x16xf32>,
    return
  }
  func.func @transform_0(%arg0: i32) -> (i32, i32) {
    %c0_i32 = arith.constant 0 : i32
    %c0_i32_0 = arith.constant 0 : i32
    %c0_i32_1 = arith.constant 0 : i32
    return %c0_i32, %c0_i32_0 : i32, i32
  }
  func.func @transform_1(%arg0: i32) -> (i32, i32) {
    %c0_i32 = arith.constant 0 : i32
    %c0_i32_0 = arith.constant 0 : i32
    %c0_i32_1 = arith.constant 0 : i32
    return %c0_i32, %c0_i32_0 : i32, i32
  }
  func.func @transform_2(%arg0: i32) -> (i32, i32) {
    %c1_i32 = arith.constant 1 : i32
    %c0_i32 = arith.constant 0 : i32
    %c0_i32_0 = arith.constant 0 : i32
    return %c1_i32, %c0_i32 : i32, i32
  }
  func.func @transform_3(%arg0: i32) -> (i32, i32) {
    %c0_i32 = arith.constant 0 : i32
    %c0_i32_0 = arith.constant 0 : i32
    %c0_i32_1 = arith.constant 0 : i32
    return %c0_i32, %c0_i32_0 : i32, i32
  }
}

</mosaic_0001>

<sc_bundles>
// kernel: kernel.19.cloned.1.call-start
scs
__scs_entry_jumppad:
0x0: {  	(pc) =	sbr.rel $0x88, $3  }
0x1: {  	(tag) =	ssettag $0x0;
	lr =	simm.s32 $0x1  }
0x2: {  	[smem:$0x3F92] =	sst lr;
	_ =	strace $0xD0000000  }
0x3: {  	_ = 	snop  }
0x4: {  	_ = 	snop  }
0x5: {  	_ = 	snop  }
0x6: {  	_ = 	snop  }
0x7: {  	_ = 	snop  }
__scs_overlays_trampoline_lowered:
0x8: {  	[smem:$0x3FA1] =	sst s0  }
0x9: {  	[smem:$0x3FA2] =	sst s1  }
0xa: {  	[smem:$0x3FA3] =	sst s2  }
0xb: {  	[smem:$0x3FA4] =	sst s3  }
0xc: {  	[smem:$0x3FA5] =	sst s4  }
0xd: {  	[smem:$0x3FA6] =	sst s5  }
0xe: {  	[smem:$0x3FA7] =	sst s6  }
0xf: {  	[smem:$0x3FA8] =	sst s7  }
0x10: {  	[smem:$0x3FA9] =	sst s8  }
0x11: {  	[smem:$0x3FAA] =	sst s9;
	s0 =	simm.s32 @!p0 $0x0  }
0x12: {  	s1 =	sld [smem:$0x3F90];
	s0 =	simm.s32 @p0 $0x1  }
0x13: {  	[smem:$0x3FAB] =	sst s0;
	s0 =	simm.s32 @!p1 $0x0  }
0x14: {  	s2 =	sld [smem:$0x3F8F];
	s0 =	simm.s32 @p1 $0x1  }
0x15: {  	[smem:$0x3FAC] =	sst s0;
	s0 =	simm.s32 @!p2 $0x0  }
0x16: {  	s3 =	sld [smem:$0x3FDB];
	s0 =	simm.s32 @p2 $0x1  }
0x17: {  	s4 =	simm.s32 $0x1BF5;
	[smem:$0x3FAE] =	sst s0  }
0x18: {  	s0 =	sld [smem:$0x3F91];
	_ =	swait.ge [sflag:s4], $0x0  }
0x19: {  	s7 =	sld [smem:$0x3F92]  }
0x1a: {  	s8 =	sadd.s32 $0xFFFFE003, lr  }
0x1b: {  	s9 =	sadd.s32 $0xFFFFFEF7, lr;
	s5 =	simm.s32 $0xFFFFFFFF;
	p2 =	slt.u32 s8, $0xFFFFF086  }
0x1c: {  	p1 =	slt.u32 s9, $0xF7A;
	s5 =	simm.s32 @!p2 $0x0  }
0x1d: {  	s5 =	simm.s32 @p1 $0x1;
	p0 =	seq.s32 s7, s2  }
0x1e: {  	s7 =	smul.u32 @!p0 $0xF7A, s2;
	p2 =	seq.s32 @!p0 s5, $0x0  }
0x1f: {  	s9 =	smul.u32 $0xF7A, s1;
	s8 =	simm.s32 @!p0 $0x1BF5;
	p2 =	por !p2, p0  }
0x20: {  	[sflag:s8] =	ssyncset.s32 @!p0 $0xFFFFF086;
	s6 =	sadd.s32 @!p0 s3, s7;
	s7 =	simm.s32 @!p0 $0x108  }
0x21: {  	s3 =	sadd.s32 s3, s9;
	s6 =	sadd.s32 @!p0 $0x88, s6;
	s7 =	simm.s32 @p2 $0x1082  }
0x22: {  	[simem:s7], [sflag:s8] =	dma.local @!p0 [hbm:s6], $0xF7A  }
0x23: {  	s9 =	sor.u32 $0xD0000000, s2;
	s6 =	simm.s32 $0x108;
	_ =	swait.ge @!p0 [sflag:s8], $0x0  }
0x24: {  	s3 =	sadd.s32 $0x88, s3;
	s6 =	simm.s32 @!p1 $0x1082;
	[sflag:s4] =	ssyncset.s32 $0xFFFFF086  }
0x25: {  	[simem:s6], [sflag:s4] =	dma.local [hbm:s3], $0xF7A  }
0x26: {  	[smem:$0x3F92] =	sst s1;
	(tag) =	ssettag s2;
	_ =	strace s9  }
0x27: {  	s1 =	sld [smem:$0x3FA2]  }
0x28: {  	s2 =	sld [smem:$0x3FA3]  }
0x29: {  	s4 =	sld [smem:$0x3FA5]  }
0x2a: {  	p0 =	seq.s32 s5, $0x0;
	s5 =	sld [smem:$0x3FA6]  }
0x2b: {  	s6 =	sld [smem:$0x3FA7]  }
0x2c: {  	s7 =	sld [smem:$0x3FA8]  }
0x2d: {  	s3 =	simm.s32 $0x108;
	s8 =	sld [smem:$0x3FA9]  }
0x2e: {  	s3 =	simm.s32 @!p0 $0x1082;
	s9 =	sld [smem:$0x3FAA]  }
0x2f: {  	lr =	sadd.s32 s0, s3;
	s0 =	sld [smem:$0x3FA1]  }
0x30: {  	s3 =	sld [smem:$0x3FA4]  }
0x31: {  	[smem:$0x3FAD] =	sst s10  }
0x32: {  	s10 =	sld [smem:$0x3FAB];
	_ =	sdelay $0x3  }
0x33: {  	p0 =	seq.s32 s10, $0x1;
	s10 =	sld [smem:$0x3FAD];
	_ =	sdelay $0x3  }
0x34: {  	[smem:$0x3FAD] =	sst s10  }
0x35: {  	s10 =	sld [smem:$0x3FAC];
	_ =	sdelay $0x3  }
0x36: {  	p1 =	seq.s32 s10, $0x1;
	s10 =	sld [smem:$0x3FAD];
	_ =	sdelay $0x3  }
0x37: {  	[smem:$0x3FAD] =	sst s10  }
0x38: {  	s10 =	sld [smem:$0x3FAE]  }
0x39: {  	_ = 	snop;
	(pc) =	sbr.ind lr, $3  }
0x3a: {  	_ = 	snop  }
0x3b: {  	_ = 	snop  }
0x3c: {  	p2 =	seq.s32 s10, $0x1;
	s10 =	sld [smem:$0x3FAD]  }
0x3d: {  	_ =	shalt  }
0x3e: {  	_ =	shalt  }
0x3f: {  	_ =	shalt  }
0x40: {  	_ =	shalt  }
0x41: {  	_ =	shalt  }
0x42: {  	_ =	shalt  }
0x43: {  	_ =	shalt  }
0x44: {  	_ =	shalt  }
0x45: {  	_ =	shalt  }
0x46: {  	_ =	shalt  }
0x47: {  	_ =	shalt  }
0x48: {  	_ =	shalt  }
0x49: {  	_ =	shalt  }
0x4a: {  	_ =	shalt  }
0x4b: {  	_ =	shalt  }
0x4c: {  	_ =	shalt  }
0x4d: {  	_ =	shalt  }
0x4e: {  	_ =	shalt  }
0x4f: {  	_ =	shalt  }
0x50: {  	_ =	shalt  }
0x51: {  	_ =	shalt  }
0x52: {  	_ =	shalt  }
0x53: {  	_ =	shalt  }
0x54: {  	_ =	shalt  }
0x55: {  	_ =	shalt  }
0x56: {  	_ =	shalt  }
0x57: {  	_ =	shalt  }
0x58: {  	_ =	shalt  }
0x59: {  	_ =	shalt  }
0x5a: {  	_ =	shalt  }
0x5b: {  	_ =	shalt  }
0x5c: {  	_ =	shalt  }
0x5d: {  	_ =	shalt  }
0x5e: {  	_ =	shalt  }
0x5f: {  	_ =	shalt  }
0x60: {  	_ =	shalt  }
0x61: {  	_ =	shalt  }
0x62: {  	_ =	shalt  }
0x63: {  	_ =	shalt  }
0x64: {  	_ =	shalt  }
0x65: {  	_ =	shalt  }
0x66: {  	_ =	shalt  }
0x67: {  	_ =	shalt  }
0x68: {  	_ =	shalt  }
0x69: {  	_ =	shalt  }
0x6a: {  	_ =	shalt  }
0x6b: {  	_ =	shalt  }
0x6c: {  	_ =	shalt  }
0x6d: {  	_ =	shalt  }
0x6e: {  	_ =	shalt  }
0x6f: {  	_ =	shalt  }
0x70: {  	_ =	shalt  }
0x71: {  	_ =	shalt  }
0x72: {  	_ =	shalt  }
0x73: {  	_ =	shalt  }
0x74: {  	_ =	shalt  }
0x75: {  	_ =	shalt  }
0x76: {  	_ =	shalt  }
0x77: {  	_ =	shalt  }
0x78: {  	_ =	shalt  }
0x79: {  	_ =	shalt  }
0x7a: {  	_ =	shalt  }
0x7b: {  	_ =	shalt  }
0x7c: {  	_ =	shalt  }
0x7d: {  	_ =	shalt  }
0x7e: {  	_ =	shalt  }
0x7f: {  	_ =	shalt  }
0x80: {  	_ =	shalt  }
0x81: {  	_ =	shalt  }
0x82: {  	_ =	shalt  }
0x83: {  	_ =	shalt  }
0x84: {  	_ =	shalt  }
0x85: {  	_ =	shalt  }
0x86: {  	_ =	shalt  }
0x87: {  	_ =	shalt  }
.Lfunc_end0:
.L_simem_size_0:
called_computation_lowered:
.L_overlay_start_0:
0x88: {  	s2 =	sld [smem:$0x3FD9]  }
0x89: {  	s3 =	sld [smem:$0x3FFE];
	_ =	sdelay $0x1  }
0x8a: {  	s1 =	srdreg.scid  }
0x8b: {  	s0 =	sand.u32 $0x1, s1  }
0x8c: {  	s16 =	sshll.u32 s0, $0xA;
	s2 =	sadd.s32 s3, s2  }
0x8d: {  	s2 =	sadd.s32 s2, s16  }
0x8e: {  	[smem:$0x3FB9] =	sst s2  }
0x8f: {  	_ = 	snop  }
0x90: {  	(tm) =	ssettm $0x1  }
0x91: {  	s17 =	sld [smem:$0x3FFB];
	_ =	sdelay $0x3  }
0x92: {  	_ =	strace s17  }
0x93: {  	s2 =	sld [smem:$0x3FFC];
	_ =	sdelay $0x3  }
0x94: {  	_ =	strace s2  }
0x95: {  	s2 =	sld [smem:$0x3FFD];
	_ =	sdelay $0x3  }
0x96: {  	_ =	strace s2  }
0x97: {  	_ =	strace $0x8FFFFFFF  }
0x98: {  	s18 =	sld [smem:$0x3FDB];
	_ =	sdelay $0x1  }
0x99: {  	s19 =	simm.s32 $_scs_section_size  }
0x9a: {  	s4 =	simm.s32 $_size__tile_overlayer_lowered;
	s5 =	simm.s32 $_tile_overlayer_lowered  }
0x9b: {  	s22 =	simm.s32 $0x1BFF;
	s21 =	sshll.u32 s5, $0x1;
	s2 =	sadd.s32 s19, s18  }
0x9c: {  	s6 =	simm.s32 $0x0;
	s20 =	sshll.u32 s4, $0x1;
	s4 =	sadd.s32 s21, s2  }
0x9d: {  	[timem:s6], [sflag:s22] =	dma.local [hbm:s4], s20  }
0x9e: {  	_ =	swait.ge [sflag:s22], s20  }
0x9f: {  	s3 =	ssub.s32 $0x0, s20;
	[sflag:s22] =	ssyncset.done $0x0  }
0xa0: {  	[sflag:s22] =	ssyncadd.s32 s3;
	_ =	sdelay $0x1  }
0xa1: {  	s23 =	simm.s32 $0x1B8B  }
0xa2: {  	_ =	swait.ge [sflag:s23], $0x1  }
0xa3: {  	[sflag:s23] =	ssyncset.done $0x0  }
0xa4: {  	s25 =	simm.s32 $0x1B8E;
	s24 =	sld [smem:$0x3FFE];
	[sflag:s23] =	ssyncadd.s32 $0xFFFFFFFF  }
0xa5: {  	s26 =	simm.s32 $execute0_lowered;
	[smem:$0x3FD2] =	sst s25  }
0xa6: {  	s4 =	sshll.u32 s26, $0x1;
	_ =	strace $0x80000046;
	[dreg:$0x1] =	wrdreg $0xFFFFFFFF  }
0xa7: {  	s28 =	simm.s32 $_size_execute0_lowered;
	s2 =	sadd.s32 s2, s4;
	[dreg:$0x0] =	wrdreg $0x0  }
0xa8: {  	s4 =	sshll.u32 s28, $0x1;
	[dreg:$0x2] =	wrdreg s2  }
0xa9: {  	[dreg:$0x3] =	wrdreg s4  }
0xaa: {  	[dreg:$0x4] =	wrdreg $0xC0  }
0xab: {  	_ =	task [dreg:s6], $0x5FFFF  }
0xac: {  	[dreg:$0x1] =	wrdreg $0xFFFFFFFF  }
0xad: {  	[dreg:$0x0] =	wrdreg $0x60  }
0xae: {  	[dreg:$0x2] =	wrdreg s24  }
0xaf: {  	[dreg:$0x3] =	wrdreg $0x9  }
0xb0: {  	_ =	task.clear_ibuf [dreg:s6], $0x4FFFF;
	_ =	strace $0x90000046  }
0xb1: {  	s29 =	simm.s32 $0x9;
	_ =	strace $0x80000048  }
0xb2: {  	_ =	swait.ge [sflag:s29], $0x1  }
0xb3: {  	[sflag:s29] =	ssyncadd.s32 $0xFFFFFFFF  }
0xb4: {  	_ =	strace $0x90000048  }
0xb5: {  	_ =	sfence  }
0xb6: {  	s30 =	sld [smem:$0x0];
	_ =	sdelay $0x2  }
0xb7: {  	s31 =	sshll.u32 s1, $0xD;
	s1 =	sshrl.u32 s1, $0x2  }
0xb8: {  	s3 =	sand.u32 $0x4000, s31;
	s1 =	sadd.s32 s1, s30  }
0xb9: {  	s0 =	sor.u32 s3, s0;
	s1 =	sshll.u32 s1, $0x11  }
0xba: {  	s0 =	sor.u32 s1, s0  }
0xbb: {  	s0 =	sadd.s32 $0x8F2B, s0  }
0xbc: {  	[sflag:s0] =	ssyncadd.remote.s32 $0x1  }
0xbd: {  	_ =	sfence.sel $0xFFFF  }
0xbe: {  	[dreg:$0x0] =	wrdreg $0xFFFFFFFF;
	(pc) =	sbr.abs _section_cstart, $3  }
0xbf: {  	[dreg:$0x1] =	wrdreg $0xFFFFFFFF  }
0xc0: {  	_ =	task.clear_ibuf [dreg:s6], $0x2FFFF;
	_ =	strace $0x9FFFFFFF  }
0xc1: {  	(tm) =	ssettm $0x7FFFFFFF  }
tec
execute0_lowered:
.L_overlay_start_1:
0x0: {  	(tag) =	ssettag $0x1  }
0x1: {  	s0 =	srdreg.scid;
	s10 =	stileid.u32  }
0x2: {  	s5 =	rddreg [dreg:$0x0];
	s2 =	simm.s32 $0x0;
	s17 =	simm.s32 $0x7  }
0x3: {  	s18 =	simm.s32 $0x2710;
	s19 =	simm.s32 $0x50;
	s20 =	simm.s32 $0x4E20  }
0x4: {  	s21 =	simm.s32 $0x7B20;
	s28 =	simm.s32 $0x5;
	s31 =	simm.s32 $0x3  }
0x5: {  	s0 =	sand.u32 $0x1, s0;
	s1 =	sshll.u32 s10, $0x1;
	s16 =	smul.u32 $0x57E40, s10  }
0x6: {  	[smem:$0x7FF] =	sst s2;
	s1 =	sor.u32 s0, s1;
	s14 =	smul.u32 $0x2BF20, s0  }
0x7: {  	s4 =	sadd.s32 $0x4DE00, s5;
	s15 =	sadd.s32 $0x646400, s5;
	s3 =	smul.u32 $0x2710, s1  }
0x8: {  	_ =	strace $0x80000047;
	s7 =	ssub.s32 $0x2, s0;
	s8 =	smul.u32 $0x15F900, s1  }
0x9: {  	s0 =	simm.s32 $0x6;
	s9 =	sshrl.u32 s7, $0x1;
	s1 =	smul.u32 $0x2BF20, s1  }
0xa: {  	s9 =	ssub.s32 s7, s9;
	s3 =	sshrl.u32 s3, $0x3;
	s22 =	sshrl.u32 s8, $0x3  }
0xb: {  	s29 =	smax.u32 s9, $0x1;
	s30 =	sadd.s32 $0x5A0, s1;
	s10 =	sadd.s32 s15, s1  }
0xc: {  	s6 =	sadd.s32 s3, s5;
	s3 =	sadd.s32 $0x9C000, s5;
	s5 =	sadd.s32 $0xC8000, s5  }
0xd: {  	s24 =	sadd.s32 $0x2B980, s22;
	[dreg:$0x6] =	wrdreg s29;
	s12 =	sadd.s32 s15, s30  }
0xe: {  	s22 =	simm.s32 $0xA820;
	s23 =	sadd.s32 $0x1CE00, s6;
	s6 =	sadd.s32 $0x13000, s6  }
0xf: {  	s25 =	sadd.s32 s15, s24;
	s26 =	sadd.s32 s5, s24;
	[dreg:$0x2] =	wrdreg s23  }
0x10: {  	s11 =	sadd.s32 s5, s1;
	s13 =	sadd.s32 s5, s30;
	[dreg:$0x3] =	wrdreg s6  }
0x11: {  	s15 =	sadd.s32 s16, s15;
	s16 =	sadd.s32 s16, s5;
	[dreg:$0x4] =	wrdreg s25  }
0x12: {  	s24 =	simm.s32 $0xD520;
	s1 =	simm.s32 $0x4;
	[dreg:$0x5] =	wrdreg s26  }
0x13: {  	s25 =	simm.s32 $0x1;
	s26 =	simm.s32 $0x2;
	s23 =	simm.s32 $0x0  }
.LBB2_1:
0x14: {  	s5 =	rddreg [dreg:$0x2]  }
0x15: {  	[tilespmem:s2], [sflag:$0x7] =	stream.linear.gather [hbm4b:s5+s2], $0x2710, $0x38;
	[tilespmem:$0x10220] =	vst v63  }
0x16: {  	_ =	swait.ge [sflag:s17], $0x2710  }
0x17: {  	[sflag:s17] =	ssyncset.done $0x0  }
0x18: {  	s9 =	rddreg [dreg:$0x3];
	[sflag:s17] =	ssyncadd.s32 $0xFFFFD8F0  }
0x19: {  	[tilespmem:s18], [sflag:$0x7] =	stream.linear.gather [hbm4b:s9+s2], $0x2710, $0x38;
	[tilespmem:$0x10220] =	vst v63  }
0x1a: {  	_ =	swait.ge [sflag:s17], $0x2710  }
0x1b: {  	[sflag:s17] =	ssyncset.done $0x0  }
0x1c: {  	[sflag:s17] =	ssyncadd.s32 $0xFFFFD8F0  }
0x1d: {  	[tilespmem:s20], [sflag:$0x1] =	stream.indirect.gather [hbm4b:s3+s19], $0x90, s2, s19, $0xb8;
	[tilespmem:$0x10220] =	vst v63  }
0x1e: {  	_ = 	snop  }
0x1f: {  	[tilespmem:s21], [sflag:$0x2] =	stream.indirect.gather [hbm4b:s4+s19], $0x90, s18, s19, $0xb8;
	[tilespmem:$0x10220] =	vst v63  }
0x20: {  	_ = 	snop  }
0x21: {  	[tilespmem:s22], [sflag:$0x3] =	stream.indirect.gather [hbm4b:s3+s19], $0x90, s19, s19, $0xb8;
	[tilespmem:$0x10220] =	vst v63  }
0x22: {  	s6 =	simm.s32 $0x2760  }
0x23: {  	[tilespmem:s24], [sflag:$0x4] =	stream.indirect.gather [hbm4b:s4+s19], $0x90, s6, s19, $0xb8;
	[tilespmem:$0x10220] =	vst v63  }
0x24: {  	_ =	swait.ge [sflag:s25], $0x2D00  }
0x25: {  	[sflag:s25] =	ssyncset.done $0x0  }
0x26: {  	[sflag:s25] =	ssyncadd.s32 $0xFFFFD300  }
0x27: {  	_ =	swait.ge [sflag:s26], $0x2D00  }
0x28: {  	[sflag:s26] =	ssyncset.done $0x0  }
0x29: {  	[sflag:s26] =	ssyncadd.s32 $0xFFFFD300  }
0x2a: {  	[hbm4b:s10+s2] =	stream.linear.scatter [tilespmem:s20], [sflag:$0x5], $0x2D00, $0x38;
	[tilespmem:$0x10220] =	vst v63  }
0x2b: {  	_ = 	snop  }
0x2c: {  	[hbm4b:s11+s2] =	stream.linear.scatter [tilespmem:s21], [sflag:$0x5], $0x2D00, $0x38;
	[tilespmem:$0x10220] =	vst v63  }
0x2d: {  	_ =	swait.ge [sflag:s28], $0x2D00  }
0x2e: {  	[sflag:s28] =	ssyncset.done $0x0  }
0x2f: {  	[sflag:s28] =	ssyncadd.s32 $0xFFFFD300  }
0x30: {  	_ =	swait.ge [sflag:s28], $0x2D00  }
0x31: {  	[sflag:s28] =	ssyncset.done $0x0  }
0x32: {  	s7 =	simm.s32 $0xA0;
	[sflag:s28] =	ssyncadd.s32 $0xFFFFD300  }
0x33: {  	[tilespmem:s20], [sflag:$0x1] =	stream.indirect.gather [hbm4b:s3+s19], $0x90, s7, s19, $0xb8;
	[tilespmem:$0x10220] =	vst v63  }
0x34: {  	s8 =	simm.s32 $0x27B0  }
0x35: {  	[tilespmem:s21], [sflag:$0x2] =	stream.indirect.gather [hbm4b:s4+s19], $0x90, s8, s19, $0xb8;
	[tilespmem:$0x10220] =	vst v63  }
0x36: {  	_ =	swait.ge [sflag:s31], $0x2D00  }
0x37: {  	[sflag:s31] =	ssyncset.done $0x0  }
0x38: {  	[sflag:s31] =	ssyncadd.s32 $0xFFFFD300  }
0x39: {  	_ =	swait.ge [sflag:s1], $0x2D00  }
0x3a: {  	[sflag:s1] =	ssyncset.done $0x0  }
0x3b: {  	[sflag:s1] =	ssyncadd.s32 $0xFFFFD300  }
0x3c: {  	[hbm4b:s12+s2] =	stream.linear.scatter [tilespmem:s22], [sflag:$0x6], $0x2D00, $0x38;
	[tilespmem:$0x10220] =	vst v63  }
0x3d: {  	_ = 	snop  }
0x3e: {  	[hbm4b:s13+s2] =	stream.linear.scatter [tilespmem:s24], [sflag:$0x6], $0x2D00, $0x38;
	[tilespmem:$0x10220] =	vst v63  }
0x3f: {  	_ =	swait.ge [sflag:s0], $0x2D00  }
0x40: {  	[sflag:s0] =	ssyncset.done $0x0  }
0x41: {  	[sflag:s0] =	ssyncadd.s32 $0xFFFFD300  }
0x42: {  	_ =	swait.ge [sflag:s0], $0x2D00  }
0x43: {  	[sflag:s0] =	ssyncset.done $0x0  }
0x44: {  	s9 =	simm.s32 $0xF0;
	[sflag:s0] =	ssyncadd.s32 $0xFFFFD300  }
0x45: {  	[tilespmem:s22], [sflag:$0x3] =	stream.indirect.gather [hbm4b:s3+s19], $0x90, s9, s19, $0xb8;
	[tilespmem:$0x10220] =	vst v63  }
0x46: {  	s6 =	simm.s32 $0x2800  }
0x47: {  	[tilespmem:s24], [sflag:$0x4] =	stream.indirect.gather [hbm4b:s4+s19], $0x90, s6, s19, $0xb8;
	[tilespmem:$0x10220] =	vst v63  }
0x48: {  	_ =	swait.ge [sflag:s25], $0x2D00  }
0x49: {  	[sflag:s25] =	ssyncset.done $0x0  }
0x4a: {  	[sflag:s25] =	ssyncadd.s32 $0xFFFFD300  }
0x4b: {  	_ =	swait.ge [sflag:s26], $0x2D00  }
0x4c: {  	s5 =	sadd.s32 s15, s14;
	[sflag:s26] =	ssyncset.done $0x0  }
0x4d: {  	s30 =	sadd.s32 s16, s14;
	s6 =	sadd.s32 $0xB40, s5;
	[sflag:s26] =	ssyncadd.s32 $0xFFFFD300  }
0x4e: {  	[hbm4b:s6+s2] =	stream.linear.scatter [tilespmem:s20], [sflag:$0x5], $0x2D00, $0x38;
	[tilespmem:$0x10220] =	vst v63  }
0x4f: {  	s7 =	sadd.s32 $0xB40, s30  }
0x50: {  	[hbm4b:s7+s2] =	stream.linear.scatter [tilespmem:s21], [sflag:$0x5], $0x2D00, $0x38;
	[tilespmem:$0x10220] =	vst v63  }
0x51: {  	_ =	swait.ge [sflag:s28], $0x2D00  }
0x52: {  	[sflag:s28] =	ssyncset.done $0x0  }
0x53: {  	[sflag:s28] =	ssyncadd.s32 $0xFFFFD300  }
0x54: {  	_ =	swait.ge [sflag:s28], $0x2D00  }
0x55: {  	[sflag:s28] =	ssyncset.done $0x0  }
0x56: {  	s8 =	simm.s32 $0x140;
	[sflag:s28] =	ssyncadd.s32 $0xFFFFD300  }
0x57: {  	[tilespmem:s20], [sflag:$0x1] =	stream.indirect.gather [hbm4b:s3+s19], $0x90, s8, s19, $0xb8;
	[tilespmem:$0x10220] =	vst v63  }
0x58: {  	s9 =	simm.s32 $0x2850  }
0x59: {  	[tilespmem:s21], [sflag:$0x2] =	stream.indirect.gather [hbm4b:s4+s19], $0x90, s9, s19, $0xb8;
	[tilespmem:$0x10220] =	vst v63  }
0x5a: {  	_ =	swait.ge [sflag:s31], $0x2D00  }
0x5b: {  	[sflag:s31] =	ssyncset.done $0x0  }
0x5c: {  	[sflag:s31] =	ssyncadd.s32 $0xFFFFD300  }
0x5d: {  	_ =	swait.ge [sflag:s1], $0x2D00  }
0x5e: {  	[sflag:s1] =	ssyncset.done $0x0  }
0x5f: {  	s29 =	simm.s32 $0x280;
	s5 =	sadd.s32 $0x10E0, s5;
	[sflag:s1] =	ssyncadd.s32 $0xFFFFD300  }
0x60: {  	[hbm4b:s5+s2] =	stream.linear.scatter [tilespmem:s22], [sflag:$0x6], $0x2D00, $0x38;
	[tilespmem:$0x10220] =	vst v63  }
0x61: {  	s6 =	sadd.s32 $0x10E0, s30;
	s30 =	sadd.s32 $0xB40, s15;
	s5 =	sadd.s32 $0xB40, s16  }
.LBB2_2:
0x62: {  	[hbm4b:s6+s2] =	stream.linear.scatter [tilespmem:s24], [sflag:$0x6], $0x2D00, $0x38;
	[tilespmem:$0x10220] =	vst v63  }
0x63: {  	s6 =	smov.u32 s29  }
0x64: {  	p0 =	sne.s32 s29, $0x9600;
	s29 =	sadd.s32 $0x280, s29;
	_ =	swait.ge [sflag:s0], $0x2D00  }
0x65: {  	[sflag:s0] =	ssyncset.done $0x0  }
0x66: {  	[sflag:s0] =	ssyncadd.s32 $0xFFFFD300  }
0x67: {  	_ =	swait.ge [sflag:s0], $0x2D00  }
0x68: {  	s6 =	sshra.s32 s6, $0x2;
	[sflag:s0] =	ssyncset.done $0x0  }
0x69: {  	s7 =	sadd.s32 $0xF0, s6;
	[sflag:s0] =	ssyncadd.s32 $0xFFFFD300  }
0x6a: {  	[tilespmem:s22], [sflag:$0x3] =	stream.indirect.gather [hbm4b:s3+s19], $0x90, s7, s19, $0xb8;
	[tilespmem:$0x10220] =	vst v63  }
0x6b: {  	s7 =	sadd.s32 $0x2800, s6  }
0x6c: {  	[tilespmem:s24], [sflag:$0x4] =	stream.indirect.gather [hbm4b:s4+s19], $0x90, s7, s19, $0xb8;
	[tilespmem:$0x10220] =	vst v63  }
0x6d: {  	_ =	swait.ge [sflag:s25], $0x2D00  }
0x6e: {  	[sflag:s25] =	ssyncset.done $0x0  }
0x6f: {  	[sflag:s25] =	ssyncadd.s32 $0xFFFFD300  }
0x70: {  	_ =	swait.ge [sflag:s26], $0x2D00  }
0x71: {  	s7 =	sadd.s32 s30, s14;
	[sflag:s26] =	ssyncset.done $0x0  }
0x72: {  	s9 =	sadd.s32 s5, s14;
	s8 =	sadd.s32 $0xB40, s7;
	[sflag:s26] =	ssyncadd.s32 $0xFFFFD300  }
0x73: {  	[hbm4b:s8+s2] =	stream.linear.scatter [tilespmem:s20], [sflag:$0x5], $0x2D00, $0x38;
	[tilespmem:$0x10220] =	vst v63  }
0x74: {  	s8 =	sadd.s32 $0xB40, s9  }
0x75: {  	[hbm4b:s8+s2] =	stream.linear.scatter [tilespmem:s21], [sflag:$0x5], $0x2D00, $0x38;
	[tilespmem:$0x10220] =	vst v63  }
0x76: {  	_ =	swait.ge [sflag:s28], $0x2D00  }
0x77: {  	[sflag:s28] =	ssyncset.done $0x0  }
0x78: {  	[sflag:s28] =	ssyncadd.s32 $0xFFFFD300  }
0x79: {  	_ =	swait.ge [sflag:s28], $0x2D00  }
0x7a: {  	[sflag:s28] =	ssyncset.done $0x0  }
0x7b: {  	s8 =	sadd.s32 $0x140, s6;
	[sflag:s28] =	ssyncadd.s32 $0xFFFFD300  }
0x7c: {  	[tilespmem:s20], [sflag:$0x1] =	stream.indirect.gather [hbm4b:s3+s19], $0x90, s8, s19, $0xb8;
	[tilespmem:$0x10220] =	vst v63  }
0x7d: {  	s6 =	sadd.s32 $0x2850, s6  }
0x7e: {  	[tilespmem:s21], [sflag:$0x2] =	stream.indirect.gather [hbm4b:s4+s19], $0x90, s6, s19, $0xb8;
	[tilespmem:$0x10220] =	vst v63  }
0x7f: {  	_ =	swait.ge [sflag:s31], $0x2D00  }
0x80: {  	[sflag:s31] =	ssyncset.done $0x0  }
0x81: {  	[sflag:s31] =	ssyncadd.s32 $0xFFFFD300  }
.Ltmp0:
0x82: {  	_ =	swait.ge [sflag:s1], $0x2D00;
	(pc) =	sbr.rel @p0 .LBB2_2-.Ltmp0, $4  }
0x83: {  	[sflag:s1] =	ssyncset.done $0x0  }
0x84: {  	s6 =	sadd.s32 $0x10E0, s7;
	[sflag:s1] =	ssyncadd.s32 $0xFFFFD300  }
0x85: {  	[hbm4b:s6+s2] =	stream.linear.scatter [tilespmem:s22], [sflag:$0x6], $0x2D00, $0x38;
	[tilespmem:$0x10220] =	vst v63  }
0x86: {  	s5 =	sadd.s32 $0xB40, s5;
	s30 =	sadd.s32 $0xB40, s30;
	s6 =	sadd.s32 $0x10E0, s9  }
0x87: {  	[hbm4b:s6+s2] =	stream.linear.scatter [tilespmem:s24], [sflag:$0x6], $0x2D00, $0x38;
	[tilespmem:$0x10220] =	vst v63  }
0x88: {  	_ =	swait.ge [sflag:s0], $0x2D00  }
0x89: {  	[sflag:s0] =	ssyncset.done $0x0  }
0x8a: {  	[sflag:s0] =	ssyncadd.s32 $0xFFFFD300  }
0x8b: {  	_ =	swait.ge [sflag:s0], $0x2D00  }
0x8c: {  	[sflag:s0] =	ssyncset.done $0x0  }
0x8d: {  	[sflag:s0] =	ssyncadd.s32 $0xFFFFD300  }
0x8e: {  	_ =	swait.ge [sflag:s25], $0x2D00  }
0x8f: {  	[sflag:s25] =	ssyncset.done $0x0  }
0x90: {  	[sflag:s25] =	ssyncadd.s32 $0xFFFFD300  }
0x91: {  	_ =	swait.ge [sflag:s26], $0x2D00  }
0x92: {  	[sflag:s26] =	ssyncset.done $0x0  }
0x93: {  	s5 =	rddreg [dreg:$0x4];
	[sflag:s26] =	ssyncadd.s32 $0xFFFFD300  }
0x94: {  	[hbm4b:s5+s2] =	stream.linear.scatter [tilespmem:s20], [sflag:$0x5], $0x2D00, $0x38;
	[tilespmem:$0x10220] =	vst v63  }
0x95: {  	s29 =	rddreg [dreg:$0x5]  }
0x96: {  	[hbm4b:s29+s2] =	stream.linear.scatter [tilespmem:s21], [sflag:$0x5], $0x2D00, $0x38;
	[tilespmem:$0x10220] =	vst v63  }
0x97: {  	_ =	swait.ge [sflag:s28], $0x2D00  }
0x98: {  	[sflag:s28] =	ssyncset.done $0x0  }
0x99: {  	[sflag:s28] =	ssyncadd.s32 $0xFFFFD300  }
0x9a: {  	_ =	swait.ge [sflag:s28], $0x2D00  }
0x9b: {  	s23 =	sadd.s32 $0x1, s23;
	s30 =	rddreg [dreg:$0x6]  }
0x9c: {  	p0 =	sne.s32 s23, s30  }
.Ltmp1:
0x9d: {  	_ = 	snop;
	(pc) =	sbr.rel @p0 .LBB2_1-.Ltmp1, $3  }
0x9e: {  	_ =	sdelay $0x1  }
0x9f: {  	[sflag:s28] =	ssyncset.done $0x0  }
0xa0: {  	[sflag:s28] =	ssyncadd.s32 $0xFFFFD300  }
0xa1: {  	_ =	sfence.sel $0x180000  }
0xa2: {  	[bflag:$0x0] =	sbarrier.arrive $0xFFFF  }
0xa3: {  	_ =	strace $0x90000047  }
0xa4: {  	s0 =	stileid.u32;
	[bflag:$0x2] =	sbarrier.arrive $0xFFFF  }
0xa5: {  	p0 =	sne.s32 s0, $0x0;
	s0 =	rddreg [dreg:$0x1]  }
0xa6: {  	s0 =	sadd.s32 @!p0 $0x100000, s0  }
0xa7: {  	[sflag:s0] =	ssyncadd.tile.s32 @!p0 $0x1;
	_ =	shalt  }
.Lfunc_end2:
_tile_overlayer_lowered:
.L_overlay_start_2:
0xa8: {  	(tag) =	ssettag $0x2  }
0xa9: {  	s0 =	rddreg [dreg:$0x0];
	s2 =	stileid.u32  }
0xaa: {  	s1 =	rddreg [dreg:$0x1];
	p0 =	sne.s32 s2, $0x0  }
0xab: {  	s3 =	rddreg [dreg:$0x2];
	[bflag:$0x3] =	sbarrier.arrive $0xFFFF;
	s2 =	simm.s32 @!p0 $0x1C07  }
0xac: {  	[timem:s3], [sflag:s2] =	dma.local @!p0 [hbm:s0], s1  }
0xad: {  	s0 =	simm.s32 @!p0 $0x7  }
0xae: {  	_ =	swait.ge @!p0 [sflag:s0], s1  }
0xaf: {  	s1 =	ssub.s32 @!p0 $0x0, s1;
	[sflag:s0] =	ssyncset.done @!p0 $0x0  }
0xb0: {  	[sflag:s0] =	ssyncadd.s32 @!p0 s1  }
0xb1: {  	[bflag:$0x3] =	sbarrier.arrive $0xFFFF  }
0xb2: {  	_ =	shalt  }

// kernel: kernel.22.cloned.1.call-start
scs
__scs_entry_jumppad:
0x0: {  	(pc) =	sbr.rel $0x88, $3  }
0x1: {  	(tag) =	ssettag $0x0;
	lr =	simm.s32 $0x1  }
0x2: {  	[smem:$0x3F92] =	sst lr;
	_ =	strace $0xD0000000  }
0x3: {  	_ = 	snop  }
0x4: {  	_ = 	snop  }
0x5: {  	_ = 	snop  }
0x6: {  	_ = 	snop  }
0x7: {  	_ = 	snop  }
__scs_overlays_trampoline_lowered:
0x8: {  	[smem:$0x3FA1] =	sst s0  }
0x9: {  	[smem:$0x3FA2] =	sst s1  }
0xa: {  	[smem:$0x3FA3] =	sst s2  }
0xb: {  	[smem:$0x3FA4] =	sst s3  }
0xc: {  	[smem:$0x3FA5] =	sst s4  }
0xd: {  	[smem:$0x3FA6] =	sst s5  }
0xe: {  	[smem:$0x3FA7] =	sst s6  }
0xf: {  	[smem:$0x3FA8] =	sst s7  }
0x10: {  	[smem:$0x3FA9] =	sst s8  }
0x11: {  	[smem:$0x3FAA] =	sst s9;
	s0 =	simm.s32 @!p0 $0x0  }
0x12: {  	s1 =	sld [smem:$0x3F90];
	s0 =	simm.s32 @p0 $0x1  }
0x13: {  	[smem:$0x3FAB] =	sst s0;
	s0 =	simm.s32 @!p1 $0x0  }
0x14: {  	s2 =	sld [smem:$0x3F8F];
	s0 =	simm.s32 @p1 $0x1  }
0x15: {  	[smem:$0x3FAC] =	sst s0;
	s0 =	simm.s32 @!p2 $0x0  }
0x16: {  	s3 =	sld [smem:$0x3FDB];
	s0 =	simm.s32 @p2 $0x1  }
0x17: {  	s4 =	simm.s32 $0x1BF5;
	[smem:$0x3FAE] =	sst s0  }
0x18: {  	s0 =	sld [smem:$0x3F91];
	_ =	swait.ge [sflag:s4], $0x0  }
0x19: {  	s7 =	sld [smem:$0x3F92]  }
0x1a: {  	s8 =	sadd.s32 $0xFFFFE003, lr  }
0x1b: {  	s9 =	sadd.s32 $0xFFFFFEF7, lr;
	s5 =	simm.s32 $0xFFFFFFFF;
	p2 =	slt.u32 s8, $0xFFFFF086  }
0x1c: {  	p1 =	slt.u32 s9, $0xF7A;
	s5 =	simm.s32 @!p2 $0x0  }
0x1d: {  	s5 =	simm.s32 @p1 $0x1;
	p0 =	seq.s32 s7, s2  }
0x1e: {  	s7 =	smul.u32 @!p0 $0xF7A, s2;
	p2 =	seq.s32 @!p0 s5, $0x0  }
0x1f: {  	s9 =	smul.u32 $0xF7A, s1;
	s8 =	simm.s32 @!p0 $0x1BF5;
	p2 =	por !p2, p0  }
0x20: {  	[sflag:s8] =	ssyncset.s32 @!p0 $0xFFFFF086;
	s6 =	sadd.s32 @!p0 s3, s7;
	s7 =	simm.s32 @!p0 $0x108  }
0x21: {  	s3 =	sadd.s32 s3, s9;
	s6 =	sadd.s32 @!p0 $0x88, s6;
	s7 =	simm.s32 @p2 $0x1082  }
0x22: {  	[simem:s7], [sflag:s8] =	dma.local @!p0 [hbm:s6], $0xF7A  }
0x23: {  	s9 =	sor.u32 $0xD0000000, s2;
	s6 =	simm.s32 $0x108;
	_ =	swait.ge @!p0 [sflag:s8], $0x0  }
0x24: {  	s3 =	sadd.s32 $0x88, s3;
	s6 =	simm.s32 @!p1 $0x1082;
	[sflag:s4] =	ssyncset.s32 $0xFFFFF086  }
0x25: {  	[simem:s6], [sflag:s4] =	dma.local [hbm:s3], $0xF7A  }
0x26: {  	[smem:$0x3F92] =	sst s1;
	(tag) =	ssettag s2;
	_ =	strace s9  }
0x27: {  	s1 =	sld [smem:$0x3FA2]  }
0x28: {  	s2 =	sld [smem:$0x3FA3]  }
0x29: {  	s4 =	sld [smem:$0x3FA5]  }
0x2a: {  	p0 =	seq.s32 s5, $0x0;
	s5 =	sld [smem:$0x3FA6]  }
0x2b: {  	s6 =	sld [smem:$0x3FA7]  }
0x2c: {  	s7 =	sld [smem:$0x3FA8]  }
0x2d: {  	s3 =	simm.s32 $0x108;
	s8 =	sld [smem:$0x3FA9]  }
0x2e: {  	s3 =	simm.s32 @!p0 $0x1082;
	s9 =	sld [smem:$0x3FAA]  }
0x2f: {  	lr =	sadd.s32 s0, s3;
	s0 =	sld [smem:$0x3FA1]  }
0x30: {  	s3 =	sld [smem:$0x3FA4]  }
0x31: {  	[smem:$0x3FAD] =	sst s10  }
0x32: {  	s10 =	sld [smem:$0x3FAB];
	_ =	sdelay $0x3  }
0x33: {  	p0 =	seq.s32 s10, $0x1;
	s10 =	sld [smem:$0x3FAD];
	_ =	sdelay $0x3  }
0x34: {  	[smem:$0x3FAD] =	sst s10  }
0x35: {  	s10 =	sld [smem:$0x3FAC];
	_ =	sdelay $0x3  }
0x36: {  	p1 =	seq.s32 s10, $0x1;
	s10 =	sld [smem:$0x3FAD];
	_ =	sdelay $0x3  }
0x37: {  	[smem:$0x3FAD] =	sst s10  }
0x38: {  	s10 =	sld [smem:$0x3FAE]  }
0x39: {  	_ = 	snop;
	(pc) =	sbr.ind lr, $3  }
0x3a: {  	_ = 	snop  }
0x3b: {  	_ = 	snop  }
0x3c: {  	p2 =	seq.s32 s10, $0x1;
	s10 =	sld [smem:$0x3FAD]  }
0x3d: {  	_ =	shalt  }
0x3e: {  	_ =	shalt  }
0x3f: {  	_ =	shalt  }
0x40: {  	_ =	shalt  }
0x41: {  	_ =	shalt  }
0x42: {  	_ =	shalt  }
0x43: {  	_ =	shalt  }
0x44: {  	_ =	shalt  }
0x45: {  	_ =	shalt  }
0x46: {  	_ =	shalt  }
0x47: {  	_ =	shalt  }
0x48: {  	_ =	shalt  }
0x49: {  	_ =	shalt  }
0x4a: {  	_ =	shalt  }
0x4b: {  	_ =	shalt  }
0x4c: {  	_ =	shalt  }
0x4d: {  	_ =	shalt  }
0x4e: {  	_ =	shalt  }
0x4f: {  	_ =	shalt  }
0x50: {  	_ =	shalt  }
0x51: {  	_ =	shalt  }
0x52: {  	_ =	shalt  }
0x53: {  	_ =	shalt  }
0x54: {  	_ =	shalt  }
0x55: {  	_ =	shalt  }
0x56: {  	_ =	shalt  }
0x57: {  	_ =	shalt  }
0x58: {  	_ =	shalt  }
0x59: {  	_ =	shalt  }
0x5a: {  	_ =	shalt  }
0x5b: {  	_ =	shalt  }
0x5c: {  	_ =	shalt  }
0x5d: {  	_ =	shalt  }
0x5e: {  	_ =	shalt  }
0x5f: {  	_ =	shalt  }
0x60: {  	_ =	shalt  }
0x61: {  	_ =	shalt  }
0x62: {  	_ =	shalt  }
0x63: {  	_ =	shalt  }
0x64: {  	_ =	shalt  }
0x65: {  	_ =	shalt  }
0x66: {  	_ =	shalt  }
0x67: {  	_ =	shalt  }
0x68: {  	_ =	shalt  }
0x69: {  	_ =	shalt  }
0x6a: {  	_ =	shalt  }
0x6b: {  	_ =	shalt  }
0x6c: {  	_ =	shalt  }
0x6d: {  	_ =	shalt  }
0x6e: {  	_ =	shalt  }
0x6f: {  	_ =	shalt  }
0x70: {  	_ =	shalt  }
0x71: {  	_ =	shalt  }
0x72: {  	_ =	shalt  }
0x73: {  	_ =	shalt  }
0x74: {  	_ =	shalt  }
0x75: {  	_ =	shalt  }
0x76: {  	_ =	shalt  }
0x77: {  	_ =	shalt  }
0x78: {  	_ =	shalt  }
0x79: {  	_ =	shalt  }
0x7a: {  	_ =	shalt  }
0x7b: {  	_ =	shalt  }
0x7c: {  	_ =	shalt  }
0x7d: {  	_ =	shalt  }
0x7e: {  	_ =	shalt  }
0x7f: {  	_ =	shalt  }
0x80: {  	_ =	shalt  }
0x81: {  	_ =	shalt  }
0x82: {  	_ =	shalt  }
0x83: {  	_ =	shalt  }
0x84: {  	_ =	shalt  }
0x85: {  	_ =	shalt  }
0x86: {  	_ =	shalt  }
0x87: {  	_ =	shalt  }
.Lfunc_end0:
.L_simem_size_0:
called_computation.1_lowered:
.L_overlay_start_0:
0x88: {  	s2 =	sld [smem:$0x3FD9]  }
0x89: {  	s3 =	sld [smem:$0x3FFE];
	_ =	sdelay $0x1  }
0x8a: {  	s1 =	srdreg.scid  }
0x8b: {  	s0 =	sand.u32 $0x1, s1  }
0x8c: {  	s16 =	sshll.u32 s0, $0xA;
	s2 =	sadd.s32 s3, s2  }
0x8d: {  	s2 =	sadd.s32 s2, s16  }
0x8e: {  	[smem:$0x3FB9] =	sst s2  }
0x8f: {  	_ = 	snop  }
0x90: {  	(tm) =	ssettm $0x1  }
0x91: {  	s17 =	sld [smem:$0x3FFB];
	_ =	sdelay $0x3  }
0x92: {  	_ =	strace s17  }
0x93: {  	s2 =	sld [smem:$0x3FFC];
	_ =	sdelay $0x3  }
0x94: {  	_ =	strace s2  }
0x95: {  	s2 =	sld [smem:$0x3FFD];
	_ =	sdelay $0x3  }
0x96: {  	_ =	strace s2  }
0x97: {  	_ =	strace $0x8FFFFFFF  }
0x98: {  	s18 =	sld [smem:$0x3FDB];
	_ =	sdelay $0x1  }
0x99: {  	s19 =	simm.s32 $_scs_section_size  }
0x9a: {  	s4 =	simm.s32 $_size__tile_overlayer_lowered;
	s5 =	simm.s32 $_tile_overlayer_lowered  }
0x9b: {  	s22 =	simm.s32 $0x1BFF;
	s21 =	sshll.u32 s5, $0x1;
	s2 =	sadd.s32 s19, s18  }
0x9c: {  	s6 =	simm.s32 $0x0;
	s20 =	sshll.u32 s4, $0x1;
	s4 =	sadd.s32 s21, s2  }
0x9d: {  	[timem:s6], [sflag:s22] =	dma.local [hbm:s4], s20  }
0x9e: {  	_ =	swait.ge [sflag:s22], s20  }
0x9f: {  	s3 =	ssub.s32 $0x0, s20;
	[sflag:s22] =	ssyncset.done $0x0  }
0xa0: {  	[sflag:s22] =	ssyncadd.s32 s3;
	_ =	sdelay $0x1  }
0xa1: {  	s23 =	simm.s32 $0x1B8B  }
0xa2: {  	_ =	swait.ge [sflag:s23], $0x1  }
0xa3: {  	[sflag:s23] =	ssyncset.done $0x0  }
0xa4: {  	s25 =	simm.s32 $0x1B8E;
	s24 =	sld [smem:$0x3FFE];
	[sflag:s23] =	ssyncadd.s32 $0xFFFFFFFF  }
0xa5: {  	s26 =	simm.s32 $execute0_lowered;
	[smem:$0x3FD2] =	sst s25  }
0xa6: {  	s4 =	sshll.u32 s26, $0x1;
	_ =	strace $0x80000049;
	[dreg:$0x1] =	wrdreg $0xFFFFFFFF  }
0xa7: {  	s28 =	simm.s32 $_size_execute0_lowered;
	s2 =	sadd.s32 s2, s4;
	[dreg:$0x0] =	wrdreg $0x0  }
0xa8: {  	s4 =	sshll.u32 s28, $0x1;
	[dreg:$0x2] =	wrdreg s2  }
0xa9: {  	[dreg:$0x3] =	wrdreg s4  }
0xaa: {  	[dreg:$0x4] =	wrdreg $0xC0  }
0xab: {  	_ =	task [dreg:s6], $0x5FFFF  }
0xac: {  	[dreg:$0x1] =	wrdreg $0xFFFFFFFF  }
0xad: {  	[dreg:$0x0] =	wrdreg $0x60  }
0xae: {  	[dreg:$0x2] =	wrdreg s24  }
0xaf: {  	[dreg:$0x3] =	wrdreg $0x81100  }
0xb0: {  	[dreg:$0x4] =	wrdreg $0x1B9900  }
0xb1: {  	[dreg:$0x5] =	wrdreg $0x9  }
0xb2: {  	_ =	task.clear_ibuf [dreg:s6], $0x6FFFF;
	_ =	strace $0x90000049  }
0xb3: {  	s29 =	simm.s32 $0x9;
	_ =	strace $0x8000004B  }
0xb4: {  	_ =	swait.ge [sflag:s29], $0x1  }
0xb5: {  	[sflag:s29] =	ssyncadd.s32 $0xFFFFFFFF  }
0xb6: {  	_ =	strace $0x9000004B  }
0xb7: {  	_ =	sfence  }
0xb8: {  	s30 =	sld [smem:$0x0];
	_ =	sdelay $0x2  }
0xb9: {  	s31 =	sshll.u32 s1, $0xD;
	s1 =	sshrl.u32 s1, $0x2  }
0xba: {  	s3 =	sand.u32 $0x4000, s31;
	s1 =	sadd.s32 s1, s30  }
0xbb: {  	s0 =	sor.u32 s3, s0;
	s1 =	sshll.u32 s1, $0x11  }
0xbc: {  	s0 =	sor.u32 s1, s0  }
0xbd: {  	s0 =	sadd.s32 $0x8F2B, s0  }
0xbe: {  	[sflag:s0] =	ssyncadd.remote.s32 $0x1  }
0xbf: {  	_ =	sfence.sel $0xFFFF  }
0xc0: {  	[dreg:$0x0] =	wrdreg $0xFFFFFFFF;
	(pc) =	sbr.abs _section_cstart, $3  }
0xc1: {  	[dreg:$0x1] =	wrdreg $0xFFFFFFFF  }
0xc2: {  	_ =	task.clear_ibuf [dreg:s6], $0x2FFFF;
	_ =	strace $0x9FFFFFFF  }
0xc3: {  	(tm) =	ssettm $0x7FFFFFFF  }
tec
execute0_lowered:
.L_overlay_start_1:
0x0: {  	(tag) =	ssettag $0x1  }
0x1: {  	s0 =	srdreg.scid;
	s1 =	rddreg [dreg:$0x0]  }
0x2: {  	s17 =	stileid.u32;
	s2 =	rddreg [dreg:$0x1]  }
0x3: {  	s4 =	simm.s32 $0x0;
	s28 =	simm.s32 $0x4F10;
	s29 =	simm.s32 $0x7C10  }
0x4: {  	s30 =	simm.s32 $0x1;
	s31 =	simm.s32 $0x50;
	s7 =	smul.u32 $0x13880, s17  }
0x5: {  	s0 =	sand.u32 $0x1, s0;
	s3 =	sshll.u32 s17, $0x1;
	s8 =	smul.u32 $0x2710, s17  }
0x6: {  	[smem:$0x7FF] =	sst s4;
	s10 =	smul.u32 $0x271, s17;
	s11 =	sadd.s32 $0x563A00, s1  }
0x7: {  	s13 =	sadd.s32 $0xA45A00, s1;
	s25 =	sshll.u32 s17, $0x6;
	s17 =	smul.u32 $0x4E20, s17  }
0x8: {  	s5 =	sor.u32 s0, s3;
	s3 =	rddreg [dreg:$0x2];
	s12 =	smul.u32 $0x2710, s0  }
0x9: {  	_ =	strace $0x8000004A;
	s0 =	ssub.s32 $0x2, s0;
	s6 =	smul.u32 $0x2710, s5  }
0xa: {  	s14 =	sshrl.u32 s7, $0x3;
	s15 =	sshrl.u32 s8, $0x3;
	s23 =	smul.u32 $0x27100, s5  }
0xb: {  	s22 =	sshrl.u32 s0, $0x1;
	s7 =	sadd.s32 s7, s2;
	s5 =	smul.u32 $0x4E20, s5  }
0xc: {  	s8 =	sadd.s32 s8, s3;
	s14 =	sadd.s32 s14, s1;
	s15 =	sadd.s32 s15, s1  }
0xd: {  	s10 =	sadd.s32 s10, s12;
	s0 =	ssub.s32 s0, s22;
	[dreg:$0x4] =	wrdreg s7  }
0xe: {  	s7 =	sor.u32 $0x1C05, s25;
	[dreg:$0x6] =	wrdreg s8;
	s21 =	sadd.s32 s12, s17  }
0xf: {  	s9 =	sshrl.u32 s6, $0x3;
	s16 =	sshll.u32 s10, $0x4;
	s10 =	sshll.u32 s10, $0x1  }
0x10: {  	s24 =	sadd.s32 $0x52E00, s14;
	s26 =	sadd.s32 $0x4DE00, s15;
	s14 =	sadd.s32 s11, s23  }
0x11: {  	s5 =	sadd.s32 s13, s5;
	s15 =	sadd.s32 $0xA0, s6;
	[dreg:$0x5] =	wrdreg s24  }
0x12: {  	s6 =	sadd.s32 $0x50, s6;
	s0 =	smax.u32 s0, $0x1;
	[dreg:$0x7] =	wrdreg s26  }
0x13: {  	s8 =	sadd.s32 $0x140, s21;
	s9 =	sadd.s32 s9, s1;
	[dreg:$0x9] =	wrdreg s14  }
0x14: {  	s16 =	sadd.s32 s16, s1;
	s1 =	sadd.s32 s10, s1;
	[dreg:$0xa] =	wrdreg s5  }
0x15: {  	s19 =	sshll.u32 s6, $0x4;
	[dreg:$0xd] =	wrdreg s0;
	s22 =	sshll.u32 s6, $0x1  }
0x16: {  	s23 =	sshll.u32 s15, $0x4;
	s24 =	sshrl.u32 s8, $0x4;
	s5 =	sshll.u32 s15, $0x1  }
0x17: {  	s0 =	sadd.s32 $0xF0, s21;
	s6 =	simm.s32 $0x26C0;
	s9 =	sadd.s32 $0x1CE00, s9  }
0x18: {  	s8 =	simm.s32 $0x0;
	s18 =	sadd.s32 $0x8B800, s16;
	[dreg:$0x8] =	wrdreg s9  }
0x19: {  	s1 =	sadd.s32 $0x81A00, s1;
	s20 =	sadd.s32 s11, s19;
	[dreg:$0xb] =	wrdreg s18  }
0x1a: {  	s25 =	sshll.u32 s24, $0x5;
	s19 =	sadd.s32 s13, s5;
	[dreg:$0xc] =	wrdreg s1  }
0x1b: {  	s0 =	sshrl.u32 s0, $0x4;
	s5 =	simm.s32 $0x4;
	[dreg:$0xe] =	wrdreg s20  }
0x1c: {  	s1 =	sadd.s32 s13, s22;
	s18 =	sadd.s32 s11, s23;
	s20 =	sadd.s32 s25, s13  }
0x1d: {  	s26 =	sshll.u32 s0, $0x5;
	s0 =	sshll.u32 s0, $0x8;
	s25 =	simm.s32 $0x2710  }
0x1e: {  	[dreg:$0xf] =	wrdreg s1;
	s1 =	sshll.u32 s24, $0x8;
	s22 =	sadd.s32 s26, s13  }
0x1f: {  	s23 =	sadd.s32 s0, s11;
	s24 =	simm.s32 $0x5;
	s26 =	simm.s32 $0x7710  }
0x20: {  	s0 =	simm.s32 $0x2;
	s21 =	sadd.s32 s1, s11;
	s1 =	simm.s32 $0x3  }
.LBB2_1:
0x21: {  	s9 =	rddreg [dreg:$0x4]  }
0x22: {  	s10 =	rddreg [dreg:$0x5];
	s9 =	sshrl.u32 s9, $0x3  }
0x23: {  	[spmem:s9], [sflag:s7] =	dma.local [hbm:s10], $0x2710  }
0x24: {  	_ =	swait.ge [sflag:s24], $0x2710  }
0x25: {  	[sflag:s24] =	ssyncset.done $0x0;
	s11 =	rddreg [dreg:$0x6]  }
0x26: {  	[sflag:s24] =	ssyncadd.s32 $0xFFFFD8F0;
	s10 =	sshrl.u32 s11, $0x3;
	s11 =	rddreg [dreg:$0x7]  }
0x27: {  	[spmem:s10], [sflag:s7] =	dma.local [hbm:s11], $0x4E2  }
0x28: {  	_ =	swait.ge [sflag:s24], $0x4E2  }
0x29: {  	[sflag:s24] =	ssyncset.done $0x0  }
0x2a: {  	s12 =	rddreg [dreg:$0x8];
	[sflag:s24] =	ssyncadd.s32 $0xFFFFFB1E  }
0x2b: {  	[tilespmem:s4], [sflag:$0x5] =	stream.linear.gather [hbm4b:s12+s4], $0x2710, $0x38;
	[tilespmem:$0x1E0A0] =	vst v63  }
0x2c: {  	_ =	swait.ge [sflag:s24], $0x2710  }
0x2d: {  	[sflag:s24] =	ssyncset.done $0x0  }
0x2e: {  	[sflag:s24] =	ssyncadd.s32 $0xFFFFD8F0  }
0x2f: {  	[bflag:$0x0] =	sbarrier.arrive $0xFFFF  }
0x30: {  	s13 =	rddreg [dreg:$0x9]  }
0x31: {  	[tilespmem:s25], [sflag:$0x1] =	stream.linear.gather [hbm4b:s13+s4], $0x2800, $0x38;
	[tilespmem:$0x1E0A0] =	vst v63  }
0x32: {  	s14 =	rddreg [dreg:$0xa]  }
0x33: {  	[tilespmem:s26], [sflag:$0x1] =	stream.linear.gather [hbm4b:s14+s4], $0x500, $0x38;
	[tilespmem:$0x1E0A0] =	vst v63  }
0x34: {  	s15 =	rddreg [dreg:$0xe]  }
0x35: {  	[tilespmem:s28], [sflag:$0x2] =	stream.linear.gather [hbm4b:s15+s4], $0x2800, $0x38;
	[tilespmem:$0x1E0A0] =	vst v63  }
0x36: {  	s16 =	rddreg [dreg:$0xf]  }
0x37: {  	[tilespmem:s29], [sflag:$0x2] =	stream.linear.gather [hbm4b:s16+s4], $0x500, $0x38;
	[tilespmem:$0x1E0A0] =	vst v63  }
0x38: {  	_ =	swait.ge [sflag:s30], $0x2800  }
0x39: {  	[sflag:s30] =	ssyncset.done $0x0  }
0x3a: {  	[sflag:s30] =	ssyncadd.s32 $0xFFFFD800  }
0x3b: {  	_ =	swait.ge [sflag:s30], $0x500  }
0x3c: {  	[sflag:s30] =	ssyncset.done $0x0  }
0x3d: {  	[sflag:s30] =	ssyncadd.s32 $0xFFFFFB00  }
0x3e: {  	[spmem:s2] =	stream.indirect.scatter.add.f32 [tilespmem:s25], [sflag:$0x3], $0x80, s4, s31, $0xb8;
	[tilespmem:$0x1E0A0] =	vst v63  }
0x3f: {  	_ = 	snop  }
0x40: {  	[spmem:s3] =	stream.indirect.scatter.add.f32 [tilespmem:s26], [sflag:$0x3], $0x10, s4, s31, $0xb8;
	[tilespmem:$0x1E0A0] =	vst v63  }
0x41: {  	_ =	swait.ge [sflag:s1], $0x2800  }
0x42: {  	[sflag:s1] =	ssyncset.done $0x0  }
0x43: {  	[sflag:s1] =	ssyncadd.s32 $0xFFFFD800  }
0x44: {  	_ =	swait.ge [sflag:s1], $0x500  }
0x45: {  	[sflag:s1] =	ssyncset.done $0x0  }
0x46: {  	[sflag:s1] =	ssyncadd.s32 $0xFFFFFB00  }
0x47: {  	[tilespmem:s25], [sflag:$0x1] =	stream.linear.gather [hbm4b:s18+s4], $0x2800, $0x38;
	[tilespmem:$0x1E0A0] =	vst v63  }
0x48: {  	_ = 	snop  }
0x49: {  	[tilespmem:s26], [sflag:$0x1] =	stream.linear.gather [hbm4b:s19+s4], $0x500, $0x38;
	[tilespmem:$0x1E0A0] =	vst v63  }
0x4a: {  	_ =	swait.ge [sflag:s0], $0x2800  }
0x4b: {  	[sflag:s0] =	ssyncset.done $0x0  }
0x4c: {  	[sflag:s0] =	ssyncadd.s32 $0xFFFFD800  }
0x4d: {  	_ =	swait.ge [sflag:s0], $0x500  }
0x4e: {  	[sflag:s0] =	ssyncset.done $0x0  }
0x4f: {  	[sflag:s0] =	ssyncadd.s32 $0xFFFFFB00  }
0x50: {  	[spmem:s2] =	stream.indirect.scatter.add.f32 [tilespmem:s28], [sflag:$0x4], $0x80, s31, s31, $0xb8;
	[tilespmem:$0x1E0A0] =	vst v63  }
0x51: {  	_ = 	snop  }
0x52: {  	[spmem:s3] =	stream.indirect.scatter.add.f32 [tilespmem:s29], [sflag:$0x4], $0x10, s31, s31, $0xb8;
	[tilespmem:$0x1E0A0] =	vst v63  }
0x53: {  	_ =	swait.ge [sflag:s5], $0x2800  }
0x54: {  	[sflag:s5] =	ssyncset.done $0x0  }
0x55: {  	[sflag:s5] =	ssyncadd.s32 $0xFFFFD800  }
0x56: {  	_ =	swait.ge [sflag:s5], $0x500  }
0x57: {  	[sflag:s5] =	ssyncset.done $0x0  }
0x58: {  	[sflag:s5] =	ssyncadd.s32 $0xFFFFFB00  }
0x59: {  	[tilespmem:s28], [sflag:$0x2] =	stream.linear.gather [hbm4b:s23+s4], $0x2800, $0x38;
	[tilespmem:$0x1E0A0] =	vst v63  }
0x5a: {  	_ = 	snop  }
0x5b: {  	[tilespmem:s29], [sflag:$0x2] =	stream.linear.gather [hbm4b:s22+s4], $0x500, $0x38;
	[tilespmem:$0x1E0A0] =	vst v63  }
0x5c: {  	_ =	swait.ge [sflag:s30], $0x2800  }
0x5d: {  	[sflag:s30] =	ssyncset.done $0x0  }
0x5e: {  	[sflag:s30] =	ssyncadd.s32 $0xFFFFD800  }
0x5f: {  	_ =	swait.ge [sflag:s30], $0x500  }
0x60: {  	[sflag:s30] =	ssyncset.done $0x0  }
0x61: {  	s17 =	simm.s32 $0xA0;
	[sflag:s30] =	ssyncadd.s32 $0xFFFFFB00  }
0x62: {  	[spmem:s2] =	stream.indirect.scatter.add.f32 [tilespmem:s25], [sflag:$0x3], $0x80, s17, s31, $0xb8;
	[tilespmem:$0x1E0A0] =	vst v63  }
0x63: {  	_ = 	snop  }
0x64: {  	[spmem:s3] =	stream.indirect.scatter.add.f32 [tilespmem:s26], [sflag:$0x3], $0x10, s17, s31, $0xb8;
	[tilespmem:$0x1E0A0] =	vst v63  }
0x65: {  	_ =	swait.ge [sflag:s1], $0x2800  }
0x66: {  	[sflag:s1] =	ssyncset.done $0x0  }
0x67: {  	[sflag:s1] =	ssyncadd.s32 $0xFFFFD800  }
0x68: {  	_ =	swait.ge [sflag:s1], $0x500  }
0x69: {  	[sflag:s1] =	ssyncset.done $0x0  }
0x6a: {  	[sflag:s1] =	ssyncadd.s32 $0xFFFFFB00  }
0x6b: {  	[tilespmem:s25], [sflag:$0x1] =	stream.linear.gather [hbm4b:s21+s4], $0x2800, $0x38;
	[tilespmem:$0x1E0A0] =	vst v63  }
0x6c: {  	_ = 	snop  }
0x6d: {  	[tilespmem:s26], [sflag:$0x1] =	stream.linear.gather [hbm4b:s20+s4], $0x500, $0x38;
	[tilespmem:$0x1E0A0] =	vst v63  }
0x6e: {  	_ =	swait.ge [sflag:s0], $0x2800  }
0x6f: {  	[sflag:s0] =	ssyncset.done $0x0  }
0x70: {  	[sflag:s0] =	ssyncadd.s32 $0xFFFFD800  }
0x71: {  	s11 =	simm.s32 $0x280;
	s12 =	sadd.s32 $0xA00, s23;
	_ =	swait.ge [sflag:s0], $0x500  }
0x72: {  	s13 =	sadd.s32 $0x140, s20;
	s14 =	sadd.s32 $0xA00, s21;
	[sflag:s0] =	ssyncset.done $0x0  }
0x73: {  	s15 =	sadd.s32 $0x140, s22;
	s16 =	simm.s32 $0xF0;
	[sflag:s0] =	ssyncadd.s32 $0xFFFFFB00  }
0x74: {  	[spmem:s2] =	stream.indirect.scatter.add.f32 [tilespmem:s28], [sflag:$0x4], $0x80, s16, s31, $0xb8;
	[tilespmem:$0x1E0A0] =	vst v63  }
.LBB2_2:
0x75: {  	[spmem:s3] =	stream.indirect.scatter.add.f32 [tilespmem:s29], [sflag:$0x4], $0x10, s16, s31, $0xb8;
	[tilespmem:$0x1E0A0] =	vst v63  }
0x76: {  	s16 =	smov.u32 s11  }
0x77: {  	p0 =	sne.s32 s11, $0x9600;
	s11 =	sadd.s32 $0x280, s11;
	_ =	swait.ge [sflag:s5], $0x2800  }
0x78: {  	[sflag:s5] =	ssyncset.done $0x0  }
0x79: {  	[sflag:s5] =	ssyncadd.s32 $0xFFFFD800  }
0x7a: {  	_ =	swait.ge [sflag:s5], $0x500  }
0x7b: {  	[sflag:s5] =	ssyncset.done $0x0  }
0x7c: {  	[sflag:s5] =	ssyncadd.s32 $0xFFFFFB00  }
0x7d: {  	[tilespmem:s28], [sflag:$0x2] =	stream.linear.gather [hbm4b:s12+s4], $0x2800, $0x38;
	[tilespmem:$0x1E0A0] =	vst v63  }
0x7e: {  	_ = 	snop  }
0x7f: {  	[tilespmem:s29], [sflag:$0x2] =	stream.linear.gather [hbm4b:s15+s4], $0x500, $0x38;
	[tilespmem:$0x1E0A0] =	vst v63  }
0x80: {  	_ =	swait.ge [sflag:s30], $0x2800  }
0x81: {  	[sflag:s30] =	ssyncset.done $0x0  }
0x82: {  	[sflag:s30] =	ssyncadd.s32 $0xFFFFD800  }
0x83: {  	_ =	swait.ge [sflag:s30], $0x500  }
0x84: {  	s16 =	sshra.s32 s16, $0x2;
	[sflag:s30] =	ssyncset.done $0x0  }
0x85: {  	s17 =	sadd.s32 $0xA0, s16;
	[sflag:s30] =	ssyncadd.s32 $0xFFFFFB00  }
0x86: {  	[spmem:s2] =	stream.indirect.scatter.add.f32 [tilespmem:s25], [sflag:$0x3], $0x80, s17, s31, $0xb8;
	[tilespmem:$0x1E0A0] =	vst v63  }
0x87: {  	_ = 	snop  }
0x88: {  	[spmem:s3] =	stream.indirect.scatter.add.f32 [tilespmem:s26], [sflag:$0x3], $0x10, s17, s31, $0xb8;
	[tilespmem:$0x1E0A0] =	vst v63  }
0x89: {  	_ =	swait.ge [sflag:s1], $0x2800  }
0x8a: {  	[sflag:s1] =	ssyncset.done $0x0  }
0x8b: {  	[sflag:s1] =	ssyncadd.s32 $0xFFFFD800  }
0x8c: {  	_ =	swait.ge [sflag:s1], $0x500  }
0x8d: {  	[sflag:s1] =	ssyncset.done $0x0  }
0x8e: {  	[sflag:s1] =	ssyncadd.s32 $0xFFFFFB00  }
0x8f: {  	[tilespmem:s25], [sflag:$0x1] =	stream.linear.gather [hbm4b:s14+s4], $0x2800, $0x38;
	[tilespmem:$0x1E0A0] =	vst v63  }
0x90: {  	_ = 	snop  }
0x91: {  	[tilespmem:s26], [sflag:$0x1] =	stream.linear.gather [hbm4b:s13+s4], $0x500, $0x38;
	[tilespmem:$0x1E0A0] =	vst v63  }
0x92: {  	_ =	swait.ge [sflag:s0], $0x2800  }
0x93: {  	[sflag:s0] =	ssyncset.done $0x0  }
0x94: {  	[sflag:s0] =	ssyncadd.s32 $0xFFFFD800  }
.Ltmp0:
0x95: {  	_ =	swait.ge [sflag:s0], $0x500;
	(pc) =	sbr.rel @p0 .LBB2_2-.Ltmp0, $4  }
0x96: {  	[sflag:s0] =	ssyncset.done $0x0  }
0x97: {  	s16 =	sadd.s32 $0xF0, s16;
	s12 =	sadd.s32 $0xA00, s12;
	[sflag:s0] =	ssyncadd.s32 $0xFFFFFB00  }
0x98: {  	[spmem:s2] =	stream.indirect.scatter.add.f32 [tilespmem:s28], [sflag:$0x4], $0x80, s16, s31, $0xb8;
	[tilespmem:$0x1E0A0] =	vst v63  }
0x99: {  	s15 =	sadd.s32 $0x140, s15;
	s14 =	sadd.s32 $0xA00, s14;
	s13 =	sadd.s32 $0x140, s13  }
0x9a: {  	[spmem:s3] =	stream.indirect.scatter.add.f32 [tilespmem:s29], [sflag:$0x4], $0x10, s16, s31, $0xb8;
	[tilespmem:$0x1E0A0] =	vst v63  }
0x9b: {  	_ =	swait.ge [sflag:s5], $0x2800  }
0x9c: {  	[sflag:s5] =	ssyncset.done $0x0  }
0x9d: {  	[sflag:s5] =	ssyncadd.s32 $0xFFFFD800  }
0x9e: {  	_ =	swait.ge [sflag:s5], $0x500  }
0x9f: {  	[sflag:s5] =	ssyncset.done $0x0  }
0xa0: {  	[sflag:s5] =	ssyncadd.s32 $0xFFFFFB00  }
0xa1: {  	_ =	swait.ge [sflag:s30], $0x2800  }
0xa2: {  	[sflag:s30] =	ssyncset.done $0x0  }
0xa3: {  	[sflag:s30] =	ssyncadd.s32 $0xFFFFD800  }
0xa4: {  	_ =	swait.ge [sflag:s30], $0x500  }
0xa5: {  	[sflag:s30] =	ssyncset.done $0x0  }
0xa6: {  	[sflag:s30] =	ssyncadd.s32 $0xFFFFFB00  }
0xa7: {  	[spmem:s2] =	stream.indirect.scatter.add.f32 [tilespmem:s25], [sflag:$0x3], $0x80, s6, s31, $0xb8;
	[tilespmem:$0x1E0A0] =	vst v63  }
0xa8: {  	_ = 	snop  }
0xa9: {  	[spmem:s3] =	stream.indirect.scatter.add.f32 [tilespmem:s26], [sflag:$0x3], $0x10, s6, s31, $0xb8;
	[tilespmem:$0x1E0A0] =	vst v63  }
0xaa: {  	_ =	swait.ge [sflag:s1], $0x2800  }
0xab: {  	[sflag:s1] =	ssyncset.done $0x0  }
0xac: {  	[sflag:s1] =	ssyncadd.s32 $0xFFFFD800  }
0xad: {  	_ =	swait.ge [sflag:s1], $0x500  }
0xae: {  	[sflag:s1] =	ssyncset.done $0x0  }
0xaf: {  	[sflag:s1] =	ssyncadd.s32 $0xFFFFFB00  }
0xb0: {  	[bflag:$0x0] =	sbarrier.arrive $0xFFFF  }
0xb1: {  	s11 =	rddreg [dreg:$0xb]  }
0xb2: {  	[hbm:s11], [sflag:s7] =	dma.local [spmem:s9], $0x2710  }
0xb3: {  	_ =	swait.ge [sflag:s24], $0x2710  }
0xb4: {  	[sflag:s24] =	ssyncset.done $0x0  }
0xb5: {  	s16 =	rddreg [dreg:$0xc];
	[sflag:s24] =	ssyncadd.s32 $0xFFFFD8F0  }
0xb6: {  	[hbm:s16], [sflag:s7] =	dma.local [spmem:s10], $0x4E2  }
0xb7: {  	_ =	swait.ge [sflag:s24], $0x4E2  }
0xb8: {  	s8 =	sadd.s32 $0x1, s8;
	s17 =	rddreg [dreg:$0xd]  }
0xb9: {  	p0 =	sne.s32 s8, s17  }
.Ltmp1:
0xba: {  	_ = 	snop;
	(pc) =	sbr.rel @p0 .LBB2_1-.Ltmp1, $3  }
0xbb: {  	_ =	sdelay $0x1  }
0xbc: {  	[sflag:s24] =	ssyncset.done $0x0  }
0xbd: {  	[sflag:s24] =	ssyncadd.s32 $0xFFFFFB1E  }
0xbe: {  	_ =	sfence.sel $0x180000  }
0xbf: {  	[bflag:$0x0] =	sbarrier.arrive $0xFFFF  }
0xc0: {  	_ =	strace $0x9000004A  }
0xc1: {  	s0 =	stileid.u32;
	[bflag:$0x2] =	sbarrier.arrive $0xFFFF  }
0xc2: {  	p0 =	sne.s32 s0, $0x0;
	s0 =	rddreg [dreg:$0x3]  }
0xc3: {  	s0 =	sadd.s32 @!p0 $0x100000, s0  }
0xc4: {  	[sflag:s0] =	ssyncadd.tile.s32 @!p0 $0x1;
	_ =	shalt  }
.Lfunc_end2:
_tile_overlayer_lowered:
.L_overlay_start_2:
0xc5: {  	(tag) =	ssettag $0x2  }
0xc6: {  	s0 =	rddreg [dreg:$0x0];
	s2 =	stileid.u32  }
0xc7: {  	s1 =	rddreg [dreg:$0x1];
	p0 =	sne.s32 s2, $0x0  }
0xc8: {  	s3 =	rddreg [dreg:$0x2];
	[bflag:$0x3] =	sbarrier.arrive $0xFFFF;
	s2 =	simm.s32 @!p0 $0x1C05  }
0xc9: {  	[timem:s3], [sflag:s2] =	dma.local @!p0 [hbm:s0], s1  }
0xca: {  	s0 =	simm.s32 @!p0 $0x5  }
0xcb: {  	_ =	swait.ge @!p0 [sflag:s0], s1  }
0xcc: {  	s1 =	ssub.s32 @!p0 $0x0, s1;
	[sflag:s0] =	ssyncset.done @!p0 $0x0  }
0xcd: {  	[sflag:s0] =	ssyncadd.s32 @!p0 s1  }
0xce: {  	[bflag:$0x3] =	sbarrier.arrive $0xFFFF  }
0xcf: {  	_ =	shalt  }

// kernel: kernel.25.cloned.1.call-start
scs
__scs_entry_jumppad:
0x0: {  	(pc) =	sbr.rel $0x88, $3  }
0x1: {  	(tag) =	ssettag $0x0;
	lr =	simm.s32 $0x1  }
0x2: {  	[smem:$0x3F92] =	sst lr;
	_ =	strace $0xD0000000  }
0x3: {  	_ = 	snop  }
0x4: {  	_ = 	snop  }
0x5: {  	_ = 	snop  }
0x6: {  	_ = 	snop  }
0x7: {  	_ = 	snop  }
__scs_overlays_trampoline_lowered:
0x8: {  	[smem:$0x3FA1] =	sst s0  }
0x9: {  	[smem:$0x3FA2] =	sst s1  }
0xa: {  	[smem:$0x3FA3] =	sst s2  }
0xb: {  	[smem:$0x3FA4] =	sst s3  }
0xc: {  	[smem:$0x3FA5] =	sst s4  }
0xd: {  	[smem:$0x3FA6] =	sst s5  }
0xe: {  	[smem:$0x3FA7] =	sst s6  }
0xf: {  	[smem:$0x3FA8] =	sst s7  }
0x10: {  	[smem:$0x3FA9] =	sst s8  }
0x11: {  	[smem:$0x3FAA] =	sst s9;
	s0 =	simm.s32 @!p0 $0x0  }
0x12: {  	s1 =	sld [smem:$0x3F90];
	s0 =	simm.s32 @p0 $0x1  }
0x13: {  	[smem:$0x3FAB] =	sst s0;
	s0 =	simm.s32 @!p1 $0x0  }
0x14: {  	s2 =	sld [smem:$0x3F8F];
	s0 =	simm.s32 @p1 $0x1  }
0x15: {  	[smem:$0x3FAC] =	sst s0;
	s0 =	simm.s32 @!p2 $0x0  }
0x16: {  	s3 =	sld [smem:$0x3FDB];
	s0 =	simm.s32 @p2 $0x1  }
0x17: {  	s4 =	simm.s32 $0x1BF5;
	[smem:$0x3FAE] =	sst s0  }
0x18: {  	s0 =	sld [smem:$0x3F91];
	_ =	swait.ge [sflag:s4], $0x0  }
0x19: {  	s7 =	sld [smem:$0x3F92]  }
0x1a: {  	s8 =	sadd.s32 $0xFFFFE003, lr  }
0x1b: {  	s9 =	sadd.s32 $0xFFFFFEF7, lr;
	s5 =	simm.s32 $0xFFFFFFFF;
	p2 =	slt.u32 s8, $0xFFFFF086  }
0x1c: {  	p1 =	slt.u32 s9, $0xF7A;
	s5 =	simm.s32 @!p2 $0x0  }
0x1d: {  	s5 =	simm.s32 @p1 $0x1;
	p0 =	seq.s32 s7, s2  }
0x1e: {  	s7 =	smul.u32 @!p0 $0xF7A, s2;
	p2 =	seq.s32 @!p0 s5, $0x0  }
0x1f: {  	s9 =	smul.u32 $0xF7A, s1;
	s8 =	simm.s32 @!p0 $0x1BF5;
	p2 =	por !p2, p0  }
0x20: {  	[sflag:s8] =	ssyncset.s32 @!p0 $0xFFFFF086;
	s6 =	sadd.s32 @!p0 s3, s7;
	s7 =	simm.s32 @!p0 $0x108  }
0x21: {  	s3 =	sadd.s32 s3, s9;
	s6 =	sadd.s32 @!p0 $0x88, s6;
	s7 =	simm.s32 @p2 $0x1082  }
0x22: {  	[simem:s7], [sflag:s8] =	dma.local @!p0 [hbm:s6], $0xF7A  }
0x23: {  	s9 =	sor.u32 $0xD0000000, s2;
	s6 =	simm.s32 $0x108;
	_ =	swait.ge @!p0 [sflag:s8], $0x0  }
0x24: {  	s3 =	sadd.s32 $0x88, s3;
	s6 =	simm.s32 @!p1 $0x1082;
	[sflag:s4] =	ssyncset.s32 $0xFFFFF086  }
0x25: {  	[simem:s6], [sflag:s4] =	dma.local [hbm:s3], $0xF7A  }
0x26: {  	[smem:$0x3F92] =	sst s1;
	(tag) =	ssettag s2;
	_ =	strace s9  }
0x27: {  	s1 =	sld [smem:$0x3FA2]  }
0x28: {  	s2 =	sld [smem:$0x3FA3]  }
0x29: {  	s4 =	sld [smem:$0x3FA5]  }
0x2a: {  	p0 =	seq.s32 s5, $0x0;
	s5 =	sld [smem:$0x3FA6]  }
0x2b: {  	s6 =	sld [smem:$0x3FA7]  }
0x2c: {  	s7 =	sld [smem:$0x3FA8]  }
0x2d: {  	s3 =	simm.s32 $0x108;
	s8 =	sld [smem:$0x3FA9]  }
0x2e: {  	s3 =	simm.s32 @!p0 $0x1082;
	s9 =	sld [smem:$0x3FAA]  }
0x2f: {  	lr =	sadd.s32 s0, s3;
	s0 =	sld [smem:$0x3FA1]  }
0x30: {  	s3 =	sld [smem:$0x3FA4]  }
0x31: {  	[smem:$0x3FAD] =	sst s10  }
0x32: {  	s10 =	sld [smem:$0x3FAB];
	_ =	sdelay $0x3  }
0x33: {  	p0 =	seq.s32 s10, $0x1;
	s10 =	sld [smem:$0x3FAD];
	_ =	sdelay $0x3  }
0x34: {  	[smem:$0x3FAD] =	sst s10  }
0x35: {  	s10 =	sld [smem:$0x3FAC];
	_ =	sdelay $0x3  }
0x36: {  	p1 =	seq.s32 s10, $0x1;
	s10 =	sld [smem:$0x3FAD];
	_ =	sdelay $0x3  }
0x37: {  	[smem:$0x3FAD] =	sst s10  }
0x38: {  	s10 =	sld [smem:$0x3FAE]  }
0x39: {  	_ = 	snop;
	(pc) =	sbr.ind lr, $3  }
0x3a: {  	_ = 	snop  }
0x3b: {  	_ = 	snop  }
0x3c: {  	p2 =	seq.s32 s10, $0x1;
	s10 =	sld [smem:$0x3FAD]  }
0x3d: {  	_ =	shalt  }
0x3e: {  	_ =	shalt  }
0x3f: {  	_ =	shalt  }
0x40: {  	_ =	shalt  }
0x41: {  	_ =	shalt  }
0x42: {  	_ =	shalt  }
0x43: {  	_ =	shalt  }
0x44: {  	_ =	shalt  }
0x45: {  	_ =	shalt  }
0x46: {  	_ =	shalt  }
0x47: {  	_ =	shalt  }
0x48: {  	_ =	shalt  }
0x49: {  	_ =	shalt  }
0x4a: {  	_ =	shalt  }
0x4b: {  	_ =	shalt  }
0x4c: {  	_ =	shalt  }
0x4d: {  	_ =	shalt  }
0x4e: {  	_ =	shalt  }
0x4f: {  	_ =	shalt  }
0x50: {  	_ =	shalt  }
0x51: {  	_ =	shalt  }
0x52: {  	_ =	shalt  }
0x53: {  	_ =	shalt  }
0x54: {  	_ =	shalt  }
0x55: {  	_ =	shalt  }
0x56: {  	_ =	shalt  }
0x57: {  	_ =	shalt  }
0x58: {  	_ =	shalt  }
0x59: {  	_ =	shalt  }
0x5a: {  	_ =	shalt  }
0x5b: {  	_ =	shalt  }
0x5c: {  	_ =	shalt  }
0x5d: {  	_ =	shalt  }
0x5e: {  	_ =	shalt  }
0x5f: {  	_ =	shalt  }
0x60: {  	_ =	shalt  }
0x61: {  	_ =	shalt  }
0x62: {  	_ =	shalt  }
0x63: {  	_ =	shalt  }
0x64: {  	_ =	shalt  }
0x65: {  	_ =	shalt  }
0x66: {  	_ =	shalt  }
0x67: {  	_ =	shalt  }
0x68: {  	_ =	shalt  }
0x69: {  	_ =	shalt  }
0x6a: {  	_ =	shalt  }
0x6b: {  	_ =	shalt  }
0x6c: {  	_ =	shalt  }
0x6d: {  	_ =	shalt  }
0x6e: {  	_ =	shalt  }
0x6f: {  	_ =	shalt  }
0x70: {  	_ =	shalt  }
0x71: {  	_ =	shalt  }
0x72: {  	_ =	shalt  }
0x73: {  	_ =	shalt  }
0x74: {  	_ =	shalt  }
0x75: {  	_ =	shalt  }
0x76: {  	_ =	shalt  }
0x77: {  	_ =	shalt  }
0x78: {  	_ =	shalt  }
0x79: {  	_ =	shalt  }
0x7a: {  	_ =	shalt  }
0x7b: {  	_ =	shalt  }
0x7c: {  	_ =	shalt  }
0x7d: {  	_ =	shalt  }
0x7e: {  	_ =	shalt  }
0x7f: {  	_ =	shalt  }
0x80: {  	_ =	shalt  }
0x81: {  	_ =	shalt  }
0x82: {  	_ =	shalt  }
0x83: {  	_ =	shalt  }
0x84: {  	_ =	shalt  }
0x85: {  	_ =	shalt  }
0x86: {  	_ =	shalt  }
0x87: {  	_ =	shalt  }
.Lfunc_end0:
.L_simem_size_0:
called_computation.2_lowered:
.L_overlay_start_0:
0x88: {  	s2 =	sld [smem:$0x3FD9]  }
0x89: {  	s3 =	sld [smem:$0x3FFE];
	_ =	sdelay $0x1  }
0x8a: {  	s1 =	srdreg.scid  }
0x8b: {  	s0 =	sand.u32 $0x1, s1  }
0x8c: {  	s16 =	sshll.u32 s0, $0xA;
	s2 =	sadd.s32 s3, s2  }
0x8d: {  	s2 =	sadd.s32 s2, s16  }
0x8e: {  	[smem:$0x3FB9] =	sst s2  }
0x8f: {  	_ = 	snop  }
0x90: {  	(tm) =	ssettm $0x1  }
0x91: {  	s17 =	sld [smem:$0x3FFB];
	_ =	sdelay $0x3  }
0x92: {  	_ =	strace s17  }
0x93: {  	s2 =	sld [smem:$0x3FFC];
	_ =	sdelay $0x3  }
0x94: {  	_ =	strace s2  }
0x95: {  	s2 =	sld [smem:$0x3FFD];
	_ =	sdelay $0x3  }
0x96: {  	_ =	strace s2  }
0x97: {  	_ =	strace $0x8FFFFFFF  }
0x98: {  	s18 =	sld [smem:$0x3FDB];
	_ =	sdelay $0x1  }
0x99: {  	s19 =	simm.s32 $_scs_section_size  }
0x9a: {  	s4 =	simm.s32 $_size__tile_overlayer_lowered;
	s5 =	simm.s32 $_tile_overlayer_lowered  }
0x9b: {  	s22 =	simm.s32 $0x1BFF;
	s21 =	sshll.u32 s5, $0x1;
	s2 =	sadd.s32 s19, s18  }
0x9c: {  	s6 =	simm.s32 $0x0;
	s20 =	sshll.u32 s4, $0x1;
	s4 =	sadd.s32 s21, s2  }
0x9d: {  	[timem:s6], [sflag:s22] =	dma.local [hbm:s4], s20  }
0x9e: {  	_ =	swait.ge [sflag:s22], s20  }
0x9f: {  	s3 =	ssub.s32 $0x0, s20;
	[sflag:s22] =	ssyncset.done $0x0  }
0xa0: {  	[sflag:s22] =	ssyncadd.s32 s3;
	_ =	sdelay $0x1  }
0xa1: {  	s23 =	simm.s32 $0x1B8B  }
0xa2: {  	_ =	swait.ge [sflag:s23], $0x1  }
0xa3: {  	[sflag:s23] =	ssyncset.done $0x0  }
0xa4: {  	s25 =	simm.s32 $0x1B8E;
	s24 =	sld [smem:$0x3FFE];
	[sflag:s23] =	ssyncadd.s32 $0xFFFFFFFF  }
0xa5: {  	s26 =	simm.s32 $execute0_lowered;
	[smem:$0x3FD2] =	sst s25  }
0xa6: {  	s4 =	sshll.u32 s26, $0x1;
	_ =	strace $0x8000004C;
	[dreg:$0x1] =	wrdreg $0xFFFFFFFF  }
0xa7: {  	s28 =	simm.s32 $_size_execute0_lowered;
	s2 =	sadd.s32 s2, s4;
	[dreg:$0x0] =	wrdreg $0x0  }
0xa8: {  	s4 =	sshll.u32 s28, $0x1;
	[dreg:$0x2] =	wrdreg s2  }
0xa9: {  	[dreg:$0x3] =	wrdreg s4  }
0xaa: {  	[dreg:$0x4] =	wrdreg $0xC0  }
0xab: {  	_ =	task [dreg:s6], $0x5FFFF  }
0xac: {  	[dreg:$0x1] =	wrdreg $0xFFFFFFFF  }
0xad: {  	[dreg:$0x0] =	wrdreg $0x60  }
0xae: {  	[dreg:$0x2] =	wrdreg s24  }
0xaf: {  	[dreg:$0x3] =	wrdreg $0x9  }
0xb0: {  	_ =	task.clear_ibuf [dreg:s6], $0x4FFFF;
	_ =	strace $0x9000004C  }
0xb1: {  	s29 =	simm.s32 $0x9;
	_ =	strace $0x8000004E  }
0xb2: {  	_ =	swait.ge [sflag:s29], $0x1  }
0xb3: {  	[sflag:s29] =	ssyncadd.s32 $0xFFFFFFFF  }
0xb4: {  	_ =	strace $0x9000004E  }
0xb5: {  	_ =	sfence  }
0xb6: {  	s30 =	sld [smem:$0x0];
	_ =	sdelay $0x2  }
0xb7: {  	s31 =	sshll.u32 s1, $0xD;
	s1 =	sshrl.u32 s1, $0x2  }
0xb8: {  	s3 =	sand.u32 $0x4000, s31;
	s1 =	sadd.s32 s1, s30  }
0xb9: {  	s0 =	sor.u32 s3, s0;
	s1 =	sshll.u32 s1, $0x11  }
0xba: {  	s0 =	sor.u32 s1, s0  }
0xbb: {  	s0 =	sadd.s32 $0x8F2B, s0  }
0xbc: {  	[sflag:s0] =	ssyncadd.remote.s32 $0x1  }
0xbd: {  	_ =	sfence.sel $0xFFFF  }
0xbe: {  	[dreg:$0x0] =	wrdreg $0xFFFFFFFF;
	(pc) =	sbr.abs _section_cstart, $3  }
0xbf: {  	[dreg:$0x1] =	wrdreg $0xFFFFFFFF  }
0xc0: {  	_ =	task.clear_ibuf [dreg:s6], $0x2FFFF;
	_ =	strace $0x9FFFFFFF  }
0xc1: {  	(tm) =	ssettm $0x7FFFFFFF  }
tec
execute0_lowered:
.L_overlay_start_1:
0x0: {  	(tag) =	ssettag $0x1  }
0x1: {  	s0 =	srdreg.scid;
	s10 =	stileid.u32  }
0x2: {  	s5 =	rddreg [dreg:$0x0];
	s2 =	simm.s32 $0x0;
	s17 =	simm.s32 $0x7  }
0x3: {  	s18 =	simm.s32 $0x2710;
	s19 =	simm.s32 $0x50;
	s20 =	simm.s32 $0x4E20  }
0x4: {  	s21 =	simm.s32 $0x7B20;
	s28 =	simm.s32 $0x5;
	s31 =	simm.s32 $0x3  }
0x5: {  	s0 =	sand.u32 $0x1, s0;
	s1 =	sshll.u32 s10, $0x1;
	s16 =	smul.u32 $0x57E40, s10  }
0x6: {  	[smem:$0x7FF] =	sst s2;
	s1 =	sor.u32 s0, s1;
	s14 =	smul.u32 $0x2BF20, s0  }
0x7: {  	s4 =	sadd.s32 $0xADA00, s5;
	s15 =	sadd.s32 $0x681000, s5;
	s3 =	smul.u32 $0x2710, s1  }
0x8: {  	_ =	strace $0x8000004D;
	s7 =	ssub.s32 $0x2, s0;
	s8 =	smul.u32 $0x15F900, s1  }
0x9: {  	s0 =	simm.s32 $0x6;
	s9 =	sshrl.u32 s7, $0x1;
	s1 =	smul.u32 $0x2BF20, s1  }
0xa: {  	s9 =	ssub.s32 s7, s9;
	s3 =	sshrl.u32 s3, $0x3;
	s22 =	sshrl.u32 s8, $0x3  }
0xb: {  	s29 =	smax.u32 s9, $0x1;
	s30 =	sadd.s32 $0x5A0, s1;
	s10 =	sadd.s32 s15, s1  }
0xc: {  	s6 =	sadd.s32 s3, s5;
	s3 =	sadd.s32 $0x81A00, s5;
	s5 =	sadd.s32 $0x102C00, s5  }
0xd: {  	s24 =	sadd.s32 $0x2B980, s22;
	[dreg:$0x6] =	wrdreg s29;
	s12 =	sadd.s32 s15, s30  }
0xe: {  	s22 =	simm.s32 $0xA820;
	s23 =	sadd.s32 $0x1CE00, s6;
	s6 =	sadd.s32 $0x13000, s6  }
0xf: {  	s25 =	sadd.s32 s15, s24;
	s26 =	sadd.s32 s5, s24;
	[dreg:$0x2] =	wrdreg s23  }
0x10: {  	s11 =	sadd.s32 s5, s1;
	s13 =	sadd.s32 s5, s30;
	[dreg:$0x3] =	wrdreg s6  }
0x11: {  	s15 =	sadd.s32 s16, s15;
	s16 =	sadd.s32 s16, s5;
	[dreg:$0x4] =	wrdreg s25  }
0x12: {  	s24 =	simm.s32 $0xD520;
	s1 =	simm.s32 $0x4;
	[dreg:$0x5] =	wrdreg s26  }
0x13: {  	s25 =	simm.s32 $0x1;
	s26 =	simm.s32 $0x2;
	s23 =	simm.s32 $0x0  }
.LBB2_1:
0x14: {  	s5 =	rddreg [dreg:$0x2]  }
0x15: {  	[tilespmem:s2], [sflag:$0x7] =	stream.linear.gather [hbm4b:s5+s2], $0x2710, $0x38;
	[tilespmem:$0x10220] =	vst v63  }
0x16: {  	_ =	swait.ge [sflag:s17], $0x2710  }
0x17: {  	[sflag:s17] =	ssyncset.done $0x0  }
0x18: {  	s9 =	rddreg [dreg:$0x3];
	[sflag:s17] =	ssyncadd.s32 $0xFFFFD8F0  }
0x19: {  	[tilespmem:s18], [sflag:$0x7] =	stream.linear.gather [hbm4b:s9+s2], $0x2710, $0x38;
	[tilespmem:$0x10220] =	vst v63  }
0x1a: {  	_ =	swait.ge [sflag:s17], $0x2710  }
0x1b: {  	[sflag:s17] =	ssyncset.done $0x0  }
0x1c: {  	[sflag:s17] =	ssyncadd.s32 $0xFFFFD8F0  }
0x1d: {  	[tilespmem:s20], [sflag:$0x1] =	stream.indirect.gather [hbm4b:s3+s19], $0x90, s2, s19, $0xb8;
	[tilespmem:$0x10220] =	vst v63  }
0x1e: {  	_ = 	snop  }
0x1f: {  	[tilespmem:s21], [sflag:$0x2] =	stream.indirect.gather [hbm4b:s4+s19], $0x90, s18, s19, $0xb8;
	[tilespmem:$0x10220] =	vst v63  }
0x20: {  	_ = 	snop  }
0x21: {  	[tilespmem:s22], [sflag:$0x3] =	stream.indirect.gather [hbm4b:s3+s19], $0x90, s19, s19, $0xb8;
	[tilespmem:$0x10220] =	vst v63  }
0x22: {  	s6 =	simm.s32 $0x2760  }
0x23: {  	[tilespmem:s24], [sflag:$0x4] =	stream.indirect.gather [hbm4b:s4+s19], $0x90, s6, s19, $0xb8;
	[tilespmem:$0x10220] =	vst v63  }
0x24: {  	_ =	swait.ge [sflag:s25], $0x2D00  }
0x25: {  	[sflag:s25] =	ssyncset.done $0x0  }
0x26: {  	[sflag:s25] =	ssyncadd.s32 $0xFFFFD300  }
0x27: {  	_ =	swait.ge [sflag:s26], $0x2D00  }
0x28: {  	[sflag:s26] =	ssyncset.done $0x0  }
0x29: {  	[sflag:s26] =	ssyncadd.s32 $0xFFFFD300  }
0x2a: {  	[hbm4b:s10+s2] =	stream.linear.scatter [tilespmem:s20], [sflag:$0x5], $0x2D00, $0x38;
	[tilespmem:$0x10220] =	vst v63  }
0x2b: {  	_ = 	snop  }
0x2c: {  	[hbm4b:s11+s2] =	stream.linear.scatter [tilespmem:s21], [sflag:$0x5], $0x2D00, $0x38;
	[tilespmem:$0x10220] =	vst v63  }
0x2d: {  	_ =	swait.ge [sflag:s28], $0x2D00  }
0x2e: {  	[sflag:s28] =	ssyncset.done $0x0  }
0x2f: {  	[sflag:s28] =	ssyncadd.s32 $0xFFFFD300  }
0x30: {  	_ =	swait.ge [sflag:s28], $0x2D00  }
0x31: {  	[sflag:s28] =	ssyncset.done $0x0  }
0x32: {  	s7 =	simm.s32 $0xA0;
	[sflag:s28] =	ssyncadd.s32 $0xFFFFD300  }
0x33: {  	[tilespmem:s20], [sflag:$0x1] =	stream.indirect.gather [hbm4b:s3+s19], $0x90, s7, s19, $0xb8;
	[tilespmem:$0x10220] =	vst v63  }
0x34: {  	s8 =	simm.s32 $0x27B0  }
0x35: {  	[tilespmem:s21], [sflag:$0x2] =	stream.indirect.gather [hbm4b:s4+s19], $0x90, s8, s19, $0xb8;
	[tilespmem:$0x10220] =	vst v63  }
0x36: {  	_ =	swait.ge [sflag:s31], $0x2D00  }
0x37: {  	[sflag:s31] =	ssyncset.done $0x0  }
0x38: {  	[sflag:s31] =	ssyncadd.s32 $0xFFFFD300  }
0x39: {  	_ =	swait.ge [sflag:s1], $0x2D00  }
0x3a: {  	[sflag:s1] =	ssyncset.done $0x0  }
0x3b: {  	[sflag:s1] =	ssyncadd.s32 $0xFFFFD300  }
0x3c: {  	[hbm4b:s12+s2] =	stream.linear.scatter [tilespmem:s22], [sflag:$0x6], $0x2D00, $0x38;
	[tilespmem:$0x10220] =	vst v63  }
0x3d: {  	_ = 	snop  }
0x3e: {  	[hbm4b:s13+s2] =	stream.linear.scatter [tilespmem:s24], [sflag:$0x6], $0x2D00, $0x38;
	[tilespmem:$0x10220] =	vst v63  }
0x3f: {  	_ =	swait.ge [sflag:s0], $0x2D00  }
0x40: {  	[sflag:s0] =	ssyncset.done $0x0  }
0x41: {  	[sflag:s0] =	ssyncadd.s32 $0xFFFFD300  }
0x42: {  	_ =	swait.ge [sflag:s0], $0x2D00  }
0x43: {  	[sflag:s0] =	ssyncset.done $0x0  }
0x44: {  	s9 =	simm.s32 $0xF0;
	[sflag:s0] =	ssyncadd.s32 $0xFFFFD300  }
0x45: {  	[tilespmem:s22], [sflag:$0x3] =	stream.indirect.gather [hbm4b:s3+s19], $0x90, s9, s19, $0xb8;
	[tilespmem:$0x10220] =	vst v63  }
0x46: {  	s6 =	simm.s32 $0x2800  }
0x47: {  	[tilespmem:s24], [sflag:$0x4] =	stream.indirect.gather [hbm4b:s4+s19], $0x90, s6, s19, $0xb8;
	[tilespmem:$0x10220] =	vst v63  }
0x48: {  	_ =	swait.ge [sflag:s25], $0x2D00  }
0x49: {  	[sflag:s25] =	ssyncset.done $0x0  }
0x4a: {  	[sflag:s25] =	ssyncadd.s32 $0xFFFFD300  }
0x4b: {  	_ =	swait.ge [sflag:s26], $0x2D00  }
0x4c: {  	s5 =	sadd.s32 s15, s14;
	[sflag:s26] =	ssyncset.done $0x0  }
0x4d: {  	s30 =	sadd.s32 s16, s14;
	s6 =	sadd.s32 $0xB40, s5;
	[sflag:s26] =	ssyncadd.s32 $0xFFFFD300  }
0x4e: {  	[hbm4b:s6+s2] =	stream.linear.scatter [tilespmem:s20], [sflag:$0x5], $0x2D00, $0x38;
	[tilespmem:$0x10220] =	vst v63  }
0x4f: {  	s7 =	sadd.s32 $0xB40, s30  }
0x50: {  	[hbm4b:s7+s2] =	stream.linear.scatter [tilespmem:s21], [sflag:$0x5], $0x2D00, $0x38;
	[tilespmem:$0x10220] =	vst v63  }
0x51: {  	_ =	swait.ge [sflag:s28], $0x2D00  }
0x52: {  	[sflag:s28] =	ssyncset.done $0x0  }
0x53: {  	[sflag:s28] =	ssyncadd.s32 $0xFFFFD300  }
0x54: {  	_ =	swait.ge [sflag:s28], $0x2D00  }
0x55: {  	[sflag:s28] =	ssyncset.done $0x0  }
0x56: {  	s8 =	simm.s32 $0x140;
	[sflag:s28] =	ssyncadd.s32 $0xFFFFD300  }
0x57: {  	[tilespmem:s20], [sflag:$0x1] =	stream.indirect.gather [hbm4b:s3+s19], $0x90, s8, s19, $0xb8;
	[tilespmem:$0x10220] =	vst v63  }
0x58: {  	s9 =	simm.s32 $0x2850  }
0x59: {  	[tilespmem:s21], [sflag:$0x2] =	stream.indirect.gather [hbm4b:s4+s19], $0x90, s9, s19, $0xb8;
	[tilespmem:$0x10220] =	vst v63  }
0x5a: {  	_ =	swait.ge [sflag:s31], $0x2D00  }
0x5b: {  	[sflag:s31] =	ssyncset.done $0x0  }
0x5c: {  	[sflag:s31] =	ssyncadd.s32 $0xFFFFD300  }
0x5d: {  	_ =	swait.ge [sflag:s1], $0x2D00  }
0x5e: {  	[sflag:s1] =	ssyncset.done $0x0  }
0x5f: {  	s29 =	simm.s32 $0x280;
	s5 =	sadd.s32 $0x10E0, s5;
	[sflag:s1] =	ssyncadd.s32 $0xFFFFD300  }
0x60: {  	[hbm4b:s5+s2] =	stream.linear.scatter [tilespmem:s22], [sflag:$0x6], $0x2D00, $0x38;
	[tilespmem:$0x10220] =	vst v63  }
0x61: {  	s6 =	sadd.s32 $0x10E0, s30;
	s30 =	sadd.s32 $0xB40, s15;
	s5 =	sadd.s32 $0xB40, s16  }
.LBB2_2:
0x62: {  	[hbm4b:s6+s2] =	stream.linear.scatter [tilespmem:s24], [sflag:$0x6], $0x2D00, $0x38;
	[tilespmem:$0x10220] =	vst v63  }
0x63: {  	s6 =	smov.u32 s29  }
0x64: {  	p0 =	sne.s32 s29, $0x9600;
	s29 =	sadd.s32 $0x280, s29;
	_ =	swait.ge [sflag:s0], $0x2D00  }
0x65: {  	[sflag:s0] =	ssyncset.done $0x0  }
0x66: {  	[sflag:s0] =	ssyncadd.s32 $0xFFFFD300  }
0x67: {  	_ =	swait.ge [sflag:s0], $0x2D00  }
0x68: {  	s6 =	sshra.s32 s6, $0x2;
	[sflag:s0] =	ssyncset.done $0x0  }
0x69: {  	s7 =	sadd.s32 $0xF0, s6;
	[sflag:s0] =	ssyncadd.s32 $0xFFFFD300  }
0x6a: {  	[tilespmem:s22], [sflag:$0x3] =	stream.indirect.gather [hbm4b:s3+s19], $0x90, s7, s19, $0xb8;
	[tilespmem:$0x10220] =	vst v63  }
0x6b: {  	s7 =	sadd.s32 $0x2800, s6  }
0x6c: {  	[tilespmem:s24], [sflag:$0x4] =	stream.indirect.gather [hbm4b:s4+s19], $0x90, s7, s19, $0xb8;
	[tilespmem:$0x10220] =	vst v63  }
0x6d: {  	_ =	swait.ge [sflag:s25], $0x2D00  }
0x6e: {  	[sflag:s25] =	ssyncset.done $0x0  }
0x6f: {  	[sflag:s25] =	ssyncadd.s32 $0xFFFFD300  }
0x70: {  	_ =	swait.ge [sflag:s26], $0x2D00  }
0x71: {  	s7 =	sadd.s32 s30, s14;
	[sflag:s26] =	ssyncset.done $0x0  }
0x72: {  	s9 =	sadd.s32 s5, s14;
	s8 =	sadd.s32 $0xB40, s7;
	[sflag:s26] =	ssyncadd.s32 $0xFFFFD300  }
0x73: {  	[hbm4b:s8+s2] =	stream.linear.scatter [tilespmem:s20], [sflag:$0x5], $0x2D00, $0x38;
	[tilespmem:$0x10220] =	vst v63  }
0x74: {  	s8 =	sadd.s32 $0xB40, s9  }
0x75: {  	[hbm4b:s8+s2] =	stream.linear.scatter [tilespmem:s21], [sflag:$0x5], $0x2D00, $0x38;
	[tilespmem:$0x10220] =	vst v63  }
0x76: {  	_ =	swait.ge [sflag:s28], $0x2D00  }
0x77: {  	[sflag:s28] =	ssyncset.done $0x0  }
0x78: {  	[sflag:s28] =	ssyncadd.s32 $0xFFFFD300  }
0x79: {  	_ =	swait.ge [sflag:s28], $0x2D00  }
0x7a: {  	[sflag:s28] =	ssyncset.done $0x0  }
0x7b: {  	s8 =	sadd.s32 $0x140, s6;
	[sflag:s28] =	ssyncadd.s32 $0xFFFFD300  }
0x7c: {  	[tilespmem:s20], [sflag:$0x1] =	stream.indirect.gather [hbm4b:s3+s19], $0x90, s8, s19, $0xb8;
	[tilespmem:$0x10220] =	vst v63  }
0x7d: {  	s6 =	sadd.s32 $0x2850, s6  }
0x7e: {  	[tilespmem:s21], [sflag:$0x2] =	stream.indirect.gather [hbm4b:s4+s19], $0x90, s6, s19, $0xb8;
	[tilespmem:$0x10220] =	vst v63  }
0x7f: {  	_ =	swait.ge [sflag:s31], $0x2D00  }
0x80: {  	[sflag:s31] =	ssyncset.done $0x0  }
0x81: {  	[sflag:s31] =	ssyncadd.s32 $0xFFFFD300  }
.Ltmp0:
0x82: {  	_ =	swait.ge [sflag:s1], $0x2D00;
	(pc) =	sbr.rel @p0 .LBB2_2-.Ltmp0, $4  }
0x83: {  	[sflag:s1] =	ssyncset.done $0x0  }
0x84: {  	s6 =	sadd.s32 $0x10E0, s7;
	[sflag:s1] =	ssyncadd.s32 $0xFFFFD300  }
0x85: {  	[hbm4b:s6+s2] =	stream.linear.scatter [tilespmem:s22], [sflag:$0x6], $0x2D00, $0x38;
	[tilespmem:$0x10220] =	vst v63  }
0x86: {  	s5 =	sadd.s32 $0xB40, s5;
	s30 =	sadd.s32 $0xB40, s30;
	s6 =	sadd.s32 $0x10E0, s9  }
0x87: {  	[hbm4b:s6+s2] =	stream.linear.scatter [tilespmem:s24], [sflag:$0x6], $0x2D00, $0x38;
	[tilespmem:$0x10220] =	vst v63  }
0x88: {  	_ =	swait.ge [sflag:s0], $0x2D00  }
0x89: {  	[sflag:s0] =	ssyncset.done $0x0  }
0x8a: {  	[sflag:s0] =	ssyncadd.s32 $0xFFFFD300  }
0x8b: {  	_ =	swait.ge [sflag:s0], $0x2D00  }
0x8c: {  	[sflag:s0] =	ssyncset.done $0x0  }
0x8d: {  	[sflag:s0] =	ssyncadd.s32 $0xFFFFD300  }
0x8e: {  	_ =	swait.ge [sflag:s25], $0x2D00  }
0x8f: {  	[sflag:s25] =	ssyncset.done $0x0  }
0x90: {  	[sflag:s25] =	ssyncadd.s32 $0xFFFFD300  }
0x91: {  	_ =	swait.ge [sflag:s26], $0x2D00  }
0x92: {  	[sflag:s26] =	ssyncset.done $0x0  }
0x93: {  	s5 =	rddreg [dreg:$0x4];
	[sflag:s26] =	ssyncadd.s32 $0xFFFFD300  }
0x94: {  	[hbm4b:s5+s2] =	stream.linear.scatter [tilespmem:s20], [sflag:$0x5], $0x2D00, $0x38;
	[tilespmem:$0x10220] =	vst v63  }
0x95: {  	s29 =	rddreg [dreg:$0x5]  }
0x96: {  	[hbm4b:s29+s2] =	stream.linear.scatter [tilespmem:s21], [sflag:$0x5], $0x2D00, $0x38;
	[tilespmem:$0x10220] =	vst v63  }
0x97: {  	_ =	swait.ge [sflag:s28], $0x2D00  }
0x98: {  	[sflag:s28] =	ssyncset.done $0x0  }
0x99: {  	[sflag:s28] =	ssyncadd.s32 $0xFFFFD300  }
0x9a: {  	_ =	swait.ge [sflag:s28], $0x2D00  }
0x9b: {  	s23 =	sadd.s32 $0x1, s23;
	s30 =	rddreg [dreg:$0x6]  }
0x9c: {  	p0 =	sne.s32 s23, s30  }
.Ltmp1:
0x9d: {  	_ = 	snop;
	(pc) =	sbr.rel @p0 .LBB2_1-.Ltmp1, $3  }
0x9e: {  	_ =	sdelay $0x1  }
0x9f: {  	[sflag:s28] =	ssyncset.done $0x0  }
0xa0: {  	[sflag:s28] =	ssyncadd.s32 $0xFFFFD300  }
0xa1: {  	_ =	sfence.sel $0x180000  }
0xa2: {  	[bflag:$0x0] =	sbarrier.arrive $0xFFFF  }
0xa3: {  	_ =	strace $0x9000004D  }
0xa4: {  	s0 =	stileid.u32;
	[bflag:$0x2] =	sbarrier.arrive $0xFFFF  }
0xa5: {  	p0 =	sne.s32 s0, $0x0;
	s0 =	rddreg [dreg:$0x1]  }
0xa6: {  	s0 =	sadd.s32 @!p0 $0x100000, s0  }
0xa7: {  	[sflag:s0] =	ssyncadd.tile.s32 @!p0 $0x1;
	_ =	shalt  }
.Lfunc_end2:
_tile_overlayer_lowered:
.L_overlay_start_2:
0xa8: {  	(tag) =	ssettag $0x2  }
0xa9: {  	s0 =	rddreg [dreg:$0x0];
	s2 =	stileid.u32  }
0xaa: {  	s1 =	rddreg [dreg:$0x1];
	p0 =	sne.s32 s2, $0x0  }
0xab: {  	s3 =	rddreg [dreg:$0x2];
	[bflag:$0x3] =	sbarrier.arrive $0xFFFF;
	s2 =	simm.s32 @!p0 $0x1C07  }
0xac: {  	[timem:s3], [sflag:s2] =	dma.local @!p0 [hbm:s0], s1  }
0xad: {  	s0 =	simm.s32 @!p0 $0x7  }
0xae: {  	_ =	swait.ge @!p0 [sflag:s0], s1  }
0xaf: {  	s1 =	ssub.s32 @!p0 $0x0, s1;
	[sflag:s0] =	ssyncset.done @!p0 $0x0  }
0xb0: {  	[sflag:s0] =	ssyncadd.s32 @!p0 s1  }
0xb1: {  	[bflag:$0x3] =	sbarrier.arrive $0xFFFF  }
0xb2: {  	_ =	shalt  }

// kernel: kernel.28.cloned.1.call-start
scs
__scs_entry_jumppad:
0x0: {  	(pc) =	sbr.rel $0x88, $3  }
0x1: {  	(tag) =	ssettag $0x0;
	lr =	simm.s32 $0x1  }
0x2: {  	[smem:$0x3F92] =	sst lr;
	_ =	strace $0xD0000000  }
0x3: {  	_ = 	snop  }
0x4: {  	_ = 	snop  }
0x5: {  	_ = 	snop  }
0x6: {  	_ = 	snop  }
0x7: {  	_ = 	snop  }
__scs_overlays_trampoline_lowered:
0x8: {  	[smem:$0x3FA1] =	sst s0  }
0x9: {  	[smem:$0x3FA2] =	sst s1  }
0xa: {  	[smem:$0x3FA3] =	sst s2  }
0xb: {  	[smem:$0x3FA4] =	sst s3  }
0xc: {  	[smem:$0x3FA5] =	sst s4  }
0xd: {  	[smem:$0x3FA6] =	sst s5  }
0xe: {  	[smem:$0x3FA7] =	sst s6  }
0xf: {  	[smem:$0x3FA8] =	sst s7  }
0x10: {  	[smem:$0x3FA9] =	sst s8  }
0x11: {  	[smem:$0x3FAA] =	sst s9;
	s0 =	simm.s32 @!p0 $0x0  }
0x12: {  	s1 =	sld [smem:$0x3F90];
	s0 =	simm.s32 @p0 $0x1  }
0x13: {  	[smem:$0x3FAB] =	sst s0;
	s0 =	simm.s32 @!p1 $0x0  }
0x14: {  	s2 =	sld [smem:$0x3F8F];
	s0 =	simm.s32 @p1 $0x1  }
0x15: {  	[smem:$0x3FAC] =	sst s0;
	s0 =	simm.s32 @!p2 $0x0  }
0x16: {  	s3 =	sld [smem:$0x3FDB];
	s0 =	simm.s32 @p2 $0x1  }
0x17: {  	s4 =	simm.s32 $0x1BF5;
	[smem:$0x3FAE] =	sst s0  }
0x18: {  	s0 =	sld [smem:$0x3F91];
	_ =	swait.ge [sflag:s4], $0x0  }
0x19: {  	s7 =	sld [smem:$0x3F92]  }
0x1a: {  	s8 =	sadd.s32 $0xFFFFE003, lr  }
0x1b: {  	s9 =	sadd.s32 $0xFFFFFEF7, lr;
	s5 =	simm.s32 $0xFFFFFFFF;
	p2 =	slt.u32 s8, $0xFFFFF086  }
0x1c: {  	p1 =	slt.u32 s9, $0xF7A;
	s5 =	simm.s32 @!p2 $0x0  }
0x1d: {  	s5 =	simm.s32 @p1 $0x1;
	p0 =	seq.s32 s7, s2  }
0x1e: {  	s7 =	smul.u32 @!p0 $0xF7A, s2;
	p2 =	seq.s32 @!p0 s5, $0x0  }
0x1f: {  	s9 =	smul.u32 $0xF7A, s1;
	s8 =	simm.s32 @!p0 $0x1BF5;
	p2 =	por !p2, p0  }
0x20: {  	[sflag:s8] =	ssyncset.s32 @!p0 $0xFFFFF086;
	s6 =	sadd.s32 @!p0 s3, s7;
	s7 =	simm.s32 @!p0 $0x108  }
0x21: {  	s3 =	sadd.s32 s3, s9;
	s6 =	sadd.s32 @!p0 $0x88, s6;
	s7 =	simm.s32 @p2 $0x1082  }
0x22: {  	[simem:s7], [sflag:s8] =	dma.local @!p0 [hbm:s6], $0xF7A  }
0x23: {  	s9 =	sor.u32 $0xD0000000, s2;
	s6 =	simm.s32 $0x108;
	_ =	swait.ge @!p0 [sflag:s8], $0x0  }
0x24: {  	s3 =	sadd.s32 $0x88, s3;
	s6 =	simm.s32 @!p1 $0x1082;
	[sflag:s4] =	ssyncset.s32 $0xFFFFF086  }
0x25: {  	[simem:s6], [sflag:s4] =	dma.local [hbm:s3], $0xF7A  }
0x26: {  	[smem:$0x3F92] =	sst s1;
	(tag) =	ssettag s2;
	_ =	strace s9  }
0x27: {  	s1 =	sld [smem:$0x3FA2]  }
0x28: {  	s2 =	sld [smem:$0x3FA3]  }
0x29: {  	s4 =	sld [smem:$0x3FA5]  }
0x2a: {  	p0 =	seq.s32 s5, $0x0;
	s5 =	sld [smem:$0x3FA6]  }
0x2b: {  	s6 =	sld [smem:$0x3FA7]  }
0x2c: {  	s7 =	sld [smem:$0x3FA8]  }
0x2d: {  	s3 =	simm.s32 $0x108;
	s8 =	sld [smem:$0x3FA9]  }
0x2e: {  	s3 =	simm.s32 @!p0 $0x1082;
	s9 =	sld [smem:$0x3FAA]  }
0x2f: {  	lr =	sadd.s32 s0, s3;
	s0 =	sld [smem:$0x3FA1]  }
0x30: {  	s3 =	sld [smem:$0x3FA4]  }
0x31: {  	[smem:$0x3FAD] =	sst s10  }
0x32: {  	s10 =	sld [smem:$0x3FAB];
	_ =	sdelay $0x3  }
0x33: {  	p0 =	seq.s32 s10, $0x1;
	s10 =	sld [smem:$0x3FAD];
	_ =	sdelay $0x3  }
0x34: {  	[smem:$0x3FAD] =	sst s10  }
0x35: {  	s10 =	sld [smem:$0x3FAC];
	_ =	sdelay $0x3  }
0x36: {  	p1 =	seq.s32 s10, $0x1;
	s10 =	sld [smem:$0x3FAD];
	_ =	sdelay $0x3  }
0x37: {  	[smem:$0x3FAD] =	sst s10  }
0x38: {  	s10 =	sld [smem:$0x3FAE]  }
0x39: {  	_ = 	snop;
	(pc) =	sbr.ind lr, $3  }
0x3a: {  	_ = 	snop  }
0x3b: {  	_ = 	snop  }
0x3c: {  	p2 =	seq.s32 s10, $0x1;
	s10 =	sld [smem:$0x3FAD]  }
0x3d: {  	_ =	shalt  }
0x3e: {  	_ =	shalt  }
0x3f: {  	_ =	shalt  }
0x40: {  	_ =	shalt  }
0x41: {  	_ =	shalt  }
0x42: {  	_ =	shalt  }
0x43: {  	_ =	shalt  }
0x44: {  	_ =	shalt  }
0x45: {  	_ =	shalt  }
0x46: {  	_ =	shalt  }
0x47: {  	_ =	shalt  }
0x48: {  	_ =	shalt  }
0x49: {  	_ =	shalt  }
0x4a: {  	_ =	shalt  }
0x4b: {  	_ =	shalt  }
0x4c: {  	_ =	shalt  }
0x4d: {  	_ =	shalt  }
0x4e: {  	_ =	shalt  }
0x4f: {  	_ =	shalt  }
0x50: {  	_ =	shalt  }
0x51: {  	_ =	shalt  }
0x52: {  	_ =	shalt  }
0x53: {  	_ =	shalt  }
0x54: {  	_ =	shalt  }
0x55: {  	_ =	shalt  }
0x56: {  	_ =	shalt  }
0x57: {  	_ =	shalt  }
0x58: {  	_ =	shalt  }
0x59: {  	_ =	shalt  }
0x5a: {  	_ =	shalt  }
0x5b: {  	_ =	shalt  }
0x5c: {  	_ =	shalt  }
0x5d: {  	_ =	shalt  }
0x5e: {  	_ =	shalt  }
0x5f: {  	_ =	shalt  }
0x60: {  	_ =	shalt  }
0x61: {  	_ =	shalt  }
0x62: {  	_ =	shalt  }
0x63: {  	_ =	shalt  }
0x64: {  	_ =	shalt  }
0x65: {  	_ =	shalt  }
0x66: {  	_ =	shalt  }
0x67: {  	_ =	shalt  }
0x68: {  	_ =	shalt  }
0x69: {  	_ =	shalt  }
0x6a: {  	_ =	shalt  }
0x6b: {  	_ =	shalt  }
0x6c: {  	_ =	shalt  }
0x6d: {  	_ =	shalt  }
0x6e: {  	_ =	shalt  }
0x6f: {  	_ =	shalt  }
0x70: {  	_ =	shalt  }
0x71: {  	_ =	shalt  }
0x72: {  	_ =	shalt  }
0x73: {  	_ =	shalt  }
0x74: {  	_ =	shalt  }
0x75: {  	_ =	shalt  }
0x76: {  	_ =	shalt  }
0x77: {  	_ =	shalt  }
0x78: {  	_ =	shalt  }
0x79: {  	_ =	shalt  }
0x7a: {  	_ =	shalt  }
0x7b: {  	_ =	shalt  }
0x7c: {  	_ =	shalt  }
0x7d: {  	_ =	shalt  }
0x7e: {  	_ =	shalt  }
0x7f: {  	_ =	shalt  }
0x80: {  	_ =	shalt  }
0x81: {  	_ =	shalt  }
0x82: {  	_ =	shalt  }
0x83: {  	_ =	shalt  }
0x84: {  	_ =	shalt  }
0x85: {  	_ =	shalt  }
0x86: {  	_ =	shalt  }
0x87: {  	_ =	shalt  }
.Lfunc_end0:
.L_simem_size_0:
called_computation.3_lowered:
.L_overlay_start_0:
0x88: {  	s2 =	sld [smem:$0x3FD9]  }
0x89: {  	s3 =	sld [smem:$0x3FFE];
	_ =	sdelay $0x1  }
0x8a: {  	s1 =	srdreg.scid  }
0x8b: {  	s0 =	sand.u32 $0x1, s1  }
0x8c: {  	s16 =	sshll.u32 s0, $0xA;
	s2 =	sadd.s32 s3, s2  }
0x8d: {  	s2 =	sadd.s32 s2, s16  }
0x8e: {  	[smem:$0x3FB9] =	sst s2  }
0x8f: {  	_ = 	snop  }
0x90: {  	(tm) =	ssettm $0x1  }
0x91: {  	s17 =	sld [smem:$0x3FFB];
	_ =	sdelay $0x3  }
0x92: {  	_ =	strace s17  }
0x93: {  	s2 =	sld [smem:$0x3FFC];
	_ =	sdelay $0x3  }
0x94: {  	_ =	strace s2  }
0x95: {  	s2 =	sld [smem:$0x3FFD];
	_ =	sdelay $0x3  }
0x96: {  	_ =	strace s2  }
0x97: {  	_ =	strace $0x8FFFFFFF  }
0x98: {  	s18 =	sld [smem:$0x3FDB];
	_ =	sdelay $0x1  }
0x99: {  	s19 =	simm.s32 $_scs_section_size  }
0x9a: {  	s4 =	simm.s32 $_size__tile_overlayer_lowered;
	s5 =	simm.s32 $_tile_overlayer_lowered  }
0x9b: {  	s22 =	simm.s32 $0x1BFF;
	s21 =	sshll.u32 s5, $0x1;
	s2 =	sadd.s32 s19, s18  }
0x9c: {  	s6 =	simm.s32 $0x0;
	s20 =	sshll.u32 s4, $0x1;
	s4 =	sadd.s32 s21, s2  }
0x9d: {  	[timem:s6], [sflag:s22] =	dma.local [hbm:s4], s20  }
0x9e: {  	_ =	swait.ge [sflag:s22], s20  }
0x9f: {  	s3 =	ssub.s32 $0x0, s20;
	[sflag:s22] =	ssyncset.done $0x0  }
0xa0: {  	[sflag:s22] =	ssyncadd.s32 s3;
	_ =	sdelay $0x1  }
0xa1: {  	s23 =	simm.s32 $0x1B8B  }
0xa2: {  	_ =	swait.ge [sflag:s23], $0x1  }
0xa3: {  	[sflag:s23] =	ssyncset.done $0x0  }
0xa4: {  	s25 =	simm.s32 $0x1B8E;
	s24 =	sld [smem:$0x3FFE];
	[sflag:s23] =	ssyncadd.s32 $0xFFFFFFFF  }
0xa5: {  	s26 =	simm.s32 $execute0_lowered;
	[smem:$0x3FD2] =	sst s25  }
0xa6: {  	s4 =	sshll.u32 s26, $0x1;
	_ =	strace $0x8000004F;
	[dreg:$0x1] =	wrdreg $0xFFFFFFFF  }
0xa7: {  	s28 =	simm.s32 $_size_execute0_lowered;
	s2 =	sadd.s32 s2, s4;
	[dreg:$0x0] =	wrdreg $0x0  }
0xa8: {  	s4 =	sshll.u32 s28, $0x1;
	[dreg:$0x2] =	wrdreg s2  }
0xa9: {  	[dreg:$0x3] =	wrdreg s4  }
0xaa: {  	[dreg:$0x4] =	wrdreg $0xC0  }
0xab: {  	_ =	task [dreg:s6], $0x5FFFF  }
0xac: {  	[dreg:$0x1] =	wrdreg $0xFFFFFFFF  }
0xad: {  	[dreg:$0x0] =	wrdreg $0x60  }
0xae: {  	[dreg:$0x2] =	wrdreg s24  }
0xaf: {  	[dreg:$0x3] =	wrdreg $0x81100  }
0xb0: {  	[dreg:$0x4] =	wrdreg $0x1B9900  }
0xb1: {  	[dreg:$0x5] =	wrdreg $0x9  }
0xb2: {  	_ =	task.clear_ibuf [dreg:s6], $0x6FFFF;
	_ =	strace $0x9000004F  }
0xb3: {  	s29 =	simm.s32 $0x9;
	_ =	strace $0x80000051  }
0xb4: {  	_ =	swait.ge [sflag:s29], $0x1  }
0xb5: {  	[sflag:s29] =	ssyncadd.s32 $0xFFFFFFFF  }
0xb6: {  	_ =	strace $0x90000051  }
0xb7: {  	_ =	sfence  }
0xb8: {  	s30 =	sld [smem:$0x0];
	_ =	sdelay $0x2  }
0xb9: {  	s31 =	sshll.u32 s1, $0xD;
	s1 =	sshrl.u32 s1, $0x2  }
0xba: {  	s3 =	sand.u32 $0x4000, s31;
	s1 =	sadd.s32 s1, s30  }
0xbb: {  	s0 =	sor.u32 s3, s0;
	s1 =	sshll.u32 s1, $0x11  }
0xbc: {  	s0 =	sor.u32 s1, s0  }
0xbd: {  	s0 =	sadd.s32 $0x8F2B, s0  }
0xbe: {  	[sflag:s0] =	ssyncadd.remote.s32 $0x1  }
0xbf: {  	_ =	sfence.sel $0xFFFF  }
0xc0: {  	[dreg:$0x0] =	wrdreg $0xFFFFFFFF;
	(pc) =	sbr.abs _section_cstart, $3  }
0xc1: {  	[dreg:$0x1] =	wrdreg $0xFFFFFFFF  }
0xc2: {  	_ =	task.clear_ibuf [dreg:s6], $0x2FFFF;
	_ =	strace $0x9FFFFFFF  }
0xc3: {  	(tm) =	ssettm $0x7FFFFFFF  }
tec
execute0_lowered:
.L_overlay_start_1:
0x0: {  	(tag) =	ssettag $0x1  }
0x1: {  	s0 =	srdreg.scid;
	s1 =	rddreg [dreg:$0x0]  }
0x2: {  	s17 =	stileid.u32;
	s2 =	rddreg [dreg:$0x1]  }
0x3: {  	s4 =	simm.s32 $0x0;
	s28 =	simm.s32 $0x4F10;
	s29 =	simm.s32 $0x7C10  }
0x4: {  	s30 =	simm.s32 $0x1;
	s31 =	simm.s32 $0x50;
	s7 =	smul.u32 $0x13880, s17  }
0x5: {  	s0 =	sand.u32 $0x1, s0;
	s3 =	sshll.u32 s17, $0x1;
	s8 =	smul.u32 $0x2710, s17  }
0x6: {  	[smem:$0x7FF] =	sst s4;
	s10 =	smul.u32 $0x271, s17;
	s11 =	sadd.s32 $0x5E4C00, s1  }
0x7: {  	s13 =	sadd.s32 $0xAC6C00, s1;
	s25 =	sshll.u32 s17, $0x6;
	s17 =	smul.u32 $0x4E20, s17  }
0x8: {  	s5 =	sor.u32 s0, s3;
	s3 =	rddreg [dreg:$0x2];
	s12 =	smul.u32 $0x2710, s0  }
0x9: {  	_ =	strace $0x80000050;
	s0 =	ssub.s32 $0x2, s0;
	s6 =	smul.u32 $0x2710, s5  }
0xa: {  	s14 =	sshrl.u32 s7, $0x3;
	s15 =	sshrl.u32 s8, $0x3;
	s23 =	smul.u32 $0x27100, s5  }
0xb: {  	s22 =	sshrl.u32 s0, $0x1;
	s7 =	sadd.s32 s7, s2;
	s5 =	smul.u32 $0x4E20, s5  }
0xc: {  	s8 =	sadd.s32 s8, s3;
	s14 =	sadd.s32 s14, s1;
	s15 =	sadd.s32 s15, s1  }
0xd: {  	s10 =	sadd.s32 s10, s12;
	s0 =	ssub.s32 s0, s22;
	[dreg:$0x4] =	wrdreg s7  }
0xe: {  	s7 =	sor.u32 $0x1C05, s25;
	[dreg:$0x6] =	wrdreg s8;
	s21 =	sadd.s32 s12, s17  }
0xf: {  	s9 =	sshrl.u32 s6, $0x3;
	s16 =	sshll.u32 s10, $0x4;
	s10 =	sshll.u32 s10, $0x1  }
0x10: {  	s24 =	sadd.s32 $0x52E00, s14;
	s26 =	sadd.s32 $0x4DE00, s15;
	s14 =	sadd.s32 s11, s23  }
0x11: {  	s5 =	sadd.s32 s13, s5;
	s15 =	sadd.s32 $0xA0, s6;
	[dreg:$0x5] =	wrdreg s24  }
0x12: {  	s6 =	sadd.s32 $0x50, s6;
	s0 =	smax.u32 s0, $0x1;
	[dreg:$0x7] =	wrdreg s26  }
0x13: {  	s8 =	sadd.s32 $0x140, s21;
	s9 =	sadd.s32 s9, s1;
	[dreg:$0x9] =	wrdreg s14  }
0x14: {  	s16 =	sadd.s32 s16, s1;
	s1 =	sadd.s32 s10, s1;
	[dreg:$0xa] =	wrdreg s5  }
0x15: {  	s19 =	sshll.u32 s6, $0x4;
	[dreg:$0xd] =	wrdreg s0;
	s22 =	sshll.u32 s6, $0x1  }
0x16: {  	s23 =	sshll.u32 s15, $0x4;
	s24 =	sshrl.u32 s8, $0x4;
	s5 =	sshll.u32 s15, $0x1  }
0x17: {  	s0 =	sadd.s32 $0xF0, s21;
	s6 =	simm.s32 $0x26C0;
	s9 =	sadd.s32 $0x1CE00, s9  }
0x18: {  	s8 =	simm.s32 $0x0;
	s18 =	sadd.s32 $0x8B800, s16;
	[dreg:$0x8] =	wrdreg s9  }
0x19: {  	s1 =	sadd.s32 $0x81A00, s1;
	s20 =	sadd.s32 s11, s19;
	[dreg:$0xb] =	wrdreg s18  }
0x1a: {  	s25 =	sshll.u32 s24, $0x5;
	s19 =	sadd.s32 s13, s5;
	[dreg:$0xc] =	wrdreg s1  }
0x1b: {  	s0 =	sshrl.u32 s0, $0x4;
	s5 =	simm.s32 $0x4;
	[dreg:$0xe] =	wrdreg s20  }
0x1c: {  	s1 =	sadd.s32 s13, s22;
	s18 =	sadd.s32 s11, s23;
	s20 =	sadd.s32 s25, s13  }
0x1d: {  	s26 =	sshll.u32 s0, $0x5;
	s0 =	sshll.u32 s0, $0x8;
	s25 =	simm.s32 $0x2710  }
0x1e: {  	[dreg:$0xf] =	wrdreg s1;
	s1 =	sshll.u32 s24, $0x8;
	s22 =	sadd.s32 s26, s13  }
0x1f: {  	s23 =	sadd.s32 s0, s11;
	s24 =	simm.s32 $0x5;
	s26 =	simm.s32 $0x7710  }
0x20: {  	s0 =	simm.s32 $0x2;
	s21 =	sadd.s32 s1, s11;
	s1 =	simm.s32 $0x3  }
.LBB2_1:
0x21: {  	s9 =	rddreg [dreg:$0x4]  }
0x22: {  	s10 =	rddreg [dreg:$0x5];
	s9 =	sshrl.u32 s9, $0x3  }
0x23: {  	[spmem:s9], [sflag:s7] =	dma.local [hbm:s10], $0x2710  }
0x24: {  	_ =	swait.ge [sflag:s24], $0x2710  }
0x25: {  	[sflag:s24] =	ssyncset.done $0x0;
	s11 =	rddreg [dreg:$0x6]  }
0x26: {  	[sflag:s24] =	ssyncadd.s32 $0xFFFFD8F0;
	s10 =	sshrl.u32 s11, $0x3;
	s11 =	rddreg [dreg:$0x7]  }
0x27: {  	[spmem:s10], [sflag:s7] =	dma.local [hbm:s11], $0x4E2  }
0x28: {  	_ =	swait.ge [sflag:s24], $0x4E2  }
0x29: {  	[sflag:s24] =	ssyncset.done $0x0  }
0x2a: {  	s12 =	rddreg [dreg:$0x8];
	[sflag:s24] =	ssyncadd.s32 $0xFFFFFB1E  }
0x2b: {  	[tilespmem:s4], [sflag:$0x5] =	stream.linear.gather [hbm4b:s12+s4], $0x2710, $0x38;
	[tilespmem:$0x1E0A0] =	vst v63  }
0x2c: {  	_ =	swait.ge [sflag:s24], $0x2710  }
0x2d: {  	[sflag:s24] =	ssyncset.done $0x0  }
0x2e: {  	[sflag:s24] =	ssyncadd.s32 $0xFFFFD8F0  }
0x2f: {  	[bflag:$0x0] =	sbarrier.arrive $0xFFFF  }
0x30: {  	s13 =	rddreg [dreg:$0x9]  }
0x31: {  	[tilespmem:s25], [sflag:$0x1] =	stream.linear.gather [hbm4b:s13+s4], $0x2800, $0x38;
	[tilespmem:$0x1E0A0] =	vst v63  }
0x32: {  	s14 =	rddreg [dreg:$0xa]  }
0x33: {  	[tilespmem:s26], [sflag:$0x1] =	stream.linear.gather [hbm4b:s14+s4], $0x500, $0x38;
	[tilespmem:$0x1E0A0] =	vst v63  }
0x34: {  	s15 =	rddreg [dreg:$0xe]  }
0x35: {  	[tilespmem:s28], [sflag:$0x2] =	stream.linear.gather [hbm4b:s15+s4], $0x2800, $0x38;
	[tilespmem:$0x1E0A0] =	vst v63  }
0x36: {  	s16 =	rddreg [dreg:$0xf]  }
0x37: {  	[tilespmem:s29], [sflag:$0x2] =	stream.linear.gather [hbm4b:s16+s4], $0x500, $0x38;
	[tilespmem:$0x1E0A0] =	vst v63  }
0x38: {  	_ =	swait.ge [sflag:s30], $0x2800  }
0x39: {  	[sflag:s30] =	ssyncset.done $0x0  }
0x3a: {  	[sflag:s30] =	ssyncadd.s32 $0xFFFFD800  }
0x3b: {  	_ =	swait.ge [sflag:s30], $0x500  }
0x3c: {  	[sflag:s30] =	ssyncset.done $0x0  }
0x3d: {  	[sflag:s30] =	ssyncadd.s32 $0xFFFFFB00  }
0x3e: {  	[spmem:s2] =	stream.indirect.scatter.add.f32 [tilespmem:s25], [sflag:$0x3], $0x80, s4, s31, $0xb8;
	[tilespmem:$0x1E0A0] =	vst v63  }
0x3f: {  	_ = 	snop  }
0x40: {  	[spmem:s3] =	stream.indirect.scatter.add.f32 [tilespmem:s26], [sflag:$0x3], $0x10, s4, s31, $0xb8;
	[tilespmem:$0x1E0A0] =	vst v63  }
0x41: {  	_ =	swait.ge [sflag:s1], $0x2800  }
0x42: {  	[sflag:s1] =	ssyncset.done $0x0  }
0x43: {  	[sflag:s1] =	ssyncadd.s32 $0xFFFFD800  }
0x44: {  	_ =	swait.ge [sflag:s1], $0x500  }
0x45: {  	[sflag:s1] =	ssyncset.done $0x0  }
0x46: {  	[sflag:s1] =	ssyncadd.s32 $0xFFFFFB00  }
0x47: {  	[tilespmem:s25], [sflag:$0x1] =	stream.linear.gather [hbm4b:s18+s4], $0x2800, $0x38;
	[tilespmem:$0x1E0A0] =	vst v63  }
0x48: {  	_ = 	snop  }
0x49: {  	[tilespmem:s26], [sflag:$0x1] =	stream.linear.gather [hbm4b:s19+s4], $0x500, $0x38;
	[tilespmem:$0x1E0A0] =	vst v63  }
0x4a: {  	_ =	swait.ge [sflag:s0], $0x2800  }
0x4b: {  	[sflag:s0] =	ssyncset.done $0x0  }
0x4c: {  	[sflag:s0] =	ssyncadd.s32 $0xFFFFD800  }
0x4d: {  	_ =	swait.ge [sflag:s0], $0x500  }
0x4e: {  	[sflag:s0] =	ssyncset.done $0x0  }
0x4f: {  	[sflag:s0] =	ssyncadd.s32 $0xFFFFFB00  }
0x50: {  	[spmem:s2] =	stream.indirect.scatter.add.f32 [tilespmem:s28], [sflag:$0x4], $0x80, s31, s31, $0xb8;
	[tilespmem:$0x1E0A0] =	vst v63  }
0x51: {  	_ = 	snop  }
0x52: {  	[spmem:s3] =	stream.indirect.scatter.add.f32 [tilespmem:s29], [sflag:$0x4], $0x10, s31, s31, $0xb8;
	[tilespmem:$0x1E0A0] =	vst v63  }
0x53: {  	_ =	swait.ge [sflag:s5], $0x2800  }
0x54: {  	[sflag:s5] =	ssyncset.done $0x0  }
0x55: {  	[sflag:s5] =	ssyncadd.s32 $0xFFFFD800  }
0x56: {  	_ =	swait.ge [sflag:s5], $0x500  }
0x57: {  	[sflag:s5] =	ssyncset.done $0x0  }
0x58: {  	[sflag:s5] =	ssyncadd.s32 $0xFFFFFB00  }
0x59: {  	[tilespmem:s28], [sflag:$0x2] =	stream.linear.gather [hbm4b:s23+s4], $0x2800, $0x38;
	[tilespmem:$0x1E0A0] =	vst v63  }
0x5a: {  	_ = 	snop  }
0x5b: {  	[tilespmem:s29], [sflag:$0x2] =	stream.linear.gather [hbm4b:s22+s4], $0x500, $0x38;
	[tilespmem:$0x1E0A0] =	vst v63  }
0x5c: {  	_ =	swait.ge [sflag:s30], $0x2800  }
0x5d: {  	[sflag:s30] =	ssyncset.done $0x0  }
0x5e: {  	[sflag:s30] =	ssyncadd.s32 $0xFFFFD800  }
0x5f: {  	_ =	swait.ge [sflag:s30], $0x500  }
0x60: {  	[sflag:s30] =	ssyncset.done $0x0  }
0x61: {  	s17 =	simm.s32 $0xA0;
	[sflag:s30] =	ssyncadd.s32 $0xFFFFFB00  }
0x62: {  	[spmem:s2] =	stream.indirect.scatter.add.f32 [tilespmem:s25], [sflag:$0x3], $0x80, s17, s31, $0xb8;
	[tilespmem:$0x1E0A0] =	vst v63  }
0x63: {  	_ = 	snop  }
0x64: {  	[spmem:s3] =	stream.indirect.scatter.add.f32 [tilespmem:s26], [sflag:$0x3], $0x10, s17, s31, $0xb8;
	[tilespmem:$0x1E0A0] =	vst v63  }
0x65: {  	_ =	swait.ge [sflag:s1], $0x2800  }
0x66: {  	[sflag:s1] =	ssyncset.done $0x0  }
0x67: {  	[sflag:s1] =	ssyncadd.s32 $0xFFFFD800  }
0x68: {  	_ =	swait.ge [sflag:s1], $0x500  }
0x69: {  	[sflag:s1] =	ssyncset.done $0x0  }
0x6a: {  	[sflag:s1] =	ssyncadd.s32 $0xFFFFFB00  }
0x6b: {  	[tilespmem:s25], [sflag:$0x1] =	stream.linear.gather [hbm4b:s21+s4], $0x2800, $0x38;
	[tilespmem:$0x1E0A0] =	vst v63  }
0x6c: {  	_ = 	snop  }
0x6d: {  	[tilespmem:s26], [sflag:$0x1] =	stream.linear.gather [hbm4b:s20+s4], $0x500, $0x38;
	[tilespmem:$0x1E0A0] =	vst v63  }
0x6e: {  	_ =	swait.ge [sflag:s0], $0x2800  }
0x6f: {  	[sflag:s0] =	ssyncset.done $0x0  }
0x70: {  	[sflag:s0] =	ssyncadd.s32 $0xFFFFD800  }
0x71: {  	s11 =	simm.s32 $0x280;
	s12 =	sadd.s32 $0xA00, s23;
	_ =	swait.ge [sflag:s0], $0x500  }
0x72: {  	s13 =	sadd.s32 $0x140, s20;
	s14 =	sadd.s32 $0xA00, s21;
	[sflag:s0] =	ssyncset.done $0x0  }
0x73: {  	s15 =	sadd.s32 $0x140, s22;
	s16 =	simm.s32 $0xF0;
	[sflag:s0] =	ssyncadd.s32 $0xFFFFFB00  }
0x74: {  	[spmem:s2] =	stream.indirect.scatter.add.f32 [tilespmem:s28], [sflag:$0x4], $0x80, s16, s31, $0xb8;
	[tilespmem:$0x1E0A0] =	vst v63  }
.LBB2_2:
0x75: {  	[spmem:s3] =	stream.indirect.scatter.add.f32 [tilespmem:s29], [sflag:$0x4], $0x10, s16, s31, $0xb8;
	[tilespmem:$0x1E0A0] =	vst v63  }
0x76: {  	s16 =	smov.u32 s11  }
0x77: {  	p0 =	sne.s32 s11, $0x9600;
	s11 =	sadd.s32 $0x280, s11;
	_ =	swait.ge [sflag:s5], $0x2800  }
0x78: {  	[sflag:s5] =	ssyncset.done $0x0  }
0x79: {  	[sflag:s5] =	ssyncadd.s32 $0xFFFFD800  }
0x7a: {  	_ =	swait.ge [sflag:s5], $0x500  }
0x7b: {  	[sflag:s5] =	ssyncset.done $0x0  }
0x7c: {  	[sflag:s5] =	ssyncadd.s32 $0xFFFFFB00  }
0x7d: {  	[tilespmem:s28], [sflag:$0x2] =	stream.linear.gather [hbm4b:s12+s4], $0x2800, $0x38;
	[tilespmem:$0x1E0A0] =	vst v63  }
0x7e: {  	_ = 	snop  }
0x7f: {  	[tilespmem:s29], [sflag:$0x2] =	stream.linear.gather [hbm4b:s15+s4], $0x500, $0x38;
	[tilespmem:$0x1E0A0] =	vst v63  }
0x80: {  	_ =	swait.ge [sflag:s30], $0x2800  }
0x81: {  	[sflag:s30] =	ssyncset.done $0x0  }
0x82: {  	[sflag:s30] =	ssyncadd.s32 $0xFFFFD800  }
0x83: {  	_ =	swait.ge [sflag:s30], $0x500  }
0x84: {  	s16 =	sshra.s32 s16, $0x2;
	[sflag:s30] =	ssyncset.done $0x0  }
0x85: {  	s17 =	sadd.s32 $0xA0, s16;
	[sflag:s30] =	ssyncadd.s32 $0xFFFFFB00  }
0x86: {  	[spmem:s2] =	stream.indirect.scatter.add.f32 [tilespmem:s25], [sflag:$0x3], $0x80, s17, s31, $0xb8;
	[tilespmem:$0x1E0A0] =	vst v63  }
0x87: {  	_ = 	snop  }
0x88: {  	[spmem:s3] =	stream.indirect.scatter.add.f32 [tilespmem:s26], [sflag:$0x3], $0x10, s17, s31, $0xb8;
	[tilespmem:$0x1E0A0] =	vst v63  }
0x89: {  	_ =	swait.ge [sflag:s1], $0x2800  }
0x8a: {  	[sflag:s1] =	ssyncset.done $0x0  }
0x8b: {  	[sflag:s1] =	ssyncadd.s32 $0xFFFFD800  }
0x8c: {  	_ =	swait.ge [sflag:s1], $0x500  }
0x8d: {  	[sflag:s1] =	ssyncset.done $0x0  }
0x8e: {  	[sflag:s1] =	ssyncadd.s32 $0xFFFFFB00  }
0x8f: {  	[tilespmem:s25], [sflag:$0x1] =	stream.linear.gather [hbm4b:s14+s4], $0x2800, $0x38;
	[tilespmem:$0x1E0A0] =	vst v63  }
0x90: {  	_ = 	snop  }
0x91: {  	[tilespmem:s26], [sflag:$0x1] =	stream.linear.gather [hbm4b:s13+s4], $0x500, $0x38;
	[tilespmem:$0x1E0A0] =	vst v63  }
0x92: {  	_ =	swait.ge [sflag:s0], $0x2800  }
0x93: {  	[sflag:s0] =	ssyncset.done $0x0  }
0x94: {  	[sflag:s0] =	ssyncadd.s32 $0xFFFFD800  }
.Ltmp0:
0x95: {  	_ =	swait.ge [sflag:s0], $0x500;
	(pc) =	sbr.rel @p0 .LBB2_2-.Ltmp0, $4  }
0x96: {  	[sflag:s0] =	ssyncset.done $0x0  }
0x97: {  	s16 =	sadd.s32 $0xF0, s16;
	s12 =	sadd.s32 $0xA00, s12;
	[sflag:s0] =	ssyncadd.s32 $0xFFFFFB00  }
0x98: {  	[spmem:s2] =	stream.indirect.scatter.add.f32 [tilespmem:s28], [sflag:$0x4], $0x80, s16, s31, $0xb8;
	[tilespmem:$0x1E0A0] =	vst v63  }
0x99: {  	s15 =	sadd.s32 $0x140, s15;
	s14 =	sadd.s32 $0xA00, s14;
	s13 =	sadd.s32 $0x140, s13  }
0x9a: {  	[spmem:s3] =	stream.indirect.scatter.add.f32 [tilespmem:s29], [sflag:$0x4], $0x10, s16, s31, $0xb8;
	[tilespmem:$0x1E0A0] =	vst v63  }
0x9b: {  	_ =	swait.ge [sflag:s5], $0x2800  }
0x9c: {  	[sflag:s5] =	ssyncset.done $0x0  }
0x9d: {  	[sflag:s5] =	ssyncadd.s32 $0xFFFFD800  }
0x9e: {  	_ =	swait.ge [sflag:s5], $0x500  }
0x9f: {  	[sflag:s5] =	ssyncset.done $0x0  }
0xa0: {  	[sflag:s5] =	ssyncadd.s32 $0xFFFFFB00  }
0xa1: {  	_ =	swait.ge [sflag:s30], $0x2800  }
0xa2: {  	[sflag:s30] =	ssyncset.done $0x0  }
0xa3: {  	[sflag:s30] =	ssyncadd.s32 $0xFFFFD800  }
0xa4: {  	_ =	swait.ge [sflag:s30], $0x500  }
0xa5: {  	[sflag:s30] =	ssyncset.done $0x0  }
0xa6: {  	[sflag:s30] =	ssyncadd.s32 $0xFFFFFB00  }
0xa7: {  	[spmem:s2] =	stream.indirect.scatter.add.f32 [tilespmem:s25], [sflag:$0x3], $0x80, s6, s31, $0xb8;
	[tilespmem:$0x1E0A0] =	vst v63  }
0xa8: {  	_ = 	snop  }
0xa9: {  	[spmem:s3] =	stream.indirect.scatter.add.f32 [tilespmem:s26], [sflag:$0x3], $0x10, s6, s31, $0xb8;
	[tilespmem:$0x1E0A0] =	vst v63  }
0xaa: {  	_ =	swait.ge [sflag:s1], $0x2800  }
0xab: {  	[sflag:s1] =	ssyncset.done $0x0  }
0xac: {  	[sflag:s1] =	ssyncadd.s32 $0xFFFFD800  }
0xad: {  	_ =	swait.ge [sflag:s1], $0x500  }
0xae: {  	[sflag:s1] =	ssyncset.done $0x0  }
0xaf: {  	[sflag:s1] =	ssyncadd.s32 $0xFFFFFB00  }
0xb0: {  	[bflag:$0x0] =	sbarrier.arrive $0xFFFF  }
0xb1: {  	s11 =	rddreg [dreg:$0xb]  }
0xb2: {  	[hbm:s11], [sflag:s7] =	dma.local [spmem:s9], $0x2710  }
0xb3: {  	_ =	swait.ge [sflag:s24], $0x2710  }
0xb4: {  	[sflag:s24] =	ssyncset.done $0x0  }
0xb5: {  	s16 =	rddreg [dreg:$0xc];
	[sflag:s24] =	ssyncadd.s32 $0xFFFFD8F0  }
0xb6: {  	[hbm:s16], [sflag:s7] =	dma.local [spmem:s10], $0x4E2  }
0xb7: {  	_ =	swait.ge [sflag:s24], $0x4E2  }
0xb8: {  	s8 =	sadd.s32 $0x1, s8;
	s17 =	rddreg [dreg:$0xd]  }
0xb9: {  	p0 =	sne.s32 s8, s17  }
.Ltmp1:
0xba: {  	_ = 	snop;
	(pc) =	sbr.rel @p0 .LBB2_1-.Ltmp1, $3  }
0xbb: {  	_ =	sdelay $0x1  }
0xbc: {  	[sflag:s24] =	ssyncset.done $0x0  }
0xbd: {  	[sflag:s24] =	ssyncadd.s32 $0xFFFFFB1E  }
0xbe: {  	_ =	sfence.sel $0x180000  }
0xbf: {  	[bflag:$0x0] =	sbarrier.arrive $0xFFFF  }
0xc0: {  	_ =	strace $0x90000050  }
0xc1: {  	s0 =	stileid.u32;
	[bflag:$0x2] =	sbarrier.arrive $0xFFFF  }
0xc2: {  	p0 =	sne.s32 s0, $0x0;
	s0 =	rddreg [dreg:$0x3]  }
0xc3: {  	s0 =	sadd.s32 @!p0 $0x100000, s0  }
0xc4: {  	[sflag:s0] =	ssyncadd.tile.s32 @!p0 $0x1;
	_ =	shalt  }
.Lfunc_end2:
_tile_overlayer_lowered:
.L_overlay_start_2:
0xc5: {  	(tag) =	ssettag $0x2  }
0xc6: {  	s0 =	rddreg [dreg:$0x0];
	s2 =	stileid.u32  }
0xc7: {  	s1 =	rddreg [dreg:$0x1];
	p0 =	sne.s32 s2, $0x0  }
0xc8: {  	s3 =	rddreg [dreg:$0x2];
	[bflag:$0x3] =	sbarrier.arrive $0xFFFF;
	s2 =	simm.s32 @!p0 $0x1C05  }
0xc9: {  	[timem:s3], [sflag:s2] =	dma.local @!p0 [hbm:s0], s1  }
0xca: {  	s0 =	simm.s32 @!p0 $0x5  }
0xcb: {  	_ =	swait.ge @!p0 [sflag:s0], s1  }
0xcc: {  	s1 =	ssub.s32 @!p0 $0x0, s1;
	[sflag:s0] =	ssyncset.done @!p0 $0x0  }
0xcd: {  	[sflag:s0] =	ssyncadd.s32 @!p0 s1  }
0xce: {  	[bflag:$0x3] =	sbarrier.arrive $0xFFFF  }
0xcf: {  	_ =	shalt  }

// kernel: kernel.31.cloned.1.call-start
scs
__scs_entry_jumppad:
0x0: {  	(pc) =	sbr.rel $0x88, $3  }
0x1: {  	(tag) =	ssettag $0x0;
	lr =	simm.s32 $0x1  }
0x2: {  	[smem:$0x3F92] =	sst lr;
	_ =	strace $0xD0000000  }
0x3: {  	_ = 	snop  }
0x4: {  	_ = 	snop  }
0x5: {  	_ = 	snop  }
0x6: {  	_ = 	snop  }
0x7: {  	_ = 	snop  }
__scs_overlays_trampoline_lowered:
0x8: {  	[smem:$0x3FA1] =	sst s0  }
0x9: {  	[smem:$0x3FA2] =	sst s1  }
0xa: {  	[smem:$0x3FA3] =	sst s2  }
0xb: {  	[smem:$0x3FA4] =	sst s3  }
0xc: {  	[smem:$0x3FA5] =	sst s4  }
0xd: {  	[smem:$0x3FA6] =	sst s5  }
0xe: {  	[smem:$0x3FA7] =	sst s6  }
0xf: {  	[smem:$0x3FA8] =	sst s7  }
0x10: {  	[smem:$0x3FA9] =	sst s8  }
0x11: {  	[smem:$0x3FAA] =	sst s9;
	s0 =	simm.s32 @!p0 $0x0  }
0x12: {  	s1 =	sld [smem:$0x3F90];
	s0 =	simm.s32 @p0 $0x1  }
0x13: {  	[smem:$0x3FAB] =	sst s0;
	s0 =	simm.s32 @!p1 $0x0  }
0x14: {  	s2 =	sld [smem:$0x3F8F];
	s0 =	simm.s32 @p1 $0x1  }
0x15: {  	[smem:$0x3FAC] =	sst s0;
	s0 =	simm.s32 @!p2 $0x0  }
0x16: {  	s3 =	sld [smem:$0x3FDB];
	s0 =	simm.s32 @p2 $0x1  }
0x17: {  	s4 =	simm.s32 $0x1BF5;
	[smem:$0x3FAE] =	sst s0  }
0x18: {  	s0 =	sld [smem:$0x3F91];
	_ =	swait.ge [sflag:s4], $0x0  }
0x19: {  	s7 =	sld [smem:$0x3F92]  }
0x1a: {  	s8 =	sadd.s32 $0xFFFFE003, lr  }
0x1b: {  	s9 =	sadd.s32 $0xFFFFFEF7, lr;
	s5 =	simm.s32 $0xFFFFFFFF;
	p2 =	slt.u32 s8, $0xFFFFF086  }
0x1c: {  	p1 =	slt.u32 s9, $0xF7A;
	s5 =	simm.s32 @!p2 $0x0  }
0x1d: {  	s5 =	simm.s32 @p1 $0x1;
	p0 =	seq.s32 s7, s2  }
0x1e: {  	s7 =	smul.u32 @!p0 $0xF7A, s2;
	p2 =	seq.s32 @!p0 s5, $0x0  }
0x1f: {  	s9 =	smul.u32 $0xF7A, s1;
	s8 =	simm.s32 @!p0 $0x1BF5;
	p2 =	por !p2, p0  }
0x20: {  	[sflag:s8] =	ssyncset.s32 @!p0 $0xFFFFF086;
	s6 =	sadd.s32 @!p0 s3, s7;
	s7 =	simm.s32 @!p0 $0x108  }
0x21: {  	s3 =	sadd.s32 s3, s9;
	s6 =	sadd.s32 @!p0 $0x88, s6;
	s7 =	simm.s32 @p2 $0x1082  }
0x22: {  	[simem:s7], [sflag:s8] =	dma.local @!p0 [hbm:s6], $0xF7A  }
0x23: {  	s9 =	sor.u32 $0xD0000000, s2;
	s6 =	simm.s32 $0x108;
	_ =	swait.ge @!p0 [sflag:s8], $0x0  }
0x24: {  	s3 =	sadd.s32 $0x88, s3;
	s6 =	simm.s32 @!p1 $0x1082;
	[sflag:s4] =	ssyncset.s32 $0xFFFFF086  }
0x25: {  	[simem:s6], [sflag:s4] =	dma.local [hbm:s3], $0xF7A  }
0x26: {  	[smem:$0x3F92] =	sst s1;
	(tag) =	ssettag s2;
	_ =	strace s9  }
0x27: {  	s1 =	sld [smem:$0x3FA2]  }
0x28: {  	s2 =	sld [smem:$0x3FA3]  }
0x29: {  	s4 =	sld [smem:$0x3FA5]  }
0x2a: {  	p0 =	seq.s32 s5, $0x0;
	s5 =	sld [smem:$0x3FA6]  }
0x2b: {  	s6 =	sld [smem:$0x3FA7]  }
0x2c: {  	s7 =	sld [smem:$0x3FA8]  }
0x2d: {  	s3 =	simm.s32 $0x108;
	s8 =	sld [smem:$0x3FA9]  }
0x2e: {  	s3 =	simm.s32 @!p0 $0x1082;
	s9 =	sld [smem:$0x3FAA]  }
0x2f: {  	lr =	sadd.s32 s0, s3;
	s0 =	sld [smem:$0x3FA1]  }
0x30: {  	s3 =	sld [smem:$0x3FA4]  }
0x31: {  	[smem:$0x3FAD] =	sst s10  }
0x32: {  	s10 =	sld [smem:$0x3FAB];
	_ =	sdelay $0x3  }
0x33: {  	p0 =	seq.s32 s10, $0x1;
	s10 =	sld [smem:$0x3FAD];
	_ =	sdelay $0x3  }
0x34: {  	[smem:$0x3FAD] =	sst s10  }
0x35: {  	s10 =	sld [smem:$0x3FAC];
	_ =	sdelay $0x3  }
0x36: {  	p1 =	seq.s32 s10, $0x1;
	s10 =	sld [smem:$0x3FAD];
	_ =	sdelay $0x3  }
0x37: {  	[smem:$0x3FAD] =	sst s10  }
0x38: {  	s10 =	sld [smem:$0x3FAE]  }
0x39: {  	_ = 	snop;
	(pc) =	sbr.ind lr, $3  }
0x3a: {  	_ = 	snop  }
0x3b: {  	_ = 	snop  }
0x3c: {  	p2 =	seq.s32 s10, $0x1;
	s10 =	sld [smem:$0x3FAD]  }
0x3d: {  	_ =	shalt  }
0x3e: {  	_ =	shalt  }
0x3f: {  	_ =	shalt  }
0x40: {  	_ =	shalt  }
0x41: {  	_ =	shalt  }
0x42: {  	_ =	shalt  }
0x43: {  	_ =	shalt  }
0x44: {  	_ =	shalt  }
0x45: {  	_ =	shalt  }
0x46: {  	_ =	shalt  }
0x47: {  	_ =	shalt  }
0x48: {  	_ =	shalt  }
0x49: {  	_ =	shalt  }
0x4a: {  	_ =	shalt  }
0x4b: {  	_ =	shalt  }
0x4c: {  	_ =	shalt  }
0x4d: {  	_ =	shalt  }
0x4e: {  	_ =	shalt  }
0x4f: {  	_ =	shalt  }
0x50: {  	_ =	shalt  }
0x51: {  	_ =	shalt  }
0x52: {  	_ =	shalt  }
0x53: {  	_ =	shalt  }
0x54: {  	_ =	shalt  }
0x55: {  	_ =	shalt  }
0x56: {  	_ =	shalt  }
0x57: {  	_ =	shalt  }
0x58: {  	_ =	shalt  }
0x59: {  	_ =	shalt  }
0x5a: {  	_ =	shalt  }
0x5b: {  	_ =	shalt  }
0x5c: {  	_ =	shalt  }
0x5d: {  	_ =	shalt  }
0x5e: {  	_ =	shalt  }
0x5f: {  	_ =	shalt  }
0x60: {  	_ =	shalt  }
0x61: {  	_ =	shalt  }
0x62: {  	_ =	shalt  }
0x63: {  	_ =	shalt  }
0x64: {  	_ =	shalt  }
0x65: {  	_ =	shalt  }
0x66: {  	_ =	shalt  }
0x67: {  	_ =	shalt  }
0x68: {  	_ =	shalt  }
0x69: {  	_ =	shalt  }
0x6a: {  	_ =	shalt  }
0x6b: {  	_ =	shalt  }
0x6c: {  	_ =	shalt  }
0x6d: {  	_ =	shalt  }
0x6e: {  	_ =	shalt  }
0x6f: {  	_ =	shalt  }
0x70: {  	_ =	shalt  }
0x71: {  	_ =	shalt  }
0x72: {  	_ =	shalt  }
0x73: {  	_ =	shalt  }
0x74: {  	_ =	shalt  }
0x75: {  	_ =	shalt  }
0x76: {  	_ =	shalt  }
0x77: {  	_ =	shalt  }
0x78: {  	_ =	shalt  }
0x79: {  	_ =	shalt  }
0x7a: {  	_ =	shalt  }
0x7b: {  	_ =	shalt  }
0x7c: {  	_ =	shalt  }
0x7d: {  	_ =	shalt  }
0x7e: {  	_ =	shalt  }
0x7f: {  	_ =	shalt  }
0x80: {  	_ =	shalt  }
0x81: {  	_ =	shalt  }
0x82: {  	_ =	shalt  }
0x83: {  	_ =	shalt  }
0x84: {  	_ =	shalt  }
0x85: {  	_ =	shalt  }
0x86: {  	_ =	shalt  }
0x87: {  	_ =	shalt  }
.Lfunc_end0:
.L_simem_size_0:
called_computation.4_lowered:
.L_overlay_start_0:
0x88: {  	s2 =	sld [smem:$0x3FD9]  }
0x89: {  	s3 =	sld [smem:$0x3FFE];
	_ =	sdelay $0x1  }
0x8a: {  	s1 =	srdreg.scid  }
0x8b: {  	s0 =	sand.u32 $0x1, s1  }
0x8c: {  	s16 =	sshll.u32 s0, $0xA;
	s2 =	sadd.s32 s3, s2  }
0x8d: {  	s2 =	sadd.s32 s2, s16  }
0x8e: {  	[smem:$0x3FB9] =	sst s2  }
0x8f: {  	_ = 	snop  }
0x90: {  	(tm) =	ssettm $0x1  }
0x91: {  	s17 =	sld [smem:$0x3FFB];
	_ =	sdelay $0x3  }
0x92: {  	_ =	strace s17  }
0x93: {  	s2 =	sld [smem:$0x3FFC];
	_ =	sdelay $0x3  }
0x94: {  	_ =	strace s2  }
0x95: {  	s2 =	sld [smem:$0x3FFD];
	_ =	sdelay $0x3  }
0x96: {  	_ =	strace s2  }
0x97: {  	_ =	strace $0x8FFFFFFF  }
0x98: {  	s18 =	sld [smem:$0x3FDB];
	_ =	sdelay $0x1  }
0x99: {  	s19 =	simm.s32 $_scs_section_size  }
0x9a: {  	s4 =	simm.s32 $_size__tile_overlayer_lowered;
	s5 =	simm.s32 $_tile_overlayer_lowered  }
0x9b: {  	s22 =	simm.s32 $0x1BFF;
	s21 =	sshll.u32 s5, $0x1;
	s2 =	sadd.s32 s19, s18  }
0x9c: {  	s6 =	simm.s32 $0x0;
	s20 =	sshll.u32 s4, $0x1;
	s4 =	sadd.s32 s21, s2  }
0x9d: {  	[timem:s6], [sflag:s22] =	dma.local [hbm:s4], s20  }
0x9e: {  	_ =	swait.ge [sflag:s22], s20  }
0x9f: {  	s3 =	ssub.s32 $0x0, s20;
	[sflag:s22] =	ssyncset.done $0x0  }
0xa0: {  	[sflag:s22] =	ssyncadd.s32 s3;
	_ =	sdelay $0x1  }
0xa1: {  	s23 =	simm.s32 $0x1B8B  }
0xa2: {  	_ =	swait.ge [sflag:s23], $0x1  }
0xa3: {  	[sflag:s23] =	ssyncset.done $0x0  }
0xa4: {  	s25 =	simm.s32 $0x1B8E;
	s24 =	sld [smem:$0x3FFE];
	[sflag:s23] =	ssyncadd.s32 $0xFFFFFFFF  }
0xa5: {  	s26 =	simm.s32 $execute0_lowered;
	[smem:$0x3FD2] =	sst s25  }
0xa6: {  	s4 =	sshll.u32 s26, $0x1;
	_ =	strace $0x80000052;
	[dreg:$0x1] =	wrdreg $0xFFFFFFFF  }
0xa7: {  	s28 =	simm.s32 $_size_execute0_lowered;
	s2 =	sadd.s32 s2, s4;
	[dreg:$0x0] =	wrdreg $0x0  }
0xa8: {  	s4 =	sshll.u32 s28, $0x1;
	[dreg:$0x2] =	wrdreg s2  }
0xa9: {  	[dreg:$0x3] =	wrdreg s4  }
0xaa: {  	[dreg:$0x4] =	wrdreg $0xC0  }
0xab: {  	_ =	task [dreg:s6], $0x5FFFF  }
0xac: {  	[dreg:$0x1] =	wrdreg $0xFFFFFFFF  }
0xad: {  	[dreg:$0x0] =	wrdreg $0x60  }
0xae: {  	[dreg:$0x2] =	wrdreg s24  }
0xaf: {  	[dreg:$0x3] =	wrdreg $0x9  }
0xb0: {  	_ =	task.clear_ibuf [dreg:s6], $0x4FFFF;
	_ =	strace $0x90000052  }
0xb1: {  	s29 =	simm.s32 $0x9;
	_ =	strace $0x80000054  }
0xb2: {  	_ =	swait.ge [sflag:s29], $0x1  }
0xb3: {  	[sflag:s29] =	ssyncadd.s32 $0xFFFFFFFF  }
0xb4: {  	_ =	strace $0x90000054  }
0xb5: {  	_ =	sfence  }
0xb6: {  	s30 =	sld [smem:$0x0];
	_ =	sdelay $0x2  }
0xb7: {  	s31 =	sshll.u32 s1, $0xD;
	s1 =	sshrl.u32 s1, $0x2  }
0xb8: {  	s3 =	sand.u32 $0x4000, s31;
	s1 =	sadd.s32 s1, s30  }
0xb9: {  	s0 =	sor.u32 s3, s0;
	s1 =	sshll.u32 s1, $0x11  }
0xba: {  	s0 =	sor.u32 s1, s0  }
0xbb: {  	s0 =	sadd.s32 $0x8F2B, s0  }
0xbc: {  	[sflag:s0] =	ssyncadd.remote.s32 $0x1  }
0xbd: {  	_ =	sfence.sel $0xFFFF  }
0xbe: {  	[dreg:$0x0] =	wrdreg $0xFFFFFFFF;
	(pc) =	sbr.abs _section_cstart, $3  }
0xbf: {  	[dreg:$0x1] =	wrdreg $0xFFFFFFFF  }
0xc0: {  	_ =	task.clear_ibuf [dreg:s6], $0x2FFFF;
	_ =	strace $0x9FFFFFFF  }
0xc1: {  	(tm) =	ssettm $0x7FFFFFFF  }
tec
execute0_lowered:
.L_overlay_start_1:
0x0: {  	(tag) =	ssettag $0x1  }
0x1: {  	s0 =	srdreg.scid;
	s10 =	stileid.u32  }
0x2: {  	s5 =	rddreg [dreg:$0x0];
	s2 =	simm.s32 $0x0;
	s17 =	simm.s32 $0x7  }
0x3: {  	s18 =	simm.s32 $0x2710;
	s19 =	simm.s32 $0x50;
	s20 =	simm.s32 $0x4E20  }
0x4: {  	s21 =	simm.s32 $0x7B20;
	s28 =	simm.s32 $0x5;
	s31 =	simm.s32 $0x3  }
0x5: {  	s0 =	sand.u32 $0x1, s0;
	s1 =	sshll.u32 s10, $0x1;
	s16 =	smul.u32 $0x57E40, s10  }
0x6: {  	[smem:$0x7FF] =	sst s2;
	s1 =	sor.u32 s0, s1;
	s14 =	smul.u32 $0x2BF20, s0  }
0x7: {  	s4 =	sadd.s32 $0xDBA00, s5;
	s15 =	sadd.s32 $0x685E00, s5;
	s3 =	smul.u32 $0x2710, s1  }
0x8: {  	_ =	strace $0x80000053;
	s7 =	ssub.s32 $0x2, s0;
	s8 =	smul.u32 $0x15F900, s1  }
0x9: {  	s0 =	simm.s32 $0x6;
	s9 =	sshrl.u32 s7, $0x1;
	s1 =	smul.u32 $0x2BF20, s1  }
0xa: {  	s9 =	ssub.s32 s7, s9;
	s3 =	sshrl.u32 s3, $0x3;
	s22 =	sshrl.u32 s8, $0x3  }
0xb: {  	s29 =	smax.u32 s9, $0x1;
	s30 =	sadd.s32 $0x5A0, s1;
	s10 =	sadd.s32 s15, s1  }
0xc: {  	s6 =	sadd.s32 s3, s5;
	s3 =	sadd.s32 $0xA8C00, s5;
	s5 =	sadd.s32 $0x107A00, s5  }
0xd: {  	s24 =	sadd.s32 $0x2B980, s22;
	[dreg:$0x6] =	wrdreg s29;
	s12 =	sadd.s32 s15, s30  }
0xe: {  	s22 =	simm.s32 $0xA820;
	s23 =	sadd.s32 $0x1CE00, s6;
	s6 =	sadd.s32 $0x13000, s6  }
0xf: {  	s25 =	sadd.s32 s15, s24;
	s26 =	sadd.s32 s5, s24;
	[dreg:$0x2] =	wrdreg s23  }
0x10: {  	s11 =	sadd.s32 s5, s1;
	s13 =	sadd.s32 s5, s30;
	[dreg:$0x3] =	wrdreg s6  }
0x11: {  	s15 =	sadd.s32 s16, s15;
	s16 =	sadd.s32 s16, s5;
	[dreg:$0x4] =	wrdreg s25  }
0x12: {  	s24 =	simm.s32 $0xD520;
	s1 =	simm.s32 $0x4;
	[dreg:$0x5] =	wrdreg s26  }
0x13: {  	s25 =	simm.s32 $0x1;
	s26 =	simm.s32 $0x2;
	s23 =	simm.s32 $0x0  }
.LBB2_1:
0x14: {  	s5 =	rddreg [dreg:$0x2]  }
0x15: {  	[tilespmem:s2], [sflag:$0x7] =	stream.linear.gather [hbm4b:s5+s2], $0x2710, $0x38;
	[tilespmem:$0x10220] =	vst v63  }
0x16: {  	_ =	swait.ge [sflag:s17], $0x2710  }
0x17: {  	[sflag:s17] =	ssyncset.done $0x0  }
0x18: {  	s9 =	rddreg [dreg:$0x3];
	[sflag:s17] =	ssyncadd.s32 $0xFFFFD8F0  }
0x19: {  	[tilespmem:s18], [sflag:$0x7] =	stream.linear.gather [hbm4b:s9+s2], $0x2710, $0x38;
	[tilespmem:$0x10220] =	vst v63  }
0x1a: {  	_ =	swait.ge [sflag:s17], $0x2710  }
0x1b: {  	[sflag:s17] =	ssyncset.done $0x0  }
0x1c: {  	[sflag:s17] =	ssyncadd.s32 $0xFFFFD8F0  }
0x1d: {  	[tilespmem:s20], [sflag:$0x1] =	stream.indirect.gather [hbm4b:s3+s19], $0x90, s2, s19, $0xb8;
	[tilespmem:$0x10220] =	vst v63  }
0x1e: {  	_ = 	snop  }
0x1f: {  	[tilespmem:s21], [sflag:$0x2] =	stream.indirect.gather [hbm4b:s4+s19], $0x90, s18, s19, $0xb8;
	[tilespmem:$0x10220] =	vst v63  }
0x20: {  	_ = 	snop  }
0x21: {  	[tilespmem:s22], [sflag:$0x3] =	stream.indirect.gather [hbm4b:s3+s19], $0x90, s19, s19, $0xb8;
	[tilespmem:$0x10220] =	vst v63  }
0x22: {  	s6 =	simm.s32 $0x2760  }
0x23: {  	[tilespmem:s24], [sflag:$0x4] =	stream.indirect.gather [hbm4b:s4+s19], $0x90, s6, s19, $0xb8;
	[tilespmem:$0x10220] =	vst v63  }
0x24: {  	_ =	swait.ge [sflag:s25], $0x2D00  }
0x25: {  	[sflag:s25] =	ssyncset.done $0x0  }
0x26: {  	[sflag:s25] =	ssyncadd.s32 $0xFFFFD300  }
0x27: {  	_ =	swait.ge [sflag:s26], $0x2D00  }
0x28: {  	[sflag:s26] =	ssyncset.done $0x0  }
0x29: {  	[sflag:s26] =	ssyncadd.s32 $0xFFFFD300  }
0x2a: {  	[hbm4b:s10+s2] =	stream.linear.scatter [tilespmem:s20], [sflag:$0x5], $0x2D00, $0x38;
	[tilespmem:$0x10220] =	vst v63  }
0x2b: {  	_ = 	snop  }
0x2c: {  	[hbm4b:s11+s2] =	stream.linear.scatter [tilespmem:s21], [sflag:$0x5], $0x2D00, $0x38;
	[tilespmem:$0x10220] =	vst v63  }
0x2d: {  	_ =	swait.ge [sflag:s28], $0x2D00  }
0x2e: {  	[sflag:s28] =	ssyncset.done $0x0  }
0x2f: {  	[sflag:s28] =	ssyncadd.s32 $0xFFFFD300  }
0x30: {  	_ =	swait.ge [sflag:s28], $0x2D00  }
0x31: {  	[sflag:s28] =	ssyncset.done $0x0  }
0x32: {  	s7 =	simm.s32 $0xA0;
	[sflag:s28] =	ssyncadd.s32 $0xFFFFD300  }
0x33: {  	[tilespmem:s20], [sflag:$0x1] =	stream.indirect.gather [hbm4b:s3+s19], $0x90, s7, s19, $0xb8;
	[tilespmem:$0x10220] =	vst v63  }
0x34: {  	s8 =	simm.s32 $0x27B0  }
0x35: {  	[tilespmem:s21], [sflag:$0x2] =	stream.indirect.gather [hbm4b:s4+s19], $0x90, s8, s19, $0xb8;
	[tilespmem:$0x10220] =	vst v63  }
0x36: {  	_ =	swait.ge [sflag:s31], $0x2D00  }
0x37: {  	[sflag:s31] =	ssyncset.done $0x0  }
0x38: {  	[sflag:s31] =	ssyncadd.s32 $0xFFFFD300  }
0x39: {  	_ =	swait.ge [sflag:s1], $0x2D00  }
0x3a: {  	[sflag:s1] =	ssyncset.done $0x0  }
0x3b: {  	[sflag:s1] =	ssyncadd.s32 $0xFFFFD300  }
0x3c: {  	[hbm4b:s12+s2] =	stream.linear.scatter [tilespmem:s22], [sflag:$0x6], $0x2D00, $0x38;
	[tilespmem:$0x10220] =	vst v63  }
0x3d: {  	_ = 	snop  }
0x3e: {  	[hbm4b:s13+s2] =	stream.linear.scatter [tilespmem:s24], [sflag:$0x6], $0x2D00, $0x38;
	[tilespmem:$0x10220] =	vst v63  }
0x3f: {  	_ =	swait.ge [sflag:s0], $0x2D00  }
0x40: {  	[sflag:s0] =	ssyncset.done $0x0  }
0x41: {  	[sflag:s0] =	ssyncadd.s32 $0xFFFFD300  }
0x42: {  	_ =	swait.ge [sflag:s0], $0x2D00  }
0x43: {  	[sflag:s0] =	ssyncset.done $0x0  }
0x44: {  	s9 =	simm.s32 $0xF0;
	[sflag:s0] =	ssyncadd.s32 $0xFFFFD300  }
0x45: {  	[tilespmem:s22], [sflag:$0x3] =	stream.indirect.gather [hbm4b:s3+s19], $0x90, s9, s19, $0xb8;
	[tilespmem:$0x10220] =	vst v63  }
0x46: {  	s6 =	simm.s32 $0x2800  }
0x47: {  	[tilespmem:s24], [sflag:$0x4] =	stream.indirect.gather [hbm4b:s4+s19], $0x90, s6, s19, $0xb8;
	[tilespmem:$0x10220] =	vst v63  }
0x48: {  	_ =	swait.ge [sflag:s25], $0x2D00  }
0x49: {  	[sflag:s25] =	ssyncset.done $0x0  }
0x4a: {  	[sflag:s25] =	ssyncadd.s32 $0xFFFFD300  }
0x4b: {  	_ =	swait.ge [sflag:s26], $0x2D00  }
0x4c: {  	s5 =	sadd.s32 s15, s14;
	[sflag:s26] =	ssyncset.done $0x0  }
0x4d: {  	s30 =	sadd.s32 s16, s14;
	s6 =	sadd.s32 $0xB40, s5;
	[sflag:s26] =	ssyncadd.s32 $0xFFFFD300  }
0x4e: {  	[hbm4b:s6+s2] =	stream.linear.scatter [tilespmem:s20], [sflag:$0x5], $0x2D00, $0x38;
	[tilespmem:$0x10220] =	vst v63  }
0x4f: {  	s7 =	sadd.s32 $0xB40, s30  }
0x50: {  	[hbm4b:s7+s2] =	stream.linear.scatter [tilespmem:s21], [sflag:$0x5], $0x2D00, $0x38;
	[tilespmem:$0x10220] =	vst v63  }
0x51: {  	_ =	swait.ge [sflag:s28], $0x2D00  }
0x52: {  	[sflag:s28] =	ssyncset.done $0x0  }
0x53: {  	[sflag:s28] =	ssyncadd.s32 $0xFFFFD300  }
0x54: {  	_ =	swait.ge [sflag:s28], $0x2D00  }
0x55: {  	[sflag:s28] =	ssyncset.done $0x0  }
0x56: {  	s8 =	simm.s32 $0x140;
	[sflag:s28] =	ssyncadd.s32 $0xFFFFD300  }
0x57: {  	[tilespmem:s20], [sflag:$0x1] =	stream.indirect.gather [hbm4b:s3+s19], $0x90, s8, s19, $0xb8;
	[tilespmem:$0x10220] =	vst v63  }
0x58: {  	s9 =	simm.s32 $0x2850  }
0x59: {  	[tilespmem:s21], [sflag:$0x2] =	stream.indirect.gather [hbm4b:s4+s19], $0x90, s9, s19, $0xb8;
	[tilespmem:$0x10220] =	vst v63  }
0x5a: {  	_ =	swait.ge [sflag:s31], $0x2D00  }
0x5b: {  	[sflag:s31] =	ssyncset.done $0x0  }
0x5c: {  	[sflag:s31] =	ssyncadd.s32 $0xFFFFD300  }
0x5d: {  	_ =	swait.ge [sflag:s1], $0x2D00  }
0x5e: {  	[sflag:s1] =	ssyncset.done $0x0  }
0x5f: {  	s29 =	simm.s32 $0x280;
	s5 =	sadd.s32 $0x10E0, s5;
	[sflag:s1] =	ssyncadd.s32 $0xFFFFD300  }
0x60: {  	[hbm4b:s5+s2] =	stream.linear.scatter [tilespmem:s22], [sflag:$0x6], $0x2D00, $0x38;
	[tilespmem:$0x10220] =	vst v63  }
0x61: {  	s6 =	sadd.s32 $0x10E0, s30;
	s30 =	sadd.s32 $0xB40, s15;
	s5 =	sadd.s32 $0xB40, s16  }
.LBB2_2:
0x62: {  	[hbm4b:s6+s2] =	stream.linear.scatter [tilespmem:s24], [sflag:$0x6], $0x2D00, $0x38;
	[tilespmem:$0x10220] =	vst v63  }
0x63: {  	s6 =	smov.u32 s29  }
0x64: {  	p0 =	sne.s32 s29, $0x9600;
	s29 =	sadd.s32 $0x280, s29;
	_ =	swait.ge [sflag:s0], $0x2D00  }
0x65: {  	[sflag:s0] =	ssyncset.done $0x0  }
0x66: {  	[sflag:s0] =	ssyncadd.s32 $0xFFFFD300  }
0x67: {  	_ =	swait.ge [sflag:s0], $0x2D00  }
0x68: {  	s6 =	sshra.s32 s6, $0x2;
	[sflag:s0] =	ssyncset.done $0x0  }
0x69: {  	s7 =	sadd.s32 $0xF0, s6;
	[sflag:s0] =	ssyncadd.s32 $0xFFFFD300  }
0x6a: {  	[tilespmem:s22], [sflag:$0x3] =	stream.indirect.gather [hbm4b:s3+s19], $0x90, s7, s19, $0xb8;
	[tilespmem:$0x10220] =	vst v63  }
0x6b: {  	s7 =	sadd.s32 $0x2800, s6  }
0x6c: {  	[tilespmem:s24], [sflag:$0x4] =	stream.indirect.gather [hbm4b:s4+s19], $0x90, s7, s19, $0xb8;
	[tilespmem:$0x10220] =	vst v63  }
0x6d: {  	_ =	swait.ge [sflag:s25], $0x2D00  }
0x6e: {  	[sflag:s25] =	ssyncset.done $0x0  }
0x6f: {  	[sflag:s25] =	ssyncadd.s32 $0xFFFFD300  }
0x70: {  	_ =	swait.ge [sflag:s26], $0x2D00  }
0x71: {  	s7 =	sadd.s32 s30, s14;
	[sflag:s26] =	ssyncset.done $0x0  }
0x72: {  	s9 =	sadd.s32 s5, s14;
	s8 =	sadd.s32 $0xB40, s7;
	[sflag:s26] =	ssyncadd.s32 $0xFFFFD300  }
0x73: {  	[hbm4b:s8+s2] =	stream.linear.scatter [tilespmem:s20], [sflag:$0x5], $0x2D00, $0x38;
	[tilespmem:$0x10220] =	vst v63  }
0x74: {  	s8 =	sadd.s32 $0xB40, s9  }
0x75: {  	[hbm4b:s8+s2] =	stream.linear.scatter [tilespmem:s21], [sflag:$0x5], $0x2D00, $0x38;
	[tilespmem:$0x10220] =	vst v63  }
0x76: {  	_ =	swait.ge [sflag:s28], $0x2D00  }
0x77: {  	[sflag:s28] =	ssyncset.done $0x0  }
0x78: {  	[sflag:s28] =	ssyncadd.s32 $0xFFFFD300  }
0x79: {  	_ =	swait.ge [sflag:s28], $0x2D00  }
0x7a: {  	[sflag:s28] =	ssyncset.done $0x0  }
0x7b: {  	s8 =	sadd.s32 $0x140, s6;
	[sflag:s28] =	ssyncadd.s32 $0xFFFFD300  }
0x7c: {  	[tilespmem:s20], [sflag:$0x1] =	stream.indirect.gather [hbm4b:s3+s19], $0x90, s8, s19, $0xb8;
	[tilespmem:$0x10220] =	vst v63  }
0x7d: {  	s6 =	sadd.s32 $0x2850, s6  }
0x7e: {  	[tilespmem:s21], [sflag:$0x2] =	stream.indirect.gather [hbm4b:s4+s19], $0x90, s6, s19, $0xb8;
	[tilespmem:$0x10220] =	vst v63  }
0x7f: {  	_ =	swait.ge [sflag:s31], $0x2D00  }
0x80: {  	[sflag:s31] =	ssyncset.done $0x0  }
0x81: {  	[sflag:s31] =	ssyncadd.s32 $0xFFFFD300  }
.Ltmp0:
0x82: {  	_ =	swait.ge [sflag:s1], $0x2D00;
	(pc) =	sbr.rel @p0 .LBB2_2-.Ltmp0, $4  }
0x83: {  	[sflag:s1] =	ssyncset.done $0x0  }
0x84: {  	s6 =	sadd.s32 $0x10E0, s7;
	[sflag:s1] =	ssyncadd.s32 $0xFFFFD300  }
0x85: {  	[hbm4b:s6+s2] =	stream.linear.scatter [tilespmem:s22], [sflag:$0x6], $0x2D00, $0x38;
	[tilespmem:$0x10220] =	vst v63  }
0x86: {  	s5 =	sadd.s32 $0xB40, s5;
	s30 =	sadd.s32 $0xB40, s30;
	s6 =	sadd.s32 $0x10E0, s9  }
0x87: {  	[hbm4b:s6+s2] =	stream.linear.scatter [tilespmem:s24], [sflag:$0x6], $0x2D00, $0x38;
	[tilespmem:$0x10220] =	vst v63  }
0x88: {  	_ =	swait.ge [sflag:s0], $0x2D00  }
0x89: {  	[sflag:s0] =	ssyncset.done $0x0  }
0x8a: {  	[sflag:s0] =	ssyncadd.s32 $0xFFFFD300  }
0x8b: {  	_ =	swait.ge [sflag:s0], $0x2D00  }
0x8c: {  	[sflag:s0] =	ssyncset.done $0x0  }
0x8d: {  	[sflag:s0] =	ssyncadd.s32 $0xFFFFD300  }
0x8e: {  	_ =	swait.ge [sflag:s25], $0x2D00  }
0x8f: {  	[sflag:s25] =	ssyncset.done $0x0  }
0x90: {  	[sflag:s25] =	ssyncadd.s32 $0xFFFFD300  }
0x91: {  	_ =	swait.ge [sflag:s26], $0x2D00  }
0x92: {  	[sflag:s26] =	ssyncset.done $0x0  }
0x93: {  	s5 =	rddreg [dreg:$0x4];
	[sflag:s26] =	ssyncadd.s32 $0xFFFFD300  }
0x94: {  	[hbm4b:s5+s2] =	stream.linear.scatter [tilespmem:s20], [sflag:$0x5], $0x2D00, $0x38;
	[tilespmem:$0x10220] =	vst v63  }
0x95: {  	s29 =	rddreg [dreg:$0x5]  }
0x96: {  	[hbm4b:s29+s2] =	stream.linear.scatter [tilespmem:s21], [sflag:$0x5], $0x2D00, $0x38;
	[tilespmem:$0x10220] =	vst v63  }
0x97: {  	_ =	swait.ge [sflag:s28], $0x2D00  }
0x98: {  	[sflag:s28] =	ssyncset.done $0x0  }
0x99: {  	[sflag:s28] =	ssyncadd.s32 $0xFFFFD300  }
0x9a: {  	_ =	swait.ge [sflag:s28], $0x2D00  }
0x9b: {  	s23 =	sadd.s32 $0x1, s23;
	s30 =	rddreg [dreg:$0x6]  }
0x9c: {  	p0 =	sne.s32 s23, s30  }
.Ltmp1:
0x9d: {  	_ = 	snop;
	(pc) =	sbr.rel @p0 .LBB2_1-.Ltmp1, $3  }
0x9e: {  	_ =	sdelay $0x1  }
0x9f: {  	[sflag:s28] =	ssyncset.done $0x0  }
0xa0: {  	[sflag:s28] =	ssyncadd.s32 $0xFFFFD300  }
0xa1: {  	_ =	sfence.sel $0x180000  }
0xa2: {  	[bflag:$0x0] =	sbarrier.arrive $0xFFFF  }
0xa3: {  	_ =	strace $0x90000053  }
0xa4: {  	s0 =	stileid.u32;
	[bflag:$0x2] =	sbarrier.arrive $0xFFFF  }
0xa5: {  	p0 =	sne.s32 s0, $0x0;
	s0 =	rddreg [dreg:$0x1]  }
0xa6: {  	s0 =	sadd.s32 @!p0 $0x100000, s0  }
0xa7: {  	[sflag:s0] =	ssyncadd.tile.s32 @!p0 $0x1;
	_ =	shalt  }
.Lfunc_end2:
_tile_overlayer_lowered:
.L_overlay_start_2:
0xa8: {  	(tag) =	ssettag $0x2  }
0xa9: {  	s0 =	rddreg [dreg:$0x0];
	s2 =	stileid.u32  }
0xaa: {  	s1 =	rddreg [dreg:$0x1];
	p0 =	sne.s32 s2, $0x0  }
0xab: {  	s3 =	rddreg [dreg:$0x2];
	[bflag:$0x3] =	sbarrier.arrive $0xFFFF;
	s2 =	simm.s32 @!p0 $0x1C07  }
0xac: {  	[timem:s3], [sflag:s2] =	dma.local @!p0 [hbm:s0], s1  }
0xad: {  	s0 =	simm.s32 @!p0 $0x7  }
0xae: {  	_ =	swait.ge @!p0 [sflag:s0], s1  }
0xaf: {  	s1 =	ssub.s32 @!p0 $0x0, s1;
	[sflag:s0] =	ssyncset.done @!p0 $0x0  }
0xb0: {  	[sflag:s0] =	ssyncadd.s32 @!p0 s1  }
0xb1: {  	[bflag:$0x3] =	sbarrier.arrive $0xFFFF  }
0xb2: {  	_ =	shalt  }

// kernel: kernel.34.cloned.1.call-start
scs
__scs_entry_jumppad:
0x0: {  	(pc) =	sbr.rel $0x88, $3  }
0x1: {  	(tag) =	ssettag $0x0;
	lr =	simm.s32 $0x1  }
0x2: {  	[smem:$0x3F92] =	sst lr;
	_ =	strace $0xD0000000  }
0x3: {  	_ = 	snop  }
0x4: {  	_ = 	snop  }
0x5: {  	_ = 	snop  }
0x6: {  	_ = 	snop  }
0x7: {  	_ = 	snop  }
__scs_overlays_trampoline_lowered:
0x8: {  	[smem:$0x3FA1] =	sst s0  }
0x9: {  	[smem:$0x3FA2] =	sst s1  }
0xa: {  	[smem:$0x3FA3] =	sst s2  }
0xb: {  	[smem:$0x3FA4] =	sst s3  }
0xc: {  	[smem:$0x3FA5] =	sst s4  }
0xd: {  	[smem:$0x3FA6] =	sst s5  }
0xe: {  	[smem:$0x3FA7] =	sst s6  }
0xf: {  	[smem:$0x3FA8] =	sst s7  }
0x10: {  	[smem:$0x3FA9] =	sst s8  }
0x11: {  	[smem:$0x3FAA] =	sst s9;
	s0 =	simm.s32 @!p0 $0x0  }
0x12: {  	s1 =	sld [smem:$0x3F90];
	s0 =	simm.s32 @p0 $0x1  }
0x13: {  	[smem:$0x3FAB] =	sst s0;
	s0 =	simm.s32 @!p1 $0x0  }
0x14: {  	s2 =	sld [smem:$0x3F8F];
	s0 =	simm.s32 @p1 $0x1  }
0x15: {  	[smem:$0x3FAC] =	sst s0;
	s0 =	simm.s32 @!p2 $0x0  }
0x16: {  	s3 =	sld [smem:$0x3FDB];
	s0 =	simm.s32 @p2 $0x1  }
0x17: {  	s4 =	simm.s32 $0x1BF5;
	[smem:$0x3FAE] =	sst s0  }
0x18: {  	s0 =	sld [smem:$0x3F91];
	_ =	swait.ge [sflag:s4], $0x0  }
0x19: {  	s7 =	sld [smem:$0x3F92]  }
0x1a: {  	s8 =	sadd.s32 $0xFFFFE003, lr  }
0x1b: {  	s9 =	sadd.s32 $0xFFFFFEF7, lr;
	s5 =	simm.s32 $0xFFFFFFFF;
	p2 =	slt.u32 s8, $0xFFFFF086  }
0x1c: {  	p1 =	slt.u32 s9, $0xF7A;
	s5 =	simm.s32 @!p2 $0x0  }
0x1d: {  	s5 =	simm.s32 @p1 $0x1;
	p0 =	seq.s32 s7, s2  }
0x1e: {  	s7 =	smul.u32 @!p0 $0xF7A, s2;
	p2 =	seq.s32 @!p0 s5, $0x0  }
0x1f: {  	s9 =	smul.u32 $0xF7A, s1;
	s8 =	simm.s32 @!p0 $0x1BF5;
	p2 =	por !p2, p0  }
0x20: {  	[sflag:s8] =	ssyncset.s32 @!p0 $0xFFFFF086;
	s6 =	sadd.s32 @!p0 s3, s7;
	s7 =	simm.s32 @!p0 $0x108  }
0x21: {  	s3 =	sadd.s32 s3, s9;
	s6 =	sadd.s32 @!p0 $0x88, s6;
	s7 =	simm.s32 @p2 $0x1082  }
0x22: {  	[simem:s7], [sflag:s8] =	dma.local @!p0 [hbm:s6], $0xF7A  }
0x23: {  	s9 =	sor.u32 $0xD0000000, s2;
	s6 =	simm.s32 $0x108;
	_ =	swait.ge @!p0 [sflag:s8], $0x0  }
0x24: {  	s3 =	sadd.s32 $0x88, s3;
	s6 =	simm.s32 @!p1 $0x1082;
	[sflag:s4] =	ssyncset.s32 $0xFFFFF086  }
0x25: {  	[simem:s6], [sflag:s4] =	dma.local [hbm:s3], $0xF7A  }
0x26: {  	[smem:$0x3F92] =	sst s1;
	(tag) =	ssettag s2;
	_ =	strace s9  }
0x27: {  	s1 =	sld [smem:$0x3FA2]  }
0x28: {  	s2 =	sld [smem:$0x3FA3]  }
0x29: {  	s4 =	sld [smem:$0x3FA5]  }
0x2a: {  	p0 =	seq.s32 s5, $0x0;
	s5 =	sld [smem:$0x3FA6]  }
0x2b: {  	s6 =	sld [smem:$0x3FA7]  }
0x2c: {  	s7 =	sld [smem:$0x3FA8]  }
0x2d: {  	s3 =	simm.s32 $0x108;
	s8 =	sld [smem:$0x3FA9]  }
0x2e: {  	s3 =	simm.s32 @!p0 $0x1082;
	s9 =	sld [smem:$0x3FAA]  }
0x2f: {  	lr =	sadd.s32 s0, s3;
	s0 =	sld [smem:$0x3FA1]  }
0x30: {  	s3 =	sld [smem:$0x3FA4]  }
0x31: {  	[smem:$0x3FAD] =	sst s10  }
0x32: {  	s10 =	sld [smem:$0x3FAB];
	_ =	sdelay $0x3  }
0x33: {  	p0 =	seq.s32 s10, $0x1;
	s10 =	sld [smem:$0x3FAD];
	_ =	sdelay $0x3  }
0x34: {  	[smem:$0x3FAD] =	sst s10  }
0x35: {  	s10 =	sld [smem:$0x3FAC];
	_ =	sdelay $0x3  }
0x36: {  	p1 =	seq.s32 s10, $0x1;
	s10 =	sld [smem:$0x3FAD];
	_ =	sdelay $0x3  }
0x37: {  	[smem:$0x3FAD] =	sst s10  }
0x38: {  	s10 =	sld [smem:$0x3FAE]  }
0x39: {  	_ = 	snop;
	(pc) =	sbr.ind lr, $3  }
0x3a: {  	_ = 	snop  }
0x3b: {  	_ = 	snop  }
0x3c: {  	p2 =	seq.s32 s10, $0x1;
	s10 =	sld [smem:$0x3FAD]  }
0x3d: {  	_ =	shalt  }
0x3e: {  	_ =	shalt  }
0x3f: {  	_ =	shalt  }
0x40: {  	_ =	shalt  }
0x41: {  	_ =	shalt  }
0x42: {  	_ =	shalt  }
0x43: {  	_ =	shalt  }
0x44: {  	_ =	shalt  }
0x45: {  	_ =	shalt  }
0x46: {  	_ =	shalt  }
0x47: {  	_ =	shalt  }
0x48: {  	_ =	shalt  }
0x49: {  	_ =	shalt  }
0x4a: {  	_ =	shalt  }
0x4b: {  	_ =	shalt  }
0x4c: {  	_ =	shalt  }
0x4d: {  	_ =	shalt  }
0x4e: {  	_ =	shalt  }
0x4f: {  	_ =	shalt  }
0x50: {  	_ =	shalt  }
0x51: {  	_ =	shalt  }
0x52: {  	_ =	shalt  }
0x53: {  	_ =	shalt  }
0x54: {  	_ =	shalt  }
0x55: {  	_ =	shalt  }
0x56: {  	_ =	shalt  }
0x57: {  	_ =	shalt  }
0x58: {  	_ =	shalt  }
0x59: {  	_ =	shalt  }
0x5a: {  	_ =	shalt  }
0x5b: {  	_ =	shalt  }
0x5c: {  	_ =	shalt  }
0x5d: {  	_ =	shalt  }
0x5e: {  	_ =	shalt  }
0x5f: {  	_ =	shalt  }
0x60: {  	_ =	shalt  }
0x61: {  	_ =	shalt  }
0x62: {  	_ =	shalt  }
0x63: {  	_ =	shalt  }
0x64: {  	_ =	shalt  }
0x65: {  	_ =	shalt  }
0x66: {  	_ =	shalt  }
0x67: {  	_ =	shalt  }
0x68: {  	_ =	shalt  }
0x69: {  	_ =	shalt  }
0x6a: {  	_ =	shalt  }
0x6b: {  	_ =	shalt  }
0x6c: {  	_ =	shalt  }
0x6d: {  	_ =	shalt  }
0x6e: {  	_ =	shalt  }
0x6f: {  	_ =	shalt  }
0x70: {  	_ =	shalt  }
0x71: {  	_ =	shalt  }
0x72: {  	_ =	shalt  }
0x73: {  	_ =	shalt  }
0x74: {  	_ =	shalt  }
0x75: {  	_ =	shalt  }
0x76: {  	_ =	shalt  }
0x77: {  	_ =	shalt  }
0x78: {  	_ =	shalt  }
0x79: {  	_ =	shalt  }
0x7a: {  	_ =	shalt  }
0x7b: {  	_ =	shalt  }
0x7c: {  	_ =	shalt  }
0x7d: {  	_ =	shalt  }
0x7e: {  	_ =	shalt  }
0x7f: {  	_ =	shalt  }
0x80: {  	_ =	shalt  }
0x81: {  	_ =	shalt  }
0x82: {  	_ =	shalt  }
0x83: {  	_ =	shalt  }
0x84: {  	_ =	shalt  }
0x85: {  	_ =	shalt  }
0x86: {  	_ =	shalt  }
0x87: {  	_ =	shalt  }
.Lfunc_end0:
.L_simem_size_0:
called_computation.5_lowered:
.L_overlay_start_0:
0x88: {  	s2 =	sld [smem:$0x3FD9]  }
0x89: {  	s3 =	sld [smem:$0x3FFE];
	_ =	sdelay $0x1  }
0x8a: {  	s1 =	srdreg.scid  }
0x8b: {  	s0 =	sand.u32 $0x1, s1  }
0x8c: {  	s16 =	sshll.u32 s0, $0xA;
	s2 =	sadd.s32 s3, s2  }
0x8d: {  	s2 =	sadd.s32 s2, s16  }
0x8e: {  	[smem:$0x3FB9] =	sst s2  }
0x8f: {  	_ = 	snop  }
0x90: {  	(tm) =	ssettm $0x1  }
0x91: {  	s17 =	sld [smem:$0x3FFB];
	_ =	sdelay $0x3  }
0x92: {  	_ =	strace s17  }
0x93: {  	s2 =	sld [smem:$0x3FFC];
	_ =	sdelay $0x3  }
0x94: {  	_ =	strace s2  }
0x95: {  	s2 =	sld [smem:$0x3FFD];
	_ =	sdelay $0x3  }
0x96: {  	_ =	strace s2  }
0x97: {  	_ =	strace $0x8FFFFFFF  }
0x98: {  	s18 =	sld [smem:$0x3FDB];
	_ =	sdelay $0x1  }
0x99: {  	s19 =	simm.s32 $_scs_section_size  }
0x9a: {  	s4 =	simm.s32 $_size__tile_overlayer_lowered;
	s5 =	simm.s32 $_tile_overlayer_lowered  }
0x9b: {  	s22 =	simm.s32 $0x1BFF;
	s21 =	sshll.u32 s5, $0x1;
	s2 =	sadd.s32 s19, s18  }
0x9c: {  	s6 =	simm.s32 $0x0;
	s20 =	sshll.u32 s4, $0x1;
	s4 =	sadd.s32 s21, s2  }
0x9d: {  	[timem:s6], [sflag:s22] =	dma.local [hbm:s4], s20  }
0x9e: {  	_ =	swait.ge [sflag:s22], s20  }
0x9f: {  	s3 =	ssub.s32 $0x0, s20;
	[sflag:s22] =	ssyncset.done $0x0  }
0xa0: {  	[sflag:s22] =	ssyncadd.s32 s3;
	_ =	sdelay $0x1  }
0xa1: {  	s23 =	simm.s32 $0x1B8B  }
0xa2: {  	_ =	swait.ge [sflag:s23], $0x1  }
0xa3: {  	[sflag:s23] =	ssyncset.done $0x0  }
0xa4: {  	s25 =	simm.s32 $0x1B8E;
	s24 =	sld [smem:$0x3FFE];
	[sflag:s23] =	ssyncadd.s32 $0xFFFFFFFF  }
0xa5: {  	s26 =	simm.s32 $execute0_lowered;
	[smem:$0x3FD2] =	sst s25  }
0xa6: {  	s4 =	sshll.u32 s26, $0x1;
	_ =	strace $0x80000055;
	[dreg:$0x1] =	wrdreg $0xFFFFFFFF  }
0xa7: {  	s28 =	simm.s32 $_size_execute0_lowered;
	s2 =	sadd.s32 s2, s4;
	[dreg:$0x0] =	wrdreg $0x0  }
0xa8: {  	s4 =	sshll.u32 s28, $0x1;
	[dreg:$0x2] =	wrdreg s2  }
0xa9: {  	[dreg:$0x3] =	wrdreg s4  }
0xaa: {  	[dreg:$0x4] =	wrdreg $0xC0  }
0xab: {  	_ =	task [dreg:s6], $0x5FFFF  }
0xac: {  	[dreg:$0x1] =	wrdreg $0xFFFFFFFF  }
0xad: {  	[dreg:$0x0] =	wrdreg $0x60  }
0xae: {  	[dreg:$0x2] =	wrdreg s24  }
0xaf: {  	[dreg:$0x3] =	wrdreg $0x81100  }
0xb0: {  	[dreg:$0x4] =	wrdreg $0x1B9900  }
0xb1: {  	[dreg:$0x5] =	wrdreg $0x9  }
0xb2: {  	_ =	task.clear_ibuf [dreg:s6], $0x6FFFF;
	_ =	strace $0x90000055  }
0xb3: {  	s29 =	simm.s32 $0x9;
	_ =	strace $0x80000057  }
0xb4: {  	_ =	swait.ge [sflag:s29], $0x1  }
0xb5: {  	[sflag:s29] =	ssyncadd.s32 $0xFFFFFFFF  }
0xb6: {  	_ =	strace $0x90000057  }
0xb7: {  	_ =	sfence  }
0xb8: {  	s30 =	sld [smem:$0x0];
	_ =	sdelay $0x2  }
0xb9: {  	s31 =	sshll.u32 s1, $0xD;
	s1 =	sshrl.u32 s1, $0x2  }
0xba: {  	s3 =	sand.u32 $0x4000, s31;
	s1 =	sadd.s32 s1, s30  }
0xbb: {  	s0 =	sor.u32 s3, s0;
	s1 =	sshll.u32 s1, $0x11  }
0xbc: {  	s0 =	sor.u32 s1, s0  }
0xbd: {  	s0 =	sadd.s32 $0x8F2B, s0  }
0xbe: {  	[sflag:s0] =	ssyncadd.remote.s32 $0x1  }
0xbf: {  	_ =	sfence.sel $0xFFFF  }
0xc0: {  	[dreg:$0x0] =	wrdreg $0xFFFFFFFF;
	(pc) =	sbr.abs _section_cstart, $3  }
0xc1: {  	[dreg:$0x1] =	wrdreg $0xFFFFFFFF  }
0xc2: {  	_ =	task.clear_ibuf [dreg:s6], $0x2FFFF;
	_ =	strace $0x9FFFFFFF  }
0xc3: {  	(tm) =	ssettm $0x7FFFFFFF  }
tec
execute0_lowered:
.L_overlay_start_1:
0x0: {  	(tag) =	ssettag $0x1  }
0x1: {  	s0 =	srdreg.scid;
	s1 =	rddreg [dreg:$0x0]  }
0x2: {  	s17 =	stileid.u32;
	s2 =	rddreg [dreg:$0x1]  }
0x3: {  	s4 =	simm.s32 $0x0;
	s28 =	simm.s32 $0x4F10;
	s29 =	simm.s32 $0x7C10  }
0x4: {  	s30 =	simm.s32 $0x1;
	s31 =	simm.s32 $0x50;
	s7 =	smul.u32 $0x13880, s17  }
0x5: {  	s0 =	sand.u32 $0x1, s0;
	s3 =	sshll.u32 s17, $0x1;
	s8 =	smul.u32 $0x2710, s17  }
0x6: {  	[smem:$0x7FF] =	sst s4;
	s10 =	smul.u32 $0x271, s17;
	s11 =	sadd.s32 $0x5BDA00, s1  }
0x7: {  	s13 =	sadd.s32 $0xA9FA00, s1;
	s25 =	sshll.u32 s17, $0x6;
	s17 =	smul.u32 $0x4E20, s17  }
0x8: {  	s5 =	sor.u32 s0, s3;
	s3 =	rddreg [dreg:$0x2];
	s12 =	smul.u32 $0x2710, s0  }
0x9: {  	_ =	strace $0x80000056;
	s0 =	ssub.s32 $0x2, s0;
	s6 =	smul.u32 $0x2710, s5  }
0xa: {  	s14 =	sshrl.u32 s7, $0x3;
	s15 =	sshrl.u32 s8, $0x3;
	s23 =	smul.u32 $0x27100, s5  }
0xb: {  	s22 =	sshrl.u32 s0, $0x1;
	s7 =	sadd.s32 s7, s2;
	s5 =	smul.u32 $0x4E20, s5  }
0xc: {  	s8 =	sadd.s32 s8, s3;
	s14 =	sadd.s32 s14, s1;
	s15 =	sadd.s32 s15, s1  }
0xd: {  	s10 =	sadd.s32 s10, s12;
	s0 =	ssub.s32 s0, s22;
	[dreg:$0x4] =	wrdreg s7  }
0xe: {  	s7 =	sor.u32 $0x1C05, s25;
	[dreg:$0x6] =	wrdreg s8;
	s21 =	sadd.s32 s12, s17  }
0xf: {  	s9 =	sshrl.u32 s6, $0x3;
	s16 =	sshll.u32 s10, $0x4;
	s10 =	sshll.u32 s10, $0x1  }
0x10: {  	s24 =	sadd.s32 $0x52E00, s14;
	s26 =	sadd.s32 $0x4DE00, s15;
	s14 =	sadd.s32 s11, s23  }
0x11: {  	s5 =	sadd.s32 s13, s5;
	s15 =	sadd.s32 $0xA0, s6;
	[dreg:$0x5] =	wrdreg s24  }
0x12: {  	s6 =	sadd.s32 $0x50, s6;
	s0 =	smax.u32 s0, $0x1;
	[dreg:$0x7] =	wrdreg s26  }
0x13: {  	s8 =	sadd.s32 $0x140, s21;
	s9 =	sadd.s32 s9, s1;
	[dreg:$0x9] =	wrdreg s14  }
0x14: {  	s16 =	sadd.s32 s16, s1;
	s1 =	sadd.s32 s10, s1;
	[dreg:$0xa] =	wrdreg s5  }
0x15: {  	s19 =	sshll.u32 s6, $0x4;
	[dreg:$0xd] =	wrdreg s0;
	s22 =	sshll.u32 s6, $0x1  }
0x16: {  	s23 =	sshll.u32 s15, $0x4;
	s24 =	sshrl.u32 s8, $0x4;
	s5 =	sshll.u32 s15, $0x1  }
0x17: {  	s0 =	sadd.s32 $0xF0, s21;
	s6 =	simm.s32 $0x26C0;
	s9 =	sadd.s32 $0x1CE00, s9  }
0x18: {  	s8 =	simm.s32 $0x0;
	s18 =	sadd.s32 $0xDBA00, s16;
	[dreg:$0x8] =	wrdreg s9  }
0x19: {  	s1 =	sadd.s32 $0xA8C00, s1;
	s20 =	sadd.s32 s11, s19;
	[dreg:$0xb] =	wrdreg s18  }
0x1a: {  	s25 =	sshll.u32 s24, $0x5;
	s19 =	sadd.s32 s13, s5;
	[dreg:$0xc] =	wrdreg s1  }
0x1b: {  	s0 =	sshrl.u32 s0, $0x4;
	s5 =	simm.s32 $0x4;
	[dreg:$0xe] =	wrdreg s20  }
0x1c: {  	s1 =	sadd.s32 s13, s22;
	s18 =	sadd.s32 s11, s23;
	s20 =	sadd.s32 s25, s13  }
0x1d: {  	s26 =	sshll.u32 s0, $0x5;
	s0 =	sshll.u32 s0, $0x8;
	s25 =	simm.s32 $0x2710  }
0x1e: {  	[dreg:$0xf] =	wrdreg s1;
	s1 =	sshll.u32 s24, $0x8;
	s22 =	sadd.s32 s26, s13  }
0x1f: {  	s23 =	sadd.s32 s0, s11;
	s24 =	simm.s32 $0x5;
	s26 =	simm.s32 $0x7710  }
0x20: {  	s0 =	simm.s32 $0x2;
	s21 =	sadd.s32 s1, s11;
	s1 =	simm.s32 $0x3  }
.LBB2_1:
0x21: {  	s9 =	rddreg [dreg:$0x4]  }
0x22: {  	s10 =	rddreg [dreg:$0x5];
	s9 =	sshrl.u32 s9, $0x3  }
0x23: {  	[spmem:s9], [sflag:s7] =	dma.local [hbm:s10], $0x2710  }
0x24: {  	_ =	swait.ge [sflag:s24], $0x2710  }
0x25: {  	[sflag:s24] =	ssyncset.done $0x0;
	s11 =	rddreg [dreg:$0x6]  }
0x26: {  	[sflag:s24] =	ssyncadd.s32 $0xFFFFD8F0;
	s10 =	sshrl.u32 s11, $0x3;
	s11 =	rddreg [dreg:$0x7]  }
0x27: {  	[spmem:s10], [sflag:s7] =	dma.local [hbm:s11], $0x4E2  }
0x28: {  	_ =	swait.ge [sflag:s24], $0x4E2  }
0x29: {  	[sflag:s24] =	ssyncset.done $0x0  }
0x2a: {  	s12 =	rddreg [dreg:$0x8];
	[sflag:s24] =	ssyncadd.s32 $0xFFFFFB1E  }
0x2b: {  	[tilespmem:s4], [sflag:$0x5] =	stream.linear.gather [hbm4b:s12+s4], $0x2710, $0x38;
	[tilespmem:$0x1E0A0] =	vst v63  }
0x2c: {  	_ =	swait.ge [sflag:s24], $0x2710  }
0x2d: {  	[sflag:s24] =	ssyncset.done $0x0  }
0x2e: {  	[sflag:s24] =	ssyncadd.s32 $0xFFFFD8F0  }
0x2f: {  	[bflag:$0x0] =	sbarrier.arrive $0xFFFF  }
0x30: {  	s13 =	rddreg [dreg:$0x9]  }
0x31: {  	[tilespmem:s25], [sflag:$0x1] =	stream.linear.gather [hbm4b:s13+s4], $0x2800, $0x38;
	[tilespmem:$0x1E0A0] =	vst v63  }
0x32: {  	s14 =	rddreg [dreg:$0xa]  }
0x33: {  	[tilespmem:s26], [sflag:$0x1] =	stream.linear.gather [hbm4b:s14+s4], $0x500, $0x38;
	[tilespmem:$0x1E0A0] =	vst v63  }
0x34: {  	s15 =	rddreg [dreg:$0xe]  }
0x35: {  	[tilespmem:s28], [sflag:$0x2] =	stream.linear.gather [hbm4b:s15+s4], $0x2800, $0x38;
	[tilespmem:$0x1E0A0] =	vst v63  }
0x36: {  	s16 =	rddreg [dreg:$0xf]  }
0x37: {  	[tilespmem:s29], [sflag:$0x2] =	stream.linear.gather [hbm4b:s16+s4], $0x500, $0x38;
	[tilespmem:$0x1E0A0] =	vst v63  }
0x38: {  	_ =	swait.ge [sflag:s30], $0x2800  }
0x39: {  	[sflag:s30] =	ssyncset.done $0x0  }
0x3a: {  	[sflag:s30] =	ssyncadd.s32 $0xFFFFD800  }
0x3b: {  	_ =	swait.ge [sflag:s30], $0x500  }
0x3c: {  	[sflag:s30] =	ssyncset.done $0x0  }
0x3d: {  	[sflag:s30] =	ssyncadd.s32 $0xFFFFFB00  }
0x3e: {  	[spmem:s2] =	stream.indirect.scatter.add.f32 [tilespmem:s25], [sflag:$0x3], $0x80, s4, s31, $0xb8;
	[tilespmem:$0x1E0A0] =	vst v63  }
0x3f: {  	_ = 	snop  }
0x40: {  	[spmem:s3] =	stream.indirect.scatter.add.f32 [tilespmem:s26], [sflag:$0x3], $0x10, s4, s31, $0xb8;
	[tilespmem:$0x1E0A0] =	vst v63  }
0x41: {  	_ =	swait.ge [sflag:s1], $0x2800  }
0x42: {  	[sflag:s1] =	ssyncset.done $0x0  }
0x43: {  	[sflag:s1] =	ssyncadd.s32 $0xFFFFD800  }
0x44: {  	_ =	swait.ge [sflag:s1], $0x500  }
0x45: {  	[sflag:s1] =	ssyncset.done $0x0  }
0x46: {  	[sflag:s1] =	ssyncadd.s32 $0xFFFFFB00  }
0x47: {  	[tilespmem:s25], [sflag:$0x1] =	stream.linear.gather [hbm4b:s18+s4], $0x2800, $0x38;
	[tilespmem:$0x1E0A0] =	vst v63  }
0x48: {  	_ = 	snop  }
0x49: {  	[tilespmem:s26], [sflag:$0x1] =	stream.linear.gather [hbm4b:s19+s4], $0x500, $0x38;
	[tilespmem:$0x1E0A0] =	vst v63  }
0x4a: {  	_ =	swait.ge [sflag:s0], $0x2800  }
0x4b: {  	[sflag:s0] =	ssyncset.done $0x0  }
0x4c: {  	[sflag:s0] =	ssyncadd.s32 $0xFFFFD800  }
0x4d: {  	_ =	swait.ge [sflag:s0], $0x500  }
0x4e: {  	[sflag:s0] =	ssyncset.done $0x0  }
0x4f: {  	[sflag:s0] =	ssyncadd.s32 $0xFFFFFB00  }
0x50: {  	[spmem:s2] =	stream.indirect.scatter.add.f32 [tilespmem:s28], [sflag:$0x4], $0x80, s31, s31, $0xb8;
	[tilespmem:$0x1E0A0] =	vst v63  }
0x51: {  	_ = 	snop  }
0x52: {  	[spmem:s3] =	stream.indirect.scatter.add.f32 [tilespmem:s29], [sflag:$0x4], $0x10, s31, s31, $0xb8;
	[tilespmem:$0x1E0A0] =	vst v63  }
0x53: {  	_ =	swait.ge [sflag:s5], $0x2800  }
0x54: {  	[sflag:s5] =	ssyncset.done $0x0  }
0x55: {  	[sflag:s5] =	ssyncadd.s32 $0xFFFFD800  }
0x56: {  	_ =	swait.ge [sflag:s5], $0x500  }
0x57: {  	[sflag:s5] =	ssyncset.done $0x0  }
0x58: {  	[sflag:s5] =	ssyncadd.s32 $0xFFFFFB00  }
0x59: {  	[tilespmem:s28], [sflag:$0x2] =	stream.linear.gather [hbm4b:s23+s4], $0x2800, $0x38;
	[tilespmem:$0x1E0A0] =	vst v63  }
0x5a: {  	_ = 	snop  }
0x5b: {  	[tilespmem:s29], [sflag:$0x2] =	stream.linear.gather [hbm4b:s22+s4], $0x500, $0x38;
	[tilespmem:$0x1E0A0] =	vst v63  }
0x5c: {  	_ =	swait.ge [sflag:s30], $0x2800  }
0x5d: {  	[sflag:s30] =	ssyncset.done $0x0  }
0x5e: {  	[sflag:s30] =	ssyncadd.s32 $0xFFFFD800  }
0x5f: {  	_ =	swait.ge [sflag:s30], $0x500  }
0x60: {  	[sflag:s30] =	ssyncset.done $0x0  }
0x61: {  	s17 =	simm.s32 $0xA0;
	[sflag:s30] =	ssyncadd.s32 $0xFFFFFB00  }
0x62: {  	[spmem:s2] =	stream.indirect.scatter.add.f32 [tilespmem:s25], [sflag:$0x3], $0x80, s17, s31, $0xb8;
	[tilespmem:$0x1E0A0] =	vst v63  }
0x63: {  	_ = 	snop  }
0x64: {  	[spmem:s3] =	stream.indirect.scatter.add.f32 [tilespmem:s26], [sflag:$0x3], $0x10, s17, s31, $0xb8;
	[tilespmem:$0x1E0A0] =	vst v63  }
0x65: {  	_ =	swait.ge [sflag:s1], $0x2800  }
0x66: {  	[sflag:s1] =	ssyncset.done $0x0  }
0x67: {  	[sflag:s1] =	ssyncadd.s32 $0xFFFFD800  }
0x68: {  	_ =	swait.ge [sflag:s1], $0x500  }
0x69: {  	[sflag:s1] =	ssyncset.done $0x0  }
0x6a: {  	[sflag:s1] =	ssyncadd.s32 $0xFFFFFB00  }
0x6b: {  	[tilespmem:s25], [sflag:$0x1] =	stream.linear.gather [hbm4b:s21+s4], $0x2800, $0x38;
	[tilespmem:$0x1E0A0] =	vst v63  }
0x6c: {  	_ = 	snop  }
0x6d: {  	[tilespmem:s26], [sflag:$0x1] =	stream.linear.gather [hbm4b:s20+s4], $0x500, $0x38;
	[tilespmem:$0x1E0A0] =	vst v63  }
0x6e: {  	_ =	swait.ge [sflag:s0], $0x2800  }
0x6f: {  	[sflag:s0] =	ssyncset.done $0x0  }
0x70: {  	[sflag:s0] =	ssyncadd.s32 $0xFFFFD800  }
0x71: {  	s11 =	simm.s32 $0x280;
	s12 =	sadd.s32 $0xA00, s23;
	_ =	swait.ge [sflag:s0], $0x500  }
0x72: {  	s13 =	sadd.s32 $0x140, s20;
	s14 =	sadd.s32 $0xA00, s21;
	[sflag:s0] =	ssyncset.done $0x0  }
0x73: {  	s15 =	sadd.s32 $0x140, s22;
	s16 =	simm.s32 $0xF0;
	[sflag:s0] =	ssyncadd.s32 $0xFFFFFB00  }
0x74: {  	[spmem:s2] =	stream.indirect.scatter.add.f32 [tilespmem:s28], [sflag:$0x4], $0x80, s16, s31, $0xb8;
	[tilespmem:$0x1E0A0] =	vst v63  }
.LBB2_2:
0x75: {  	[spmem:s3] =	stream.indirect.scatter.add.f32 [tilespmem:s29], [sflag:$0x4], $0x10, s16, s31, $0xb8;
	[tilespmem:$0x1E0A0] =	vst v63  }
0x76: {  	s16 =	smov.u32 s11  }
0x77: {  	p0 =	sne.s32 s11, $0x9600;
	s11 =	sadd.s32 $0x280, s11;
	_ =	swait.ge [sflag:s5], $0x2800  }
0x78: {  	[sflag:s5] =	ssyncset.done $0x0  }
0x79: {  	[sflag:s5] =	ssyncadd.s32 $0xFFFFD800  }
0x7a: {  	_ =	swait.ge [sflag:s5], $0x500  }
0x7b: {  	[sflag:s5] =	ssyncset.done $0x0  }
0x7c: {  	[sflag:s5] =	ssyncadd.s32 $0xFFFFFB00  }
0x7d: {  	[tilespmem:s28], [sflag:$0x2] =	stream.linear.gather [hbm4b:s12+s4], $0x2800, $0x38;
	[tilespmem:$0x1E0A0] =	vst v63  }
0x7e: {  	_ = 	snop  }
0x7f: {  	[tilespmem:s29], [sflag:$0x2] =	stream.linear.gather [hbm4b:s15+s4], $0x500, $0x38;
	[tilespmem:$0x1E0A0] =	vst v63  }
0x80: {  	_ =	swait.ge [sflag:s30], $0x2800  }
0x81: {  	[sflag:s30] =	ssyncset.done $0x0  }
0x82: {  	[sflag:s30] =	ssyncadd.s32 $0xFFFFD800  }
0x83: {  	_ =	swait.ge [sflag:s30], $0x500  }
0x84: {  	s16 =	sshra.s32 s16, $0x2;
	[sflag:s30] =	ssyncset.done $0x0  }
0x85: {  	s17 =	sadd.s32 $0xA0, s16;
	[sflag:s30] =	ssyncadd.s32 $0xFFFFFB00  }
0x86: {  	[spmem:s2] =	stream.indirect.scatter.add.f32 [tilespmem:s25], [sflag:$0x3], $0x80, s17, s31, $0xb8;
	[tilespmem:$0x1E0A0] =	vst v63  }
0x87: {  	_ = 	snop  }
0x88: {  	[spmem:s3] =	stream.indirect.scatter.add.f32 [tilespmem:s26], [sflag:$0x3], $0x10, s17, s31, $0xb8;
	[tilespmem:$0x1E0A0] =	vst v63  }
0x89: {  	_ =	swait.ge [sflag:s1], $0x2800  }
0x8a: {  	[sflag:s1] =	ssyncset.done $0x0  }
0x8b: {  	[sflag:s1] =	ssyncadd.s32 $0xFFFFD800  }
0x8c: {  	_ =	swait.ge [sflag:s1], $0x500  }
0x8d: {  	[sflag:s1] =	ssyncset.done $0x0  }
0x8e: {  	[sflag:s1] =	ssyncadd.s32 $0xFFFFFB00  }
0x8f: {  	[tilespmem:s25], [sflag:$0x1] =	stream.linear.gather [hbm4b:s14+s4], $0x2800, $0x38;
	[tilespmem:$0x1E0A0] =	vst v63  }
0x90: {  	_ = 	snop  }
0x91: {  	[tilespmem:s26], [sflag:$0x1] =	stream.linear.gather [hbm4b:s13+s4], $0x500, $0x38;
	[tilespmem:$0x1E0A0] =	vst v63  }
0x92: {  	_ =	swait.ge [sflag:s0], $0x2800  }
0x93: {  	[sflag:s0] =	ssyncset.done $0x0  }
0x94: {  	[sflag:s0] =	ssyncadd.s32 $0xFFFFD800  }
.Ltmp0:
0x95: {  	_ =	swait.ge [sflag:s0], $0x500;
	(pc) =	sbr.rel @p0 .LBB2_2-.Ltmp0, $4  }
0x96: {  	[sflag:s0] =	ssyncset.done $0x0  }
0x97: {  	s16 =	sadd.s32 $0xF0, s16;
	s12 =	sadd.s32 $0xA00, s12;
	[sflag:s0] =	ssyncadd.s32 $0xFFFFFB00  }
0x98: {  	[spmem:s2] =	stream.indirect.scatter.add.f32 [tilespmem:s28], [sflag:$0x4], $0x80, s16, s31, $0xb8;
	[tilespmem:$0x1E0A0] =	vst v63  }
0x99: {  	s15 =	sadd.s32 $0x140, s15;
	s14 =	sadd.s32 $0xA00, s14;
	s13 =	sadd.s32 $0x140, s13  }
0x9a: {  	[spmem:s3] =	stream.indirect.scatter.add.f32 [tilespmem:s29], [sflag:$0x4], $0x10, s16, s31, $0xb8;
	[tilespmem:$0x1E0A0] =	vst v63  }
0x9b: {  	_ =	swait.ge [sflag:s5], $0x2800  }
0x9c: {  	[sflag:s5] =	ssyncset.done $0x0  }
0x9d: {  	[sflag:s5] =	ssyncadd.s32 $0xFFFFD800  }
0x9e: {  	_ =	swait.ge [sflag:s5], $0x500  }
0x9f: {  	[sflag:s5] =	ssyncset.done $0x0  }
0xa0: {  	[sflag:s5] =	ssyncadd.s32 $0xFFFFFB00  }
0xa1: {  	_ =	swait.ge [sflag:s30], $0x2800  }
0xa2: {  	[sflag:s30] =	ssyncset.done $0x0  }
0xa3: {  	[sflag:s30] =	ssyncadd.s32 $0xFFFFD800  }
0xa4: {  	_ =	swait.ge [sflag:s30], $0x500  }
0xa5: {  	[sflag:s30] =	ssyncset.done $0x0  }
0xa6: {  	[sflag:s30] =	ssyncadd.s32 $0xFFFFFB00  }
0xa7: {  	[spmem:s2] =	stream.indirect.scatter.add.f32 [tilespmem:s25], [sflag:$0x3], $0x80, s6, s31, $0xb8;
	[tilespmem:$0x1E0A0] =	vst v63  }
0xa8: {  	_ = 	snop  }
0xa9: {  	[spmem:s3] =	stream.indirect.scatter.add.f32 [tilespmem:s26], [sflag:$0x3], $0x10, s6, s31, $0xb8;
	[tilespmem:$0x1E0A0] =	vst v63  }
0xaa: {  	_ =	swait.ge [sflag:s1], $0x2800  }
0xab: {  	[sflag:s1] =	ssyncset.done $0x0  }
0xac: {  	[sflag:s1] =	ssyncadd.s32 $0xFFFFD800  }
0xad: {  	_ =	swait.ge [sflag:s1], $0x500  }
0xae: {  	[sflag:s1] =	ssyncset.done $0x0  }
0xaf: {  	[sflag:s1] =	ssyncadd.s32 $0xFFFFFB00  }
0xb0: {  	[bflag:$0x0] =	sbarrier.arrive $0xFFFF  }
0xb1: {  	s11 =	rddreg [dreg:$0xb]  }
0xb2: {  	[hbm:s11], [sflag:s7] =	dma.local [spmem:s9], $0x2710  }
0xb3: {  	_ =	swait.ge [sflag:s24], $0x2710  }
0xb4: {  	[sflag:s24] =	ssyncset.done $0x0  }
0xb5: {  	s16 =	rddreg [dreg:$0xc];
	[sflag:s24] =	ssyncadd.s32 $0xFFFFD8F0  }
0xb6: {  	[hbm:s16], [sflag:s7] =	dma.local [spmem:s10], $0x4E2  }
0xb7: {  	_ =	swait.ge [sflag:s24], $0x4E2  }
0xb8: {  	s8 =	sadd.s32 $0x1, s8;
	s17 =	rddreg [dreg:$0xd]  }
0xb9: {  	p0 =	sne.s32 s8, s17  }
.Ltmp1:
0xba: {  	_ = 	snop;
	(pc) =	sbr.rel @p0 .LBB2_1-.Ltmp1, $3  }
0xbb: {  	_ =	sdelay $0x1  }
0xbc: {  	[sflag:s24] =	ssyncset.done $0x0  }
0xbd: {  	[sflag:s24] =	ssyncadd.s32 $0xFFFFFB1E  }
0xbe: {  	_ =	sfence.sel $0x180000  }
0xbf: {  	[bflag:$0x0] =	sbarrier.arrive $0xFFFF  }
0xc0: {  	_ =	strace $0x90000056  }
0xc1: {  	s0 =	stileid.u32;
	[bflag:$0x2] =	sbarrier.arrive $0xFFFF  }
0xc2: {  	p0 =	sne.s32 s0, $0x0;
	s0 =	rddreg [dreg:$0x3]  }
0xc3: {  	s0 =	sadd.s32 @!p0 $0x100000, s0  }
0xc4: {  	[sflag:s0] =	ssyncadd.tile.s32 @!p0 $0x1;
	_ =	shalt  }
.Lfunc_end2:
_tile_overlayer_lowered:
.L_overlay_start_2:
0xc5: {  	(tag) =	ssettag $0x2  }
0xc6: {  	s0 =	rddreg [dreg:$0x0];
	s2 =	stileid.u32  }
0xc7: {  	s1 =	rddreg [dreg:$0x1];
	p0 =	sne.s32 s2, $0x0  }
0xc8: {  	s3 =	rddreg [dreg:$0x2];
	[bflag:$0x3] =	sbarrier.arrive $0xFFFF;
	s2 =	simm.s32 @!p0 $0x1C05  }
0xc9: {  	[timem:s3], [sflag:s2] =	dma.local @!p0 [hbm:s0], s1  }
0xca: {  	s0 =	simm.s32 @!p0 $0x5  }
0xcb: {  	_ =	swait.ge @!p0 [sflag:s0], s1  }
0xcc: {  	s1 =	ssub.s32 @!p0 $0x0, s1;
	[sflag:s0] =	ssyncset.done @!p0 $0x0  }
0xcd: {  	[sflag:s0] =	ssyncadd.s32 @!p0 s1  }
0xce: {  	[bflag:$0x3] =	sbarrier.arrive $0xFFFF  }
0xcf: {  	_ =	shalt  }

// kernel: kernel.37.cloned.1.call-start
scs
__scs_entry_jumppad:
0x0: {  	(pc) =	sbr.rel $0x88, $3  }
0x1: {  	(tag) =	ssettag $0x0;
	lr =	simm.s32 $0x1  }
0x2: {  	[smem:$0x3F92] =	sst lr;
	_ =	strace $0xD0000000  }
0x3: {  	_ = 	snop  }
0x4: {  	_ = 	snop  }
0x5: {  	_ = 	snop  }
0x6: {  	_ = 	snop  }
0x7: {  	_ = 	snop  }
__scs_overlays_trampoline_lowered:
0x8: {  	[smem:$0x3FA1] =	sst s0  }
0x9: {  	[smem:$0x3FA2] =	sst s1  }
0xa: {  	[smem:$0x3FA3] =	sst s2  }
0xb: {  	[smem:$0x3FA4] =	sst s3  }
0xc: {  	[smem:$0x3FA5] =	sst s4  }
0xd: {  	[smem:$0x3FA6] =	sst s5  }
0xe: {  	[smem:$0x3FA7] =	sst s6  }
0xf: {  	[smem:$0x3FA8] =	sst s7  }
0x10: {  	[smem:$0x3FA9] =	sst s8  }
0x11: {  	[smem:$0x3FAA] =	sst s9;
	s0 =	simm.s32 @!p0 $0x0  }
0x12: {  	s1 =	sld [smem:$0x3F90];
	s0 =	simm.s32 @p0 $0x1  }
0x13: {  	[smem:$0x3FAB] =	sst s0;
	s0 =	simm.s32 @!p1 $0x0  }
0x14: {  	s2 =	sld [smem:$0x3F8F];
	s0 =	simm.s32 @p1 $0x1  }
0x15: {  	[smem:$0x3FAC] =	sst s0;
	s0 =	simm.s32 @!p2 $0x0  }
0x16: {  	s3 =	sld [smem:$0x3FDB];
	s0 =	simm.s32 @p2 $0x1  }
0x17: {  	s4 =	simm.s32 $0x1BF5;
	[smem:$0x3FAE] =	sst s0  }
0x18: {  	s0 =	sld [smem:$0x3F91];
	_ =	swait.ge [sflag:s4], $0x0  }
0x19: {  	s7 =	sld [smem:$0x3F92]  }
0x1a: {  	s8 =	sadd.s32 $0xFFFFE003, lr  }
0x1b: {  	s9 =	sadd.s32 $0xFFFFFEF7, lr;
	s5 =	simm.s32 $0xFFFFFFFF;
	p2 =	slt.u32 s8, $0xFFFFF086  }
0x1c: {  	p1 =	slt.u32 s9, $0xF7A;
	s5 =	simm.s32 @!p2 $0x0  }
0x1d: {  	s5 =	simm.s32 @p1 $0x1;
	p0 =	seq.s32 s7, s2  }
0x1e: {  	s7 =	smul.u32 @!p0 $0xF7A, s2;
	p2 =	seq.s32 @!p0 s5, $0x0  }
0x1f: {  	s9 =	smul.u32 $0xF7A, s1;
	s8 =	simm.s32 @!p0 $0x1BF5;
	p2 =	por !p2, p0  }
0x20: {  	[sflag:s8] =	ssyncset.s32 @!p0 $0xFFFFF086;
	s6 =	sadd.s32 @!p0 s3, s7;
	s7 =	simm.s32 @!p0 $0x108  }
0x21: {  	s3 =	sadd.s32 s3, s9;
	s6 =	sadd.s32 @!p0 $0x88, s6;
	s7 =	simm.s32 @p2 $0x1082  }
0x22: {  	[simem:s7], [sflag:s8] =	dma.local @!p0 [hbm:s6], $0xF7A  }
0x23: {  	s9 =	sor.u32 $0xD0000000, s2;
	s6 =	simm.s32 $0x108;
	_ =	swait.ge @!p0 [sflag:s8], $0x0  }
0x24: {  	s3 =	sadd.s32 $0x88, s3;
	s6 =	simm.s32 @!p1 $0x1082;
	[sflag:s4] =	ssyncset.s32 $0xFFFFF086  }
0x25: {  	[simem:s6], [sflag:s4] =	dma.local [hbm:s3], $0xF7A  }
0x26: {  	[smem:$0x3F92] =	sst s1;
	(tag) =	ssettag s2;
	_ =	strace s9  }
0x27: {  	s1 =	sld [smem:$0x3FA2]  }
0x28: {  	s2 =	sld [smem:$0x3FA3]  }
0x29: {  	s4 =	sld [smem:$0x3FA5]  }
0x2a: {  	p0 =	seq.s32 s5, $0x0;
	s5 =	sld [smem:$0x3FA6]  }
0x2b: {  	s6 =	sld [smem:$0x3FA7]  }
0x2c: {  	s7 =	sld [smem:$0x3FA8]  }
0x2d: {  	s3 =	simm.s32 $0x108;
	s8 =	sld [smem:$0x3FA9]  }
0x2e: {  	s3 =	simm.s32 @!p0 $0x1082;
	s9 =	sld [smem:$0x3FAA]  }
0x2f: {  	lr =	sadd.s32 s0, s3;
	s0 =	sld [smem:$0x3FA1]  }
0x30: {  	s3 =	sld [smem:$0x3FA4]  }
0x31: {  	[smem:$0x3FAD] =	sst s10  }
0x32: {  	s10 =	sld [smem:$0x3FAB];
	_ =	sdelay $0x3  }
0x33: {  	p0 =	seq.s32 s10, $0x1;
	s10 =	sld [smem:$0x3FAD];
	_ =	sdelay $0x3  }
0x34: {  	[smem:$0x3FAD] =	sst s10  }
0x35: {  	s10 =	sld [smem:$0x3FAC];
	_ =	sdelay $0x3  }
0x36: {  	p1 =	seq.s32 s10, $0x1;
	s10 =	sld [smem:$0x3FAD];
	_ =	sdelay $0x3  }
0x37: {  	[smem:$0x3FAD] =	sst s10  }
0x38: {  	s10 =	sld [smem:$0x3FAE]  }
0x39: {  	_ = 	snop;
	(pc) =	sbr.ind lr, $3  }
0x3a: {  	_ = 	snop  }
0x3b: {  	_ = 	snop  }
0x3c: {  	p2 =	seq.s32 s10, $0x1;
	s10 =	sld [smem:$0x3FAD]  }
0x3d: {  	_ =	shalt  }
0x3e: {  	_ =	shalt  }
0x3f: {  	_ =	shalt  }
0x40: {  	_ =	shalt  }
0x41: {  	_ =	shalt  }
0x42: {  	_ =	shalt  }
0x43: {  	_ =	shalt  }
0x44: {  	_ =	shalt  }
0x45: {  	_ =	shalt  }
0x46: {  	_ =	shalt  }
0x47: {  	_ =	shalt  }
0x48: {  	_ =	shalt  }
0x49: {  	_ =	shalt  }
0x4a: {  	_ =	shalt  }
0x4b: {  	_ =	shalt  }
0x4c: {  	_ =	shalt  }
0x4d: {  	_ =	shalt  }
0x4e: {  	_ =	shalt  }
0x4f: {  	_ =	shalt  }
0x50: {  	_ =	shalt  }
0x51: {  	_ =	shalt  }
0x52: {  	_ =	shalt  }
0x53: {  	_ =	shalt  }
0x54: {  	_ =	shalt  }
0x55: {  	_ =	shalt  }
0x56: {  	_ =	shalt  }
0x57: {  	_ =	shalt  }
0x58: {  	_ =	shalt  }
0x59: {  	_ =	shalt  }
0x5a: {  	_ =	shalt  }
0x5b: {  	_ =	shalt  }
0x5c: {  	_ =	shalt  }
0x5d: {  	_ =	shalt  }
0x5e: {  	_ =	shalt  }
0x5f: {  	_ =	shalt  }
0x60: {  	_ =	shalt  }
0x61: {  	_ =	shalt  }
0x62: {  	_ =	shalt  }
0x63: {  	_ =	shalt  }
0x64: {  	_ =	shalt  }
0x65: {  	_ =	shalt  }
0x66: {  	_ =	shalt  }
0x67: {  	_ =	shalt  }
0x68: {  	_ =	shalt  }
0x69: {  	_ =	shalt  }
0x6a: {  	_ =	shalt  }
0x6b: {  	_ =	shalt  }
0x6c: {  	_ =	shalt  }
0x6d: {  	_ =	shalt  }
0x6e: {  	_ =	shalt  }
0x6f: {  	_ =	shalt  }
0x70: {  	_ =	shalt  }
0x71: {  	_ =	shalt  }
0x72: {  	_ =	shalt  }
0x73: {  	_ =	shalt  }
0x74: {  	_ =	shalt  }
0x75: {  	_ =	shalt  }
0x76: {  	_ =	shalt  }
0x77: {  	_ =	shalt  }
0x78: {  	_ =	shalt  }
0x79: {  	_ =	shalt  }
0x7a: {  	_ =	shalt  }
0x7b: {  	_ =	shalt  }
0x7c: {  	_ =	shalt  }
0x7d: {  	_ =	shalt  }
0x7e: {  	_ =	shalt  }
0x7f: {  	_ =	shalt  }
0x80: {  	_ =	shalt  }
0x81: {  	_ =	shalt  }
0x82: {  	_ =	shalt  }
0x83: {  	_ =	shalt  }
0x84: {  	_ =	shalt  }
0x85: {  	_ =	shalt  }
0x86: {  	_ =	shalt  }
0x87: {  	_ =	shalt  }
.Lfunc_end0:
.L_simem_size_0:
called_computation.6_lowered:
.L_overlay_start_0:
0x88: {  	s2 =	sld [smem:$0x3FD9]  }
0x89: {  	s3 =	sld [smem:$0x3FFE];
	_ =	sdelay $0x1  }
0x8a: {  	s1 =	srdreg.scid  }
0x8b: {  	s0 =	sand.u32 $0x1, s1  }
0x8c: {  	s16 =	sshll.u32 s0, $0xA;
	s2 =	sadd.s32 s3, s2  }
0x8d: {  	s2 =	sadd.s32 s2, s16  }
0x8e: {  	[smem:$0x3FB9] =	sst s2  }
0x8f: {  	_ = 	snop  }
0x90: {  	(tm) =	ssettm $0x1  }
0x91: {  	s17 =	sld [smem:$0x3FFB];
	_ =	sdelay $0x3  }
0x92: {  	_ =	strace s17  }
0x93: {  	s2 =	sld [smem:$0x3FFC];
	_ =	sdelay $0x3  }
0x94: {  	_ =	strace s2  }
0x95: {  	s2 =	sld [smem:$0x3FFD];
	_ =	sdelay $0x3  }
0x96: {  	_ =	strace s2  }
0x97: {  	_ =	strace $0x8FFFFFFF  }
0x98: {  	s18 =	sld [smem:$0x3FDB];
	_ =	sdelay $0x1  }
0x99: {  	s19 =	simm.s32 $_scs_section_size  }
0x9a: {  	s4 =	simm.s32 $_size__tile_overlayer_lowered;
	s5 =	simm.s32 $_tile_overlayer_lowered  }
0x9b: {  	s22 =	simm.s32 $0x1BFF;
	s21 =	sshll.u32 s5, $0x1;
	s2 =	sadd.s32 s19, s18  }
0x9c: {  	s6 =	simm.s32 $0x0;
	s20 =	sshll.u32 s4, $0x1;
	s4 =	sadd.s32 s21, s2  }
0x9d: {  	[timem:s6], [sflag:s22] =	dma.local [hbm:s4], s20  }
0x9e: {  	_ =	swait.ge [sflag:s22], s20  }
0x9f: {  	s3 =	ssub.s32 $0x0, s20;
	[sflag:s22] =	ssyncset.done $0x0  }
0xa0: {  	[sflag:s22] =	ssyncadd.s32 s3;
	_ =	sdelay $0x1  }
0xa1: {  	s23 =	simm.s32 $0x1B8B  }
0xa2: {  	_ =	swait.ge [sflag:s23], $0x1  }
0xa3: {  	[sflag:s23] =	ssyncset.done $0x0  }
0xa4: {  	s25 =	simm.s32 $0x1B8E;
	s24 =	sld [smem:$0x3FFE];
	[sflag:s23] =	ssyncadd.s32 $0xFFFFFFFF  }
0xa5: {  	s26 =	simm.s32 $execute0_lowered;
	[smem:$0x3FD2] =	sst s25  }
0xa6: {  	s4 =	sshll.u32 s26, $0x1;
	_ =	strace $0x80000058;
	[dreg:$0x1] =	wrdreg $0xFFFFFFFF  }
0xa7: {  	s28 =	simm.s32 $_size_execute0_lowered;
	s2 =	sadd.s32 s2, s4;
	[dreg:$0x0] =	wrdreg $0x0  }
0xa8: {  	s4 =	sshll.u32 s28, $0x1;
	[dreg:$0x2] =	wrdreg s2  }
0xa9: {  	[dreg:$0x3] =	wrdreg s4  }
0xaa: {  	[dreg:$0x4] =	wrdreg $0xC0  }
0xab: {  	_ =	task [dreg:s6], $0x5FFFF  }
0xac: {  	[dreg:$0x1] =	wrdreg $0xFFFFFFFF  }
0xad: {  	[dreg:$0x0] =	wrdreg $0x60  }
0xae: {  	[dreg:$0x2] =	wrdreg s24  }
0xaf: {  	[dreg:$0x3] =	wrdreg $0x9  }
0xb0: {  	_ =	task.clear_ibuf [dreg:s6], $0x4FFFF;
	_ =	strace $0x90000058  }
0xb1: {  	s29 =	simm.s32 $0x9;
	_ =	strace $0x8000005A  }
0xb2: {  	_ =	swait.ge [sflag:s29], $0x1  }
0xb3: {  	[sflag:s29] =	ssyncadd.s32 $0xFFFFFFFF  }
0xb4: {  	_ =	strace $0x9000005A  }
0xb5: {  	_ =	sfence  }
0xb6: {  	s30 =	sld [smem:$0x0];
	_ =	sdelay $0x2  }
0xb7: {  	s31 =	sshll.u32 s1, $0xD;
	s1 =	sshrl.u32 s1, $0x2  }
0xb8: {  	s3 =	sand.u32 $0x4000, s31;
	s1 =	sadd.s32 s1, s30  }
0xb9: {  	s0 =	sor.u32 s3, s0;
	s1 =	sshll.u32 s1, $0x11  }
0xba: {  	s0 =	sor.u32 s1, s0  }
0xbb: {  	s0 =	sadd.s32 $0x8F2B, s0  }
0xbc: {  	[sflag:s0] =	ssyncadd.remote.s32 $0x1  }
0xbd: {  	_ =	sfence.sel $0xFFFF  }
0xbe: {  	[dreg:$0x0] =	wrdreg $0xFFFFFFFF;
	(pc) =	sbr.abs _section_cstart, $3  }
0xbf: {  	[dreg:$0x1] =	wrdreg $0xFFFFFFFF  }
0xc0: {  	_ =	task.clear_ibuf [dreg:s6], $0x2FFFF;
	_ =	strace $0x9FFFFFFF  }
0xc1: {  	(tm) =	ssettm $0x7FFFFFFF  }
tec
execute0_lowered:
.L_overlay_start_1:
0x0: {  	(tag) =	ssettag $0x1  }
0x1: {  	s0 =	srdreg.scid;
	s10 =	stileid.u32  }
0x2: {  	s5 =	rddreg [dreg:$0x0];
	s2 =	simm.s32 $0x0;
	s17 =	simm.s32 $0x7  }
0x3: {  	s18 =	simm.s32 $0x2710;
	s19 =	simm.s32 $0x50;
	s20 =	simm.s32 $0x4E20  }
0x4: {  	s21 =	simm.s32 $0x7B20;
	s28 =	simm.s32 $0x5;
	s31 =	simm.s32 $0x3  }
0x5: {  	s0 =	sand.u32 $0x1, s0;
	s1 =	sshll.u32 s10, $0x1;
	s16 =	smul.u32 $0x57E40, s10  }
0x6: {  	[smem:$0x7FF] =	sst s2;
	s1 =	sor.u32 s0, s1;
	s14 =	smul.u32 $0x2BF20, s0  }
0x7: {  	s4 =	sadd.s32 $0xCFC00, s5;
	s15 =	sadd.s32 $0x67A000, s5;
	s3 =	smul.u32 $0x2710, s1  }
0x8: {  	_ =	strace $0x80000059;
	s7 =	ssub.s32 $0x2, s0;
	s8 =	smul.u32 $0x15F900, s1  }
0x9: {  	s0 =	simm.s32 $0x6;
	s9 =	sshrl.u32 s7, $0x1;
	s1 =	smul.u32 $0x2BF20, s1  }
0xa: {  	s9 =	ssub.s32 s7, s9;
	s3 =	sshrl.u32 s3, $0x3;
	s22 =	sshrl.u32 s8, $0x3  }
0xb: {  	s29 =	smax.u32 s9, $0x1;
	s30 =	sadd.s32 $0x5A0, s1;
	s10 =	sadd.s32 s15, s1  }
0xc: {  	s6 =	sadd.s32 s3, s5;
	s3 =	sadd.s32 $0x81A00, s5;
	s5 =	sadd.s32 $0xFBC00, s5  }
0xd: {  	s24 =	sadd.s32 $0x2B980, s22;
	[dreg:$0x6] =	wrdreg s29;
	s12 =	sadd.s32 s15, s30  }
0xe: {  	s22 =	simm.s32 $0xA820;
	s23 =	sadd.s32 $0x1CE00, s6;
	s6 =	sadd.s32 $0x13000, s6  }
0xf: {  	s25 =	sadd.s32 s15, s24;
	s26 =	sadd.s32 s5, s24;
	[dreg:$0x2] =	wrdreg s23  }
0x10: {  	s11 =	sadd.s32 s5, s1;
	s13 =	sadd.s32 s5, s30;
	[dreg:$0x3] =	wrdreg s6  }
0x11: {  	s15 =	sadd.s32 s16, s15;
	s16 =	sadd.s32 s16, s5;
	[dreg:$0x4] =	wrdreg s25  }
0x12: {  	s24 =	simm.s32 $0xD520;
	s1 =	simm.s32 $0x4;
	[dreg:$0x5] =	wrdreg s26  }
0x13: {  	s25 =	simm.s32 $0x1;
	s26 =	simm.s32 $0x2;
	s23 =	simm.s32 $0x0  }
.LBB2_1:
0x14: {  	s5 =	rddreg [dreg:$0x2]  }
0x15: {  	[tilespmem:s2], [sflag:$0x7] =	stream.linear.gather [hbm4b:s5+s2], $0x2710, $0x38;
	[tilespmem:$0x10220] =	vst v63  }
0x16: {  	_ =	swait.ge [sflag:s17], $0x2710  }
0x17: {  	[sflag:s17] =	ssyncset.done $0x0  }
0x18: {  	s9 =	rddreg [dreg:$0x3];
	[sflag:s17] =	ssyncadd.s32 $0xFFFFD8F0  }
0x19: {  	[tilespmem:s18], [sflag:$0x7] =	stream.linear.gather [hbm4b:s9+s2], $0x2710, $0x38;
	[tilespmem:$0x10220] =	vst v63  }
0x1a: {  	_ =	swait.ge [sflag:s17], $0x2710  }
0x1b: {  	[sflag:s17] =	ssyncset.done $0x0  }
0x1c: {  	[sflag:s17] =	ssyncadd.s32 $0xFFFFD8F0  }
0x1d: {  	[tilespmem:s20], [sflag:$0x1] =	stream.indirect.gather [hbm4b:s3+s19], $0x90, s2, s19, $0xb8;
	[tilespmem:$0x10220] =	vst v63  }
0x1e: {  	_ = 	snop  }
0x1f: {  	[tilespmem:s21], [sflag:$0x2] =	stream.indirect.gather [hbm4b:s4+s19], $0x90, s18, s19, $0xb8;
	[tilespmem:$0x10220] =	vst v63  }
0x20: {  	_ = 	snop  }
0x21: {  	[tilespmem:s22], [sflag:$0x3] =	stream.indirect.gather [hbm4b:s3+s19], $0x90, s19, s19, $0xb8;
	[tilespmem:$0x10220] =	vst v63  }
0x22: {  	s6 =	simm.s32 $0x2760  }
0x23: {  	[tilespmem:s24], [sflag:$0x4] =	stream.indirect.gather [hbm4b:s4+s19], $0x90, s6, s19, $0xb8;
	[tilespmem:$0x10220] =	vst v63  }
0x24: {  	_ =	swait.ge [sflag:s25], $0x2D00  }
0x25: {  	[sflag:s25] =	ssyncset.done $0x0  }
0x26: {  	[sflag:s25] =	ssyncadd.s32 $0xFFFFD300  }
0x27: {  	_ =	swait.ge [sflag:s26], $0x2D00  }
0x28: {  	[sflag:s26] =	ssyncset.done $0x0  }
0x29: {  	[sflag:s26] =	ssyncadd.s32 $0xFFFFD300  }
0x2a: {  	[hbm4b:s10+s2] =	stream.linear.scatter [tilespmem:s20], [sflag:$0x5], $0x2D00, $0x38;
	[tilespmem:$0x10220] =	vst v63  }
0x2b: {  	_ = 	snop  }
0x2c: {  	[hbm4b:s11+s2] =	stream.linear.scatter [tilespmem:s21], [sflag:$0x5], $0x2D00, $0x38;
	[tilespmem:$0x10220] =	vst v63  }
0x2d: {  	_ =	swait.ge [sflag:s28], $0x2D00  }
0x2e: {  	[sflag:s28] =	ssyncset.done $0x0  }
0x2f: {  	[sflag:s28] =	ssyncadd.s32 $0xFFFFD300  }
0x30: {  	_ =	swait.ge [sflag:s28], $0x2D00  }
0x31: {  	[sflag:s28] =	ssyncset.done $0x0  }
0x32: {  	s7 =	simm.s32 $0xA0;
	[sflag:s28] =	ssyncadd.s32 $0xFFFFD300  }
0x33: {  	[tilespmem:s20], [sflag:$0x1] =	stream.indirect.gather [hbm4b:s3+s19], $0x90, s7, s19, $0xb8;
	[tilespmem:$0x10220] =	vst v63  }
0x34: {  	s8 =	simm.s32 $0x27B0  }
0x35: {  	[tilespmem:s21], [sflag:$0x2] =	stream.indirect.gather [hbm4b:s4+s19], $0x90, s8, s19, $0xb8;
	[tilespmem:$0x10220] =	vst v63  }
0x36: {  	_ =	swait.ge [sflag:s31], $0x2D00  }
0x37: {  	[sflag:s31] =	ssyncset.done $0x0  }
0x38: {  	[sflag:s31] =	ssyncadd.s32 $0xFFFFD300  }
0x39: {  	_ =	swait.ge [sflag:s1], $0x2D00  }
0x3a: {  	[sflag:s1] =	ssyncset.done $0x0  }
0x3b: {  	[sflag:s1] =	ssyncadd.s32 $0xFFFFD300  }
0x3c: {  	[hbm4b:s12+s2] =	stream.linear.scatter [tilespmem:s22], [sflag:$0x6], $0x2D00, $0x38;
	[tilespmem:$0x10220] =	vst v63  }
0x3d: {  	_ = 	snop  }
0x3e: {  	[hbm4b:s13+s2] =	stream.linear.scatter [tilespmem:s24], [sflag:$0x6], $0x2D00, $0x38;
	[tilespmem:$0x10220] =	vst v63  }
0x3f: {  	_ =	swait.ge [sflag:s0], $0x2D00  }
0x40: {  	[sflag:s0] =	ssyncset.done $0x0  }
0x41: {  	[sflag:s0] =	ssyncadd.s32 $0xFFFFD300  }
0x42: {  	_ =	swait.ge [sflag:s0], $0x2D00  }
0x43: {  	[sflag:s0] =	ssyncset.done $0x0  }
0x44: {  	s9 =	simm.s32 $0xF0;
	[sflag:s0] =	ssyncadd.s32 $0xFFFFD300  }
0x45: {  	[tilespmem:s22], [sflag:$0x3] =	stream.indirect.gather [hbm4b:s3+s19], $0x90, s9, s19, $0xb8;
	[tilespmem:$0x10220] =	vst v63  }
0x46: {  	s6 =	simm.s32 $0x2800  }
0x47: {  	[tilespmem:s24], [sflag:$0x4] =	stream.indirect.gather [hbm4b:s4+s19], $0x90, s6, s19, $0xb8;
	[tilespmem:$0x10220] =	vst v63  }
0x48: {  	_ =	swait.ge [sflag:s25], $0x2D00  }
0x49: {  	[sflag:s25] =	ssyncset.done $0x0  }
0x4a: {  	[sflag:s25] =	ssyncadd.s32 $0xFFFFD300  }
0x4b: {  	_ =	swait.ge [sflag:s26], $0x2D00  }
0x4c: {  	s5 =	sadd.s32 s15, s14;
	[sflag:s26] =	ssyncset.done $0x0  }
0x4d: {  	s30 =	sadd.s32 s16, s14;
	s6 =	sadd.s32 $0xB40, s5;
	[sflag:s26] =	ssyncadd.s32 $0xFFFFD300  }
0x4e: {  	[hbm4b:s6+s2] =	stream.linear.scatter [tilespmem:s20], [sflag:$0x5], $0x2D00, $0x38;
	[tilespmem:$0x10220] =	vst v63  }
0x4f: {  	s7 =	sadd.s32 $0xB40, s30  }
0x50: {  	[hbm4b:s7+s2] =	stream.linear.scatter [tilespmem:s21], [sflag:$0x5], $0x2D00, $0x38;
	[tilespmem:$0x10220] =	vst v63  }
0x51: {  	_ =	swait.ge [sflag:s28], $0x2D00  }
0x52: {  	[sflag:s28] =	ssyncset.done $0x0  }
0x53: {  	[sflag:s28] =	ssyncadd.s32 $0xFFFFD300  }
0x54: {  	_ =	swait.ge [sflag:s28], $0x2D00  }
0x55: {  	[sflag:s28] =	ssyncset.done $0x0  }
0x56: {  	s8 =	simm.s32 $0x140;
	[sflag:s28] =	ssyncadd.s32 $0xFFFFD300  }
0x57: {  	[tilespmem:s20], [sflag:$0x1] =	stream.indirect.gather [hbm4b:s3+s19], $0x90, s8, s19, $0xb8;
	[tilespmem:$0x10220] =	vst v63  }
0x58: {  	s9 =	simm.s32 $0x2850  }
0x59: {  	[tilespmem:s21], [sflag:$0x2] =	stream.indirect.gather [hbm4b:s4+s19], $0x90, s9, s19, $0xb8;
	[tilespmem:$0x10220] =	vst v63  }
0x5a: {  	_ =	swait.ge [sflag:s31], $0x2D00  }
0x5b: {  	[sflag:s31] =	ssyncset.done $0x0  }
0x5c: {  	[sflag:s31] =	ssyncadd.s32 $0xFFFFD300  }
0x5d: {  	_ =	swait.ge [sflag:s1], $0x2D00  }
0x5e: {  	[sflag:s1] =	ssyncset.done $0x0  }
0x5f: {  	s29 =	simm.s32 $0x280;
	s5 =	sadd.s32 $0x10E0, s5;
	[sflag:s1] =	ssyncadd.s32 $0xFFFFD300  }
0x60: {  	[hbm4b:s5+s2] =	stream.linear.scatter [tilespmem:s22], [sflag:$0x6], $0x2D00, $0x38;
	[tilespmem:$0x10220] =	vst v63  }
0x61: {  	s6 =	sadd.s32 $0x10E0, s30;
	s30 =	sadd.s32 $0xB40, s15;
	s5 =	sadd.s32 $0xB40, s16  }
.LBB2_2:
0x62: {  	[hbm4b:s6+s2] =	stream.linear.scatter [tilespmem:s24], [sflag:$0x6], $0x2D00, $0x38;
	[tilespmem:$0x10220] =	vst v63  }
0x63: {  	s6 =	smov.u32 s29  }
0x64: {  	p0 =	sne.s32 s29, $0x9600;
	s29 =	sadd.s32 $0x280, s29;
	_ =	swait.ge [sflag:s0], $0x2D00  }
0x65: {  	[sflag:s0] =	ssyncset.done $0x0  }
0x66: {  	[sflag:s0] =	ssyncadd.s32 $0xFFFFD300  }
0x67: {  	_ =	swait.ge [sflag:s0], $0x2D00  }
0x68: {  	s6 =	sshra.s32 s6, $0x2;
	[sflag:s0] =	ssyncset.done $0x0  }
0x69: {  	s7 =	sadd.s32 $0xF0, s6;
	[sflag:s0] =	ssyncadd.s32 $0xFFFFD300  }
0x6a: {  	[tilespmem:s22], [sflag:$0x3] =	stream.indirect.gather [hbm4b:s3+s19], $0x90, s7, s19, $0xb8;
	[tilespmem:$0x10220] =	vst v63  }
0x6b: {  	s7 =	sadd.s32 $0x2800, s6  }
0x6c: {  	[tilespmem:s24], [sflag:$0x4] =	stream.indirect.gather [hbm4b:s4+s19], $0x90, s7, s19, $0xb8;
	[tilespmem:$0x10220] =	vst v63  }
0x6d: {  	_ =	swait.ge [sflag:s25], $0x2D00  }
0x6e: {  	[sflag:s25] =	ssyncset.done $0x0  }
0x6f: {  	[sflag:s25] =	ssyncadd.s32 $0xFFFFD300  }
0x70: {  	_ =	swait.ge [sflag:s26], $0x2D00  }
0x71: {  	s7 =	sadd.s32 s30, s14;
	[sflag:s26] =	ssyncset.done $0x0  }
0x72: {  	s9 =	sadd.s32 s5, s14;
	s8 =	sadd.s32 $0xB40, s7;
	[sflag:s26] =	ssyncadd.s32 $0xFFFFD300  }
0x73: {  	[hbm4b:s8+s2] =	stream.linear.scatter [tilespmem:s20], [sflag:$0x5], $0x2D00, $0x38;
	[tilespmem:$0x10220] =	vst v63  }
0x74: {  	s8 =	sadd.s32 $0xB40, s9  }
0x75: {  	[hbm4b:s8+s2] =	stream.linear.scatter [tilespmem:s21], [sflag:$0x5], $0x2D00, $0x38;
	[tilespmem:$0x10220] =	vst v63  }
0x76: {  	_ =	swait.ge [sflag:s28], $0x2D00  }
0x77: {  	[sflag:s28] =	ssyncset.done $0x0  }
0x78: {  	[sflag:s28] =	ssyncadd.s32 $0xFFFFD300  }
0x79: {  	_ =	swait.ge [sflag:s28], $0x2D00  }
0x7a: {  	[sflag:s28] =	ssyncset.done $0x0  }
0x7b: {  	s8 =	sadd.s32 $0x140, s6;
	[sflag:s28] =	ssyncadd.s32 $0xFFFFD300  }
0x7c: {  	[tilespmem:s20], [sflag:$0x1] =	stream.indirect.gather [hbm4b:s3+s19], $0x90, s8, s19, $0xb8;
	[tilespmem:$0x10220] =	vst v63  }
0x7d: {  	s6 =	sadd.s32 $0x2850, s6  }
0x7e: {  	[tilespmem:s21], [sflag:$0x2] =	stream.indirect.gather [hbm4b:s4+s19], $0x90, s6, s19, $0xb8;
	[tilespmem:$0x10220] =	vst v63  }
0x7f: {  	_ =	swait.ge [sflag:s31], $0x2D00  }
0x80: {  	[sflag:s31] =	ssyncset.done $0x0  }
0x81: {  	[sflag:s31] =	ssyncadd.s32 $0xFFFFD300  }
.Ltmp0:
0x82: {  	_ =	swait.ge [sflag:s1], $0x2D00;
	(pc) =	sbr.rel @p0 .LBB2_2-.Ltmp0, $4  }
0x83: {  	[sflag:s1] =	ssyncset.done $0x0  }
0x84: {  	s6 =	sadd.s32 $0x10E0, s7;
	[sflag:s1] =	ssyncadd.s32 $0xFFFFD300  }
0x85: {  	[hbm4b:s6+s2] =	stream.linear.scatter [tilespmem:s22], [sflag:$0x6], $0x2D00, $0x38;
	[tilespmem:$0x10220] =	vst v63  }
0x86: {  	s5 =	sadd.s32 $0xB40, s5;
	s30 =	sadd.s32 $0xB40, s30;
	s6 =	sadd.s32 $0x10E0, s9  }
0x87: {  	[hbm4b:s6+s2] =	stream.linear.scatter [tilespmem:s24], [sflag:$0x6], $0x2D00, $0x38;
	[tilespmem:$0x10220] =	vst v63  }
0x88: {  	_ =	swait.ge [sflag:s0], $0x2D00  }
0x89: {  	[sflag:s0] =	ssyncset.done $0x0  }
0x8a: {  	[sflag:s0] =	ssyncadd.s32 $0xFFFFD300  }
0x8b: {  	_ =	swait.ge [sflag:s0], $0x2D00  }
0x8c: {  	[sflag:s0] =	ssyncset.done $0x0  }
0x8d: {  	[sflag:s0] =	ssyncadd.s32 $0xFFFFD300  }
0x8e: {  	_ =	swait.ge [sflag:s25], $0x2D00  }
0x8f: {  	[sflag:s25] =	ssyncset.done $0x0  }
0x90: {  	[sflag:s25] =	ssyncadd.s32 $0xFFFFD300  }
0x91: {  	_ =	swait.ge [sflag:s26], $0x2D00  }
0x92: {  	[sflag:s26] =	ssyncset.done $0x0  }
0x93: {  	s5 =	rddreg [dreg:$0x4];
	[sflag:s26] =	ssyncadd.s32 $0xFFFFD300  }
0x94: {  	[hbm4b:s5+s2] =	stream.linear.scatter [tilespmem:s20], [sflag:$0x5], $0x2D00, $0x38;
	[tilespmem:$0x10220] =	vst v63  }
0x95: {  	s29 =	rddreg [dreg:$0x5]  }
0x96: {  	[hbm4b:s29+s2] =	stream.linear.scatter [tilespmem:s21], [sflag:$0x5], $0x2D00, $0x38;
	[tilespmem:$0x10220] =	vst v63  }
0x97: {  	_ =	swait.ge [sflag:s28], $0x2D00  }
0x98: {  	[sflag:s28] =	ssyncset.done $0x0  }
0x99: {  	[sflag:s28] =	ssyncadd.s32 $0xFFFFD300  }
0x9a: {  	_ =	swait.ge [sflag:s28], $0x2D00  }
0x9b: {  	s23 =	sadd.s32 $0x1, s23;
	s30 =	rddreg [dreg:$0x6]  }
0x9c: {  	p0 =	sne.s32 s23, s30  }
.Ltmp1:
0x9d: {  	_ = 	snop;
	(pc) =	sbr.rel @p0 .LBB2_1-.Ltmp1, $3  }
0x9e: {  	_ =	sdelay $0x1  }
0x9f: {  	[sflag:s28] =	ssyncset.done $0x0  }
0xa0: {  	[sflag:s28] =	ssyncadd.s32 $0xFFFFD300  }
0xa1: {  	_ =	sfence.sel $0x180000  }
0xa2: {  	[bflag:$0x0] =	sbarrier.arrive $0xFFFF  }
0xa3: {  	_ =	strace $0x90000059  }
0xa4: {  	s0 =	stileid.u32;
	[bflag:$0x2] =	sbarrier.arrive $0xFFFF  }
0xa5: {  	p0 =	sne.s32 s0, $0x0;
	s0 =	rddreg [dreg:$0x1]  }
0xa6: {  	s0 =	sadd.s32 @!p0 $0x100000, s0  }
0xa7: {  	[sflag:s0] =	ssyncadd.tile.s32 @!p0 $0x1;
	_ =	shalt  }
.Lfunc_end2:
_tile_overlayer_lowered:
.L_overlay_start_2:
0xa8: {  	(tag) =	ssettag $0x2  }
0xa9: {  	s0 =	rddreg [dreg:$0x0];
	s2 =	stileid.u32  }
0xaa: {  	s1 =	rddreg [dreg:$0x1];
	p0 =	sne.s32 s2, $0x0  }
0xab: {  	s3 =	rddreg [dreg:$0x2];
	[bflag:$0x3] =	sbarrier.arrive $0xFFFF;
	s2 =	simm.s32 @!p0 $0x1C07  }
0xac: {  	[timem:s3], [sflag:s2] =	dma.local @!p0 [hbm:s0], s1  }
0xad: {  	s0 =	simm.s32 @!p0 $0x7  }
0xae: {  	_ =	swait.ge @!p0 [sflag:s0], s1  }
0xaf: {  	s1 =	ssub.s32 @!p0 $0x0, s1;
	[sflag:s0] =	ssyncset.done @!p0 $0x0  }
0xb0: {  	[sflag:s0] =	ssyncadd.s32 @!p0 s1  }
0xb1: {  	[bflag:$0x3] =	sbarrier.arrive $0xFFFF  }
0xb2: {  	_ =	shalt  }

// kernel: kernel.40.cloned.1.call-start
scs
__scs_entry_jumppad:
0x0: {  	(pc) =	sbr.rel $0x88, $3  }
0x1: {  	(tag) =	ssettag $0x0;
	lr =	simm.s32 $0x1  }
0x2: {  	[smem:$0x3F92] =	sst lr;
	_ =	strace $0xD0000000  }
0x3: {  	_ = 	snop  }
0x4: {  	_ = 	snop  }
0x5: {  	_ = 	snop  }
0x6: {  	_ = 	snop  }
0x7: {  	_ = 	snop  }
__scs_overlays_trampoline_lowered:
0x8: {  	[smem:$0x3FA1] =	sst s0  }
0x9: {  	[smem:$0x3FA2] =	sst s1  }
0xa: {  	[smem:$0x3FA3] =	sst s2  }
0xb: {  	[smem:$0x3FA4] =	sst s3  }
0xc: {  	[smem:$0x3FA5] =	sst s4  }
0xd: {  	[smem:$0x3FA6] =	sst s5  }
0xe: {  	[smem:$0x3FA7] =	sst s6  }
0xf: {  	[smem:$0x3FA8] =	sst s7  }
0x10: {  	[smem:$0x3FA9] =	sst s8  }
0x11: {  	[smem:$0x3FAA] =	sst s9;
	s0 =	simm.s32 @!p0 $0x0  }
0x12: {  	s1 =	sld [smem:$0x3F90];
	s0 =	simm.s32 @p0 $0x1  }
0x13: {  	[smem:$0x3FAB] =	sst s0;
	s0 =	simm.s32 @!p1 $0x0  }
0x14: {  	s2 =	sld [smem:$0x3F8F];
	s0 =	simm.s32 @p1 $0x1  }
0x15: {  	[smem:$0x3FAC] =	sst s0;
	s0 =	simm.s32 @!p2 $0x0  }
0x16: {  	s3 =	sld [smem:$0x3FDB];
	s0 =	simm.s32 @p2 $0x1  }
0x17: {  	s4 =	simm.s32 $0x1BF5;
	[smem:$0x3FAE] =	sst s0  }
0x18: {  	s0 =	sld [smem:$0x3F91];
	_ =	swait.ge [sflag:s4], $0x0  }
0x19: {  	s7 =	sld [smem:$0x3F92]  }
0x1a: {  	s8 =	sadd.s32 $0xFFFFE003, lr  }
0x1b: {  	s9 =	sadd.s32 $0xFFFFFEF7, lr;
	s5 =	simm.s32 $0xFFFFFFFF;
	p2 =	slt.u32 s8, $0xFFFFF086  }
0x1c: {  	p1 =	slt.u32 s9, $0xF7A;
	s5 =	simm.s32 @!p2 $0x0  }
0x1d: {  	s5 =	simm.s32 @p1 $0x1;
	p0 =	seq.s32 s7, s2  }
0x1e: {  	s7 =	smul.u32 @!p0 $0xF7A, s2;
	p2 =	seq.s32 @!p0 s5, $0x0  }
0x1f: {  	s9 =	smul.u32 $0xF7A, s1;
	s8 =	simm.s32 @!p0 $0x1BF5;
	p2 =	por !p2, p0  }
0x20: {  	[sflag:s8] =	ssyncset.s32 @!p0 $0xFFFFF086;
	s6 =	sadd.s32 @!p0 s3, s7;
	s7 =	simm.s32 @!p0 $0x108  }
0x21: {  	s3 =	sadd.s32 s3, s9;
	s6 =	sadd.s32 @!p0 $0x88, s6;
	s7 =	simm.s32 @p2 $0x1082  }
0x22: {  	[simem:s7], [sflag:s8] =	dma.local @!p0 [hbm:s6], $0xF7A  }
0x23: {  	s9 =	sor.u32 $0xD0000000, s2;
	s6 =	simm.s32 $0x108;
	_ =	swait.ge @!p0 [sflag:s8], $0x0  }
0x24: {  	s3 =	sadd.s32 $0x88, s3;
	s6 =	simm.s32 @!p1 $0x1082;
	[sflag:s4] =	ssyncset.s32 $0xFFFFF086  }
0x25: {  	[simem:s6], [sflag:s4] =	dma.local [hbm:s3], $0xF7A  }
0x26: {  	[smem:$0x3F92] =	sst s1;
	(tag) =	ssettag s2;
	_ =	strace s9  }
0x27: {  	s1 =	sld [smem:$0x3FA2]  }
0x28: {  	s2 =	sld [smem:$0x3FA3]  }
0x29: {  	s4 =	sld [smem:$0x3FA5]  }
0x2a: {  	p0 =	seq.s32 s5, $0x0;
	s5 =	sld [smem:$0x3FA6]  }
0x2b: {  	s6 =	sld [smem:$0x3FA7]  }
0x2c: {  	s7 =	sld [smem:$0x3FA8]  }
0x2d: {  	s3 =	simm.s32 $0x108;
	s8 =	sld [smem:$0x3FA9]  }
0x2e: {  	s3 =	simm.s32 @!p0 $0x1082;
	s9 =	sld [smem:$0x3FAA]  }
0x2f: {  	lr =	sadd.s32 s0, s3;
	s0 =	sld [smem:$0x3FA1]  }
0x30: {  	s3 =	sld [smem:$0x3FA4]  }
0x31: {  	[smem:$0x3FAD] =	sst s10  }
0x32: {  	s10 =	sld [smem:$0x3FAB];
	_ =	sdelay $0x3  }
0x33: {  	p0 =	seq.s32 s10, $0x1;
	s10 =	sld [smem:$0x3FAD];
	_ =	sdelay $0x3  }
0x34: {  	[smem:$0x3FAD] =	sst s10  }
0x35: {  	s10 =	sld [smem:$0x3FAC];
	_ =	sdelay $0x3  }
0x36: {  	p1 =	seq.s32 s10, $0x1;
	s10 =	sld [smem:$0x3FAD];
	_ =	sdelay $0x3  }
0x37: {  	[smem:$0x3FAD] =	sst s10  }
0x38: {  	s10 =	sld [smem:$0x3FAE]  }
0x39: {  	_ = 	snop;
	(pc) =	sbr.ind lr, $3  }
0x3a: {  	_ = 	snop  }
0x3b: {  	_ = 	snop  }
0x3c: {  	p2 =	seq.s32 s10, $0x1;
	s10 =	sld [smem:$0x3FAD]  }
0x3d: {  	_ =	shalt  }
0x3e: {  	_ =	shalt  }
0x3f: {  	_ =	shalt  }
0x40: {  	_ =	shalt  }
0x41: {  	_ =	shalt  }
0x42: {  	_ =	shalt  }
0x43: {  	_ =	shalt  }
0x44: {  	_ =	shalt  }
0x45: {  	_ =	shalt  }
0x46: {  	_ =	shalt  }
0x47: {  	_ =	shalt  }
0x48: {  	_ =	shalt  }
0x49: {  	_ =	shalt  }
0x4a: {  	_ =	shalt  }
0x4b: {  	_ =	shalt  }
0x4c: {  	_ =	shalt  }
0x4d: {  	_ =	shalt  }
0x4e: {  	_ =	shalt  }
0x4f: {  	_ =	shalt  }
0x50: {  	_ =	shalt  }
0x51: {  	_ =	shalt  }
0x52: {  	_ =	shalt  }
0x53: {  	_ =	shalt  }
0x54: {  	_ =	shalt  }
0x55: {  	_ =	shalt  }
0x56: {  	_ =	shalt  }
0x57: {  	_ =	shalt  }
0x58: {  	_ =	shalt  }
0x59: {  	_ =	shalt  }
0x5a: {  	_ =	shalt  }
0x5b: {  	_ =	shalt  }
0x5c: {  	_ =	shalt  }
0x5d: {  	_ =	shalt  }
0x5e: {  	_ =	shalt  }
0x5f: {  	_ =	shalt  }
0x60: {  	_ =	shalt  }
0x61: {  	_ =	shalt  }
0x62: {  	_ =	shalt  }
0x63: {  	_ =	shalt  }
0x64: {  	_ =	shalt  }
0x65: {  	_ =	shalt  }
0x66: {  	_ =	shalt  }
0x67: {  	_ =	shalt  }
0x68: {  	_ =	shalt  }
0x69: {  	_ =	shalt  }
0x6a: {  	_ =	shalt  }
0x6b: {  	_ =	shalt  }
0x6c: {  	_ =	shalt  }
0x6d: {  	_ =	shalt  }
0x6e: {  	_ =	shalt  }
0x6f: {  	_ =	shalt  }
0x70: {  	_ =	shalt  }
0x71: {  	_ =	shalt  }
0x72: {  	_ =	shalt  }
0x73: {  	_ =	shalt  }
0x74: {  	_ =	shalt  }
0x75: {  	_ =	shalt  }
0x76: {  	_ =	shalt  }
0x77: {  	_ =	shalt  }
0x78: {  	_ =	shalt  }
0x79: {  	_ =	shalt  }
0x7a: {  	_ =	shalt  }
0x7b: {  	_ =	shalt  }
0x7c: {  	_ =	shalt  }
0x7d: {  	_ =	shalt  }
0x7e: {  	_ =	shalt  }
0x7f: {  	_ =	shalt  }
0x80: {  	_ =	shalt  }
0x81: {  	_ =	shalt  }
0x82: {  	_ =	shalt  }
0x83: {  	_ =	shalt  }
0x84: {  	_ =	shalt  }
0x85: {  	_ =	shalt  }
0x86: {  	_ =	shalt  }
0x87: {  	_ =	shalt  }
.Lfunc_end0:
.L_simem_size_0:
called_computation.7_lowered:
.L_overlay_start_0:
0x88: {  	s2 =	sld [smem:$0x3FD9]  }
0x89: {  	s3 =	sld [smem:$0x3FFE];
	_ =	sdelay $0x1  }
0x8a: {  	s1 =	srdreg.scid  }
0x8b: {  	s0 =	sand.u32 $0x1, s1  }
0x8c: {  	s16 =	sshll.u32 s0, $0xA;
	s2 =	sadd.s32 s3, s2  }
0x8d: {  	s2 =	sadd.s32 s2, s16  }
0x8e: {  	[smem:$0x3FB9] =	sst s2  }
0x8f: {  	_ = 	snop  }
0x90: {  	(tm) =	ssettm $0x1  }
0x91: {  	s17 =	sld [smem:$0x3FFB];
	_ =	sdelay $0x3  }
0x92: {  	_ =	strace s17  }
0x93: {  	s2 =	sld [smem:$0x3FFC];
	_ =	sdelay $0x3  }
0x94: {  	_ =	strace s2  }
0x95: {  	s2 =	sld [smem:$0x3FFD];
	_ =	sdelay $0x3  }
0x96: {  	_ =	strace s2  }
0x97: {  	_ =	strace $0x8FFFFFFF  }
0x98: {  	s18 =	sld [smem:$0x3FDB];
	_ =	sdelay $0x1  }
0x99: {  	s19 =	simm.s32 $_scs_section_size  }
0x9a: {  	s4 =	simm.s32 $_size__tile_overlayer_lowered;
	s5 =	simm.s32 $_tile_overlayer_lowered  }
0x9b: {  	s22 =	simm.s32 $0x1BFF;
	s21 =	sshll.u32 s5, $0x1;
	s2 =	sadd.s32 s19, s18  }
0x9c: {  	s6 =	simm.s32 $0x0;
	s20 =	sshll.u32 s4, $0x1;
	s4 =	sadd.s32 s21, s2  }
0x9d: {  	[timem:s6], [sflag:s22] =	dma.local [hbm:s4], s20  }
0x9e: {  	_ =	swait.ge [sflag:s22], s20  }
0x9f: {  	s3 =	ssub.s32 $0x0, s20;
	[sflag:s22] =	ssyncset.done $0x0  }
0xa0: {  	[sflag:s22] =	ssyncadd.s32 s3;
	_ =	sdelay $0x1  }
0xa1: {  	s23 =	simm.s32 $0x1B8B  }
0xa2: {  	_ =	swait.ge [sflag:s23], $0x1  }
0xa3: {  	[sflag:s23] =	ssyncset.done $0x0  }
0xa4: {  	s25 =	simm.s32 $0x1B8E;
	s24 =	sld [smem:$0x3FFE];
	[sflag:s23] =	ssyncadd.s32 $0xFFFFFFFF  }
0xa5: {  	s26 =	simm.s32 $execute0_lowered;
	[smem:$0x3FD2] =	sst s25  }
0xa6: {  	s4 =	sshll.u32 s26, $0x1;
	_ =	strace $0x8000005B;
	[dreg:$0x1] =	wrdreg $0xFFFFFFFF  }
0xa7: {  	s28 =	simm.s32 $_size_execute0_lowered;
	s2 =	sadd.s32 s2, s4;
	[dreg:$0x0] =	wrdreg $0x0  }
0xa8: {  	s4 =	sshll.u32 s28, $0x1;
	[dreg:$0x2] =	wrdreg s2  }
0xa9: {  	[dreg:$0x3] =	wrdreg s4  }
0xaa: {  	[dreg:$0x4] =	wrdreg $0xC0  }
0xab: {  	_ =	task [dreg:s6], $0x5FFFF  }
0xac: {  	[dreg:$0x1] =	wrdreg $0xFFFFFFFF  }
0xad: {  	[dreg:$0x0] =	wrdreg $0x60  }
0xae: {  	[dreg:$0x2] =	wrdreg s24  }
0xaf: {  	[dreg:$0x3] =	wrdreg $0x31100  }
0xb0: {  	[dreg:$0x4] =	wrdreg $0x9  }
0xb1: {  	_ =	task.clear_ibuf [dreg:s6], $0x5FFFF;
	_ =	strace $0x9000005B  }
0xb2: {  	s29 =	simm.s32 $0x9;
	_ =	strace $0x8000005D  }
0xb3: {  	_ =	swait.ge [sflag:s29], $0x1  }
0xb4: {  	[sflag:s29] =	ssyncadd.s32 $0xFFFFFFFF  }
0xb5: {  	_ =	strace $0x9000005D  }
0xb6: {  	_ =	sfence  }
0xb7: {  	s30 =	sld [smem:$0x0];
	_ =	sdelay $0x2  }
0xb8: {  	s31 =	sshll.u32 s1, $0xD;
	s1 =	sshrl.u32 s1, $0x2  }
0xb9: {  	s3 =	sand.u32 $0x4000, s31;
	s1 =	sadd.s32 s1, s30  }
0xba: {  	s0 =	sor.u32 s3, s0;
	s1 =	sshll.u32 s1, $0x11  }
0xbb: {  	s0 =	sor.u32 s1, s0  }
0xbc: {  	s0 =	sadd.s32 $0x8F2B, s0  }
0xbd: {  	[sflag:s0] =	ssyncadd.remote.s32 $0x1  }
0xbe: {  	_ =	sfence.sel $0xFFFF  }
0xbf: {  	[dreg:$0x0] =	wrdreg $0xFFFFFFFF;
	(pc) =	sbr.abs _section_cstart, $3  }
0xc0: {  	[dreg:$0x1] =	wrdreg $0xFFFFFFFF  }
0xc1: {  	_ =	task.clear_ibuf [dreg:s6], $0x2FFFF;
	_ =	strace $0x9FFFFFFF  }
0xc2: {  	(tm) =	ssettm $0x7FFFFFFF  }
0xc3: {  	_ =	shalt  }
tec
execute0_lowered:
.L_overlay_start_1:
0x0: {  	(tag) =	ssettag $0x1  }
0x1: {  	s1 =	srdreg.scid;
	s4 =	rddreg [dreg:$0x0]  }
0x2: {  	s0 =	stileid.u32;
	s2 =	rddreg [dreg:$0x1];
	s3 =	simm.s32 $0x0  }
0x3: {  	s18 =	simm.s32 $0x1;
	s19 =	simm.s32 $0x50;
	s20 =	simm.s32 $0x3  }
0x4: {  	s21 =	simm.s32 $0x2;
	s22 =	simm.s32 $0x4;
	s23 =	simm.s32 $0x26C0  }
0x5: {  	s24 =	simm.s32 $0x0;
	s5 =	sand.u32 $0x1, s1;
	s7 =	smul.u32 $0x2710, s0  }
0x6: {  	s25 =	sshll.u32 s0, $0x1;
	s1 =	rddreg [dreg:$0x2];
	s9 =	smul.u32 $0x4E2, s0  }
0x7: {  	[smem:$0x7FF] =	sst s3;
	s13 =	sadd.s32 $0x534E00, s4;
	s15 =	smul.u32 $0x4E20, s0  }
0x8: {  	s29 =	sshll.u32 s0, $0x6;
	s6 =	sor.u32 s5, s25;
	s12 =	smul.u32 $0x4E20, s5  }
0x9: {  	_ =	strace $0x8000005C;
	s26 =	ssub.s32 $0x2, s5;
	s16 =	smul.u32 $0x2710, s5  }
0xa: {  	s5 =	sor.u32 $0x1C05, s29;
	s8 =	smul.u32 $0x2710, s6;
	s11 =	sshrl.u32 s7, $0x3  }
0xb: {  	s14 =	smul.u32 $0x4E20, s6;
	s28 =	sshrl.u32 s26, $0x1;
	s17 =	sadd.s32 s7, s2  }
0xc: {  	s11 =	sadd.s32 s11, s4;
	s9 =	sadd.s32 s9, s12;
	s12 =	ssub.s32 s26, s28  }
0xd: {  	s30 =	sadd.s32 s16, s15;
	s15 =	simm.s32 $0x5;
	s16 =	simm.s32 $0x2710  }
0xe: {  	s10 =	sshrl.u32 s8, $0x3;
	s9 =	sadd.s32 s9, s4;
	s7 =	sadd.s32 s13, s14  }
0xf: {  	s31 =	sshll.u32 s8, $0x1;
	s14 =	sshrl.u32 s17, $0x3;
	s17 =	simm.s32 $0x2C10  }
0x10: {  	s10 =	sadd.s32 s10, s4;
	s4 =	sadd.s32 $0x4DE00, s11;
	s8 =	sadd.s32 $0x10600, s9  }
0x11: {  	s11 =	sadd.s32 s13, s31;
	s6 =	sadd.s32 $0x1CE00, s10;
	s10 =	sshll.u32 s30, $0x1  }
0x12: {  	s9 =	smax.u32 s12, $0x1;
	s11 =	sadd.s32 $0x140, s11;
	s13 =	sadd.s32 s13, s10  }
0x13: {  	s10 =	sadd.s32 $0xA0, s7;
	s12 =	sadd.s32 $0x280, s13;
	s13 =	sadd.s32 $0x1E0, s13  }
.LBB2_1:
0x14: {  	[spmem:s14], [sflag:s5] =	dma.local [hbm:s4], $0x4E2  }
0x15: {  	_ =	swait.ge [sflag:s15], $0x4E2  }
0x16: {  	[sflag:s15] =	ssyncset.done $0x0  }
0x17: {  	[sflag:s15] =	ssyncadd.s32 $0xFFFFFB1E  }
0x18: {  	[tilespmem:s3], [sflag:$0x5] =	stream.linear.gather [hbm4b:s6+s3], $0x2710, $0x38;
	[tilespmem:$0x5820] =	vst v63  }
0x19: {  	_ =	swait.ge [sflag:s15], $0x2710  }
0x1a: {  	[sflag:s15] =	ssyncset.done $0x0  }
0x1b: {  	[sflag:s15] =	ssyncadd.s32 $0xFFFFD8F0  }
0x1c: {  	[bflag:$0x0] =	sbarrier.arrive $0xFFFF  }
0x1d: {  	[tilespmem:s16], [sflag:$0x1] =	stream.linear.gather [hbm4b:s7+s3], $0x500, $0x38;
	[tilespmem:$0x5820] =	vst v63  }
0x1e: {  	_ = 	snop  }
0x1f: {  	[tilespmem:s17], [sflag:$0x2] =	stream.linear.gather [hbm4b:s10+s3], $0x500, $0x38;
	[tilespmem:$0x5820] =	vst v63  }
0x20: {  	_ =	swait.ge [sflag:s18], $0x500  }
0x21: {  	[sflag:s18] =	ssyncset.done $0x0  }
0x22: {  	[sflag:s18] =	ssyncadd.s32 $0xFFFFFB00  }
0x23: {  	[spmem:s2] =	stream.indirect.scatter.add.f32 [tilespmem:s16], [sflag:$0x3], $0x10, s3, s19, $0xb8;
	[tilespmem:$0x5820] =	vst v63  }
0x24: {  	_ =	swait.ge [sflag:s20], $0x500  }
0x25: {  	[sflag:s20] =	ssyncset.done $0x0  }
0x26: {  	[sflag:s20] =	ssyncadd.s32 $0xFFFFFB00  }
0x27: {  	[tilespmem:s16], [sflag:$0x1] =	stream.linear.gather [hbm4b:s11+s3], $0x500, $0x38;
	[tilespmem:$0x5820] =	vst v63  }
0x28: {  	_ =	swait.ge [sflag:s21], $0x500  }
0x29: {  	[sflag:s21] =	ssyncset.done $0x0  }
0x2a: {  	[sflag:s21] =	ssyncadd.s32 $0xFFFFFB00  }
0x2b: {  	[spmem:s2] =	stream.indirect.scatter.add.f32 [tilespmem:s17], [sflag:$0x4], $0x10, s19, s19, $0xb8;
	[tilespmem:$0x5820] =	vst v63  }
0x2c: {  	_ =	swait.ge [sflag:s22], $0x500  }
0x2d: {  	[sflag:s22] =	ssyncset.done $0x0  }
0x2e: {  	s25 =	sadd.s32 $0x0, s13;
	[sflag:s22] =	ssyncadd.s32 $0xFFFFFB00  }
0x2f: {  	[tilespmem:s17], [sflag:$0x2] =	stream.linear.gather [hbm4b:s25+s3], $0x500, $0x38;
	[tilespmem:$0x5820] =	vst v63  }
0x30: {  	_ =	swait.ge [sflag:s18], $0x500  }
0x31: {  	[sflag:s18] =	ssyncset.done $0x0  }
0x32: {  	s30 =	simm.s32 $0xA0;
	[sflag:s18] =	ssyncadd.s32 $0xFFFFFB00  }
0x33: {  	[spmem:s2] =	stream.indirect.scatter.add.f32 [tilespmem:s16], [sflag:$0x3], $0x10, s30, s19, $0xb8;
	[tilespmem:$0x5820] =	vst v63  }
0x34: {  	_ =	swait.ge [sflag:s20], $0x500  }
0x35: {  	[sflag:s20] =	ssyncset.done $0x0  }
0x36: {  	s31 =	sadd.s32 $0x0, s12;
	[sflag:s20] =	ssyncadd.s32 $0xFFFFFB00  }
0x37: {  	[tilespmem:s16], [sflag:$0x1] =	stream.linear.gather [hbm4b:s31+s3], $0x500, $0x38;
	[tilespmem:$0x5820] =	vst v63  }
0x38: {  	_ =	swait.ge [sflag:s21], $0x500  }
0x39: {  	s28 =	simm.s32 $0xF0;
	[sflag:s21] =	ssyncset.done $0x0  }
0x3a: {  	s26 =	simm.s32 $0x140;
	s25 =	simm.s32 $0x140;
	[sflag:s21] =	ssyncadd.s32 $0xFFFFFB00  }
.LBB2_2:
0x3b: {  	[spmem:s2] =	stream.indirect.scatter.add.f32 [tilespmem:s17], [sflag:$0x4], $0x10, s28, s19, $0xb8;
	[tilespmem:$0x5820] =	vst v63  }
0x3c: {  	s28 =	smov.u32 s25  }
0x3d: {  	p0 =	sne.s32 s25, $0x4B00;
	s25 =	sadd.s32 $0x140, s25;
	_ =	swait.ge [sflag:s22], $0x500  }
0x3e: {  	[sflag:s22] =	ssyncset.done $0x0  }
0x3f: {  	s29 =	sadd.s32 s28, s13;
	[sflag:s22] =	ssyncadd.s32 $0xFFFFFB00  }
0x40: {  	[tilespmem:s17], [sflag:$0x2] =	stream.linear.gather [hbm4b:s29+s3], $0x500, $0x38;
	[tilespmem:$0x5820] =	vst v63  }
0x41: {  	_ =	swait.ge [sflag:s18], $0x500  }
0x42: {  	[sflag:s18] =	ssyncset.done $0x0  }
0x43: {  	[sflag:s18] =	ssyncadd.s32 $0xFFFFFB00  }
0x44: {  	[spmem:s2] =	stream.indirect.scatter.add.f32 [tilespmem:s16], [sflag:$0x3], $0x10, s26, s19, $0xb8;
	[tilespmem:$0x5820] =	vst v63  }
0x45: {  	_ =	swait.ge [sflag:s20], $0x500  }
0x46: {  	[sflag:s20] =	ssyncset.done $0x0  }
.Ltmp0:
0x47: {  	s28 =	sadd.s32 s28, s12;
	[sflag:s20] =	ssyncadd.s32 $0xFFFFFB00;
	(pc) =	sbr.rel @p0 .LBB2_2-.Ltmp0, $4  }
0x48: {  	[tilespmem:s16], [sflag:$0x1] =	stream.linear.gather [hbm4b:s28+s3], $0x500, $0x38;
	[tilespmem:$0x5820] =	vst v63  }
0x49: {  	_ =	swait.ge [sflag:s21], $0x500  }
0x4a: {  	[sflag:s21] =	ssyncset.done $0x0  }
0x4b: {  	s28 =	sadd.s32 $0x50, s26;
	s26 =	sadd.s32 $0xA0, s26;
	[sflag:s21] =	ssyncadd.s32 $0xFFFFFB00  }
0x4c: {  	[spmem:s2] =	stream.indirect.scatter.add.f32 [tilespmem:s17], [sflag:$0x4], $0x10, s28, s19, $0xb8;
	[tilespmem:$0x5820] =	vst v63  }
0x4d: {  	_ =	swait.ge [sflag:s22], $0x500  }
0x4e: {  	[sflag:s22] =	ssyncset.done $0x0  }
0x4f: {  	[sflag:s22] =	ssyncadd.s32 $0xFFFFFB00  }
0x50: {  	_ =	swait.ge [sflag:s18], $0x500  }
0x51: {  	[sflag:s18] =	ssyncset.done $0x0  }
0x52: {  	[sflag:s18] =	ssyncadd.s32 $0xFFFFFB00  }
0x53: {  	[spmem:s2] =	stream.indirect.scatter.add.f32 [tilespmem:s16], [sflag:$0x3], $0x10, s23, s19, $0xb8;
	[tilespmem:$0x5820] =	vst v63  }
0x54: {  	_ =	swait.ge [sflag:s20], $0x500  }
0x55: {  	s24 =	sadd.s32 $0x1, s24;
	[sflag:s20] =	ssyncset.done $0x0  }
0x56: {  	p0 =	sne.s32 s24, s9;
	[sflag:s20] =	ssyncadd.s32 $0xFFFFFB00  }
.Ltmp1:
0x57: {  	[bflag:$0x0] =	sbarrier.arrive $0xFFFF;
	(pc) =	sbr.rel @p0 .LBB2_1-.Ltmp1, $4  }
0x58: {  	[hbm:s8], [sflag:s5] =	dma.local [spmem:s14], $0x4E2  }
0x59: {  	_ =	swait.ge [sflag:s15], $0x4E2  }
0x5a: {  	[sflag:s15] =	ssyncset.done $0x0  }
0x5b: {  	[sflag:s15] =	ssyncadd.s32 $0xFFFFFB1E  }
0x5c: {  	_ =	sfence.sel $0x180000  }
0x5d: {  	[bflag:$0x0] =	sbarrier.arrive $0xFFFF  }
0x5e: {  	p0 =	sne.s32 s0, $0x0;
	_ =	strace $0x9000005C  }
0x5f: {  	s0 =	sadd.s32 @!p0 $0x100000, s1;
	[bflag:$0x2] =	sbarrier.arrive $0xFFFF  }
0x60: {  	[sflag:s0] =	ssyncadd.tile.s32 @!p0 $0x1;
	_ =	shalt  }
.Lfunc_end2:
_tile_overlayer_lowered:
.L_overlay_start_2:
0x61: {  	(tag) =	ssettag $0x2  }
0x62: {  	s0 =	rddreg [dreg:$0x0];
	s2 =	stileid.u32  }
0x63: {  	s1 =	rddreg [dreg:$0x1];
	p0 =	sne.s32 s2, $0x0  }
0x64: {  	s3 =	rddreg [dreg:$0x2];
	[bflag:$0x3] =	sbarrier.arrive $0xFFFF;
	s2 =	simm.s32 @!p0 $0x1C05  }
0x65: {  	[timem:s3], [sflag:s2] =	dma.local @!p0 [hbm:s0], s1  }
0x66: {  	s0 =	simm.s32 @!p0 $0x5  }
0x67: {  	_ =	swait.ge @!p0 [sflag:s0], s1  }
0x68: {  	s1 =	ssub.s32 @!p0 $0x0, s1;
	[sflag:s0] =	ssyncset.done @!p0 $0x0  }
0x69: {  	[sflag:s0] =	ssyncadd.s32 @!p0 s1  }
0x6a: {  	[bflag:$0x3] =	sbarrier.arrive $0xFFFF  }
0x6b: {  	_ =	shalt  }

</sc_bundles>
